<compile_context>
chip_gen: v7x
topology: tpu7x:2x2x1
jax: 0.10.2.dev20260603
libtpu: 0.0.44.dev20260713+nightly
codegen_flags: <defaults>
</compile_context>

<pallas_src>
import jax
import jax.numpy as jnp
from jax import lax
from jax.experimental import pallas as pl
from jax.experimental.pallas import tpu as pltpu
from jax.experimental.pallas import tpu_sc as plsc

N = 10000
NP = 10240
E = 320000

NS = 16
NC = 2
EPT = E // NS
K = 80
NCHUNK = EPT // K
RPT = NP // NS

_mesh = plsc.VectorSubcoreMesh(core_axis_name="c", subcore_axis_name="s")



def _deg_body(edges, degs, isrc_v, idst_v, dsrc_v, ddst_v, pbuf_v, res_v, part_sh):
    cid = lax.axis_index("c")
    sid = lax.axis_index("s")
    zeros16 = jnp.zeros((16,), jnp.float32)
    ones16 = jnp.ones((16,), jnp.float32)

    def zero_body(i, _):
        dsrc_v[pl.ds(i * 16, 16)] = zeros16
        ddst_v[pl.ds(i * 16, 16)] = zeros16
        return 0

    lax.fori_loop(0, NP // 16, zero_body, 0)

    base = cid * (2 * E) + sid * EPT
    pltpu.sync_copy(edges.at[pl.ds(base, EPT)], isrc_v)
    pltpu.sync_copy(edges.at[pl.ds(base + E, EPT)], idst_v)

    def chunk_body(q, _):
        i16 = isrc_v[pl.ds(q * 16, 16)]
        plsc.addupdate_scatter(dsrc_v, [i16], ones16)
        j16 = idst_v[pl.ds(q * 16, 16)]
        plsc.addupdate_scatter(ddst_v, [j16], ones16)
        return 0

    lax.fori_loop(0, EPT // 16, chunk_body, 0)

    pltpu.sync_copy(dsrc_v, part_sh.at[0, sid])
    pltpu.sync_copy(ddst_v, part_sh.at[1, sid])
    plsc.subcore_barrier()

    r0 = sid * RPT
    for t in range(2):
        for p in range(NS):
            pltpu.sync_copy(part_sh.at[t, p, pl.ds(r0, RPT)], pbuf_v.at[p])

        def red_loop(q, _):
            s = pbuf_v[0, pl.ds(q * 16, 16)]
            for p in range(1, NS):
                s = s + pbuf_v[p, pl.ds(q * 16, 16)]
            res_v[pl.ds(q * 16, 16)] = s
            return 0

        lax.fori_loop(0, RPT // 16, red_loop, 0)
        pltpu.sync_copy(res_v, degs.at[pl.ds((cid * 2 + t) * NP + r0, RPT)])


def _agg_body(hs, srcoff, dst, zrows, agg,
              isrc_v, idst0_v, idst1_v, rows_v, sem0, sem1, agg_sh):
    cid = lax.axis_index("c")
    sid = lax.axis_index("s")

    r0 = sid * RPT
    pltpu.sync_copy(zrows.at[pl.ds(r0, RPT)], agg_sh.at[pl.ds(r0, RPT)])

    sbase = cid * E + sid * EPT
    pltpu.sync_copy(srcoff.at[pl.ds(sbase, EPT)], isrc_v)
    plsc.subcore_barrier()

    idsts = (idst0_v, idst1_v)
    sems_ = (sem0, sem1)

    def stage_and_fire(j, b):
        pltpu.sync_copy(dst.at[pl.ds(sbase + j * K, K)], idsts[b])
        pltpu.async_copy(hs.at[isrc_v.at[pl.ds(j * K, K)]], rows_v.at[b],
                         sems_[b])

    for b in range(2):
        stage_and_fire(b, b)

    def outer(jj, _):
        for b in range(2):
            j = jj * 2 + b
            pltpu.make_async_copy(hs.at[isrc_v.at[pl.ds(j * K, K)]],
                                  rows_v.at[b], sems_[b]).wait()
            pltpu.sync_copy(rows_v.at[b], agg_sh.at[idsts[b]], add=True)

            @pl.when(j + 2 < NCHUNK)
            def _():
                stage_and_fire(j + 2, b)
        return 0

    lax.fori_loop(0, NCHUNK // 2, outer, 0)
    plsc.subcore_barrier()
    pltpu.sync_copy(agg_sh.at[pl.ds(r0, RPT)], agg.at[pl.ds(cid * NP + r0, RPT)])


def _make_deg_kernel():
    return pl.kernel(
        _deg_body,
        out_type=jax.ShapeDtypeStruct((4 * NP,), jnp.float32),
        mesh=_mesh,
        compiler_params=pltpu.CompilerParams(needs_layout_passes=False),
        scratch_types=[
            pltpu.VMEM((EPT,), jnp.int32),
            pltpu.VMEM((EPT,), jnp.int32),
            pltpu.VMEM((NP,), jnp.float32),
            pltpu.VMEM((NP,), jnp.float32),
            pltpu.VMEM((NS, RPT), jnp.float32),
            pltpu.VMEM((RPT,), jnp.float32),
            pltpu.VMEM_SHARED((2, NS, NP), jnp.float32),
        ],
    )


def _make_agg_kernel(fh):
    return pl.kernel(
        _agg_body,
        out_type=jax.ShapeDtypeStruct((NC * NP, fh), jnp.float32),
        mesh=_mesh,
        compiler_params=pltpu.CompilerParams(needs_layout_passes=False),
        scratch_types=[
            pltpu.VMEM((EPT,), jnp.int32),
            pltpu.VMEM((K,), jnp.int32),
            pltpu.VMEM((K,), jnp.int32),
            pltpu.VMEM((2, K, fh), jnp.float32),
            pltpu.SemaphoreType.DMA,
            pltpu.SemaphoreType.DMA,
            pltpu.VMEM_SHARED((NP, fh), jnp.float32),
        ],
    )



def _norms_kernel(deg_ref, out_ref):
    d = deg_ref[...]
    out_ref[...] = lax.rsqrt(jnp.maximum(d, 1.0))


def _dense0_kernel(x_ref, w_ref, ns_ref, out_ref):
    x = x_ref[...]
    w = w_ref[...]
    h = jnp.dot(x, w, preferred_element_type=jnp.float32)
    out_ref[...] = h * ns_ref[...]


def _dense_kernel(a0_ref, a1_ref, nd_ref, b_ref, w_ref, ns_ref, out_ref):
    x = jnp.concatenate([a0_ref[...], a1_ref[...]], axis=-1)
    x = jnp.maximum(x * nd_ref[...] + b_ref[...], 0.0)
    h = jnp.dot(x, w_ref[...], preferred_element_type=jnp.float32)
    out_ref[...] = h * ns_ref[...]


def _final_kernel(a1_ref, a2_ref, nd1_ref, nd2_ref, b_ref, m_ref, out_ref):
    o1 = a1_ref[...] * nd1_ref[...] + b_ref[...]
    o2 = a2_ref[...] * nd2_ref[...] + b_ref[...]
    out_ref[...] = jnp.where(m_ref[...] == 0, o1, o2)


_BLK = 640
_NB = NP // _BLK


def _tc_norms(degs):
    return pl.pallas_call(
        _norms_kernel,
        out_shape=jax.ShapeDtypeStruct((4, NP), jnp.float32),
    )(degs.reshape(4, NP))


def _tc_dense0(x, w, ns):
    fh = w.shape[1] // 2
    return pl.pallas_call(
        _dense0_kernel,
        grid=(_NB, 2),
        in_specs=[
            pl.BlockSpec((_BLK, 128), lambda i, c: (i, 0)),
            pl.BlockSpec((128, fh), lambda i, c: (0, c)),
            pl.BlockSpec((_BLK, 1), lambda i, c: (i, 0)),
        ],
        out_specs=pl.BlockSpec((_BLK, fh), lambda i, c: (c * _NB + i, 0)),
        out_shape=jax.ShapeDtypeStruct((2 * NP, fh), jnp.float32),
    )(x, w, ns)


def _tc_dense(agg, nd, b, w, ns):
    fh = w.shape[1] // 2
    return pl.pallas_call(
        _dense_kernel,
        grid=(_NB, 2),
        in_specs=[
            pl.BlockSpec((_BLK, 128), lambda i, c: (i, 0)),
            pl.BlockSpec((_BLK, 128), lambda i, c: (_NB + i, 0)),
            pl.BlockSpec((_BLK, 1), lambda i, c: (i, 0)),
            pl.BlockSpec((1, 256), lambda i, c: (0, 0)),
            pl.BlockSpec((256, fh), lambda i, c: (0, c)),
            pl.BlockSpec((_BLK, 1), lambda i, c: (i, 0)),
        ],
        out_specs=pl.BlockSpec((_BLK, fh), lambda i, c: (c * _NB + i, 0)),
        out_shape=jax.ShapeDtypeStruct((2 * NP, fh), jnp.float32),
    )(agg, agg, nd, b, w, ns)


def _tc_dense_last(agg, nd, b, w, ns):
    return pl.pallas_call(
        _dense_kernel,
        grid=(_NB,),
        in_specs=[
            pl.BlockSpec((_BLK, 128), lambda i: (i, 0)),
            pl.BlockSpec((_BLK, 128), lambda i: (_NB + i, 0)),
            pl.BlockSpec((_BLK, 1), lambda i: (i, 0)),
            pl.BlockSpec((1, 256), lambda i: (0, 0)),
            pl.BlockSpec((256, 128), lambda i: (0, 0)),
            pl.BlockSpec((_BLK, 1), lambda i: (i, 0)),
        ],
        out_specs=pl.BlockSpec((_BLK, 128), lambda i: (i, 0)),
        out_shape=jax.ShapeDtypeStruct((NP, 128), jnp.float32),
    )(agg, agg, nd, b, w, ns)


def _tc_final(a12, nd1, nd2, b, m):
    return pl.pallas_call(
        _final_kernel,
        grid=(_NB,),
        in_specs=[
            pl.BlockSpec((_BLK, 128), lambda i: (i, 0)),
            pl.BlockSpec((_BLK, 128), lambda i: (_NB + i, 0)),
            pl.BlockSpec((_BLK, 1), lambda i: (i, 0)),
            pl.BlockSpec((_BLK, 1), lambda i: (i, 0)),
            pl.BlockSpec((1, 128), lambda i: (0, 0)),
            pl.BlockSpec((_BLK, 1), lambda i: (i, 0)),
        ],
        out_specs=pl.BlockSpec((_BLK, 128), lambda i: (i, 0)),
        out_shape=jax.ShapeDtypeStruct((NP, 128), jnp.float32),
    )(a12, a12, nd1, nd2, b, m)



def kernel(features, edge_index1, edge_index2, mask, W0, b0, W1, b1, W2, b2):
    xp = jnp.pad(features, ((0, NP - N), (0, 0)))
    mp = jnp.pad(mask, (0, NP - N)).reshape(NP, 1)

    edges = jnp.concatenate(
        [edge_index1[0], edge_index1[1], edge_index2[0], edge_index2[1]])
    deg_kernel = _make_deg_kernel()
    degs = deg_kernel(edges)
    norms = _tc_norms(degs).reshape(2, 2, NP, 1)

    aggk = _make_agg_kernel(128)
    z128 = jnp.zeros((NP, 128), jnp.float32)

    hs2s = []
    for g, ei in enumerate((edge_index1, edge_index2)):
        src, dst = ei[0], ei[1]
        src_a = jnp.concatenate([src, src + NP])
        dst_a = jnp.concatenate([dst, dst])
        ns = norms[g, 0]
        nd = norms[g, 1]

        hs0 = _tc_dense0(xp, W0, ns)
        agg0 = aggk(hs0, src_a, dst_a, z128)
        hs1 = _tc_dense(agg0, nd, b0.reshape(1, -1), W1, ns)
        agg1 = aggk(hs1, src_a, dst_a, z128)
        hs2 = _tc_dense_last(agg1, nd, b1.reshape(1, -1), W2, ns)
        hs2s.append(hs2)

    hs2_cat = jnp.concatenate(hs2s, axis=0)
    src_b = jnp.concatenate([edge_index1[0], edge_index2[0] + NP])
    dst_b = jnp.concatenate([edge_index1[1], edge_index2[1]])
    agg2 = aggk(hs2_cat, src_b, dst_b, z128)

    out = _tc_final(agg2, norms[0, 1], norms[1, 1], b2.reshape(1, -1), mp)
    return out[:N]

# --- scband reference (transcript-rebuilt; emitter-appended) ---
"""Pipeline reference for scband-selective-gcn-51883204935931 (READ-ONLY COPY).

The authoritative reference and input builder live on the scoring server;
editing this copy changes nothing except your own understanding.
"""

import jax, jax.numpy as jnp
import numpy as np

N = 10000
E = 320000
IN_F = 128
H_F = 256
OUT_F = 128


def gcn_conv(x, src, dst, W, b, n):
    # DGL GraphConv with norm='both': h = D_in^{-1/2} A D_out^{-1/2} (x W) + b
    deg_out = jnp.zeros((n,), dtype=x.dtype).at[src].add(1.0)
    deg_in = jnp.zeros((n,), dtype=x.dtype).at[dst].add(1.0)
    norm_src = jnp.clip(deg_out, 1.0, None) ** -0.5
    norm_dst = jnp.clip(deg_in, 1.0, None) ** -0.5
    h = x @ W
    m = jnp.take(h, src, axis=0) * norm_src[src][:, None]
    agg = jnp.zeros((n, h.shape[1]), dtype=h.dtype).at[dst].add(m)
    out = agg * norm_dst[:, None] + b
    return out


def setup_inputs(seed: int = 0):
    key = jax.random.key(seed)
    ks = jax.random.split(key, 11)
    features = jax.random.normal(ks[0], (N, IN_F), dtype=jnp.float32)
    edge_index1 = jax.random.randint(ks[1], (2, E), 0, N, dtype=jnp.int32)
    edge_index2 = jax.random.randint(ks[2], (2, E), 0, N, dtype=jnp.int32)
    mask = jax.random.randint(ks[3], (N,), 0, 2, dtype=jnp.int32)
    W0 = jax.random.normal(ks[4], (IN_F, H_F), dtype=jnp.float32) * 0.05
    b0 = jnp.zeros((H_F,), dtype=jnp.float32)
    W1 = jax.random.normal(ks[5], (H_F, H_F), dtype=jnp.float32) * 0.05
    b1 = jnp.zeros((H_F,), dtype=jnp.float32)
    W2 = jax.random.normal(ks[6], (H_F, OUT_F), dtype=jnp.float32) * 0.05
    b2 = jnp.zeros((OUT_F,), dtype=jnp.float32)
    return {"features": features, "edge_index1": edge_index1, "edge_index2": edge_index2,
            "mask": mask, "W0": W0, "b0": b0, "W1": W1, "b1": b1, "W2": W2, "b2": b2}


def reference(features, edge_index1, edge_index2, mask, W0, b0, W1, b1, W2, b2):
    def run_gcn(edge_index):
        src, dst = edge_index[0], edge_index[1]
        h = gcn_conv(features, src, dst, W0, b0, N)
        h = jax.nn.relu(h)
        h = gcn_conv(h, src, dst, W1, b1, N)
        h = jax.nn.relu(h)
        h = gcn_conv(h, src, dst, W2, b2, N)
        return h

    h0 = run_gcn(edge_index1)
    h1 = run_gcn(edge_index2)
    h_out = jnp.stack([h0, h1], axis=0)  # [2, N, OUT_F]
    node_indices = jnp.arange(N)
    h_selected = h_out[mask, node_indices, :]
    return h_selected

if __name__ == "__main__":
    import jax
    _d = setup_inputs()
    print(jax.jit(kernel)(*tuple(_d.values())))

</pallas_src>

<mosaic_0001>
#map = affine_map<(d0, d1) -> (0, 0)>
#map1 = affine_map<(d0, d1) -> (0)>
module attributes {stable_mosaic.version = 14 : i64} {
  func.func @_agg_body(%arg0: i32, %arg1: i32, %arg2: memref<20480x128xf32, #tpu.memory_space<hbm>>, %arg3: memref<640000xi32, #tpu.memory_space<hbm>>, %arg4: memref<640000xi32, #tpu.memory_space<hbm>>, %arg5: memref<10240x128xf32, #tpu.memory_space<hbm>>, %arg6: memref<20480x128xf32, #tpu.memory_space<hbm>>, %arg7: memref<20000xi32, #tpu.memory_space<vmem>>, %arg8: memref<80xi32, #tpu.memory_space<vmem>>, %arg9: memref<80xi32, #tpu.memory_space<vmem>>, %arg10: memref<2x80x128xf32, #tpu.memory_space<vmem>>, %arg11: memref<!tpu.dma_semaphore, #tpu.memory_space<semaphore_mem>>, %arg12: memref<!tpu.dma_semaphore, #tpu.memory_space<semaphore_mem>>, %arg13: memref<10240x128xf32, #tpu.memory_space<vmem_shared>>) attributes {dimension_semantics = [#tpu.dimension_semantics<core_parallel>, #tpu.dimension_semantics<subcore_parallel>], iteration_bounds = array<i64: 2, 16>, scalar_prefetch = 0 : i64, scratch_operands = 7 : i64, tpu.core_type = #tpu.core_type<sc_vector_subcore>, window_params = [{transform_indices = #map}, {transform_indices = #map1}, {transform_indices = #map1}, {transform_indices = #map}, {transform_indices = #map}]} {
    %mul3A = arith.constant 640 : i32
    %mul3A_0 = arith.muli %arg1, %mul3A : i32
    "tpu.region"() ({
      %run_scoped3A = tpu.sem_alloc : memref<!tpu.dma_semaphore, #tpu.memory_space<semaphore_mem>>
      %dma_start3A_38 = arith.constant 0 : i32
      %dma_start3A_39 = tpu.memref_slice %arg13[%mul3A_0, %dma_start3A_38] : memref<10240x128xf32, #tpu.memory_space<vmem_shared>> -> memref<640x128xf32, #tpu.memory_space<vmem_shared>>
      %dma_start3A_40 = arith.constant 0 : i32
      %dma_start3A_41 = tpu.memref_slice %arg5[%mul3A_0, %dma_start3A_40] : memref<10240x128xf32, #tpu.memory_space<hbm>> -> memref<640x128xf32, #tpu.memory_space<hbm>>
      tpu.enqueue_dma source(%dma_start3A_41 : memref<640x128xf32, #tpu.memory_space<hbm>>) target(%dma_start3A_39 : memref<640x128xf32, #tpu.memory_space<vmem_shared>>) target_semaphore(%run_scoped3A : memref<!tpu.dma_semaphore, #tpu.memory_space<semaphore_mem>>)
      %dma_wait3A = arith.constant 0 : i32
      %dma_wait3A_42 = tpu.memref_slice %arg13[%mul3A_0, %dma_wait3A] : memref<10240x128xf32, #tpu.memory_space<vmem_shared>> -> memref<640x128xf32, #tpu.memory_space<vmem_shared>>
      %dma_wait3A_43 = arith.constant 0 : i32
      %dma_wait3A_44 = tpu.memref_slice %arg5[%mul3A_0, %dma_wait3A_43] : memref<10240x128xf32, #tpu.memory_space<hbm>> -> memref<640x128xf32, #tpu.memory_space<hbm>>
      tpu.wait_dma2 semaphore(%run_scoped3A : memref<!tpu.dma_semaphore, #tpu.memory_space<semaphore_mem>>) src(%dma_wait3A_44 : memref<640x128xf32, #tpu.memory_space<hbm>>) dst(%dma_wait3A_42 : memref<640x128xf32, #tpu.memory_space<vmem_shared>>)
      tpu.yield
    }) : () -> ()
    %mul3A_1 = arith.constant 320000 : i32
    %mul3A_2 = arith.muli %arg0, %mul3A_1 : i32
    %mul3A_3 = arith.constant 20000 : i32
    %mul3A_4 = arith.muli %arg1, %mul3A_3 : i32
    %add3A = arith.addi %mul3A_2, %mul3A_4 : i32
    "tpu.region"() ({
      %run_scoped3A = tpu.sem_alloc : memref<!tpu.dma_semaphore, #tpu.memory_space<semaphore_mem>>
      %dma_start3A_38 = tpu.memref_slice %arg3[%add3A] : memref<640000xi32, #tpu.memory_space<hbm>> -> memref<20000xi32, #tpu.memory_space<hbm>>
      %dma_start3A_39 = tpu.memref_slice %arg3[%add3A] : memref<640000xi32, #tpu.memory_space<hbm>> -> memref<20000xi32, #tpu.memory_space<hbm>>
      tpu.enqueue_dma source(%dma_start3A_39 : memref<20000xi32, #tpu.memory_space<hbm>>) target(%arg7 : memref<20000xi32, #tpu.memory_space<vmem>>) target_semaphore(%run_scoped3A : memref<!tpu.dma_semaphore, #tpu.memory_space<semaphore_mem>>)
      %dma_wait3A = tpu.memref_slice %arg3[%add3A] : memref<640000xi32, #tpu.memory_space<hbm>> -> memref<20000xi32, #tpu.memory_space<hbm>>
      %dma_wait3A_40 = tpu.memref_slice %arg3[%add3A] : memref<640000xi32, #tpu.memory_space<hbm>> -> memref<20000xi32, #tpu.memory_space<hbm>>
      tpu.wait_dma2 semaphore(%run_scoped3A : memref<!tpu.dma_semaphore, #tpu.memory_space<semaphore_mem>>) src(%dma_wait3A_40 : memref<20000xi32, #tpu.memory_space<hbm>>) dst(%arg7 : memref<20000xi32, #tpu.memory_space<vmem>>)
      tpu.yield
    }) : () -> ()
    %barrier3A = arith.constant 0 : index
    tpu.barrier barrier_id(%barrier3A)
    %add3A_5 = arith.constant 0 : i32
    %add3A_6 = arith.addi %add3A, %add3A_5 : i32
    "tpu.region"() ({
      %run_scoped3A = tpu.sem_alloc : memref<!tpu.dma_semaphore, #tpu.memory_space<semaphore_mem>>
      %dma_start3A_38 = tpu.memref_slice %arg4[%add3A_6] : memref<640000xi32, #tpu.memory_space<hbm>> -> memref<80xi32, #tpu.memory_space<hbm>>
      %dma_start3A_39 = tpu.memref_slice %arg4[%add3A_6] : memref<640000xi32, #tpu.memory_space<hbm>> -> memref<80xi32, #tpu.memory_space<hbm>>
      tpu.enqueue_dma source(%dma_start3A_39 : memref<80xi32, #tpu.memory_space<hbm>>) target(%arg8 : memref<80xi32, #tpu.memory_space<vmem>>) target_semaphore(%run_scoped3A : memref<!tpu.dma_semaphore, #tpu.memory_space<semaphore_mem>>)
      %dma_wait3A = tpu.memref_slice %arg4[%add3A_6] : memref<640000xi32, #tpu.memory_space<hbm>> -> memref<80xi32, #tpu.memory_space<hbm>>
      %dma_wait3A_40 = tpu.memref_slice %arg4[%add3A_6] : memref<640000xi32, #tpu.memory_space<hbm>> -> memref<80xi32, #tpu.memory_space<hbm>>
      tpu.wait_dma2 semaphore(%run_scoped3A : memref<!tpu.dma_semaphore, #tpu.memory_space<semaphore_mem>>) src(%dma_wait3A_40 : memref<80xi32, #tpu.memory_space<hbm>>) dst(%arg8 : memref<80xi32, #tpu.memory_space<vmem>>)
      tpu.yield
    }) : () -> ()
    %dma_start3A = arith.constant 0 : i32
    %dma_start3A_7 = arith.constant 0 : i32
    %dma_start3A_8 = arith.constant 0 : i32
    %dma_start3A_9 = tpu.memref_slice %arg10[%dma_start3A, %dma_start3A_7, %dma_start3A_8] : memref<2x80x128xf32, #tpu.memory_space<vmem>> -> memref<1x80x128xf32, #tpu.memory_space<vmem>>
    %dma_start3A_10 = tpu.memref_squeeze %dma_start3A_9 : memref<1x80x128xf32, #tpu.memory_space<vmem>> -> memref<80x128xf32, #tpu.memory_space<vmem>>
    %dma_start3A_11 = arith.constant 0 : i32
    %dma_start3A_12 = tpu.memref_slice %arg7[%dma_start3A_11] : memref<20000xi32, #tpu.memory_space<vmem>> -> memref<80xi32, #tpu.memory_space<vmem>>
    %dma_start3A_13 = arith.constant 0 : i32
    %dma_start3A_14 = arith.constant 0 : i32
    %dma_start3A_15 = tpu.memref_slice %arg2[%dma_start3A_13, %dma_start3A_14] : memref<20480x128xf32, #tpu.memory_space<hbm>> -> memref<20480x128xf32, #tpu.memory_space<hbm>>
    tpu.enqueue_indirect_dma source(%dma_start3A_15 : memref<20480x128xf32, #tpu.memory_space<hbm>>) target(%dma_start3A_10 : memref<80x128xf32, #tpu.memory_space<vmem>>) offsets(%dma_start3A_12 : memref<80xi32, #tpu.memory_space<vmem>>) semaphore(%arg11 : memref<!tpu.dma_semaphore, #tpu.memory_space<semaphore_mem>>)
    %add3A_16 = arith.constant 80 : i32
    %add3A_17 = arith.addi %add3A, %add3A_16 : i32
    "tpu.region"() ({
      %run_scoped3A = tpu.sem_alloc : memref<!tpu.dma_semaphore, #tpu.memory_space<semaphore_mem>>
      %dma_start3A_38 = tpu.memref_slice %arg4[%add3A_17] : memref<640000xi32, #tpu.memory_space<hbm>> -> memref<80xi32, #tpu.memory_space<hbm>>
      %dma_start3A_39 = tpu.memref_slice %arg4[%add3A_17] : memref<640000xi32, #tpu.memory_space<hbm>> -> memref<80xi32, #tpu.memory_space<hbm>>
      tpu.enqueue_dma source(%dma_start3A_39 : memref<80xi32, #tpu.memory_space<hbm>>) target(%arg9 : memref<80xi32, #tpu.memory_space<vmem>>) target_semaphore(%run_scoped3A : memref<!tpu.dma_semaphore, #tpu.memory_space<semaphore_mem>>)
      %dma_wait3A = tpu.memref_slice %arg4[%add3A_17] : memref<640000xi32, #tpu.memory_space<hbm>> -> memref<80xi32, #tpu.memory_space<hbm>>
      %dma_wait3A_40 = tpu.memref_slice %arg4[%add3A_17] : memref<640000xi32, #tpu.memory_space<hbm>> -> memref<80xi32, #tpu.memory_space<hbm>>
      tpu.wait_dma2 semaphore(%run_scoped3A : memref<!tpu.dma_semaphore, #tpu.memory_space<semaphore_mem>>) src(%dma_wait3A_40 : memref<80xi32, #tpu.memory_space<hbm>>) dst(%arg9 : memref<80xi32, #tpu.memory_space<vmem>>)
      tpu.yield
    }) : () -> ()
    %dma_start3A_18 = arith.constant 1 : i32
    %dma_start3A_19 = arith.constant 0 : i32
    %dma_start3A_20 = arith.constant 0 : i32
    %dma_start3A_21 = tpu.memref_slice %arg10[%dma_start3A_18, %dma_start3A_19, %dma_start3A_20] : memref<2x80x128xf32, #tpu.memory_space<vmem>> -> memref<1x80x128xf32, #tpu.memory_space<vmem>>
    %dma_start3A_22 = tpu.memref_squeeze %dma_start3A_21 : memref<1x80x128xf32, #tpu.memory_space<vmem>> -> memref<80x128xf32, #tpu.memory_space<vmem>>
    %dma_start3A_23 = arith.constant 80 : i32
    %dma_start3A_24 = tpu.memref_slice %arg7[%dma_start3A_23] : memref<20000xi32, #tpu.memory_space<vmem>> -> memref<80xi32, #tpu.memory_space<vmem>>
    %dma_start3A_25 = arith.constant 0 : i32
    %dma_start3A_26 = arith.constant 0 : i32
    %dma_start3A_27 = tpu.memref_slice %arg2[%dma_start3A_25, %dma_start3A_26] : memref<20480x128xf32, #tpu.memory_space<hbm>> -> memref<20480x128xf32, #tpu.memory_space<hbm>>
    tpu.enqueue_indirect_dma source(%dma_start3A_27 : memref<20480x128xf32, #tpu.memory_space<hbm>>) target(%dma_start3A_22 : memref<80x128xf32, #tpu.memory_space<vmem>>) offsets(%dma_start3A_24 : memref<80xi32, #tpu.memory_space<vmem>>) semaphore(%arg12 : memref<!tpu.dma_semaphore, #tpu.memory_space<semaphore_mem>>)
    %scan3A = arith.constant 0 : i32
    %scan3A_28 = arith.constant 0 : i32
    %scan3A_29 = arith.constant 125 : i32
    %scan3A_30 = arith.addi %scan3A_28, %scan3A_29 : i32
    %scan3A_31 = arith.constant 1 : i32
    %scan3A_32 = scf.for %scan3A_38 = %scan3A_28 to %scan3A_30 step %scan3A_31 iter_args(%scan3A_39 = %scan3A) -> (i32)  : i32 {
      %mul3A_40 = arith.constant 2 : i32
      %mul3A_41 = arith.muli %scan3A_38, %mul3A_40 : i32
      %add3A_42 = arith.constant 0 : i32
      %add3A_43 = arith.addi %mul3A_41, %add3A_42 : i32
      %mul3A_44 = arith.constant 80 : i32
      %mul3A_45 = arith.muli %add3A_43, %mul3A_44 : i32
      %dma_wait3A = arith.constant 0 : i32
      %dma_wait3A_46 = arith.constant 0 : i32
      %dma_wait3A_47 = arith.constant 0 : i32
      %dma_wait3A_48 = tpu.memref_slice %arg10[%dma_wait3A, %dma_wait3A_46, %dma_wait3A_47] : memref<2x80x128xf32, #tpu.memory_space<vmem>> -> memref<1x80x128xf32, #tpu.memory_space<vmem>>
      %dma_wait3A_49 = tpu.memref_squeeze %dma_wait3A_48 : memref<1x80x128xf32, #tpu.memory_space<vmem>> -> memref<80x128xf32, #tpu.memory_space<vmem>>
      %dma_wait3A_50 = tpu.memref_slice %arg7[%mul3A_45] : memref<20000xi32, #tpu.memory_space<vmem>> -> memref<80xi32, #tpu.memory_space<vmem>>
      %dma_wait3A_51 = arith.constant 0 : i32
      %dma_wait3A_52 = arith.constant 0 : i32
      %dma_wait3A_53 = tpu.memref_slice %arg2[%dma_wait3A_51, %dma_wait3A_52] : memref<20480x128xf32, #tpu.memory_space<hbm>> -> memref<20480x128xf32, #tpu.memory_space<hbm>>
      tpu.wait_indirect_dma semaphore(%arg11 : memref<!tpu.dma_semaphore, #tpu.memory_space<semaphore_mem>>) src(%dma_wait3A_53 : memref<20480x128xf32, #tpu.memory_space<hbm>>) dst(%dma_wait3A_49 : memref<80x128xf32, #tpu.memory_space<vmem>>)
      %run_scoped3A = arith.constant 0 : i32
      "tpu.region"() ({
        %run_scoped3A_82 = tpu.sem_alloc : memref<!tpu.dma_semaphore, #tpu.memory_space<semaphore_mem>>
        %dma_start3A_83 = arith.constant 0 : i32
        %dma_start3A_84 = arith.constant 0 : i32
        %dma_start3A_85 = tpu.memref_slice %arg10[%run_scoped3A, %dma_start3A_83, %dma_start3A_84] : memref<2x80x128xf32, #tpu.memory_space<vmem>> -> memref<1x80x128xf32, #tpu.memory_space<vmem>>
        %dma_start3A_86 = tpu.memref_squeeze %dma_start3A_85 : memref<1x80x128xf32, #tpu.memory_space<vmem>> -> memref<80x128xf32, #tpu.memory_space<vmem>>
        %dma_start3A_87 = arith.constant 0 : i32
        %dma_start3A_88 = arith.constant 0 : i32
        %dma_start3A_89 = tpu.memref_slice %arg13[%dma_start3A_87, %dma_start3A_88] : memref<10240x128xf32, #tpu.memory_space<vmem_shared>> -> memref<10240x128xf32, #tpu.memory_space<vmem_shared>>
        tpu.enqueue_indirect_dma source(%dma_start3A_86 : memref<80x128xf32, #tpu.memory_space<vmem>>) target(%dma_start3A_89 : memref<10240x128xf32, #tpu.memory_space<vmem_shared>>) offsets(%arg8 : memref<80xi32, #tpu.memory_space<vmem>>) semaphore(%run_scoped3A_82 : memref<!tpu.dma_semaphore, #tpu.memory_space<semaphore_mem>>) {add = true}
        %dma_wait3A_90 = arith.constant 0 : i32
        %dma_wait3A_91 = arith.constant 0 : i32
        %dma_wait3A_92 = tpu.memref_slice %arg10[%run_scoped3A, %dma_wait3A_90, %dma_wait3A_91] : memref<2x80x128xf32, #tpu.memory_space<vmem>> -> memref<1x80x128xf32, #tpu.memory_space<vmem>>
        %dma_wait3A_93 = tpu.memref_squeeze %dma_wait3A_92 : memref<1x80x128xf32, #tpu.memory_space<vmem>> -> memref<80x128xf32, #tpu.memory_space<vmem>>
        %dma_wait3A_94 = arith.constant 0 : i32
        %dma_wait3A_95 = arith.constant 0 : i32
        %dma_wait3A_96 = tpu.memref_slice %arg13[%dma_wait3A_94, %dma_wait3A_95] : memref<10240x128xf32, #tpu.memory_space<vmem_shared>> -> memref<10240x128xf32, #tpu.memory_space<vmem_shared>>
        tpu.wait_indirect_dma semaphore(%run_scoped3A_82 : memref<!tpu.dma_semaphore, #tpu.memory_space<semaphore_mem>>) src(%dma_wait3A_93 : memref<80x128xf32, #tpu.memory_space<vmem>>) dst(%dma_wait3A_96 : memref<10240x128xf32, #tpu.memory_space<vmem_shared>>)
        tpu.yield
      }) : () -> ()
      %add3A_54 = arith.constant 2 : i32
      %add3A_55 = arith.addi %add3A_43, %add3A_54 : i32
      %lt3A = arith.constant 250 : i32
      %lt3A_56 = arith.cmpi slt, %add3A_55, %lt3A : i32
      %convert_element_type3A = arith.extui %lt3A_56 : i1 to i32
      %cond3A = arith.constant 0 : i32
      %cond3A_57 = arith.cmpi ne, %convert_element_type3A, %cond3A : i32
      scf.if %cond3A_57 {
        %add3A_82 = arith.constant 2 : i32
        %add3A_83 = arith.addi %add3A_43, %add3A_82 : i32
        %mul3A_84 = arith.constant 80 : i32
        %mul3A_85 = arith.muli %add3A_83, %mul3A_84 : i32
        %add3A_86 = arith.addi %add3A, %mul3A_85 : i32
        "tpu.region"() ({
          %run_scoped3A_98 = tpu.sem_alloc : memref<!tpu.dma_semaphore, #tpu.memory_space<semaphore_mem>>
          %dma_start3A_99 = tpu.memref_slice %arg4[%add3A_86] : memref<640000xi32, #tpu.memory_space<hbm>> -> memref<80xi32, #tpu.memory_space<hbm>>
          %dma_start3A_100 = tpu.memref_slice %arg4[%add3A_86] : memref<640000xi32, #tpu.memory_space<hbm>> -> memref<80xi32, #tpu.memory_space<hbm>>
          tpu.enqueue_dma source(%dma_start3A_100 : memref<80xi32, #tpu.memory_space<hbm>>) target(%arg8 : memref<80xi32, #tpu.memory_space<vmem>>) target_semaphore(%run_scoped3A_98 : memref<!tpu.dma_semaphore, #tpu.memory_space<semaphore_mem>>)
          %dma_wait3A_101 = tpu.memref_slice %arg4[%add3A_86] : memref<640000xi32, #tpu.memory_space<hbm>> -> memref<80xi32, #tpu.memory_space<hbm>>
          %dma_wait3A_102 = tpu.memref_slice %arg4[%add3A_86] : memref<640000xi32, #tpu.memory_space<hbm>> -> memref<80xi32, #tpu.memory_space<hbm>>
          tpu.wait_dma2 semaphore(%run_scoped3A_98 : memref<!tpu.dma_semaphore, #tpu.memory_space<semaphore_mem>>) src(%dma_wait3A_102 : memref<80xi32, #tpu.memory_space<hbm>>) dst(%arg8 : memref<80xi32, #tpu.memory_space<vmem>>)
          tpu.yield
        }) : () -> ()
        %mul3A_87 = arith.constant 80 : i32
        %mul3A_88 = arith.muli %add3A_83, %mul3A_87 : i32
        %dma_start3A_89 = arith.constant 0 : i32
        %dma_start3A_90 = arith.constant 0 : i32
        %dma_start3A_91 = arith.constant 0 : i32
        %dma_start3A_92 = tpu.memref_slice %arg10[%dma_start3A_89, %dma_start3A_90, %dma_start3A_91] : memref<2x80x128xf32, #tpu.memory_space<vmem>> -> memref<1x80x128xf32, #tpu.memory_space<vmem>>
        %dma_start3A_93 = tpu.memref_squeeze %dma_start3A_92 : memref<1x80x128xf32, #tpu.memory_space<vmem>> -> memref<80x128xf32, #tpu.memory_space<vmem>>
        %dma_start3A_94 = tpu.memref_slice %arg7[%mul3A_88] : memref<20000xi32, #tpu.memory_space<vmem>> -> memref<80xi32, #tpu.memory_space<vmem>>
        %dma_start3A_95 = arith.constant 0 : i32
        %dma_start3A_96 = arith.constant 0 : i32
        %dma_start3A_97 = tpu.memref_slice %arg2[%dma_start3A_95, %dma_start3A_96] : memref<20480x128xf32, #tpu.memory_space<hbm>> -> memref<20480x128xf32, #tpu.memory_space<hbm>>
        tpu.enqueue_indirect_dma source(%dma_start3A_97 : memref<20480x128xf32, #tpu.memory_space<hbm>>) target(%dma_start3A_93 : memref<80x128xf32, #tpu.memory_space<vmem>>) offsets(%dma_start3A_94 : memref<80xi32, #tpu.memory_space<vmem>>) semaphore(%arg11 : memref<!tpu.dma_semaphore, #tpu.memory_space<semaphore_mem>>)
      } else {
      }
      %mul3A_58 = arith.constant 2 : i32
      %mul3A_59 = arith.muli %scan3A_38, %mul3A_58 : i32
      %add3A_60 = arith.constant 1 : i32
      %add3A_61 = arith.addi %mul3A_59, %add3A_60 : i32
      %mul3A_62 = arith.constant 80 : i32
      %mul3A_63 = arith.muli %add3A_61, %mul3A_62 : i32
      %dma_wait3A_64 = arith.constant 1 : i32
      %dma_wait3A_65 = arith.constant 0 : i32
      %dma_wait3A_66 = arith.constant 0 : i32
      %dma_wait3A_67 = tpu.memref_slice %arg10[%dma_wait3A_64, %dma_wait3A_65, %dma_wait3A_66] : memref<2x80x128xf32, #tpu.memory_space<vmem>> -> memref<1x80x128xf32, #tpu.memory_space<vmem>>
      %dma_wait3A_68 = tpu.memref_squeeze %dma_wait3A_67 : memref<1x80x128xf32, #tpu.memory_space<vmem>> -> memref<80x128xf32, #tpu.memory_space<vmem>>
      %dma_wait3A_69 = tpu.memref_slice %arg7[%mul3A_63] : memref<20000xi32, #tpu.memory_space<vmem>> -> memref<80xi32, #tpu.memory_space<vmem>>
      %dma_wait3A_70 = arith.constant 0 : i32
      %dma_wait3A_71 = arith.constant 0 : i32
      %dma_wait3A_72 = tpu.memref_slice %arg2[%dma_wait3A_70, %dma_wait3A_71] : memref<20480x128xf32, #tpu.memory_space<hbm>> -> memref<20480x128xf32, #tpu.memory_space<hbm>>
      tpu.wait_indirect_dma semaphore(%arg12 : memref<!tpu.dma_semaphore, #tpu.memory_space<semaphore_mem>>) src(%dma_wait3A_72 : memref<20480x128xf32, #tpu.memory_space<hbm>>) dst(%dma_wait3A_68 : memref<80x128xf32, #tpu.memory_space<vmem>>)
      %run_scoped3A_73 = arith.constant 1 : i32
      "tpu.region"() ({
        %run_scoped3A_82 = tpu.sem_alloc : memref<!tpu.dma_semaphore, #tpu.memory_space<semaphore_mem>>
        %dma_start3A_83 = arith.constant 0 : i32
        %dma_start3A_84 = arith.constant 0 : i32
        %dma_start3A_85 = tpu.memref_slice %arg10[%run_scoped3A_73, %dma_start3A_83, %dma_start3A_84] : memref<2x80x128xf32, #tpu.memory_space<vmem>> -> memref<1x80x128xf32, #tpu.memory_space<vmem>>
        %dma_start3A_86 = tpu.memref_squeeze %dma_start3A_85 : memref<1x80x128xf32, #tpu.memory_space<vmem>> -> memref<80x128xf32, #tpu.memory_space<vmem>>
        %dma_start3A_87 = arith.constant 0 : i32
        %dma_start3A_88 = arith.constant 0 : i32
        %dma_start3A_89 = tpu.memref_slice %arg13[%dma_start3A_87, %dma_start3A_88] : memref<10240x128xf32, #tpu.memory_space<vmem_shared>> -> memref<10240x128xf32, #tpu.memory_space<vmem_shared>>
        tpu.enqueue_indirect_dma source(%dma_start3A_86 : memref<80x128xf32, #tpu.memory_space<vmem>>) target(%dma_start3A_89 : memref<10240x128xf32, #tpu.memory_space<vmem_shared>>) offsets(%arg9 : memref<80xi32, #tpu.memory_space<vmem>>) semaphore(%run_scoped3A_82 : memref<!tpu.dma_semaphore, #tpu.memory_space<semaphore_mem>>) {add = true}
        %dma_wait3A_90 = arith.constant 0 : i32
        %dma_wait3A_91 = arith.constant 0 : i32
        %dma_wait3A_92 = tpu.memref_slice %arg10[%run_scoped3A_73, %dma_wait3A_90, %dma_wait3A_91] : memref<2x80x128xf32, #tpu.memory_space<vmem>> -> memref<1x80x128xf32, #tpu.memory_space<vmem>>
        %dma_wait3A_93 = tpu.memref_squeeze %dma_wait3A_92 : memref<1x80x128xf32, #tpu.memory_space<vmem>> -> memref<80x128xf32, #tpu.memory_space<vmem>>
        %dma_wait3A_94 = arith.constant 0 : i32
        %dma_wait3A_95 = arith.constant 0 : i32
        %dma_wait3A_96 = tpu.memref_slice %arg13[%dma_wait3A_94, %dma_wait3A_95] : memref<10240x128xf32, #tpu.memory_space<vmem_shared>> -> memref<10240x128xf32, #tpu.memory_space<vmem_shared>>
        tpu.wait_indirect_dma semaphore(%run_scoped3A_82 : memref<!tpu.dma_semaphore, #tpu.memory_space<semaphore_mem>>) src(%dma_wait3A_93 : memref<80x128xf32, #tpu.memory_space<vmem>>) dst(%dma_wait3A_96 : memref<10240x128xf32, #tpu.memory_space<vmem_shared>>)
        tpu.yield
      }) : () -> ()
      %add3A_74 = arith.constant 2 : i32
      %add3A_75 = arith.addi %add3A_61, %add3A_74 : i32
      %lt3A_76 = arith.constant 250 : i32
      %lt3A_77 = arith.cmpi slt, %add3A_75, %lt3A_76 : i32
      %convert_element_type3A_78 = arith.extui %lt3A_77 : i1 to i32
      %cond3A_79 = arith.constant 0 : i32
      %cond3A_80 = arith.cmpi ne, %convert_element_type3A_78, %cond3A_79 : i32
      scf.if %cond3A_80 {
        %add3A_82 = arith.constant 2 : i32
        %add3A_83 = arith.addi %add3A_61, %add3A_82 : i32
        %mul3A_84 = arith.constant 80 : i32
        %mul3A_85 = arith.muli %add3A_83, %mul3A_84 : i32
        %add3A_86 = arith.addi %add3A, %mul3A_85 : i32
        "tpu.region"() ({
          %run_scoped3A_98 = tpu.sem_alloc : memref<!tpu.dma_semaphore, #tpu.memory_space<semaphore_mem>>
          %dma_start3A_99 = tpu.memref_slice %arg4[%add3A_86] : memref<640000xi32, #tpu.memory_space<hbm>> -> memref<80xi32, #tpu.memory_space<hbm>>
          %dma_start3A_100 = tpu.memref_slice %arg4[%add3A_86] : memref<640000xi32, #tpu.memory_space<hbm>> -> memref<80xi32, #tpu.memory_space<hbm>>
          tpu.enqueue_dma source(%dma_start3A_100 : memref<80xi32, #tpu.memory_space<hbm>>) target(%arg9 : memref<80xi32, #tpu.memory_space<vmem>>) target_semaphore(%run_scoped3A_98 : memref<!tpu.dma_semaphore, #tpu.memory_space<semaphore_mem>>)
          %dma_wait3A_101 = tpu.memref_slice %arg4[%add3A_86] : memref<640000xi32, #tpu.memory_space<hbm>> -> memref<80xi32, #tpu.memory_space<hbm>>
          %dma_wait3A_102 = tpu.memref_slice %arg4[%add3A_86] : memref<640000xi32, #tpu.memory_space<hbm>> -> memref<80xi32, #tpu.memory_space<hbm>>
          tpu.wait_dma2 semaphore(%run_scoped3A_98 : memref<!tpu.dma_semaphore, #tpu.memory_space<semaphore_mem>>) src(%dma_wait3A_102 : memref<80xi32, #tpu.memory_space<hbm>>) dst(%arg9 : memref<80xi32, #tpu.memory_space<vmem>>)
          tpu.yield
        }) : () -> ()
        %mul3A_87 = arith.constant 80 : i32
        %mul3A_88 = arith.muli %add3A_83, %mul3A_87 : i32
        %dma_start3A_89 = arith.constant 1 : i32
        %dma_start3A_90 = arith.constant 0 : i32
        %dma_start3A_91 = arith.constant 0 : i32
        %dma_start3A_92 = tpu.memref_slice %arg10[%dma_start3A_89, %dma_start3A_90, %dma_start3A_91] : memref<2x80x128xf32, #tpu.memory_space<vmem>> -> memref<1x80x128xf32, #tpu.memory_space<vmem>>
        %dma_start3A_93 = tpu.memref_squeeze %dma_start3A_92 : memref<1x80x128xf32, #tpu.memory_space<vmem>> -> memref<80x128xf32, #tpu.memory_space<vmem>>
        %dma_start3A_94 = tpu.memref_slice %arg7[%mul3A_88] : memref<20000xi32, #tpu.memory_space<vmem>> -> memref<80xi32, #tpu.memory_space<vmem>>
        %dma_start3A_95 = arith.constant 0 : i32
        %dma_start3A_96 = arith.constant 0 : i32
        %dma_start3A_97 = tpu.memref_slice %arg2[%dma_start3A_95, %dma_start3A_96] : memref<20480x128xf32, #tpu.memory_space<hbm>> -> memref<20480x128xf32, #tpu.memory_space<hbm>>
        tpu.enqueue_indirect_dma source(%dma_start3A_97 : memref<20480x128xf32, #tpu.memory_space<hbm>>) target(%dma_start3A_93 : memref<80x128xf32, #tpu.memory_space<vmem>>) offsets(%dma_start3A_94 : memref<80xi32, #tpu.memory_space<vmem>>) semaphore(%arg12 : memref<!tpu.dma_semaphore, #tpu.memory_space<semaphore_mem>>)
      } else {
      }
      %scan3A_81 = arith.constant 0 : i32
      scf.yield %scan3A_81 : i32
    }
    %scan3A_33 = arith.constant 125 : i32
    %barrier3A_34 = arith.constant 0 : index
    tpu.barrier barrier_id(%barrier3A_34)
    %mul3A_35 = arith.constant 10240 : i32
    %mul3A_36 = arith.muli %arg0, %mul3A_35 : i32
    %add3A_37 = arith.addi %mul3A_36, %mul3A_0 : i32
    "tpu.region"() ({
      %run_scoped3A = tpu.sem_alloc : memref<!tpu.dma_semaphore, #tpu.memory_space<semaphore_mem>>
      %dma_start3A_38 = arith.constant 0 : i32
      %dma_start3A_39 = tpu.memref_slice %arg6[%add3A_37, %dma_start3A_38] : memref<20480x128xf32, #tpu.memory_space<hbm>> -> memref<640x128xf32, #tpu.memory_space<hbm>>
      %dma_start3A_40 = arith.constant 0 : i32
      %dma_start3A_41 = tpu.memref_slice %arg13[%mul3A_0, %dma_start3A_40] : memref<10240x128xf32, #tpu.memory_space<vmem_shared>> -> memref<640x128xf32, #tpu.memory_space<vmem_shared>>
      tpu.enqueue_dma source(%dma_start3A_41 : memref<640x128xf32, #tpu.memory_space<vmem_shared>>) target(%dma_start3A_39 : memref<640x128xf32, #tpu.memory_space<hbm>>) target_semaphore(%run_scoped3A : memref<!tpu.dma_semaphore, #tpu.memory_space<semaphore_mem>>)
      %dma_wait3A = arith.constant 0 : i32
      %dma_wait3A_42 = tpu.memref_slice %arg6[%add3A_37, %dma_wait3A] : memref<20480x128xf32, #tpu.memory_space<hbm>> -> memref<640x128xf32, #tpu.memory_space<hbm>>
      %dma_wait3A_43 = arith.constant 0 : i32
      %dma_wait3A_44 = tpu.memref_slice %arg13[%mul3A_0, %dma_wait3A_43] : memref<10240x128xf32, #tpu.memory_space<vmem_shared>> -> memref<640x128xf32, #tpu.memory_space<vmem_shared>>
      tpu.wait_dma2 semaphore(%run_scoped3A : memref<!tpu.dma_semaphore, #tpu.memory_space<semaphore_mem>>) src(%dma_wait3A_44 : memref<640x128xf32, #tpu.memory_space<vmem_shared>>) dst(%dma_wait3A_42 : memref<640x128xf32, #tpu.memory_space<hbm>>)
      tpu.yield
    }) : () -> ()
    return
  }
}

#map = affine_map<(d0, d1) -> (0, 0)>
#map1 = affine_map<(d0, d1) -> (0)>
module attributes {stable_mosaic.version = 14 : i64} {
  func.func @_agg_body(%arg0: i32, %arg1: i32, %arg2: memref<20480x128xf32, #tpu.memory_space<hbm>>, %arg3: memref<640000xi32, #tpu.memory_space<hbm>>, %arg4: memref<640000xi32, #tpu.memory_space<hbm>>, %arg5: memref<10240x128xf32, #tpu.memory_space<hbm>>, %arg6: memref<20480x128xf32, #tpu.memory_space<hbm>>, %arg7: memref<20000xi32, #tpu.memory_space<vmem>>, %arg8: memref<80xi32, #tpu.memory_space<vmem>>, %arg9: memref<80xi32, #tpu.memory_space<vmem>>, %arg10: memref<2x80x128xf32, #tpu.memory_space<vmem>>, %arg11: memref<!tpu.dma_semaphore, #tpu.memory_space<semaphore_mem>>, %arg12: memref<!tpu.dma_semaphore, #tpu.memory_space<semaphore_mem>>, %arg13: memref<10240x128xf32, #tpu.memory_space<vmem_shared>>) attributes {dimension_semantics = [#tpu.dimension_semantics<core_parallel>, #tpu.dimension_semantics<subcore_parallel>], iteration_bounds = array<i64: 2, 16>, scalar_prefetch = 0 : i64, scratch_operands = 7 : i64, tpu.core_type = #tpu.core_type<sc_vector_subcore>, window_params = [{transform_indices = #map}, {transform_indices = #map1}, {transform_indices = #map1}, {transform_indices = #map}, {transform_indices = #map}]} {
    %mul3A = arith.constant 640 : i32
    %mul3A_0 = arith.muli %arg1, %mul3A : i32
    "tpu.region"() ({
      %run_scoped3A = tpu.sem_alloc : memref<!tpu.dma_semaphore, #tpu.memory_space<semaphore_mem>>
      %dma_start3A_38 = arith.constant 0 : i32
      %dma_start3A_39 = tpu.memref_slice %arg13[%mul3A_0, %dma_start3A_38] : memref<10240x128xf32, #tpu.memory_space<vmem_shared>> -> memref<640x128xf32, #tpu.memory_space<vmem_shared>>
      %dma_start3A_40 = arith.constant 0 : i32
      %dma_start3A_41 = tpu.memref_slice %arg5[%mul3A_0, %dma_start3A_40] : memref<10240x128xf32, #tpu.memory_space<hbm>> -> memref<640x128xf32, #tpu.memory_space<hbm>>
      tpu.enqueue_dma source(%dma_start3A_41 : memref<640x128xf32, #tpu.memory_space<hbm>>) target(%dma_start3A_39 : memref<640x128xf32, #tpu.memory_space<vmem_shared>>) target_semaphore(%run_scoped3A : memref<!tpu.dma_semaphore, #tpu.memory_space<semaphore_mem>>)
      %dma_wait3A = arith.constant 0 : i32
      %dma_wait3A_42 = tpu.memref_slice %arg13[%mul3A_0, %dma_wait3A] : memref<10240x128xf32, #tpu.memory_space<vmem_shared>> -> memref<640x128xf32, #tpu.memory_space<vmem_shared>>
      %dma_wait3A_43 = arith.constant 0 : i32
      %dma_wait3A_44 = tpu.memref_slice %arg5[%mul3A_0, %dma_wait3A_43] : memref<10240x128xf32, #tpu.memory_space<hbm>> -> memref<640x128xf32, #tpu.memory_space<hbm>>
      tpu.wait_dma2 semaphore(%run_scoped3A : memref<!tpu.dma_semaphore, #tpu.memory_space<semaphore_mem>>) src(%dma_wait3A_44 : memref<640x128xf32, #tpu.memory_space<hbm>>) dst(%dma_wait3A_42 : memref<640x128xf32, #tpu.memory_space<vmem_shared>>)
      tpu.yield
    }) : () -> ()
    %mul3A_1 = arith.constant 320000 : i32
    %mul3A_2 = arith.muli %arg0, %mul3A_1 : i32
    %mul3A_3 = arith.constant 20000 : i32
    %mul3A_4 = arith.muli %arg1, %mul3A_3 : i32
    %add3A = arith.addi %mul3A_2, %mul3A_4 : i32
    "tpu.region"() ({
      %run_scoped3A = tpu.sem_alloc : memref<!tpu.dma_semaphore, #tpu.memory_space<semaphore_mem>>
      %dma_start3A_38 = tpu.memref_slice %arg3[%add3A] : memref<640000xi32, #tpu.memory_space<hbm>> -> memref<20000xi32, #tpu.memory_space<hbm>>
      %dma_start3A_39 = tpu.memref_slice %arg3[%add3A] : memref<640000xi32, #tpu.memory_space<hbm>> -> memref<20000xi32, #tpu.memory_space<hbm>>
      tpu.enqueue_dma source(%dma_start3A_39 : memref<20000xi32, #tpu.memory_space<hbm>>) target(%arg7 : memref<20000xi32, #tpu.memory_space<vmem>>) target_semaphore(%run_scoped3A : memref<!tpu.dma_semaphore, #tpu.memory_space<semaphore_mem>>)
      %dma_wait3A = tpu.memref_slice %arg3[%add3A] : memref<640000xi32, #tpu.memory_space<hbm>> -> memref<20000xi32, #tpu.memory_space<hbm>>
      %dma_wait3A_40 = tpu.memref_slice %arg3[%add3A] : memref<640000xi32, #tpu.memory_space<hbm>> -> memref<20000xi32, #tpu.memory_space<hbm>>
      tpu.wait_dma2 semaphore(%run_scoped3A : memref<!tpu.dma_semaphore, #tpu.memory_space<semaphore_mem>>) src(%dma_wait3A_40 : memref<20000xi32, #tpu.memory_space<hbm>>) dst(%arg7 : memref<20000xi32, #tpu.memory_space<vmem>>)
      tpu.yield
    }) : () -> ()
    %barrier3A = arith.constant 0 : index
    tpu.barrier barrier_id(%barrier3A)
    %add3A_5 = arith.constant 0 : i32
    %add3A_6 = arith.addi %add3A, %add3A_5 : i32
    "tpu.region"() ({
      %run_scoped3A = tpu.sem_alloc : memref<!tpu.dma_semaphore, #tpu.memory_space<semaphore_mem>>
      %dma_start3A_38 = tpu.memref_slice %arg4[%add3A_6] : memref<640000xi32, #tpu.memory_space<hbm>> -> memref<80xi32, #tpu.memory_space<hbm>>
      %dma_start3A_39 = tpu.memref_slice %arg4[%add3A_6] : memref<640000xi32, #tpu.memory_space<hbm>> -> memref<80xi32, #tpu.memory_space<hbm>>
      tpu.enqueue_dma source(%dma_start3A_39 : memref<80xi32, #tpu.memory_space<hbm>>) target(%arg8 : memref<80xi32, #tpu.memory_space<vmem>>) target_semaphore(%run_scoped3A : memref<!tpu.dma_semaphore, #tpu.memory_space<semaphore_mem>>)
      %dma_wait3A = tpu.memref_slice %arg4[%add3A_6] : memref<640000xi32, #tpu.memory_space<hbm>> -> memref<80xi32, #tpu.memory_space<hbm>>
      %dma_wait3A_40 = tpu.memref_slice %arg4[%add3A_6] : memref<640000xi32, #tpu.memory_space<hbm>> -> memref<80xi32, #tpu.memory_space<hbm>>
      tpu.wait_dma2 semaphore(%run_scoped3A : memref<!tpu.dma_semaphore, #tpu.memory_space<semaphore_mem>>) src(%dma_wait3A_40 : memref<80xi32, #tpu.memory_space<hbm>>) dst(%arg8 : memref<80xi32, #tpu.memory_space<vmem>>)
      tpu.yield
    }) : () -> ()
    %dma_start3A = arith.constant 0 : i32
    %dma_start3A_7 = arith.constant 0 : i32
    %dma_start3A_8 = arith.constant 0 : i32
    %dma_start3A_9 = tpu.memref_slice %arg10[%dma_start3A, %dma_start3A_7, %dma_start3A_8] : memref<2x80x128xf32, #tpu.memory_space<vmem>> -> memref<1x80x128xf32, #tpu.memory_space<vmem>>
    %dma_start3A_10 = tpu.memref_squeeze %dma_start3A_9 : memref<1x80x128xf32, #tpu.memory_space<vmem>> -> memref<80x128xf32, #tpu.memory_space<vmem>>
    %dma_start3A_11 = arith.constant 0 : i32
    %dma_start3A_12 = tpu.memref_slice %arg7[%dma_start3A_11] : memref<20000xi32, #tpu.memory_space<vmem>> -> memref<80xi32, #tpu.memory_space<vmem>>
    %dma_start3A_13 = arith.constant 0 : i32
    %dma_start3A_14 = arith.constant 0 : i32
    %dma_start3A_15 = tpu.memref_slice %arg2[%dma_start3A_13, %dma_start3A_14] : memref<20480x128xf32, #tpu.memory_space<hbm>> -> memref<20480x128xf32, #tpu.memory_space<hbm>>
    tpu.enqueue_indirect_dma source(%dma_start3A_15 : memref<20480x128xf32, #tpu.memory_space<hbm>>) target(%dma_start3A_10 : memref<80x128xf32, #tpu.memory_space<vmem>>) offsets(%dma_start3A_12 : memref<80xi32, #tpu.memory_space<vmem>>) semaphore(%arg11 : memref<!tpu.dma_semaphore, #tpu.memory_space<semaphore_mem>>)
    %add3A_16 = arith.constant 80 : i32
    %add3A_17 = arith.addi %add3A, %add3A_16 : i32
    "tpu.region"() ({
      %run_scoped3A = tpu.sem_alloc : memref<!tpu.dma_semaphore, #tpu.memory_space<semaphore_mem>>
      %dma_start3A_38 = tpu.memref_slice %arg4[%add3A_17] : memref<640000xi32, #tpu.memory_space<hbm>> -> memref<80xi32, #tpu.memory_space<hbm>>
      %dma_start3A_39 = tpu.memref_slice %arg4[%add3A_17] : memref<640000xi32, #tpu.memory_space<hbm>> -> memref<80xi32, #tpu.memory_space<hbm>>
      tpu.enqueue_dma source(%dma_start3A_39 : memref<80xi32, #tpu.memory_space<hbm>>) target(%arg9 : memref<80xi32, #tpu.memory_space<vmem>>) target_semaphore(%run_scoped3A : memref<!tpu.dma_semaphore, #tpu.memory_space<semaphore_mem>>)
      %dma_wait3A = tpu.memref_slice %arg4[%add3A_17] : memref<640000xi32, #tpu.memory_space<hbm>> -> memref<80xi32, #tpu.memory_space<hbm>>
      %dma_wait3A_40 = tpu.memref_slice %arg4[%add3A_17] : memref<640000xi32, #tpu.memory_space<hbm>> -> memref<80xi32, #tpu.memory_space<hbm>>
      tpu.wait_dma2 semaphore(%run_scoped3A : memref<!tpu.dma_semaphore, #tpu.memory_space<semaphore_mem>>) src(%dma_wait3A_40 : memref<80xi32, #tpu.memory_space<hbm>>) dst(%arg9 : memref<80xi32, #tpu.memory_space<vmem>>)
      tpu.yield
    }) : () -> ()
    %dma_start3A_18 = arith.constant 1 : i32
    %dma_start3A_19 = arith.constant 0 : i32
    %dma_start3A_20 = arith.constant 0 : i32
    %dma_start3A_21 = tpu.memref_slice %arg10[%dma_start3A_18, %dma_start3A_19, %dma_start3A_20] : memref<2x80x128xf32, #tpu.memory_space<vmem>> -> memref<1x80x128xf32, #tpu.memory_space<vmem>>
    %dma_start3A_22 = tpu.memref_squeeze %dma_start3A_21 : memref<1x80x128xf32, #tpu.memory_space<vmem>> -> memref<80x128xf32, #tpu.memory_space<vmem>>
    %dma_start3A_23 = arith.constant 80 : i32
    %dma_start3A_24 = tpu.memref_slice %arg7[%dma_start3A_23] : memref<20000xi32, #tpu.memory_space<vmem>> -> memref<80xi32, #tpu.memory_space<vmem>>
    %dma_start3A_25 = arith.constant 0 : i32
    %dma_start3A_26 = arith.constant 0 : i32
    %dma_start3A_27 = tpu.memref_slice %arg2[%dma_start3A_25, %dma_start3A_26] : memref<20480x128xf32, #tpu.memory_space<hbm>> -> memref<20480x128xf32, #tpu.memory_space<hbm>>
    tpu.enqueue_indirect_dma source(%dma_start3A_27 : memref<20480x128xf32, #tpu.memory_space<hbm>>) target(%dma_start3A_22 : memref<80x128xf32, #tpu.memory_space<vmem>>) offsets(%dma_start3A_24 : memref<80xi32, #tpu.memory_space<vmem>>) semaphore(%arg12 : memref<!tpu.dma_semaphore, #tpu.memory_space<semaphore_mem>>)
    %scan3A = arith.constant 0 : i32
    %scan3A_28 = arith.constant 0 : i32
    %scan3A_29 = arith.constant 125 : i32
    %scan3A_30 = arith.addi %scan3A_28, %scan3A_29 : i32
    %scan3A_31 = arith.constant 1 : i32
    %scan3A_32 = scf.for %scan3A_38 = %scan3A_28 to %scan3A_30 step %scan3A_31 iter_args(%scan3A_39 = %scan3A) -> (i32)  : i32 {
      %mul3A_40 = arith.constant 2 : i32
      %mul3A_41 = arith.muli %scan3A_38, %mul3A_40 : i32
      %add3A_42 = arith.constant 0 : i32
      %add3A_43 = arith.addi %mul3A_41, %add3A_42 : i32
      %mul3A_44 = arith.constant 80 : i32
      %mul3A_45 = arith.muli %add3A_43, %mul3A_44 : i32
      %dma_wait3A = arith.constant 0 : i32
      %dma_wait3A_46 = arith.constant 0 : i32
      %dma_wait3A_47 = arith.constant 0 : i32
      %dma_wait3A_48 = tpu.memref_slice %arg10[%dma_wait3A, %dma_wait3A_46, %dma_wait3A_47] : memref<2x80x128xf32, #tpu.memory_space<vmem>> -> memref<1x80x128xf32, #tpu.memory_space<vmem>>
      %dma_wait3A_49 = tpu.memref_squeeze %dma_wait3A_48 : memref<1x80x128xf32, #tpu.memory_space<vmem>> -> memref<80x128xf32, #tpu.memory_space<vmem>>
      %dma_wait3A_50 = tpu.memref_slice %arg7[%mul3A_45] : memref<20000xi32, #tpu.memory_space<vmem>> -> memref<80xi32, #tpu.memory_space<vmem>>
      %dma_wait3A_51 = arith.constant 0 : i32
      %dma_wait3A_52 = arith.constant 0 : i32
      %dma_wait3A_53 = tpu.memref_slice %arg2[%dma_wait3A_51, %dma_wait3A_52] : memref<20480x128xf32, #tpu.memory_space<hbm>> -> memref<20480x128xf32, #tpu.memory_space<hbm>>
      tpu.wait_indirect_dma semaphore(%arg11 : memref<!tpu.dma_semaphore, #tpu.memory_space<semaphore_mem>>) src(%dma_wait3A_53 : memref<20480x128xf32, #tpu.memory_space<hbm>>) dst(%dma_wait3A_49 : memref<80x128xf32, #tpu.memory_space<vmem>>)
      %run_scoped3A = arith.constant 0 : i32
      "tpu.region"() ({
        %run_scoped3A_82 = tpu.sem_alloc : memref<!tpu.dma_semaphore, #tpu.memory_space<semaphore_mem>>
        %dma_start3A_83 = arith.constant 0 : i32
        %dma_start3A_84 = arith.constant 0 : i32
        %dma_start3A_85 = tpu.memref_slice %arg10[%run_scoped3A, %dma_start3A_83, %dma_start3A_84] : memref<2x80x128xf32, #tpu.memory_space<vmem>> -> memref<1x80x128xf32, #tpu.memory_space<vmem>>
        %dma_start3A_86 = tpu.memref_squeeze %dma_start3A_85 : memref<1x80x128xf32, #tpu.memory_space<vmem>> -> memref<80x128xf32, #tpu.memory_space<vmem>>
        %dma_start3A_87 = arith.constant 0 : i32
        %dma_start3A_88 = arith.constant 0 : i32
        %dma_start3A_89 = tpu.memref_slice %arg13[%dma_start3A_87, %dma_start3A_88] : memref<10240x128xf32, #tpu.memory_space<vmem_shared>> -> memref<10240x128xf32, #tpu.memory_space<vmem_shared>>
        tpu.enqueue_indirect_dma source(%dma_start3A_86 : memref<80x128xf32, #tpu.memory_space<vmem>>) target(%dma_start3A_89 : memref<10240x128xf32, #tpu.memory_space<vmem_shared>>) offsets(%arg8 : memref<80xi32, #tpu.memory_space<vmem>>) semaphore(%run_scoped3A_82 : memref<!tpu.dma_semaphore, #tpu.memory_space<semaphore_mem>>) {add = true}
        %dma_wait3A_90 = arith.constant 0 : i32
        %dma_wait3A_91 = arith.constant 0 : i32
        %dma_wait3A_92 = tpu.memref_slice %arg10[%run_scoped3A, %dma_wait3A_90, %dma_wait3A_91] : memref<2x80x128xf32, #tpu.memory_space<vmem>> -> memref<1x80x128xf32, #tpu.memory_space<vmem>>
        %dma_wait3A_93 = tpu.memref_squeeze %dma_wait3A_92 : memref<1x80x128xf32, #tpu.memory_space<vmem>> -> memref<80x128xf32, #tpu.memory_space<vmem>>
        %dma_wait3A_94 = arith.constant 0 : i32
        %dma_wait3A_95 = arith.constant 0 : i32
        %dma_wait3A_96 = tpu.memref_slice %arg13[%dma_wait3A_94, %dma_wait3A_95] : memref<10240x128xf32, #tpu.memory_space<vmem_shared>> -> memref<10240x128xf32, #tpu.memory_space<vmem_shared>>
        tpu.wait_indirect_dma semaphore(%run_scoped3A_82 : memref<!tpu.dma_semaphore, #tpu.memory_space<semaphore_mem>>) src(%dma_wait3A_93 : memref<80x128xf32, #tpu.memory_space<vmem>>) dst(%dma_wait3A_96 : memref<10240x128xf32, #tpu.memory_space<vmem_shared>>)
        tpu.yield
      }) : () -> ()
      %add3A_54 = arith.constant 2 : i32
      %add3A_55 = arith.addi %add3A_43, %add3A_54 : i32
      %lt3A = arith.constant 250 : i32
      %lt3A_56 = arith.cmpi slt, %add3A_55, %lt3A : i32
      %convert_element_type3A = arith.extui %lt3A_56 : i1 to i32
      %cond3A = arith.constant 0 : i32
      %cond3A_57 = arith.cmpi ne, %convert_element_type3A, %cond3A : i32
      scf.if %cond3A_57 {
        %add3A_82 = arith.constant 2 : i32
        %add3A_83 = arith.addi %add3A_43, %add3A_82 : i32
        %mul3A_84 = arith.constant 80 : i32
        %mul3A_85 = arith.muli %add3A_83, %mul3A_84 : i32
        %add3A_86 = arith.addi %add3A, %mul3A_85 : i32
        "tpu.region"() ({
          %run_scoped3A_98 = tpu.sem_alloc : memref<!tpu.dma_semaphore, #tpu.memory_space<semaphore_mem>>
          %dma_start3A_99 = tpu.memref_slice %arg4[%add3A_86] : memref<640000xi32, #tpu.memory_space<hbm>> -> memref<80xi32, #tpu.memory_space<hbm>>
          %dma_start3A_100 = tpu.memref_slice %arg4[%add3A_86] : memref<640000xi32, #tpu.memory_space<hbm>> -> memref<80xi32, #tpu.memory_space<hbm>>
          tpu.enqueue_dma source(%dma_start3A_100 : memref<80xi32, #tpu.memory_space<hbm>>) target(%arg8 : memref<80xi32, #tpu.memory_space<vmem>>) target_semaphore(%run_scoped3A_98 : memref<!tpu.dma_semaphore, #tpu.memory_space<semaphore_mem>>)
          %dma_wait3A_101 = tpu.memref_slice %arg4[%add3A_86] : memref<640000xi32, #tpu.memory_space<hbm>> -> memref<80xi32, #tpu.memory_space<hbm>>
          %dma_wait3A_102 = tpu.memref_slice %arg4[%add3A_86] : memref<640000xi32, #tpu.memory_space<hbm>> -> memref<80xi32, #tpu.memory_space<hbm>>
          tpu.wait_dma2 semaphore(%run_scoped3A_98 : memref<!tpu.dma_semaphore, #tpu.memory_space<semaphore_mem>>) src(%dma_wait3A_102 : memref<80xi32, #tpu.memory_space<hbm>>) dst(%arg8 : memref<80xi32, #tpu.memory_space<vmem>>)
          tpu.yield
        }) : () -> ()
        %mul3A_87 = arith.constant 80 : i32
        %mul3A_88 = arith.muli %add3A_83, %mul3A_87 : i32
        %dma_start3A_89 = arith.constant 0 : i32
        %dma_start3A_90 = arith.constant 0 : i32
        %dma_start3A_91 = arith.constant 0 : i32
        %dma_start3A_92 = tpu.memref_slice %arg10[%dma_start3A_89, %dma_start3A_90, %dma_start3A_91] : memref<2x80x128xf32, #tpu.memory_space<vmem>> -> memref<1x80x128xf32, #tpu.memory_space<vmem>>
        %dma_start3A_93 = tpu.memref_squeeze %dma_start3A_92 : memref<1x80x128xf32, #tpu.memory_space<vmem>> -> memref<80x128xf32, #tpu.memory_space<vmem>>
        %dma_start3A_94 = tpu.memref_slice %arg7[%mul3A_88] : memref<20000xi32, #tpu.memory_space<vmem>> -> memref<80xi32, #tpu.memory_space<vmem>>
        %dma_start3A_95 = arith.constant 0 : i32
        %dma_start3A_96 = arith.constant 0 : i32
        %dma_start3A_97 = tpu.memref_slice %arg2[%dma_start3A_95, %dma_start3A_96] : memref<20480x128xf32, #tpu.memory_space<hbm>> -> memref<20480x128xf32, #tpu.memory_space<hbm>>
        tpu.enqueue_indirect_dma source(%dma_start3A_97 : memref<20480x128xf32, #tpu.memory_space<hbm>>) target(%dma_start3A_93 : memref<80x128xf32, #tpu.memory_space<vmem>>) offsets(%dma_start3A_94 : memref<80xi32, #tpu.memory_space<vmem>>) semaphore(%arg11 : memref<!tpu.dma_semaphore, #tpu.memory_space<semaphore_mem>>)
      } else {
      }
      %mul3A_58 = arith.constant 2 : i32
      %mul3A_59 = arith.muli %scan3A_38, %mul3A_58 : i32
      %add3A_60 = arith.constant 1 : i32
      %add3A_61 = arith.addi %mul3A_59, %add3A_60 : i32
      %mul3A_62 = arith.constant 80 : i32
      %mul3A_63 = arith.muli %add3A_61, %mul3A_62 : i32
      %dma_wait3A_64 = arith.constant 1 : i32
      %dma_wait3A_65 = arith.constant 0 : i32
      %dma_wait3A_66 = arith.constant 0 : i32
      %dma_wait3A_67 = tpu.memref_slice %arg10[%dma_wait3A_64, %dma_wait3A_65, %dma_wait3A_66] : memref<2x80x128xf32, #tpu.memory_space<vmem>> -> memref<1x80x128xf32, #tpu.memory_space<vmem>>
      %dma_wait3A_68 = tpu.memref_squeeze %dma_wait3A_67 : memref<1x80x128xf32, #tpu.memory_space<vmem>> -> memref<80x128xf32, #tpu.memory_space<vmem>>
      %dma_wait3A_69 = tpu.memref_slice %arg7[%mul3A_63] : memref<20000xi32, #tpu.memory_space<vmem>> -> memref<80xi32, #tpu.memory_space<vmem>>
      %dma_wait3A_70 = arith.constant 0 : i32
      %dma_wait3A_71 = arith.constant 0 : i32
      %dma_wait3A_72 = tpu.memref_slice %arg2[%dma_wait3A_70, %dma_wait3A_71] : memref<20480x128xf32, #tpu.memory_space<hbm>> -> memref<20480x128xf32, #tpu.memory_space<hbm>>
      tpu.wait_indirect_dma semaphore(%arg12 : memref<!tpu.dma_semaphore, #tpu.memory_space<semaphore_mem>>) src(%dma_wait3A_72 : memref<20480x128xf32, #tpu.memory_space<hbm>>) dst(%dma_wait3A_68 : memref<80x128xf32, #tpu.memory_space<vmem>>)
      %run_scoped3A_73 = arith.constant 1 : i32
      "tpu.region"() ({
        %run_scoped3A_82 = tpu.sem_alloc : memref<!tpu.dma_semaphore, #tpu.memory_space<semaphore_mem>>
        %dma_start3A_83 = arith.constant 0 : i32
        %dma_start3A_84 = arith.constant 0 : i32
        %dma_start3A_85 = tpu.memref_slice %arg10[%run_scoped3A_73, %dma_start3A_83, %dma_start3A_84] : memref<2x80x128xf32, #tpu.memory_space<vmem>> -> memref<1x80x128xf32, #tpu.memory_space<vmem>>
        %dma_start3A_86 = tpu.memref_squeeze %dma_start3A_85 : memref<1x80x128xf32, #tpu.memory_space<vmem>> -> memref<80x128xf32, #tpu.memory_space<vmem>>
        %dma_start3A_87 = arith.constant 0 : i32
        %dma_start3A_88 = arith.constant 0 : i32
        %dma_start3A_89 = tpu.memref_slice %arg13[%dma_start3A_87, %dma_start3A_88] : memref<10240x128xf32, #tpu.memory_space<vmem_shared>> -> memref<10240x128xf32, #tpu.memory_space<vmem_shared>>
        tpu.enqueue_indirect_dma source(%dma_start3A_86 : memref<80x128xf32, #tpu.memory_space<vmem>>) target(%dma_start3A_89 : memref<10240x128xf32, #tpu.memory_space<vmem_shared>>) offsets(%arg9 : memref<80xi32, #tpu.memory_space<vmem>>) semaphore(%run_scoped3A_82 : memref<!tpu.dma_semaphore, #tpu.memory_space<semaphore_mem>>) {add = true}
        %dma_wait3A_90 = arith.constant 0 : i32
        %dma_wait3A_91 = arith.constant 0 : i32
        %dma_wait3A_92 = tpu.memref_slice %arg10[%run_scoped3A_73, %dma_wait3A_90, %dma_wait3A_91] : memref<2x80x128xf32, #tpu.memory_space<vmem>> -> memref<1x80x128xf32, #tpu.memory_space<vmem>>
        %dma_wait3A_93 = tpu.memref_squeeze %dma_wait3A_92 : memref<1x80x128xf32, #tpu.memory_space<vmem>> -> memref<80x128xf32, #tpu.memory_space<vmem>>
        %dma_wait3A_94 = arith.constant 0 : i32
        %dma_wait3A_95 = arith.constant 0 : i32
        %dma_wait3A_96 = tpu.memref_slice %arg13[%dma_wait3A_94, %dma_wait3A_95] : memref<10240x128xf32, #tpu.memory_space<vmem_shared>> -> memref<10240x128xf32, #tpu.memory_space<vmem_shared>>
        tpu.wait_indirect_dma semaphore(%run_scoped3A_82 : memref<!tpu.dma_semaphore, #tpu.memory_space<semaphore_mem>>) src(%dma_wait3A_93 : memref<80x128xf32, #tpu.memory_space<vmem>>) dst(%dma_wait3A_96 : memref<10240x128xf32, #tpu.memory_space<vmem_shared>>)
        tpu.yield
      }) : () -> ()
      %add3A_74 = arith.constant 2 : i32
      %add3A_75 = arith.addi %add3A_61, %add3A_74 : i32
      %lt3A_76 = arith.constant 250 : i32
      %lt3A_77 = arith.cmpi slt, %add3A_75, %lt3A_76 : i32
      %convert_element_type3A_78 = arith.extui %lt3A_77 : i1 to i32
      %cond3A_79 = arith.constant 0 : i32
      %cond3A_80 = arith.cmpi ne, %convert_element_type3A_78, %cond3A_79 : i32
      scf.if %cond3A_80 {
        %add3A_82 = arith.constant 2 : i32
        %add3A_83 = arith.addi %add3A_61, %add3A_82 : i32
        %mul3A_84 = arith.constant 80 : i32
        %mul3A_85 = arith.muli %add3A_83, %mul3A_84 : i32
        %add3A_86 = arith.addi %add3A, %mul3A_85 : i32
        "tpu.region"() ({
          %run_scoped3A_98 = tpu.sem_alloc : memref<!tpu.dma_semaphore, #tpu.memory_space<semaphore_mem>>
          %dma_start3A_99 = tpu.memref_slice %arg4[%add3A_86] : memref<640000xi32, #tpu.memory_space<hbm>> -> memref<80xi32, #tpu.memory_space<hbm>>
          %dma_start3A_100 = tpu.memref_slice %arg4[%add3A_86] : memref<640000xi32, #tpu.memory_space<hbm>> -> memref<80xi32, #tpu.memory_space<hbm>>
          tpu.enqueue_dma source(%dma_start3A_100 : memref<80xi32, #tpu.memory_space<hbm>>) target(%arg9 : memref<80xi32, #tpu.memory_space<vmem>>) target_semaphore(%run_scoped3A_98 : memref<!tpu.dma_semaphore, #tpu.memory_space<semaphore_mem>>)
          %dma_wait3A_101 = tpu.memref_slice %arg4[%add3A_86] : memref<640000xi32, #tpu.memory_space<hbm>> -> memref<80xi32, #tpu.memory_space<hbm>>
          %dma_wait3A_102 = tpu.memref_slice %arg4[%add3A_86] : memref<640000xi32, #tpu.memory_space<hbm>> -> memref<80xi32, #tpu.memory_space<hbm>>
          tpu.wait_dma2 semaphore(%run_scoped3A_98 : memref<!tpu.dma_semaphore, #tpu.memory_space<semaphore_mem>>) src(%dma_wait3A_102 : memref<80xi32, #tpu.memory_space<hbm>>) dst(%arg9 : memref<80xi32, #tpu.memory_space<vmem>>)
          tpu.yield
        }) : () -> ()
        %mul3A_87 = arith.constant 80 : i32
        %mul3A_88 = arith.muli %add3A_83, %mul3A_87 : i32
        %dma_start3A_89 = arith.constant 1 : i32
        %dma_start3A_90 = arith.constant 0 : i32
        %dma_start3A_91 = arith.constant 0 : i32
        %dma_start3A_92 = tpu.memref_slice %arg10[%dma_start3A_89, %dma_start3A_90, %dma_start3A_91] : memref<2x80x128xf32, #tpu.memory_space<vmem>> -> memref<1x80x128xf32, #tpu.memory_space<vmem>>
        %dma_start3A_93 = tpu.memref_squeeze %dma_start3A_92 : memref<1x80x128xf32, #tpu.memory_space<vmem>> -> memref<80x128xf32, #tpu.memory_space<vmem>>
        %dma_start3A_94 = tpu.memref_slice %arg7[%mul3A_88] : memref<20000xi32, #tpu.memory_space<vmem>> -> memref<80xi32, #tpu.memory_space<vmem>>
        %dma_start3A_95 = arith.constant 0 : i32
        %dma_start3A_96 = arith.constant 0 : i32
        %dma_start3A_97 = tpu.memref_slice %arg2[%dma_start3A_95, %dma_start3A_96] : memref<20480x128xf32, #tpu.memory_space<hbm>> -> memref<20480x128xf32, #tpu.memory_space<hbm>>
        tpu.enqueue_indirect_dma source(%dma_start3A_97 : memref<20480x128xf32, #tpu.memory_space<hbm>>) target(%dma_start3A_93 : memref<80x128xf32, #tpu.memory_space<vmem>>) offsets(%dma_start3A_94 : memref<80xi32, #tpu.memory_space<vmem>>) semaphore(%arg12 : memref<!tpu.dma_semaphore, #tpu.memory_space<semaphore_mem>>)
      } else {
      }
      %scan3A_81 = arith.constant 0 : i32
      scf.yield %scan3A_81 : i32
    }
    %scan3A_33 = arith.constant 125 : i32
    %barrier3A_34 = arith.constant 0 : index
    tpu.barrier barrier_id(%barrier3A_34)
    %mul3A_35 = arith.constant 10240 : i32
    %mul3A_36 = arith.muli %arg0, %mul3A_35 : i32
    %add3A_37 = arith.addi %mul3A_36, %mul3A_0 : i32
    "tpu.region"() ({
      %run_scoped3A = tpu.sem_alloc : memref<!tpu.dma_semaphore, #tpu.memory_space<semaphore_mem>>
      %dma_start3A_38 = arith.constant 0 : i32
      %dma_start3A_39 = tpu.memref_slice %arg6[%add3A_37, %dma_start3A_38] : memref<20480x128xf32, #tpu.memory_space<hbm>> -> memref<640x128xf32, #tpu.memory_space<hbm>>
      %dma_start3A_40 = arith.constant 0 : i32
      %dma_start3A_41 = tpu.memref_slice %arg13[%mul3A_0, %dma_start3A_40] : memref<10240x128xf32, #tpu.memory_space<vmem_shared>> -> memref<640x128xf32, #tpu.memory_space<vmem_shared>>
      tpu.enqueue_dma source(%dma_start3A_41 : memref<640x128xf32, #tpu.memory_space<vmem_shared>>) target(%dma_start3A_39 : memref<640x128xf32, #tpu.memory_space<hbm>>) target_semaphore(%run_scoped3A : memref<!tpu.dma_semaphore, #tpu.memory_space<semaphore_mem>>)
      %dma_wait3A = arith.constant 0 : i32
      %dma_wait3A_42 = tpu.memref_slice %arg6[%add3A_37, %dma_wait3A] : memref<20480x128xf32, #tpu.memory_space<hbm>> -> memref<640x128xf32, #tpu.memory_space<hbm>>
      %dma_wait3A_43 = arith.constant 0 : i32
      %dma_wait3A_44 = tpu.memref_slice %arg13[%mul3A_0, %dma_wait3A_43] : memref<10240x128xf32, #tpu.memory_space<vmem_shared>> -> memref<640x128xf32, #tpu.memory_space<vmem_shared>>
      tpu.wait_dma2 semaphore(%run_scoped3A : memref<!tpu.dma_semaphore, #tpu.memory_space<semaphore_mem>>) src(%dma_wait3A_44 : memref<640x128xf32, #tpu.memory_space<vmem_shared>>) dst(%dma_wait3A_42 : memref<640x128xf32, #tpu.memory_space<hbm>>)
      tpu.yield
    }) : () -> ()
    return
  }
}

#map = affine_map<(d0, d1) -> (0)>
module attributes {stable_mosaic.version = 14 : i64} {
  func.func @_deg_body(%arg0: i32, %arg1: i32, %arg2: memref<1280000xi32, #tpu.memory_space<hbm>>, %arg3: memref<40960xf32, #tpu.memory_space<hbm>>, %arg4: memref<20000xi32, #tpu.memory_space<vmem>>, %arg5: memref<20000xi32, #tpu.memory_space<vmem>>, %arg6: memref<10240xf32, #tpu.memory_space<vmem>>, %arg7: memref<10240xf32, #tpu.memory_space<vmem>>, %arg8: memref<16x640xf32, #tpu.memory_space<vmem>>, %arg9: memref<640xf32, #tpu.memory_space<vmem>>, %arg10: memref<2x16x10240xf32, #tpu.memory_space<vmem_shared>>) attributes {dimension_semantics = [#tpu.dimension_semantics<core_parallel>, #tpu.dimension_semantics<subcore_parallel>], iteration_bounds = array<i64: 2, 16>, scalar_prefetch = 0 : i64, scratch_operands = 7 : i64, tpu.core_type = #tpu.core_type<sc_vector_subcore>, window_params = [{transform_indices = #map}, {transform_indices = #map}]} {
    %broadcast_in_dim3A = arith.constant 0.000000e+00 : f32
    %broadcast_in_dim3A_0 = vector.broadcast %broadcast_in_dim3A : f32 to vector<16xf32>
    %broadcast_in_dim3A_1 = arith.constant 1.000000e+00 : f32
    %broadcast_in_dim3A_2 = vector.broadcast %broadcast_in_dim3A_1 : f32 to vector<16xf32>
    %scan3A = arith.constant 0 : i32
    %scan3A_3 = arith.constant 0 : i32
    %scan3A_4 = arith.constant 640 : i32
    %scan3A_5 = arith.addi %scan3A_3, %scan3A_4 : i32
    %scan3A_6 = arith.constant 1 : i32
    %scan3A_7 = scf.for %scan3A_148 = %scan3A_3 to %scan3A_5 step %scan3A_6 iter_args(%scan3A_149 = %scan3A) -> (i32)  : i32 {
      %mul3A_150 = arith.constant 16 : i32
      %mul3A_151 = arith.muli %scan3A_148, %mul3A_150 : i32
      %swap3A = arith.index_cast %mul3A_151 : i32 to index
      %swap3A_152 = tpu.vector_load %arg6[%swap3A] {strides = array<i32>} : memref<10240xf32, #tpu.memory_space<vmem>>, vector<16xf32>,
      tpu.vector_store %arg6[%swap3A], %broadcast_in_dim3A_0 {strides = array<i32>} : memref<10240xf32, #tpu.memory_space<vmem>>, vector<16xf32>,
      %mul3A_153 = arith.constant 16 : i32
      %mul3A_154 = arith.muli %scan3A_148, %mul3A_153 : i32
      %swap3A_155 = arith.index_cast %mul3A_154 : i32 to index
      %swap3A_156 = tpu.vector_load %arg7[%swap3A_155] {strides = array<i32>} : memref<10240xf32, #tpu.memory_space<vmem>>, vector<16xf32>,
      tpu.vector_store %arg7[%swap3A_155], %broadcast_in_dim3A_0 {strides = array<i32>} : memref<10240xf32, #tpu.memory_space<vmem>>, vector<16xf32>,
      %scan3A_157 = arith.constant 0 : i32
      scf.yield %scan3A_157 : i32
    }
    %scan3A_8 = arith.constant 640 : i32
    %mul3A = arith.constant 640000 : i32
    %mul3A_9 = arith.muli %arg0, %mul3A : i32
    %mul3A_10 = arith.constant 20000 : i32
    %mul3A_11 = arith.muli %arg1, %mul3A_10 : i32
    %add3A = arith.addi %mul3A_9, %mul3A_11 : i32
    "tpu.region"() ({
      %run_scoped3A_148 = tpu.sem_alloc : memref<!tpu.dma_semaphore, #tpu.memory_space<semaphore_mem>>
      %dma_start3A = tpu.memref_slice %arg2[%add3A] : memref<1280000xi32, #tpu.memory_space<hbm>> -> memref<20000xi32, #tpu.memory_space<hbm>>
      %dma_start3A_149 = tpu.memref_slice %arg2[%add3A] : memref<1280000xi32, #tpu.memory_space<hbm>> -> memref<20000xi32, #tpu.memory_space<hbm>>
      tpu.enqueue_dma source(%dma_start3A_149 : memref<20000xi32, #tpu.memory_space<hbm>>) target(%arg4 : memref<20000xi32, #tpu.memory_space<vmem>>) target_semaphore(%run_scoped3A_148 : memref<!tpu.dma_semaphore, #tpu.memory_space<semaphore_mem>>)
      %dma_wait3A = tpu.memref_slice %arg2[%add3A] : memref<1280000xi32, #tpu.memory_space<hbm>> -> memref<20000xi32, #tpu.memory_space<hbm>>
      %dma_wait3A_150 = tpu.memref_slice %arg2[%add3A] : memref<1280000xi32, #tpu.memory_space<hbm>> -> memref<20000xi32, #tpu.memory_space<hbm>>
      tpu.wait_dma2 semaphore(%run_scoped3A_148 : memref<!tpu.dma_semaphore, #tpu.memory_space<semaphore_mem>>) src(%dma_wait3A_150 : memref<20000xi32, #tpu.memory_space<hbm>>) dst(%arg4 : memref<20000xi32, #tpu.memory_space<vmem>>)
      tpu.yield
    }) : () -> ()
    %add3A_12 = arith.constant 320000 : i32
    %add3A_13 = arith.addi %add3A, %add3A_12 : i32
    "tpu.region"() ({
      %run_scoped3A_148 = tpu.sem_alloc : memref<!tpu.dma_semaphore, #tpu.memory_space<semaphore_mem>>
      %dma_start3A = tpu.memref_slice %arg2[%add3A_13] : memref<1280000xi32, #tpu.memory_space<hbm>> -> memref<20000xi32, #tpu.memory_space<hbm>>
      %dma_start3A_149 = tpu.memref_slice %arg2[%add3A_13] : memref<1280000xi32, #tpu.memory_space<hbm>> -> memref<20000xi32, #tpu.memory_space<hbm>>
      tpu.enqueue_dma source(%dma_start3A_149 : memref<20000xi32, #tpu.memory_space<hbm>>) target(%arg5 : memref<20000xi32, #tpu.memory_space<vmem>>) target_semaphore(%run_scoped3A_148 : memref<!tpu.dma_semaphore, #tpu.memory_space<semaphore_mem>>)
      %dma_wait3A = tpu.memref_slice %arg2[%add3A_13] : memref<1280000xi32, #tpu.memory_space<hbm>> -> memref<20000xi32, #tpu.memory_space<hbm>>
      %dma_wait3A_150 = tpu.memref_slice %arg2[%add3A_13] : memref<1280000xi32, #tpu.memory_space<hbm>> -> memref<20000xi32, #tpu.memory_space<hbm>>
      tpu.wait_dma2 semaphore(%run_scoped3A_148 : memref<!tpu.dma_semaphore, #tpu.memory_space<semaphore_mem>>) src(%dma_wait3A_150 : memref<20000xi32, #tpu.memory_space<hbm>>) dst(%arg5 : memref<20000xi32, #tpu.memory_space<vmem>>)
      tpu.yield
    }) : () -> ()
    %scan3A_14 = arith.constant 0 : i32
    %scan3A_15 = arith.constant 0 : i32
    %scan3A_16 = arith.constant 1250 : i32
    %scan3A_17 = arith.addi %scan3A_15, %scan3A_16 : i32
    %scan3A_18 = arith.constant 1 : i32
    %scan3A_19 = scf.for %scan3A_148 = %scan3A_15 to %scan3A_17 step %scan3A_18 iter_args(%scan3A_149 = %scan3A_14) -> (i32)  : i32 {
      %mul3A_150 = arith.constant 16 : i32
      %mul3A_151 = arith.muli %scan3A_148, %mul3A_150 : i32
      %get3A = arith.index_cast %mul3A_151 : i32 to index
      %get3A_152 = tpu.vector_load %arg4[%get3A] {strides = array<i32>} : memref<20000xi32, #tpu.memory_space<vmem>>, vector<16xi32>,
      tpu.vector_store_idx %arg6[%get3A_152], %broadcast_in_dim3A_2 {add = true} : memref<10240xf32, #tpu.memory_space<vmem>>[vector<16xi32>], vector<16xf32>,
      %mul3A_153 = arith.constant 16 : i32
      %mul3A_154 = arith.muli %scan3A_148, %mul3A_153 : i32
      %get3A_155 = arith.index_cast %mul3A_154 : i32 to index
      %get3A_156 = tpu.vector_load %arg5[%get3A_155] {strides = array<i32>} : memref<20000xi32, #tpu.memory_space<vmem>>, vector<16xi32>,
      tpu.vector_store_idx %arg7[%get3A_156], %broadcast_in_dim3A_2 {add = true} : memref<10240xf32, #tpu.memory_space<vmem>>[vector<16xi32>], vector<16xf32>,
      %scan3A_157 = arith.constant 0 : i32
      scf.yield %scan3A_157 : i32
    }
    %scan3A_20 = arith.constant 1250 : i32
    %run_scoped3A = arith.constant 0 : i32
    "tpu.region"() ({
      %run_scoped3A_148 = tpu.sem_alloc : memref<!tpu.dma_semaphore, #tpu.memory_space<semaphore_mem>>
      %dma_start3A = arith.constant 0 : i32
      %dma_start3A_149 = tpu.memref_slice %arg10[%run_scoped3A, %arg1, %dma_start3A] : memref<2x16x10240xf32, #tpu.memory_space<vmem_shared>> -> memref<1x1x10240xf32, #tpu.memory_space<vmem_shared>>
      %dma_start3A_150 = tpu.memref_squeeze %dma_start3A_149 : memref<1x1x10240xf32, #tpu.memory_space<vmem_shared>> -> memref<10240xf32, #tpu.memory_space<vmem_shared>>
      %dma_start3A_151 = arith.constant 0 : i32
      %dma_start3A_152 = tpu.memref_slice %arg10[%run_scoped3A, %arg1, %dma_start3A_151] : memref<2x16x10240xf32, #tpu.memory_space<vmem_shared>> -> memref<1x1x10240xf32, #tpu.memory_space<vmem_shared>>
      %dma_start3A_153 = tpu.memref_squeeze %dma_start3A_152 : memref<1x1x10240xf32, #tpu.memory_space<vmem_shared>> -> memref<10240xf32, #tpu.memory_space<vmem_shared>>
      tpu.enqueue_dma source(%arg6 : memref<10240xf32, #tpu.memory_space<vmem>>) target(%dma_start3A_153 : memref<10240xf32, #tpu.memory_space<vmem_shared>>) target_semaphore(%run_scoped3A_148 : memref<!tpu.dma_semaphore, #tpu.memory_space<semaphore_mem>>)
      %dma_wait3A = arith.constant 0 : i32
      %dma_wait3A_154 = tpu.memref_slice %arg10[%run_scoped3A, %arg1, %dma_wait3A] : memref<2x16x10240xf32, #tpu.memory_space<vmem_shared>> -> memref<1x1x10240xf32, #tpu.memory_space<vmem_shared>>
      %dma_wait3A_155 = tpu.memref_squeeze %dma_wait3A_154 : memref<1x1x10240xf32, #tpu.memory_space<vmem_shared>> -> memref<10240xf32, #tpu.memory_space<vmem_shared>>
      %dma_wait3A_156 = arith.constant 0 : i32
      %dma_wait3A_157 = tpu.memref_slice %arg10[%run_scoped3A, %arg1, %dma_wait3A_156] : memref<2x16x10240xf32, #tpu.memory_space<vmem_shared>> -> memref<1x1x10240xf32, #tpu.memory_space<vmem_shared>>
      %dma_wait3A_158 = tpu.memref_squeeze %dma_wait3A_157 : memref<1x1x10240xf32, #tpu.memory_space<vmem_shared>> -> memref<10240xf32, #tpu.memory_space<vmem_shared>>
      tpu.wait_dma2 semaphore(%run_scoped3A_148 : memref<!tpu.dma_semaphore, #tpu.memory_space<semaphore_mem>>) src(%arg6 : memref<10240xf32, #tpu.memory_space<vmem>>) dst(%dma_wait3A_158 : memref<10240xf32, #tpu.memory_space<vmem_shared>>)
      tpu.yield
    }) : () -> ()
    %run_scoped3A_21 = arith.constant 1 : i32
    "tpu.region"() ({
      %run_scoped3A_148 = tpu.sem_alloc : memref<!tpu.dma_semaphore, #tpu.memory_space<semaphore_mem>>
      %dma_start3A = arith.constant 0 : i32
      %dma_start3A_149 = tpu.memref_slice %arg10[%run_scoped3A_21, %arg1, %dma_start3A] : memref<2x16x10240xf32, #tpu.memory_space<vmem_shared>> -> memref<1x1x10240xf32, #tpu.memory_space<vmem_shared>>
      %dma_start3A_150 = tpu.memref_squeeze %dma_start3A_149 : memref<1x1x10240xf32, #tpu.memory_space<vmem_shared>> -> memref<10240xf32, #tpu.memory_space<vmem_shared>>
      %dma_start3A_151 = arith.constant 0 : i32
      %dma_start3A_152 = tpu.memref_slice %arg10[%run_scoped3A_21, %arg1, %dma_start3A_151] : memref<2x16x10240xf32, #tpu.memory_space<vmem_shared>> -> memref<1x1x10240xf32, #tpu.memory_space<vmem_shared>>
      %dma_start3A_153 = tpu.memref_squeeze %dma_start3A_152 : memref<1x1x10240xf32, #tpu.memory_space<vmem_shared>> -> memref<10240xf32, #tpu.memory_space<vmem_shared>>
      tpu.enqueue_dma source(%arg7 : memref<10240xf32, #tpu.memory_space<vmem>>) target(%dma_start3A_153 : memref<10240xf32, #tpu.memory_space<vmem_shared>>) target_semaphore(%run_scoped3A_148 : memref<!tpu.dma_semaphore, #tpu.memory_space<semaphore_mem>>)
      %dma_wait3A = arith.constant 0 : i32
      %dma_wait3A_154 = tpu.memref_slice %arg10[%run_scoped3A_21, %arg1, %dma_wait3A] : memref<2x16x10240xf32, #tpu.memory_space<vmem_shared>> -> memref<1x1x10240xf32, #tpu.memory_space<vmem_shared>>
      %dma_wait3A_155 = tpu.memref_squeeze %dma_wait3A_154 : memref<1x1x10240xf32, #tpu.memory_space<vmem_shared>> -> memref<10240xf32, #tpu.memory_space<vmem_shared>>
      %dma_wait3A_156 = arith.constant 0 : i32
      %dma_wait3A_157 = tpu.memref_slice %arg10[%run_scoped3A_21, %arg1, %dma_wait3A_156] : memref<2x16x10240xf32, #tpu.memory_space<vmem_shared>> -> memref<1x1x10240xf32, #tpu.memory_space<vmem_shared>>
      %dma_wait3A_158 = tpu.memref_squeeze %dma_wait3A_157 : memref<1x1x10240xf32, #tpu.memory_space<vmem_shared>> -> memref<10240xf32, #tpu.memory_space<vmem_shared>>
      tpu.wait_dma2 semaphore(%run_scoped3A_148 : memref<!tpu.dma_semaphore, #tpu.memory_space<semaphore_mem>>) src(%arg7 : memref<10240xf32, #tpu.memory_space<vmem>>) dst(%dma_wait3A_158 : memref<10240xf32, #tpu.memory_space<vmem_shared>>)
      tpu.yield
    }) : () -> ()
    %barrier3A = arith.constant 0 : index
    tpu.barrier barrier_id(%barrier3A)
    %mul3A_22 = arith.constant 640 : i32
    %mul3A_23 = arith.muli %arg1, %mul3A_22 : i32
    %run_scoped3A_24 = arith.constant 0 : i32
    %run_scoped3A_25 = arith.constant 0 : i32
    %run_scoped3A_26 = arith.constant 0 : i32
    "tpu.region"() ({
      %run_scoped3A_148 = tpu.sem_alloc : memref<!tpu.dma_semaphore, #tpu.memory_space<semaphore_mem>>
      %dma_start3A = arith.constant 0 : i32
      %dma_start3A_149 = tpu.memref_slice %arg8[%run_scoped3A_26, %dma_start3A] : memref<16x640xf32, #tpu.memory_space<vmem>> -> memref<1x640xf32, #tpu.memory_space<vmem>>
      %dma_start3A_150 = tpu.memref_squeeze %dma_start3A_149 : memref<1x640xf32, #tpu.memory_space<vmem>> -> memref<640xf32, #tpu.memory_space<vmem>>
      %dma_start3A_151 = tpu.memref_slice %arg10[%run_scoped3A_24, %run_scoped3A_25, %mul3A_23] : memref<2x16x10240xf32, #tpu.memory_space<vmem_shared>> -> memref<1x1x640xf32, #tpu.memory_space<vmem_shared>>
      %dma_start3A_152 = tpu.memref_squeeze %dma_start3A_151 : memref<1x1x640xf32, #tpu.memory_space<vmem_shared>> -> memref<640xf32, #tpu.memory_space<vmem_shared>>
      %dma_start3A_153 = arith.constant 0 : i32
      %dma_start3A_154 = tpu.memref_slice %arg8[%run_scoped3A_26, %dma_start3A_153] : memref<16x640xf32, #tpu.memory_space<vmem>> -> memref<1x640xf32, #tpu.memory_space<vmem>>
      %dma_start3A_155 = tpu.memref_squeeze %dma_start3A_154 : memref<1x640xf32, #tpu.memory_space<vmem>> -> memref<640xf32, #tpu.memory_space<vmem>>
      %dma_start3A_156 = tpu.memref_slice %arg10[%run_scoped3A_24, %run_scoped3A_25, %mul3A_23] : memref<2x16x10240xf32, #tpu.memory_space<vmem_shared>> -> memref<1x1x640xf32, #tpu.memory_space<vmem_shared>>
      %dma_start3A_157 = tpu.memref_squeeze %dma_start3A_156 : memref<1x1x640xf32, #tpu.memory_space<vmem_shared>> -> memref<640xf32, #tpu.memory_space<vmem_shared>>
      tpu.enqueue_dma source(%dma_start3A_157 : memref<640xf32, #tpu.memory_space<vmem_shared>>) target(%dma_start3A_155 : memref<640xf32, #tpu.memory_space<vmem>>) target_semaphore(%run_scoped3A_148 : memref<!tpu.dma_semaphore, #tpu.memory_space<semaphore_mem>>)
      %dma_wait3A = arith.constant 0 : i32
      %dma_wait3A_158 = tpu.memref_slice %arg8[%run_scoped3A_26, %dma_wait3A] : memref<16x640xf32, #tpu.memory_space<vmem>> -> memref<1x640xf32, #tpu.memory_space<vmem>>
      %dma_wait3A_159 = tpu.memref_squeeze %dma_wait3A_158 : memref<1x640xf32, #tpu.memory_space<vmem>> -> memref<640xf32, #tpu.memory_space<vmem>>
      %dma_wait3A_160 = tpu.memref_slice %arg10[%run_scoped3A_24, %run_scoped3A_25, %mul3A_23] : memref<2x16x10240xf32, #tpu.memory_space<vmem_shared>> -> memref<1x1x640xf32, #tpu.memory_space<vmem_shared>>
      %dma_wait3A_161 = tpu.memref_squeeze %dma_wait3A_160 : memref<1x1x640xf32, #tpu.memory_space<vmem_shared>> -> memref<640xf32, #tpu.memory_space<vmem_shared>>
      %dma_wait3A_162 = arith.constant 0 : i32
      %dma_wait3A_163 = tpu.memref_slice %arg8[%run_scoped3A_26, %dma_wait3A_162] : memref<16x640xf32, #tpu.memory_space<vmem>> -> memref<1x640xf32, #tpu.memory_space<vmem>>
      %dma_wait3A_164 = tpu.memref_squeeze %dma_wait3A_163 : memref<1x640xf32, #tpu.memory_space<vmem>> -> memref<640xf32, #tpu.memory_space<vmem>>
      %dma_wait3A_165 = tpu.memref_slice %arg10[%run_scoped3A_24, %run_scoped3A_25, %mul3A_23] : memref<2x16x10240xf32, #tpu.memory_space<vmem_shared>> -> memref<1x1x640xf32, #tpu.memory_space<vmem_shared>>
      %dma_wait3A_166 = tpu.memref_squeeze %dma_wait3A_165 : memref<1x1x640xf32, #tpu.memory_space<vmem_shared>> -> memref<640xf32, #tpu.memory_space<vmem_shared>>
      tpu.wait_dma2 semaphore(%run_scoped3A_148 : memref<!tpu.dma_semaphore, #tpu.memory_space<semaphore_mem>>) src(%dma_wait3A_166 : memref<640xf32, #tpu.memory_space<vmem_shared>>) dst(%dma_wait3A_164 : memref<640xf32, #tpu.memory_space<vmem>>)
      tpu.yield
    }) : () -> ()
    %run_scoped3A_27 = arith.constant 0 : i32
    %run_scoped3A_28 = arith.constant 1 : i32
    %run_scoped3A_29 = arith.constant 1 : i32
    "tpu.region"() ({
      %run_scoped3A_148 = tpu.sem_alloc : memref<!tpu.dma_semaphore, #tpu.memory_space<semaphore_mem>>
      %dma_start3A = arith.constant 0 : i32
      %dma_start3A_149 = tpu.memref_slice %arg8[%run_scoped3A_29, %dma_start3A] : memref<16x640xf32, #tpu.memory_space<vmem>> -> memref<1x640xf32, #tpu.memory_space<vmem>>
      %dma_start3A_150 = tpu.memref_squeeze %dma_start3A_149 : memref<1x640xf32, #tpu.memory_space<vmem>> -> memref<640xf32, #tpu.memory_space<vmem>>
      %dma_start3A_151 = tpu.memref_slice %arg10[%run_scoped3A_27, %run_scoped3A_28, %mul3A_23] : memref<2x16x10240xf32, #tpu.memory_space<vmem_shared>> -> memref<1x1x640xf32, #tpu.memory_space<vmem_shared>>
      %dma_start3A_152 = tpu.memref_squeeze %dma_start3A_151 : memref<1x1x640xf32, #tpu.memory_space<vmem_shared>> -> memref<640xf32, #tpu.memory_space<vmem_shared>>
      %dma_start3A_153 = arith.constant 0 : i32
      %dma_start3A_154 = tpu.memref_slice %arg8[%run_scoped3A_29, %dma_start3A_153] : memref<16x640xf32, #tpu.memory_space<vmem>> -> memref<1x640xf32, #tpu.memory_space<vmem>>
      %dma_start3A_155 = tpu.memref_squeeze %dma_start3A_154 : memref<1x640xf32, #tpu.memory_space<vmem>> -> memref<640xf32, #tpu.memory_space<vmem>>
      %dma_start3A_156 = tpu.memref_slice %arg10[%run_scoped3A_27, %run_scoped3A_28, %mul3A_23] : memref<2x16x10240xf32, #tpu.memory_space<vmem_shared>> -> memref<1x1x640xf32, #tpu.memory_space<vmem_shared>>
      %dma_start3A_157 = tpu.memref_squeeze %dma_start3A_156 : memref<1x1x640xf32, #tpu.memory_space<vmem_shared>> -> memref<640xf32, #tpu.memory_space<vmem_shared>>
      tpu.enqueue_dma source(%dma_start3A_157 : memref<640xf32, #tpu.memory_space<vmem_shared>>) target(%dma_start3A_155 : memref<640xf32, #tpu.memory_space<vmem>>) target_semaphore(%run_scoped3A_148 : memref<!tpu.dma_semaphore, #tpu.memory_space<semaphore_mem>>)
      %dma_wait3A = arith.constant 0 : i32
      %dma_wait3A_158 = tpu.memref_slice %arg8[%run_scoped3A_29, %dma_wait3A] : memref<16x640xf32, #tpu.memory_space<vmem>> -> memref<1x640xf32, #tpu.memory_space<vmem>>
      %dma_wait3A_159 = tpu.memref_squeeze %dma_wait3A_158 : memref<1x640xf32, #tpu.memory_space<vmem>> -> memref<640xf32, #tpu.memory_space<vmem>>
      %dma_wait3A_160 = tpu.memref_slice %arg10[%run_scoped3A_27, %run_scoped3A_28, %mul3A_23] : memref<2x16x10240xf32, #tpu.memory_space<vmem_shared>> -> memref<1x1x640xf32, #tpu.memory_space<vmem_shared>>
      %dma_wait3A_161 = tpu.memref_squeeze %dma_wait3A_160 : memref<1x1x640xf32, #tpu.memory_space<vmem_shared>> -> memref<640xf32, #tpu.memory_space<vmem_shared>>
      %dma_wait3A_162 = arith.constant 0 : i32
      %dma_wait3A_163 = tpu.memref_slice %arg8[%run_scoped3A_29, %dma_wait3A_162] : memref<16x640xf32, #tpu.memory_space<vmem>> -> memref<1x640xf32, #tpu.memory_space<vmem>>
      %dma_wait3A_164 = tpu.memref_squeeze %dma_wait3A_163 : memref<1x640xf32, #tpu.memory_space<vmem>> -> memref<640xf32, #tpu.memory_space<vmem>>
      %dma_wait3A_165 = tpu.memref_slice %arg10[%run_scoped3A_27, %run_scoped3A_28, %mul3A_23] : memref<2x16x10240xf32, #tpu.memory_space<vmem_shared>> -> memref<1x1x640xf32, #tpu.memory_space<vmem_shared>>
      %dma_wait3A_166 = tpu.memref_squeeze %dma_wait3A_165 : memref<1x1x640xf32, #tpu.memory_space<vmem_shared>> -> memref<640xf32, #tpu.memory_space<vmem_shared>>
      tpu.wait_dma2 semaphore(%run_scoped3A_148 : memref<!tpu.dma_semaphore, #tpu.memory_space<semaphore_mem>>) src(%dma_wait3A_166 : memref<640xf32, #tpu.memory_space<vmem_shared>>) dst(%dma_wait3A_164 : memref<640xf32, #tpu.memory_space<vmem>>)
      tpu.yield
    }) : () -> ()
    %run_scoped3A_30 = arith.constant 0 : i32
    %run_scoped3A_31 = arith.constant 2 : i32
    %run_scoped3A_32 = arith.constant 2 : i32
    "tpu.region"() ({
      %run_scoped3A_148 = tpu.sem_alloc : memref<!tpu.dma_semaphore, #tpu.memory_space<semaphore_mem>>
      %dma_start3A = arith.constant 0 : i32
      %dma_start3A_149 = tpu.memref_slice %arg8[%run_scoped3A_32, %dma_start3A] : memref<16x640xf32, #tpu.memory_space<vmem>> -> memref<1x640xf32, #tpu.memory_space<vmem>>
      %dma_start3A_150 = tpu.memref_squeeze %dma_start3A_149 : memref<1x640xf32, #tpu.memory_space<vmem>> -> memref<640xf32, #tpu.memory_space<vmem>>
      %dma_start3A_151 = tpu.memref_slice %arg10[%run_scoped3A_30, %run_scoped3A_31, %mul3A_23] : memref<2x16x10240xf32, #tpu.memory_space<vmem_shared>> -> memref<1x1x640xf32, #tpu.memory_space<vmem_shared>>
      %dma_start3A_152 = tpu.memref_squeeze %dma_start3A_151 : memref<1x1x640xf32, #tpu.memory_space<vmem_shared>> -> memref<640xf32, #tpu.memory_space<vmem_shared>>
      %dma_start3A_153 = arith.constant 0 : i32
      %dma_start3A_154 = tpu.memref_slice %arg8[%run_scoped3A_32, %dma_start3A_153] : memref<16x640xf32, #tpu.memory_space<vmem>> -> memref<1x640xf32, #tpu.memory_space<vmem>>
      %dma_start3A_155 = tpu.memref_squeeze %dma_start3A_154 : memref<1x640xf32, #tpu.memory_space<vmem>> -> memref<640xf32, #tpu.memory_space<vmem>>
      %dma_start3A_156 = tpu.memref_slice %arg10[%run_scoped3A_30, %run_scoped3A_31, %mul3A_23] : memref<2x16x10240xf32, #tpu.memory_space<vmem_shared>> -> memref<1x1x640xf32, #tpu.memory_space<vmem_shared>>
      %dma_start3A_157 = tpu.memref_squeeze %dma_start3A_156 : memref<1x1x640xf32, #tpu.memory_space<vmem_shared>> -> memref<640xf32, #tpu.memory_space<vmem_shared>>
      tpu.enqueue_dma source(%dma_start3A_157 : memref<640xf32, #tpu.memory_space<vmem_shared>>) target(%dma_start3A_155 : memref<640xf32, #tpu.memory_space<vmem>>) target_semaphore(%run_scoped3A_148 : memref<!tpu.dma_semaphore, #tpu.memory_space<semaphore_mem>>)
      %dma_wait3A = arith.constant 0 : i32
      %dma_wait3A_158 = tpu.memref_slice %arg8[%run_scoped3A_32, %dma_wait3A] : memref<16x640xf32, #tpu.memory_space<vmem>> -> memref<1x640xf32, #tpu.memory_space<vmem>>
      %dma_wait3A_159 = tpu.memref_squeeze %dma_wait3A_158 : memref<1x640xf32, #tpu.memory_space<vmem>> -> memref<640xf32, #tpu.memory_space<vmem>>
      %dma_wait3A_160 = tpu.memref_slice %arg10[%run_scoped3A_30, %run_scoped3A_31, %mul3A_23] : memref<2x16x10240xf32, #tpu.memory_space<vmem_shared>> -> memref<1x1x640xf32, #tpu.memory_space<vmem_shared>>
      %dma_wait3A_161 = tpu.memref_squeeze %dma_wait3A_160 : memref<1x1x640xf32, #tpu.memory_space<vmem_shared>> -> memref<640xf32, #tpu.memory_space<vmem_shared>>
      %dma_wait3A_162 = arith.constant 0 : i32
      %dma_wait3A_163 = tpu.memref_slice %arg8[%run_scoped3A_32, %dma_wait3A_162] : memref<16x640xf32, #tpu.memory_space<vmem>> -> memref<1x640xf32, #tpu.memory_space<vmem>>
      %dma_wait3A_164 = tpu.memref_squeeze %dma_wait3A_163 : memref<1x640xf32, #tpu.memory_space<vmem>> -> memref<640xf32, #tpu.memory_space<vmem>>
      %dma_wait3A_165 = tpu.memref_slice %arg10[%run_scoped3A_30, %run_scoped3A_31, %mul3A_23] : memref<2x16x10240xf32, #tpu.memory_space<vmem_shared>> -> memref<1x1x640xf32, #tpu.memory_space<vmem_shared>>
      %dma_wait3A_166 = tpu.memref_squeeze %dma_wait3A_165 : memref<1x1x640xf32, #tpu.memory_space<vmem_shared>> -> memref<640xf32, #tpu.memory_space<vmem_shared>>
      tpu.wait_dma2 semaphore(%run_scoped3A_148 : memref<!tpu.dma_semaphore, #tpu.memory_space<semaphore_mem>>) src(%dma_wait3A_166 : memref<640xf32, #tpu.memory_space<vmem_shared>>) dst(%dma_wait3A_164 : memref<640xf32, #tpu.memory_space<vmem>>)
      tpu.yield
    }) : () -> ()
    %run_scoped3A_33 = arith.constant 0 : i32
    %run_scoped3A_34 = arith.constant 3 : i32
    %run_scoped3A_35 = arith.constant 3 : i32
    "tpu.region"() ({
      %run_scoped3A_148 = tpu.sem_alloc : memref<!tpu.dma_semaphore, #tpu.memory_space<semaphore_mem>>
      %dma_start3A = arith.constant 0 : i32
      %dma_start3A_149 = tpu.memref_slice %arg8[%run_scoped3A_35, %dma_start3A] : memref<16x640xf32, #tpu.memory_space<vmem>> -> memref<1x640xf32, #tpu.memory_space<vmem>>
      %dma_start3A_150 = tpu.memref_squeeze %dma_start3A_149 : memref<1x640xf32, #tpu.memory_space<vmem>> -> memref<640xf32, #tpu.memory_space<vmem>>
      %dma_start3A_151 = tpu.memref_slice %arg10[%run_scoped3A_33, %run_scoped3A_34, %mul3A_23] : memref<2x16x10240xf32, #tpu.memory_space<vmem_shared>> -> memref<1x1x640xf32, #tpu.memory_space<vmem_shared>>
      %dma_start3A_152 = tpu.memref_squeeze %dma_start3A_151 : memref<1x1x640xf32, #tpu.memory_space<vmem_shared>> -> memref<640xf32, #tpu.memory_space<vmem_shared>>
      %dma_start3A_153 = arith.constant 0 : i32
      %dma_start3A_154 = tpu.memref_slice %arg8[%run_scoped3A_35, %dma_start3A_153] : memref<16x640xf32, #tpu.memory_space<vmem>> -> memref<1x640xf32, #tpu.memory_space<vmem>>
      %dma_start3A_155 = tpu.memref_squeeze %dma_start3A_154 : memref<1x640xf32, #tpu.memory_space<vmem>> -> memref<640xf32, #tpu.memory_space<vmem>>
      %dma_start3A_156 = tpu.memref_slice %arg10[%run_scoped3A_33, %run_scoped3A_34, %mul3A_23] : memref<2x16x10240xf32, #tpu.memory_space<vmem_shared>> -> memref<1x1x640xf32, #tpu.memory_space<vmem_shared>>
      %dma_start3A_157 = tpu.memref_squeeze %dma_start3A_156 : memref<1x1x640xf32, #tpu.memory_space<vmem_shared>> -> memref<640xf32, #tpu.memory_space<vmem_shared>>
      tpu.enqueue_dma source(%dma_start3A_157 : memref<640xf32, #tpu.memory_space<vmem_shared>>) target(%dma_start3A_155 : memref<640xf32, #tpu.memory_space<vmem>>) target_semaphore(%run_scoped3A_148 : memref<!tpu.dma_semaphore, #tpu.memory_space<semaphore_mem>>)
      %dma_wait3A = arith.constant 0 : i32
      %dma_wait3A_158 = tpu.memref_slice %arg8[%run_scoped3A_35, %dma_wait3A] : memref<16x640xf32, #tpu.memory_space<vmem>> -> memref<1x640xf32, #tpu.memory_space<vmem>>
      %dma_wait3A_159 = tpu.memref_squeeze %dma_wait3A_158 : memref<1x640xf32, #tpu.memory_space<vmem>> -> memref<640xf32, #tpu.memory_space<vmem>>
      %dma_wait3A_160 = tpu.memref_slice %arg10[%run_scoped3A_33, %run_scoped3A_34, %mul3A_23] : memref<2x16x10240xf32, #tpu.memory_space<vmem_shared>> -> memref<1x1x640xf32, #tpu.memory_space<vmem_shared>>
      %dma_wait3A_161 = tpu.memref_squeeze %dma_wait3A_160 : memref<1x1x640xf32, #tpu.memory_space<vmem_shared>> -> memref<640xf32, #tpu.memory_space<vmem_shared>>
      %dma_wait3A_162 = arith.constant 0 : i32
      %dma_wait3A_163 = tpu.memref_slice %arg8[%run_scoped3A_35, %dma_wait3A_162] : memref<16x640xf32, #tpu.memory_space<vmem>> -> memref<1x640xf32, #tpu.memory_space<vmem>>
      %dma_wait3A_164 = tpu.memref_squeeze %dma_wait3A_163 : memref<1x640xf32, #tpu.memory_space<vmem>> -> memref<640xf32, #tpu.memory_space<vmem>>
      %dma_wait3A_165 = tpu.memref_slice %arg10[%run_scoped3A_33, %run_scoped3A_34, %mul3A_23] : memref<2x16x10240xf32, #tpu.memory_space<vmem_shared>> -> memref<1x1x640xf32, #tpu.memory_space<vmem_shared>>
      %dma_wait3A_166 = tpu.memref_squeeze %dma_wait3A_165 : memref<1x1x640xf32, #tpu.memory_space<vmem_shared>> -> memref<640xf32, #tpu.memory_space<vmem_shared>>
      tpu.wait_dma2 semaphore(%run_scoped3A_148 : memref<!tpu.dma_semaphore, #tpu.memory_space<semaphore_mem>>) src(%dma_wait3A_166 : memref<640xf32, #tpu.memory_space<vmem_shared>>) dst(%dma_wait3A_164 : memref<640xf32, #tpu.memory_space<vmem>>)
      tpu.yield
    }) : () -> ()
    %run_scoped3A_36 = arith.constant 0 : i32
    %run_scoped3A_37 = arith.constant 4 : i32
    %run_scoped3A_38 = arith.constant 4 : i32
    "tpu.region"() ({
      %run_scoped3A_148 = tpu.sem_alloc : memref<!tpu.dma_semaphore, #tpu.memory_space<semaphore_mem>>
      %dma_start3A = arith.constant 0 : i32
      %dma_start3A_149 = tpu.memref_slice %arg8[%run_scoped3A_38, %dma_start3A] : memref<16x640xf32, #tpu.memory_space<vmem>> -> memref<1x640xf32, #tpu.memory_space<vmem>>
      %dma_start3A_150 = tpu.memref_squeeze %dma_start3A_149 : memref<1x640xf32, #tpu.memory_space<vmem>> -> memref<640xf32, #tpu.memory_space<vmem>>
      %dma_start3A_151 = tpu.memref_slice %arg10[%run_scoped3A_36, %run_scoped3A_37, %mul3A_23] : memref<2x16x10240xf32, #tpu.memory_space<vmem_shared>> -> memref<1x1x640xf32, #tpu.memory_space<vmem_shared>>
      %dma_start3A_152 = tpu.memref_squeeze %dma_start3A_151 : memref<1x1x640xf32, #tpu.memory_space<vmem_shared>> -> memref<640xf32, #tpu.memory_space<vmem_shared>>
      %dma_start3A_153 = arith.constant 0 : i32
      %dma_start3A_154 = tpu.memref_slice %arg8[%run_scoped3A_38, %dma_start3A_153] : memref<16x640xf32, #tpu.memory_space<vmem>> -> memref<1x640xf32, #tpu.memory_space<vmem>>
      %dma_start3A_155 = tpu.memref_squeeze %dma_start3A_154 : memref<1x640xf32, #tpu.memory_space<vmem>> -> memref<640xf32, #tpu.memory_space<vmem>>
      %dma_start3A_156 = tpu.memref_slice %arg10[%run_scoped3A_36, %run_scoped3A_37, %mul3A_23] : memref<2x16x10240xf32, #tpu.memory_space<vmem_shared>> -> memref<1x1x640xf32, #tpu.memory_space<vmem_shared>>
      %dma_start3A_157 = tpu.memref_squeeze %dma_start3A_156 : memref<1x1x640xf32, #tpu.memory_space<vmem_shared>> -> memref<640xf32, #tpu.memory_space<vmem_shared>>
      tpu.enqueue_dma source(%dma_start3A_157 : memref<640xf32, #tpu.memory_space<vmem_shared>>) target(%dma_start3A_155 : memref<640xf32, #tpu.memory_space<vmem>>) target_semaphore(%run_scoped3A_148 : memref<!tpu.dma_semaphore, #tpu.memory_space<semaphore_mem>>)
      %dma_wait3A = arith.constant 0 : i32
      %dma_wait3A_158 = tpu.memref_slice %arg8[%run_scoped3A_38, %dma_wait3A] : memref<16x640xf32, #tpu.memory_space<vmem>> -> memref<1x640xf32, #tpu.memory_space<vmem>>
      %dma_wait3A_159 = tpu.memref_squeeze %dma_wait3A_158 : memref<1x640xf32, #tpu.memory_space<vmem>> -> memref<640xf32, #tpu.memory_space<vmem>>
      %dma_wait3A_160 = tpu.memref_slice %arg10[%run_scoped3A_36, %run_scoped3A_37, %mul3A_23] : memref<2x16x10240xf32, #tpu.memory_space<vmem_shared>> -> memref<1x1x640xf32, #tpu.memory_space<vmem_shared>>
      %dma_wait3A_161 = tpu.memref_squeeze %dma_wait3A_160 : memref<1x1x640xf32, #tpu.memory_space<vmem_shared>> -> memref<640xf32, #tpu.memory_space<vmem_shared>>
      %dma_wait3A_162 = arith.constant 0 : i32
      %dma_wait3A_163 = tpu.memref_slice %arg8[%run_scoped3A_38, %dma_wait3A_162] : memref<16x640xf32, #tpu.memory_space<vmem>> -> memref<1x640xf32, #tpu.memory_space<vmem>>
      %dma_wait3A_164 = tpu.memref_squeeze %dma_wait3A_163 : memref<1x640xf32, #tpu.memory_space<vmem>> -> memref<640xf32, #tpu.memory_space<vmem>>
      %dma_wait3A_165 = tpu.memref_slice %arg10[%run_scoped3A_36, %run_scoped3A_37, %mul3A_23] : memref<2x16x10240xf32, #tpu.memory_space<vmem_shared>> -> memref<1x1x640xf32, #tpu.memory_space<vmem_shared>>
      %dma_wait3A_166 = tpu.memref_squeeze %dma_wait3A_165 : memref<1x1x640xf32, #tpu.memory_space<vmem_shared>> -> memref<640xf32, #tpu.memory_space<vmem_shared>>
      tpu.wait_dma2 semaphore(%run_scoped3A_148 : memref<!tpu.dma_semaphore, #tpu.memory_space<semaphore_mem>>) src(%dma_wait3A_166 : memref<640xf32, #tpu.memory_space<vmem_shared>>) dst(%dma_wait3A_164 : memref<640xf32, #tpu.memory_space<vmem>>)
      tpu.yield
    }) : () -> ()
    %run_scoped3A_39 = arith.constant 0 : i32
    %run_scoped3A_40 = arith.constant 5 : i32
    %run_scoped3A_41 = arith.constant 5 : i32
    "tpu.region"() ({
      %run_scoped3A_148 = tpu.sem_alloc : memref<!tpu.dma_semaphore, #tpu.memory_space<semaphore_mem>>
      %dma_start3A = arith.constant 0 : i32
      %dma_start3A_149 = tpu.memref_slice %arg8[%run_scoped3A_41, %dma_start3A] : memref<16x640xf32, #tpu.memory_space<vmem>> -> memref<1x640xf32, #tpu.memory_space<vmem>>
      %dma_start3A_150 = tpu.memref_squeeze %dma_start3A_149 : memref<1x640xf32, #tpu.memory_space<vmem>> -> memref<640xf32, #tpu.memory_space<vmem>>
      %dma_start3A_151 = tpu.memref_slice %arg10[%run_scoped3A_39, %run_scoped3A_40, %mul3A_23] : memref<2x16x10240xf32, #tpu.memory_space<vmem_shared>> -> memref<1x1x640xf32, #tpu.memory_space<vmem_shared>>
      %dma_start3A_152 = tpu.memref_squeeze %dma_start3A_151 : memref<1x1x640xf32, #tpu.memory_space<vmem_shared>> -> memref<640xf32, #tpu.memory_space<vmem_shared>>
      %dma_start3A_153 = arith.constant 0 : i32
      %dma_start3A_154 = tpu.memref_slice %arg8[%run_scoped3A_41, %dma_start3A_153] : memref<16x640xf32, #tpu.memory_space<vmem>> -> memref<1x640xf32, #tpu.memory_space<vmem>>
      %dma_start3A_155 = tpu.memref_squeeze %dma_start3A_154 : memref<1x640xf32, #tpu.memory_space<vmem>> -> memref<640xf32, #tpu.memory_space<vmem>>
      %dma_start3A_156 = tpu.memref_slice %arg10[%run_scoped3A_39, %run_scoped3A_40, %mul3A_23] : memref<2x16x10240xf32, #tpu.memory_space<vmem_shared>> -> memref<1x1x640xf32, #tpu.memory_space<vmem_shared>>
      %dma_start3A_157 = tpu.memref_squeeze %dma_start3A_156 : memref<1x1x640xf32, #tpu.memory_space<vmem_shared>> -> memref<640xf32, #tpu.memory_space<vmem_shared>>
      tpu.enqueue_dma source(%dma_start3A_157 : memref<640xf32, #tpu.memory_space<vmem_shared>>) target(%dma_start3A_155 : memref<640xf32, #tpu.memory_space<vmem>>) target_semaphore(%run_scoped3A_148 : memref<!tpu.dma_semaphore, #tpu.memory_space<semaphore_mem>>)
      %dma_wait3A = arith.constant 0 : i32
      %dma_wait3A_158 = tpu.memref_slice %arg8[%run_scoped3A_41, %dma_wait3A] : memref<16x640xf32, #tpu.memory_space<vmem>> -> memref<1x640xf32, #tpu.memory_space<vmem>>
      %dma_wait3A_159 = tpu.memref_squeeze %dma_wait3A_158 : memref<1x640xf32, #tpu.memory_space<vmem>> -> memref<640xf32, #tpu.memory_space<vmem>>
      %dma_wait3A_160 = tpu.memref_slice %arg10[%run_scoped3A_39, %run_scoped3A_40, %mul3A_23] : memref<2x16x10240xf32, #tpu.memory_space<vmem_shared>> -> memref<1x1x640xf32, #tpu.memory_space<vmem_shared>>
      %dma_wait3A_161 = tpu.memref_squeeze %dma_wait3A_160 : memref<1x1x640xf32, #tpu.memory_space<vmem_shared>> -> memref<640xf32, #tpu.memory_space<vmem_shared>>
      %dma_wait3A_162 = arith.constant 0 : i32
      %dma_wait3A_163 = tpu.memref_slice %arg8[%run_scoped3A_41, %dma_wait3A_162] : memref<16x640xf32, #tpu.memory_space<vmem>> -> memref<1x640xf32, #tpu.memory_space<vmem>>
      %dma_wait3A_164 = tpu.memref_squeeze %dma_wait3A_163 : memref<1x640xf32, #tpu.memory_space<vmem>> -> memref<640xf32, #tpu.memory_space<vmem>>
      %dma_wait3A_165 = tpu.memref_slice %arg10[%run_scoped3A_39, %run_scoped3A_40, %mul3A_23] : memref<2x16x10240xf32, #tpu.memory_space<vmem_shared>> -> memref<1x1x640xf32, #tpu.memory_space<vmem_shared>>
      %dma_wait3A_166 = tpu.memref_squeeze %dma_wait3A_165 : memref<1x1x640xf32, #tpu.memory_space<vmem_shared>> -> memref<640xf32, #tpu.memory_space<vmem_shared>>
      tpu.wait_dma2 semaphore(%run_scoped3A_148 : memref<!tpu.dma_semaphore, #tpu.memory_space<semaphore_mem>>) src(%dma_wait3A_166 : memref<640xf32, #tpu.memory_space<vmem_shared>>) dst(%dma_wait3A_164 : memref<640xf32, #tpu.memory_space<vmem>>)
      tpu.yield
    }) : () -> ()
    %run_scoped3A_42 = arith.constant 0 : i32
    %run_scoped3A_43 = arith.constant 6 : i32
    %run_scoped3A_44 = arith.constant 6 : i32
    "tpu.region"() ({
      %run_scoped3A_148 = tpu.sem_alloc : memref<!tpu.dma_semaphore, #tpu.memory_space<semaphore_mem>>
      %dma_start3A = arith.constant 0 : i32
      %dma_start3A_149 = tpu.memref_slice %arg8[%run_scoped3A_44, %dma_start3A] : memref<16x640xf32, #tpu.memory_space<vmem>> -> memref<1x640xf32, #tpu.memory_space<vmem>>
      %dma_start3A_150 = tpu.memref_squeeze %dma_start3A_149 : memref<1x640xf32, #tpu.memory_space<vmem>> -> memref<640xf32, #tpu.memory_space<vmem>>
      %dma_start3A_151 = tpu.memref_slice %arg10[%run_scoped3A_42, %run_scoped3A_43, %mul3A_23] : memref<2x16x10240xf32, #tpu.memory_space<vmem_shared>> -> memref<1x1x640xf32, #tpu.memory_space<vmem_shared>>
      %dma_start3A_152 = tpu.memref_squeeze %dma_start3A_151 : memref<1x1x640xf32, #tpu.memory_space<vmem_shared>> -> memref<640xf32, #tpu.memory_space<vmem_shared>>
      %dma_start3A_153 = arith.constant 0 : i32
      %dma_start3A_154 = tpu.memref_slice %arg8[%run_scoped3A_44, %dma_start3A_153] : memref<16x640xf32, #tpu.memory_space<vmem>> -> memref<1x640xf32, #tpu.memory_space<vmem>>
      %dma_start3A_155 = tpu.memref_squeeze %dma_start3A_154 : memref<1x640xf32, #tpu.memory_space<vmem>> -> memref<640xf32, #tpu.memory_space<vmem>>
      %dma_start3A_156 = tpu.memref_slice %arg10[%run_scoped3A_42, %run_scoped3A_43, %mul3A_23] : memref<2x16x10240xf32, #tpu.memory_space<vmem_shared>> -> memref<1x1x640xf32, #tpu.memory_space<vmem_shared>>
      %dma_start3A_157 = tpu.memref_squeeze %dma_start3A_156 : memref<1x1x640xf32, #tpu.memory_space<vmem_shared>> -> memref<640xf32, #tpu.memory_space<vmem_shared>>
      tpu.enqueue_dma source(%dma_start3A_157 : memref<640xf32, #tpu.memory_space<vmem_shared>>) target(%dma_start3A_155 : memref<640xf32, #tpu.memory_space<vmem>>) target_semaphore(%run_scoped3A_148 : memref<!tpu.dma_semaphore, #tpu.memory_space<semaphore_mem>>)
      %dma_wait3A = arith.constant 0 : i32
      %dma_wait3A_158 = tpu.memref_slice %arg8[%run_scoped3A_44, %dma_wait3A] : memref<16x640xf32, #tpu.memory_space<vmem>> -> memref<1x640xf32, #tpu.memory_space<vmem>>
      %dma_wait3A_159 = tpu.memref_squeeze %dma_wait3A_158 : memref<1x640xf32, #tpu.memory_space<vmem>> -> memref<640xf32, #tpu.memory_space<vmem>>
      %dma_wait3A_160 = tpu.memref_slice %arg10[%run_scoped3A_42, %run_scoped3A_43, %mul3A_23] : memref<2x16x10240xf32, #tpu.memory_space<vmem_shared>> -> memref<1x1x640xf32, #tpu.memory_space<vmem_shared>>
      %dma_wait3A_161 = tpu.memref_squeeze %dma_wait3A_160 : memref<1x1x640xf32, #tpu.memory_space<vmem_shared>> -> memref<640xf32, #tpu.memory_space<vmem_shared>>
      %dma_wait3A_162 = arith.constant 0 : i32
      %dma_wait3A_163 = tpu.memref_slice %arg8[%run_scoped3A_44, %dma_wait3A_162] : memref<16x640xf32, #tpu.memory_space<vmem>> -> memref<1x640xf32, #tpu.memory_space<vmem>>
      %dma_wait3A_164 = tpu.memref_squeeze %dma_wait3A_163 : memref<1x640xf32, #tpu.memory_space<vmem>> -> memref<640xf32, #tpu.memory_space<vmem>>
      %dma_wait3A_165 = tpu.memref_slice %arg10[%run_scoped3A_42, %run_scoped3A_43, %mul3A_23] : memref<2x16x10240xf32, #tpu.memory_space<vmem_shared>> -> memref<1x1x640xf32, #tpu.memory_space<vmem_shared>>
      %dma_wait3A_166 = tpu.memref_squeeze %dma_wait3A_165 : memref<1x1x640xf32, #tpu.memory_space<vmem_shared>> -> memref<640xf32, #tpu.memory_space<vmem_shared>>
      tpu.wait_dma2 semaphore(%run_scoped3A_148 : memref<!tpu.dma_semaphore, #tpu.memory_space<semaphore_mem>>) src(%dma_wait3A_166 : memref<640xf32, #tpu.memory_space<vmem_shared>>) dst(%dma_wait3A_164 : memref<640xf32, #tpu.memory_space<vmem>>)
      tpu.yield
    }) : () -> ()
    %run_scoped3A_45 = arith.constant 0 : i32
    %run_scoped3A_46 = arith.constant 7 : i32
    %run_scoped3A_47 = arith.constant 7 : i32
    "tpu.region"() ({
      %run_scoped3A_148 = tpu.sem_alloc : memref<!tpu.dma_semaphore, #tpu.memory_space<semaphore_mem>>
      %dma_start3A = arith.constant 0 : i32
      %dma_start3A_149 = tpu.memref_slice %arg8[%run_scoped3A_47, %dma_start3A] : memref<16x640xf32, #tpu.memory_space<vmem>> -> memref<1x640xf32, #tpu.memory_space<vmem>>
      %dma_start3A_150 = tpu.memref_squeeze %dma_start3A_149 : memref<1x640xf32, #tpu.memory_space<vmem>> -> memref<640xf32, #tpu.memory_space<vmem>>
      %dma_start3A_151 = tpu.memref_slice %arg10[%run_scoped3A_45, %run_scoped3A_46, %mul3A_23] : memref<2x16x10240xf32, #tpu.memory_space<vmem_shared>> -> memref<1x1x640xf32, #tpu.memory_space<vmem_shared>>
      %dma_start3A_152 = tpu.memref_squeeze %dma_start3A_151 : memref<1x1x640xf32, #tpu.memory_space<vmem_shared>> -> memref<640xf32, #tpu.memory_space<vmem_shared>>
      %dma_start3A_153 = arith.constant 0 : i32
      %dma_start3A_154 = tpu.memref_slice %arg8[%run_scoped3A_47, %dma_start3A_153] : memref<16x640xf32, #tpu.memory_space<vmem>> -> memref<1x640xf32, #tpu.memory_space<vmem>>
      %dma_start3A_155 = tpu.memref_squeeze %dma_start3A_154 : memref<1x640xf32, #tpu.memory_space<vmem>> -> memref<640xf32, #tpu.memory_space<vmem>>
      %dma_start3A_156 = tpu.memref_slice %arg10[%run_scoped3A_45, %run_scoped3A_46, %mul3A_23] : memref<2x16x10240xf32, #tpu.memory_space<vmem_shared>> -> memref<1x1x640xf32, #tpu.memory_space<vmem_shared>>
      %dma_start3A_157 = tpu.memref_squeeze %dma_start3A_156 : memref<1x1x640xf32, #tpu.memory_space<vmem_shared>> -> memref<640xf32, #tpu.memory_space<vmem_shared>>
      tpu.enqueue_dma source(%dma_start3A_157 : memref<640xf32, #tpu.memory_space<vmem_shared>>) target(%dma_start3A_155 : memref<640xf32, #tpu.memory_space<vmem>>) target_semaphore(%run_scoped3A_148 : memref<!tpu.dma_semaphore, #tpu.memory_space<semaphore_mem>>)
      %dma_wait3A = arith.constant 0 : i32
      %dma_wait3A_158 = tpu.memref_slice %arg8[%run_scoped3A_47, %dma_wait3A] : memref<16x640xf32, #tpu.memory_space<vmem>> -> memref<1x640xf32, #tpu.memory_space<vmem>>
      %dma_wait3A_159 = tpu.memref_squeeze %dma_wait3A_158 : memref<1x640xf32, #tpu.memory_space<vmem>> -> memref<640xf32, #tpu.memory_space<vmem>>
      %dma_wait3A_160 = tpu.memref_slice %arg10[%run_scoped3A_45, %run_scoped3A_46, %mul3A_23] : memref<2x16x10240xf32, #tpu.memory_space<vmem_shared>> -> memref<1x1x640xf32, #tpu.memory_space<vmem_shared>>
      %dma_wait3A_161 = tpu.memref_squeeze %dma_wait3A_160 : memref<1x1x640xf32, #tpu.memory_space<vmem_shared>> -> memref<640xf32, #tpu.memory_space<vmem_shared>>
      %dma_wait3A_162 = arith.constant 0 : i32
      %dma_wait3A_163 = tpu.memref_slice %arg8[%run_scoped3A_47, %dma_wait3A_162] : memref<16x640xf32, #tpu.memory_space<vmem>> -> memref<1x640xf32, #tpu.memory_space<vmem>>
      %dma_wait3A_164 = tpu.memref_squeeze %dma_wait3A_163 : memref<1x640xf32, #tpu.memory_space<vmem>> -> memref<640xf32, #tpu.memory_space<vmem>>
      %dma_wait3A_165 = tpu.memref_slice %arg10[%run_scoped3A_45, %run_scoped3A_46, %mul3A_23] : memref<2x16x10240xf32, #tpu.memory_space<vmem_shared>> -> memref<1x1x640xf32, #tpu.memory_space<vmem_shared>>
      %dma_wait3A_166 = tpu.memref_squeeze %dma_wait3A_165 : memref<1x1x640xf32, #tpu.memory_space<vmem_shared>> -> memref<640xf32, #tpu.memory_space<vmem_shared>>
      tpu.wait_dma2 semaphore(%run_scoped3A_148 : memref<!tpu.dma_semaphore, #tpu.memory_space<semaphore_mem>>) src(%dma_wait3A_166 : memref<640xf32, #tpu.memory_space<vmem_shared>>) dst(%dma_wait3A_164 : memref<640xf32, #tpu.memory_space<vmem>>)
      tpu.yield
    }) : () -> ()
    %run_scoped3A_48 = arith.constant 0 : i32
    %run_scoped3A_49 = arith.constant 8 : i32
    %run_scoped3A_50 = arith.constant 8 : i32
    "tpu.region"() ({
      %run_scoped3A_148 = tpu.sem_alloc : memref<!tpu.dma_semaphore, #tpu.memory_space<semaphore_mem>>
      %dma_start3A = arith.constant 0 : i32
      %dma_start3A_149 = tpu.memref_slice %arg8[%run_scoped3A_50, %dma_start3A] : memref<16x640xf32, #tpu.memory_space<vmem>> -> memref<1x640xf32, #tpu.memory_space<vmem>>
      %dma_start3A_150 = tpu.memref_squeeze %dma_start3A_149 : memref<1x640xf32, #tpu.memory_space<vmem>> -> memref<640xf32, #tpu.memory_space<vmem>>
      %dma_start3A_151 = tpu.memref_slice %arg10[%run_scoped3A_48, %run_scoped3A_49, %mul3A_23] : memref<2x16x10240xf32, #tpu.memory_space<vmem_shared>> -> memref<1x1x640xf32, #tpu.memory_space<vmem_shared>>
      %dma_start3A_152 = tpu.memref_squeeze %dma_start3A_151 : memref<1x1x640xf32, #tpu.memory_space<vmem_shared>> -> memref<640xf32, #tpu.memory_space<vmem_shared>>
      %dma_start3A_153 = arith.constant 0 : i32
      %dma_start3A_154 = tpu.memref_slice %arg8[%run_scoped3A_50, %dma_start3A_153] : memref<16x640xf32, #tpu.memory_space<vmem>> -> memref<1x640xf32, #tpu.memory_space<vmem>>
      %dma_start3A_155 = tpu.memref_squeeze %dma_start3A_154 : memref<1x640xf32, #tpu.memory_space<vmem>> -> memref<640xf32, #tpu.memory_space<vmem>>
      %dma_start3A_156 = tpu.memref_slice %arg10[%run_scoped3A_48, %run_scoped3A_49, %mul3A_23] : memref<2x16x10240xf32, #tpu.memory_space<vmem_shared>> -> memref<1x1x640xf32, #tpu.memory_space<vmem_shared>>
      %dma_start3A_157 = tpu.memref_squeeze %dma_start3A_156 : memref<1x1x640xf32, #tpu.memory_space<vmem_shared>> -> memref<640xf32, #tpu.memory_space<vmem_shared>>
      tpu.enqueue_dma source(%dma_start3A_157 : memref<640xf32, #tpu.memory_space<vmem_shared>>) target(%dma_start3A_155 : memref<640xf32, #tpu.memory_space<vmem>>) target_semaphore(%run_scoped3A_148 : memref<!tpu.dma_semaphore, #tpu.memory_space<semaphore_mem>>)
      %dma_wait3A = arith.constant 0 : i32
      %dma_wait3A_158 = tpu.memref_slice %arg8[%run_scoped3A_50, %dma_wait3A] : memref<16x640xf32, #tpu.memory_space<vmem>> -> memref<1x640xf32, #tpu.memory_space<vmem>>
      %dma_wait3A_159 = tpu.memref_squeeze %dma_wait3A_158 : memref<1x640xf32, #tpu.memory_space<vmem>> -> memref<640xf32, #tpu.memory_space<vmem>>
      %dma_wait3A_160 = tpu.memref_slice %arg10[%run_scoped3A_48, %run_scoped3A_49, %mul3A_23] : memref<2x16x10240xf32, #tpu.memory_space<vmem_shared>> -> memref<1x1x640xf32, #tpu.memory_space<vmem_shared>>
      %dma_wait3A_161 = tpu.memref_squeeze %dma_wait3A_160 : memref<1x1x640xf32, #tpu.memory_space<vmem_shared>> -> memref<640xf32, #tpu.memory_space<vmem_shared>>
      %dma_wait3A_162 = arith.constant 0 : i32
      %dma_wait3A_163 = tpu.memref_slice %arg8[%run_scoped3A_50, %dma_wait3A_162] : memref<16x640xf32, #tpu.memory_space<vmem>> -> memref<1x640xf32, #tpu.memory_space<vmem>>
      %dma_wait3A_164 = tpu.memref_squeeze %dma_wait3A_163 : memref<1x640xf32, #tpu.memory_space<vmem>> -> memref<640xf32, #tpu.memory_space<vmem>>
      %dma_wait3A_165 = tpu.memref_slice %arg10[%run_scoped3A_48, %run_scoped3A_49, %mul3A_23] : memref<2x16x10240xf32, #tpu.memory_space<vmem_shared>> -> memref<1x1x640xf32, #tpu.memory_space<vmem_shared>>
      %dma_wait3A_166 = tpu.memref_squeeze %dma_wait3A_165 : memref<1x1x640xf32, #tpu.memory_space<vmem_shared>> -> memref<640xf32, #tpu.memory_space<vmem_shared>>
      tpu.wait_dma2 semaphore(%run_scoped3A_148 : memref<!tpu.dma_semaphore, #tpu.memory_space<semaphore_mem>>) src(%dma_wait3A_166 : memref<640xf32, #tpu.memory_space<vmem_shared>>) dst(%dma_wait3A_164 : memref<640xf32, #tpu.memory_space<vmem>>)
      tpu.yield
    }) : () -> ()
    %run_scoped3A_51 = arith.constant 0 : i32
    %run_scoped3A_52 = arith.constant 9 : i32
    %run_scoped3A_53 = arith.constant 9 : i32
    "tpu.region"() ({
      %run_scoped3A_148 = tpu.sem_alloc : memref<!tpu.dma_semaphore, #tpu.memory_space<semaphore_mem>>
      %dma_start3A = arith.constant 0 : i32
      %dma_start3A_149 = tpu.memref_slice %arg8[%run_scoped3A_53, %dma_start3A] : memref<16x640xf32, #tpu.memory_space<vmem>> -> memref<1x640xf32, #tpu.memory_space<vmem>>
      %dma_start3A_150 = tpu.memref_squeeze %dma_start3A_149 : memref<1x640xf32, #tpu.memory_space<vmem>> -> memref<640xf32, #tpu.memory_space<vmem>>
      %dma_start3A_151 = tpu.memref_slice %arg10[%run_scoped3A_51, %run_scoped3A_52, %mul3A_23] : memref<2x16x10240xf32, #tpu.memory_space<vmem_shared>> -> memref<1x1x640xf32, #tpu.memory_space<vmem_shared>>
      %dma_start3A_152 = tpu.memref_squeeze %dma_start3A_151 : memref<1x1x640xf32, #tpu.memory_space<vmem_shared>> -> memref<640xf32, #tpu.memory_space<vmem_shared>>
      %dma_start3A_153 = arith.constant 0 : i32
      %dma_start3A_154 = tpu.memref_slice %arg8[%run_scoped3A_53, %dma_start3A_153] : memref<16x640xf32, #tpu.memory_space<vmem>> -> memref<1x640xf32, #tpu.memory_space<vmem>>
      %dma_start3A_155 = tpu.memref_squeeze %dma_start3A_154 : memref<1x640xf32, #tpu.memory_space<vmem>> -> memref<640xf32, #tpu.memory_space<vmem>>
      %dma_start3A_156 = tpu.memref_slice %arg10[%run_scoped3A_51, %run_scoped3A_52, %mul3A_23] : memref<2x16x10240xf32, #tpu.memory_space<vmem_shared>> -> memref<1x1x640xf32, #tpu.memory_space<vmem_shared>>
      %dma_start3A_157 = tpu.memref_squeeze %dma_start3A_156 : memref<1x1x640xf32, #tpu.memory_space<vmem_shared>> -> memref<640xf32, #tpu.memory_space<vmem_shared>>
      tpu.enqueue_dma source(%dma_start3A_157 : memref<640xf32, #tpu.memory_space<vmem_shared>>) target(%dma_start3A_155 : memref<640xf32, #tpu.memory_space<vmem>>) target_semaphore(%run_scoped3A_148 : memref<!tpu.dma_semaphore, #tpu.memory_space<semaphore_mem>>)
      %dma_wait3A = arith.constant 0 : i32
      %dma_wait3A_158 = tpu.memref_slice %arg8[%run_scoped3A_53, %dma_wait3A] : memref<16x640xf32, #tpu.memory_space<vmem>> -> memref<1x640xf32, #tpu.memory_space<vmem>>
      %dma_wait3A_159 = tpu.memref_squeeze %dma_wait3A_158 : memref<1x640xf32, #tpu.memory_space<vmem>> -> memref<640xf32, #tpu.memory_space<vmem>>
      %dma_wait3A_160 = tpu.memref_slice %arg10[%run_scoped3A_51, %run_scoped3A_52, %mul3A_23] : memref<2x16x10240xf32, #tpu.memory_space<vmem_shared>> -> memref<1x1x640xf32, #tpu.memory_space<vmem_shared>>
      %dma_wait3A_161 = tpu.memref_squeeze %dma_wait3A_160 : memref<1x1x640xf32, #tpu.memory_space<vmem_shared>> -> memref<640xf32, #tpu.memory_space<vmem_shared>>
      %dma_wait3A_162 = arith.constant 0 : i32
      %dma_wait3A_163 = tpu.memref_slice %arg8[%run_scoped3A_53, %dma_wait3A_162] : memref<16x640xf32, #tpu.memory_space<vmem>> -> memref<1x640xf32, #tpu.memory_space<vmem>>
      %dma_wait3A_164 = tpu.memref_squeeze %dma_wait3A_163 : memref<1x640xf32, #tpu.memory_space<vmem>> -> memref<640xf32, #tpu.memory_space<vmem>>
      %dma_wait3A_165 = tpu.memref_slice %arg10[%run_scoped3A_51, %run_scoped3A_52, %mul3A_23] : memref<2x16x10240xf32, #tpu.memory_space<vmem_shared>> -> memref<1x1x640xf32, #tpu.memory_space<vmem_shared>>
      %dma_wait3A_166 = tpu.memref_squeeze %dma_wait3A_165 : memref<1x1x640xf32, #tpu.memory_space<vmem_shared>> -> memref<640xf32, #tpu.memory_space<vmem_shared>>
      tpu.wait_dma2 semaphore(%run_scoped3A_148 : memref<!tpu.dma_semaphore, #tpu.memory_space<semaphore_mem>>) src(%dma_wait3A_166 : memref<640xf32, #tpu.memory_space<vmem_shared>>) dst(%dma_wait3A_164 : memref<640xf32, #tpu.memory_space<vmem>>)
      tpu.yield
    }) : () -> ()
    %run_scoped3A_54 = arith.constant 0 : i32
    %run_scoped3A_55 = arith.constant 10 : i32
    %run_scoped3A_56 = arith.constant 10 : i32
    "tpu.region"() ({
      %run_scoped3A_148 = tpu.sem_alloc : memref<!tpu.dma_semaphore, #tpu.memory_space<semaphore_mem>>
      %dma_start3A = arith.constant 0 : i32
      %dma_start3A_149 = tpu.memref_slice %arg8[%run_scoped3A_56, %dma_start3A] : memref<16x640xf32, #tpu.memory_space<vmem>> -> memref<1x640xf32, #tpu.memory_space<vmem>>
      %dma_start3A_150 = tpu.memref_squeeze %dma_start3A_149 : memref<1x640xf32, #tpu.memory_space<vmem>> -> memref<640xf32, #tpu.memory_space<vmem>>
      %dma_start3A_151 = tpu.memref_slice %arg10[%run_scoped3A_54, %run_scoped3A_55, %mul3A_23] : memref<2x16x10240xf32, #tpu.memory_space<vmem_shared>> -> memref<1x1x640xf32, #tpu.memory_space<vmem_shared>>
      %dma_start3A_152 = tpu.memref_squeeze %dma_start3A_151 : memref<1x1x640xf32, #tpu.memory_space<vmem_shared>> -> memref<640xf32, #tpu.memory_space<vmem_shared>>
      %dma_start3A_153 = arith.constant 0 : i32
      %dma_start3A_154 = tpu.memref_slice %arg8[%run_scoped3A_56, %dma_start3A_153] : memref<16x640xf32, #tpu.memory_space<vmem>> -> memref<1x640xf32, #tpu.memory_space<vmem>>
      %dma_start3A_155 = tpu.memref_squeeze %dma_start3A_154 : memref<1x640xf32, #tpu.memory_space<vmem>> -> memref<640xf32, #tpu.memory_space<vmem>>
      %dma_start3A_156 = tpu.memref_slice %arg10[%run_scoped3A_54, %run_scoped3A_55, %mul3A_23] : memref<2x16x10240xf32, #tpu.memory_space<vmem_shared>> -> memref<1x1x640xf32, #tpu.memory_space<vmem_shared>>
      %dma_start3A_157 = tpu.memref_squeeze %dma_start3A_156 : memref<1x1x640xf32, #tpu.memory_space<vmem_shared>> -> memref<640xf32, #tpu.memory_space<vmem_shared>>
      tpu.enqueue_dma source(%dma_start3A_157 : memref<640xf32, #tpu.memory_space<vmem_shared>>) target(%dma_start3A_155 : memref<640xf32, #tpu.memory_space<vmem>>) target_semaphore(%run_scoped3A_148 : memref<!tpu.dma_semaphore, #tpu.memory_space<semaphore_mem>>)
      %dma_wait3A = arith.constant 0 : i32
      %dma_wait3A_158 = tpu.memref_slice %arg8[%run_scoped3A_56, %dma_wait3A] : memref<16x640xf32, #tpu.memory_space<vmem>> -> memref<1x640xf32, #tpu.memory_space<vmem>>
      %dma_wait3A_159 = tpu.memref_squeeze %dma_wait3A_158 : memref<1x640xf32, #tpu.memory_space<vmem>> -> memref<640xf32, #tpu.memory_space<vmem>>
      %dma_wait3A_160 = tpu.memref_slice %arg10[%run_scoped3A_54, %run_scoped3A_55, %mul3A_23] : memref<2x16x10240xf32, #tpu.memory_space<vmem_shared>> -> memref<1x1x640xf32, #tpu.memory_space<vmem_shared>>
      %dma_wait3A_161 = tpu.memref_squeeze %dma_wait3A_160 : memref<1x1x640xf32, #tpu.memory_space<vmem_shared>> -> memref<640xf32, #tpu.memory_space<vmem_shared>>
      %dma_wait3A_162 = arith.constant 0 : i32
      %dma_wait3A_163 = tpu.memref_slice %arg8[%run_scoped3A_56, %dma_wait3A_162] : memref<16x640xf32, #tpu.memory_space<vmem>> -> memref<1x640xf32, #tpu.memory_space<vmem>>
      %dma_wait3A_164 = tpu.memref_squeeze %dma_wait3A_163 : memref<1x640xf32, #tpu.memory_space<vmem>> -> memref<640xf32, #tpu.memory_space<vmem>>
      %dma_wait3A_165 = tpu.memref_slice %arg10[%run_scoped3A_54, %run_scoped3A_55, %mul3A_23] : memref<2x16x10240xf32, #tpu.memory_space<vmem_shared>> -> memref<1x1x640xf32, #tpu.memory_space<vmem_shared>>
      %dma_wait3A_166 = tpu.memref_squeeze %dma_wait3A_165 : memref<1x1x640xf32, #tpu.memory_space<vmem_shared>> -> memref<640xf32, #tpu.memory_space<vmem_shared>>
      tpu.wait_dma2 semaphore(%run_scoped3A_148 : memref<!tpu.dma_semaphore, #tpu.memory_space<semaphore_mem>>) src(%dma_wait3A_166 : memref<640xf32, #tpu.memory_space<vmem_shared>>) dst(%dma_wait3A_164 : memref<640xf32, #tpu.memory_space<vmem>>)
      tpu.yield
    }) : () -> ()
    %run_scoped3A_57 = arith.constant 0 : i32
    %run_scoped3A_58 = arith.constant 11 : i32
    %run_scoped3A_59 = arith.constant 11 : i32
    "tpu.region"() ({
      %run_scoped3A_148 = tpu.sem_alloc : memref<!tpu.dma_semaphore, #tpu.memory_space<semaphore_mem>>
      %dma_start3A = arith.constant 0 : i32
      %dma_start3A_149 = tpu.memref_slice %arg8[%run_scoped3A_59, %dma_start3A] : memref<16x640xf32, #tpu.memory_space<vmem>> -> memref<1x640xf32, #tpu.memory_space<vmem>>
      %dma_start3A_150 = tpu.memref_squeeze %dma_start3A_149 : memref<1x640xf32, #tpu.memory_space<vmem>> -> memref<640xf32, #tpu.memory_space<vmem>>
      %dma_start3A_151 = tpu.memref_slice %arg10[%run_scoped3A_57, %run_scoped3A_58, %mul3A_23] : memref<2x16x10240xf32, #tpu.memory_space<vmem_shared>> -> memref<1x1x640xf32, #tpu.memory_space<vmem_shared>>
      %dma_start3A_152 = tpu.memref_squeeze %dma_start3A_151 : memref<1x1x640xf32, #tpu.memory_space<vmem_shared>> -> memref<640xf32, #tpu.memory_space<vmem_shared>>
      %dma_start3A_153 = arith.constant 0 : i32
      %dma_start3A_154 = tpu.memref_slice %arg8[%run_scoped3A_59, %dma_start3A_153] : memref<16x640xf32, #tpu.memory_space<vmem>> -> memref<1x640xf32, #tpu.memory_space<vmem>>
      %dma_start3A_155 = tpu.memref_squeeze %dma_start3A_154 : memref<1x640xf32, #tpu.memory_space<vmem>> -> memref<640xf32, #tpu.memory_space<vmem>>
      %dma_start3A_156 = tpu.memref_slice %arg10[%run_scoped3A_57, %run_scoped3A_58, %mul3A_23] : memref<2x16x10240xf32, #tpu.memory_space<vmem_shared>> -> memref<1x1x640xf32, #tpu.memory_space<vmem_shared>>
      %dma_start3A_157 = tpu.memref_squeeze %dma_start3A_156 : memref<1x1x640xf32, #tpu.memory_space<vmem_shared>> -> memref<640xf32, #tpu.memory_space<vmem_shared>>
      tpu.enqueue_dma source(%dma_start3A_157 : memref<640xf32, #tpu.memory_space<vmem_shared>>) target(%dma_start3A_155 : memref<640xf32, #tpu.memory_space<vmem>>) target_semaphore(%run_scoped3A_148 : memref<!tpu.dma_semaphore, #tpu.memory_space<semaphore_mem>>)
      %dma_wait3A = arith.constant 0 : i32
      %dma_wait3A_158 = tpu.memref_slice %arg8[%run_scoped3A_59, %dma_wait3A] : memref<16x640xf32, #tpu.memory_space<vmem>> -> memref<1x640xf32, #tpu.memory_space<vmem>>
      %dma_wait3A_159 = tpu.memref_squeeze %dma_wait3A_158 : memref<1x640xf32, #tpu.memory_space<vmem>> -> memref<640xf32, #tpu.memory_space<vmem>>
      %dma_wait3A_160 = tpu.memref_slice %arg10[%run_scoped3A_57, %run_scoped3A_58, %mul3A_23] : memref<2x16x10240xf32, #tpu.memory_space<vmem_shared>> -> memref<1x1x640xf32, #tpu.memory_space<vmem_shared>>
      %dma_wait3A_161 = tpu.memref_squeeze %dma_wait3A_160 : memref<1x1x640xf32, #tpu.memory_space<vmem_shared>> -> memref<640xf32, #tpu.memory_space<vmem_shared>>
      %dma_wait3A_162 = arith.constant 0 : i32
      %dma_wait3A_163 = tpu.memref_slice %arg8[%run_scoped3A_59, %dma_wait3A_162] : memref<16x640xf32, #tpu.memory_space<vmem>> -> memref<1x640xf32, #tpu.memory_space<vmem>>
      %dma_wait3A_164 = tpu.memref_squeeze %dma_wait3A_163 : memref<1x640xf32, #tpu.memory_space<vmem>> -> memref<640xf32, #tpu.memory_space<vmem>>
      %dma_wait3A_165 = tpu.memref_slice %arg10[%run_scoped3A_57, %run_scoped3A_58, %mul3A_23] : memref<2x16x10240xf32, #tpu.memory_space<vmem_shared>> -> memref<1x1x640xf32, #tpu.memory_space<vmem_shared>>
      %dma_wait3A_166 = tpu.memref_squeeze %dma_wait3A_165 : memref<1x1x640xf32, #tpu.memory_space<vmem_shared>> -> memref<640xf32, #tpu.memory_space<vmem_shared>>
      tpu.wait_dma2 semaphore(%run_scoped3A_148 : memref<!tpu.dma_semaphore, #tpu.memory_space<semaphore_mem>>) src(%dma_wait3A_166 : memref<640xf32, #tpu.memory_space<vmem_shared>>) dst(%dma_wait3A_164 : memref<640xf32, #tpu.memory_space<vmem>>)
      tpu.yield
    }) : () -> ()
    %run_scoped3A_60 = arith.constant 0 : i32
    %run_scoped3A_61 = arith.constant 12 : i32
    %run_scoped3A_62 = arith.constant 12 : i32
    "tpu.region"() ({
      %run_scoped3A_148 = tpu.sem_alloc : memref<!tpu.dma_semaphore, #tpu.memory_space<semaphore_mem>>
      %dma_start3A = arith.constant 0 : i32
      %dma_start3A_149 = tpu.memref_slice %arg8[%run_scoped3A_62, %dma_start3A] : memref<16x640xf32, #tpu.memory_space<vmem>> -> memref<1x640xf32, #tpu.memory_space<vmem>>
      %dma_start3A_150 = tpu.memref_squeeze %dma_start3A_149 : memref<1x640xf32, #tpu.memory_space<vmem>> -> memref<640xf32, #tpu.memory_space<vmem>>
      %dma_start3A_151 = tpu.memref_slice %arg10[%run_scoped3A_60, %run_scoped3A_61, %mul3A_23] : memref<2x16x10240xf32, #tpu.memory_space<vmem_shared>> -> memref<1x1x640xf32, #tpu.memory_space<vmem_shared>>
      %dma_start3A_152 = tpu.memref_squeeze %dma_start3A_151 : memref<1x1x640xf32, #tpu.memory_space<vmem_shared>> -> memref<640xf32, #tpu.memory_space<vmem_shared>>
      %dma_start3A_153 = arith.constant 0 : i32
      %dma_start3A_154 = tpu.memref_slice %arg8[%run_scoped3A_62, %dma_start3A_153] : memref<16x640xf32, #tpu.memory_space<vmem>> -> memref<1x640xf32, #tpu.memory_space<vmem>>
      %dma_start3A_155 = tpu.memref_squeeze %dma_start3A_154 : memref<1x640xf32, #tpu.memory_space<vmem>> -> memref<640xf32, #tpu.memory_space<vmem>>
      %dma_start3A_156 = tpu.memref_slice %arg10[%run_scoped3A_60, %run_scoped3A_61, %mul3A_23] : memref<2x16x10240xf32, #tpu.memory_space<vmem_shared>> -> memref<1x1x640xf32, #tpu.memory_space<vmem_shared>>
      %dma_start3A_157 = tpu.memref_squeeze %dma_start3A_156 : memref<1x1x640xf32, #tpu.memory_space<vmem_shared>> -> memref<640xf32, #tpu.memory_space<vmem_shared>>
      tpu.enqueue_dma source(%dma_start3A_157 : memref<640xf32, #tpu.memory_space<vmem_shared>>) target(%dma_start3A_155 : memref<640xf32, #tpu.memory_space<vmem>>) target_semaphore(%run_scoped3A_148 : memref<!tpu.dma_semaphore, #tpu.memory_space<semaphore_mem>>)
      %dma_wait3A = arith.constant 0 : i32
      %dma_wait3A_158 = tpu.memref_slice %arg8[%run_scoped3A_62, %dma_wait3A] : memref<16x640xf32, #tpu.memory_space<vmem>> -> memref<1x640xf32, #tpu.memory_space<vmem>>
      %dma_wait3A_159 = tpu.memref_squeeze %dma_wait3A_158 : memref<1x640xf32, #tpu.memory_space<vmem>> -> memref<640xf32, #tpu.memory_space<vmem>>
      %dma_wait3A_160 = tpu.memref_slice %arg10[%run_scoped3A_60, %run_scoped3A_61, %mul3A_23] : memref<2x16x10240xf32, #tpu.memory_space<vmem_shared>> -> memref<1x1x640xf32, #tpu.memory_space<vmem_shared>>
      %dma_wait3A_161 = tpu.memref_squeeze %dma_wait3A_160 : memref<1x1x640xf32, #tpu.memory_space<vmem_shared>> -> memref<640xf32, #tpu.memory_space<vmem_shared>>
      %dma_wait3A_162 = arith.constant 0 : i32
      %dma_wait3A_163 = tpu.memref_slice %arg8[%run_scoped3A_62, %dma_wait3A_162] : memref<16x640xf32, #tpu.memory_space<vmem>> -> memref<1x640xf32, #tpu.memory_space<vmem>>
      %dma_wait3A_164 = tpu.memref_squeeze %dma_wait3A_163 : memref<1x640xf32, #tpu.memory_space<vmem>> -> memref<640xf32, #tpu.memory_space<vmem>>
      %dma_wait3A_165 = tpu.memref_slice %arg10[%run_scoped3A_60, %run_scoped3A_61, %mul3A_23] : memref<2x16x10240xf32, #tpu.memory_space<vmem_shared>> -> memref<1x1x640xf32, #tpu.memory_space<vmem_shared>>
      %dma_wait3A_166 = tpu.memref_squeeze %dma_wait3A_165 : memref<1x1x640xf32, #tpu.memory_space<vmem_shared>> -> memref<640xf32, #tpu.memory_space<vmem_shared>>
      tpu.wait_dma2 semaphore(%run_scoped3A_148 : memref<!tpu.dma_semaphore, #tpu.memory_space<semaphore_mem>>) src(%dma_wait3A_166 : memref<640xf32, #tpu.memory_space<vmem_shared>>) dst(%dma_wait3A_164 : memref<640xf32, #tpu.memory_space<vmem>>)
      tpu.yield
    }) : () -> ()
    %run_scoped3A_63 = arith.constant 0 : i32
    %run_scoped3A_64 = arith.constant 13 : i32
    %run_scoped3A_65 = arith.constant 13 : i32
    "tpu.region"() ({
      %run_scoped3A_148 = tpu.sem_alloc : memref<!tpu.dma_semaphore, #tpu.memory_space<semaphore_mem>>
      %dma_start3A = arith.constant 0 : i32
      %dma_start3A_149 = tpu.memref_slice %arg8[%run_scoped3A_65, %dma_start3A] : memref<16x640xf32, #tpu.memory_space<vmem>> -> memref<1x640xf32, #tpu.memory_space<vmem>>
      %dma_start3A_150 = tpu.memref_squeeze %dma_start3A_149 : memref<1x640xf32, #tpu.memory_space<vmem>> -> memref<640xf32, #tpu.memory_space<vmem>>
      %dma_start3A_151 = tpu.memref_slice %arg10[%run_scoped3A_63, %run_scoped3A_64, %mul3A_23] : memref<2x16x10240xf32, #tpu.memory_space<vmem_shared>> -> memref<1x1x640xf32, #tpu.memory_space<vmem_shared>>
      %dma_start3A_152 = tpu.memref_squeeze %dma_start3A_151 : memref<1x1x640xf32, #tpu.memory_space<vmem_shared>> -> memref<640xf32, #tpu.memory_space<vmem_shared>>
      %dma_start3A_153 = arith.constant 0 : i32
      %dma_start3A_154 = tpu.memref_slice %arg8[%run_scoped3A_65, %dma_start3A_153] : memref<16x640xf32, #tpu.memory_space<vmem>> -> memref<1x640xf32, #tpu.memory_space<vmem>>
      %dma_start3A_155 = tpu.memref_squeeze %dma_start3A_154 : memref<1x640xf32, #tpu.memory_space<vmem>> -> memref<640xf32, #tpu.memory_space<vmem>>
      %dma_start3A_156 = tpu.memref_slice %arg10[%run_scoped3A_63, %run_scoped3A_64, %mul3A_23] : memref<2x16x10240xf32, #tpu.memory_space<vmem_shared>> -> memref<1x1x640xf32, #tpu.memory_space<vmem_shared>>
      %dma_start3A_157 = tpu.memref_squeeze %dma_start3A_156 : memref<1x1x640xf32, #tpu.memory_space<vmem_shared>> -> memref<640xf32, #tpu.memory_space<vmem_shared>>
      tpu.enqueue_dma source(%dma_start3A_157 : memref<640xf32, #tpu.memory_space<vmem_shared>>) target(%dma_start3A_155 : memref<640xf32, #tpu.memory_space<vmem>>) target_semaphore(%run_scoped3A_148 : memref<!tpu.dma_semaphore, #tpu.memory_space<semaphore_mem>>)
      %dma_wait3A = arith.constant 0 : i32
      %dma_wait3A_158 = tpu.memref_slice %arg8[%run_scoped3A_65, %dma_wait3A] : memref<16x640xf32, #tpu.memory_space<vmem>> -> memref<1x640xf32, #tpu.memory_space<vmem>>
      %dma_wait3A_159 = tpu.memref_squeeze %dma_wait3A_158 : memref<1x640xf32, #tpu.memory_space<vmem>> -> memref<640xf32, #tpu.memory_space<vmem>>
      %dma_wait3A_160 = tpu.memref_slice %arg10[%run_scoped3A_63, %run_scoped3A_64, %mul3A_23] : memref<2x16x10240xf32, #tpu.memory_space<vmem_shared>> -> memref<1x1x640xf32, #tpu.memory_space<vmem_shared>>
      %dma_wait3A_161 = tpu.memref_squeeze %dma_wait3A_160 : memref<1x1x640xf32, #tpu.memory_space<vmem_shared>> -> memref<640xf32, #tpu.memory_space<vmem_shared>>
      %dma_wait3A_162 = arith.constant 0 : i32
      %dma_wait3A_163 = tpu.memref_slice %arg8[%run_scoped3A_65, %dma_wait3A_162] : memref<16x640xf32, #tpu.memory_space<vmem>> -> memref<1x640xf32, #tpu.memory_space<vmem>>
      %dma_wait3A_164 = tpu.memref_squeeze %dma_wait3A_163 : memref<1x640xf32, #tpu.memory_space<vmem>> -> memref<640xf32, #tpu.memory_space<vmem>>
      %dma_wait3A_165 = tpu.memref_slice %arg10[%run_scoped3A_63, %run_scoped3A_64, %mul3A_23] : memref<2x16x10240xf32, #tpu.memory_space<vmem_shared>> -> memref<1x1x640xf32, #tpu.memory_space<vmem_shared>>
      %dma_wait3A_166 = tpu.memref_squeeze %dma_wait3A_165 : memref<1x1x640xf32, #tpu.memory_space<vmem_shared>> -> memref<640xf32, #tpu.memory_space<vmem_shared>>
      tpu.wait_dma2 semaphore(%run_scoped3A_148 : memref<!tpu.dma_semaphore, #tpu.memory_space<semaphore_mem>>) src(%dma_wait3A_166 : memref<640xf32, #tpu.memory_space<vmem_shared>>) dst(%dma_wait3A_164 : memref<640xf32, #tpu.memory_space<vmem>>)
      tpu.yield
    }) : () -> ()
    %run_scoped3A_66 = arith.constant 0 : i32
    %run_scoped3A_67 = arith.constant 14 : i32
    %run_scoped3A_68 = arith.constant 14 : i32
    "tpu.region"() ({
      %run_scoped3A_148 = tpu.sem_alloc : memref<!tpu.dma_semaphore, #tpu.memory_space<semaphore_mem>>
      %dma_start3A = arith.constant 0 : i32
      %dma_start3A_149 = tpu.memref_slice %arg8[%run_scoped3A_68, %dma_start3A] : memref<16x640xf32, #tpu.memory_space<vmem>> -> memref<1x640xf32, #tpu.memory_space<vmem>>
      %dma_start3A_150 = tpu.memref_squeeze %dma_start3A_149 : memref<1x640xf32, #tpu.memory_space<vmem>> -> memref<640xf32, #tpu.memory_space<vmem>>
      %dma_start3A_151 = tpu.memref_slice %arg10[%run_scoped3A_66, %run_scoped3A_67, %mul3A_23] : memref<2x16x10240xf32, #tpu.memory_space<vmem_shared>> -> memref<1x1x640xf32, #tpu.memory_space<vmem_shared>>
      %dma_start3A_152 = tpu.memref_squeeze %dma_start3A_151 : memref<1x1x640xf32, #tpu.memory_space<vmem_shared>> -> memref<640xf32, #tpu.memory_space<vmem_shared>>
      %dma_start3A_153 = arith.constant 0 : i32
      %dma_start3A_154 = tpu.memref_slice %arg8[%run_scoped3A_68, %dma_start3A_153] : memref<16x640xf32, #tpu.memory_space<vmem>> -> memref<1x640xf32, #tpu.memory_space<vmem>>
      %dma_start3A_155 = tpu.memref_squeeze %dma_start3A_154 : memref<1x640xf32, #tpu.memory_space<vmem>> -> memref<640xf32, #tpu.memory_space<vmem>>
      %dma_start3A_156 = tpu.memref_slice %arg10[%run_scoped3A_66, %run_scoped3A_67, %mul3A_23] : memref<2x16x10240xf32, #tpu.memory_space<vmem_shared>> -> memref<1x1x640xf32, #tpu.memory_space<vmem_shared>>
      %dma_start3A_157 = tpu.memref_squeeze %dma_start3A_156 : memref<1x1x640xf32, #tpu.memory_space<vmem_shared>> -> memref<640xf32, #tpu.memory_space<vmem_shared>>
      tpu.enqueue_dma source(%dma_start3A_157 : memref<640xf32, #tpu.memory_space<vmem_shared>>) target(%dma_start3A_155 : memref<640xf32, #tpu.memory_space<vmem>>) target_semaphore(%run_scoped3A_148 : memref<!tpu.dma_semaphore, #tpu.memory_space<semaphore_mem>>)
      %dma_wait3A = arith.constant 0 : i32
      %dma_wait3A_158 = tpu.memref_slice %arg8[%run_scoped3A_68, %dma_wait3A] : memref<16x640xf32, #tpu.memory_space<vmem>> -> memref<1x640xf32, #tpu.memory_space<vmem>>
      %dma_wait3A_159 = tpu.memref_squeeze %dma_wait3A_158 : memref<1x640xf32, #tpu.memory_space<vmem>> -> memref<640xf32, #tpu.memory_space<vmem>>
      %dma_wait3A_160 = tpu.memref_slice %arg10[%run_scoped3A_66, %run_scoped3A_67, %mul3A_23] : memref<2x16x10240xf32, #tpu.memory_space<vmem_shared>> -> memref<1x1x640xf32, #tpu.memory_space<vmem_shared>>
      %dma_wait3A_161 = tpu.memref_squeeze %dma_wait3A_160 : memref<1x1x640xf32, #tpu.memory_space<vmem_shared>> -> memref<640xf32, #tpu.memory_space<vmem_shared>>
      %dma_wait3A_162 = arith.constant 0 : i32
      %dma_wait3A_163 = tpu.memref_slice %arg8[%run_scoped3A_68, %dma_wait3A_162] : memref<16x640xf32, #tpu.memory_space<vmem>> -> memref<1x640xf32, #tpu.memory_space<vmem>>
      %dma_wait3A_164 = tpu.memref_squeeze %dma_wait3A_163 : memref<1x640xf32, #tpu.memory_space<vmem>> -> memref<640xf32, #tpu.memory_space<vmem>>
      %dma_wait3A_165 = tpu.memref_slice %arg10[%run_scoped3A_66, %run_scoped3A_67, %mul3A_23] : memref<2x16x10240xf32, #tpu.memory_space<vmem_shared>> -> memref<1x1x640xf32, #tpu.memory_space<vmem_shared>>
      %dma_wait3A_166 = tpu.memref_squeeze %dma_wait3A_165 : memref<1x1x640xf32, #tpu.memory_space<vmem_shared>> -> memref<640xf32, #tpu.memory_space<vmem_shared>>
      tpu.wait_dma2 semaphore(%run_scoped3A_148 : memref<!tpu.dma_semaphore, #tpu.memory_space<semaphore_mem>>) src(%dma_wait3A_166 : memref<640xf32, #tpu.memory_space<vmem_shared>>) dst(%dma_wait3A_164 : memref<640xf32, #tpu.memory_space<vmem>>)
      tpu.yield
    }) : () -> ()
    %run_scoped3A_69 = arith.constant 0 : i32
    %run_scoped3A_70 = arith.constant 15 : i32
    %run_scoped3A_71 = arith.constant 15 : i32
    "tpu.region"() ({
      %run_scoped3A_148 = tpu.sem_alloc : memref<!tpu.dma_semaphore, #tpu.memory_space<semaphore_mem>>
      %dma_start3A = arith.constant 0 : i32
      %dma_start3A_149 = tpu.memref_slice %arg8[%run_scoped3A_71, %dma_start3A] : memref<16x640xf32, #tpu.memory_space<vmem>> -> memref<1x640xf32, #tpu.memory_space<vmem>>
      %dma_start3A_150 = tpu.memref_squeeze %dma_start3A_149 : memref<1x640xf32, #tpu.memory_space<vmem>> -> memref<640xf32, #tpu.memory_space<vmem>>
      %dma_start3A_151 = tpu.memref_slice %arg10[%run_scoped3A_69, %run_scoped3A_70, %mul3A_23] : memref<2x16x10240xf32, #tpu.memory_space<vmem_shared>> -> memref<1x1x640xf32, #tpu.memory_space<vmem_shared>>
      %dma_start3A_152 = tpu.memref_squeeze %dma_start3A_151 : memref<1x1x640xf32, #tpu.memory_space<vmem_shared>> -> memref<640xf32, #tpu.memory_space<vmem_shared>>
      %dma_start3A_153 = arith.constant 0 : i32
      %dma_start3A_154 = tpu.memref_slice %arg8[%run_scoped3A_71, %dma_start3A_153] : memref<16x640xf32, #tpu.memory_space<vmem>> -> memref<1x640xf32, #tpu.memory_space<vmem>>
      %dma_start3A_155 = tpu.memref_squeeze %dma_start3A_154 : memref<1x640xf32, #tpu.memory_space<vmem>> -> memref<640xf32, #tpu.memory_space<vmem>>
      %dma_start3A_156 = tpu.memref_slice %arg10[%run_scoped3A_69, %run_scoped3A_70, %mul3A_23] : memref<2x16x10240xf32, #tpu.memory_space<vmem_shared>> -> memref<1x1x640xf32, #tpu.memory_space<vmem_shared>>
      %dma_start3A_157 = tpu.memref_squeeze %dma_start3A_156 : memref<1x1x640xf32, #tpu.memory_space<vmem_shared>> -> memref<640xf32, #tpu.memory_space<vmem_shared>>
      tpu.enqueue_dma source(%dma_start3A_157 : memref<640xf32, #tpu.memory_space<vmem_shared>>) target(%dma_start3A_155 : memref<640xf32, #tpu.memory_space<vmem>>) target_semaphore(%run_scoped3A_148 : memref<!tpu.dma_semaphore, #tpu.memory_space<semaphore_mem>>)
      %dma_wait3A = arith.constant 0 : i32
      %dma_wait3A_158 = tpu.memref_slice %arg8[%run_scoped3A_71, %dma_wait3A] : memref<16x640xf32, #tpu.memory_space<vmem>> -> memref<1x640xf32, #tpu.memory_space<vmem>>
      %dma_wait3A_159 = tpu.memref_squeeze %dma_wait3A_158 : memref<1x640xf32, #tpu.memory_space<vmem>> -> memref<640xf32, #tpu.memory_space<vmem>>
      %dma_wait3A_160 = tpu.memref_slice %arg10[%run_scoped3A_69, %run_scoped3A_70, %mul3A_23] : memref<2x16x10240xf32, #tpu.memory_space<vmem_shared>> -> memref<1x1x640xf32, #tpu.memory_space<vmem_shared>>
      %dma_wait3A_161 = tpu.memref_squeeze %dma_wait3A_160 : memref<1x1x640xf32, #tpu.memory_space<vmem_shared>> -> memref<640xf32, #tpu.memory_space<vmem_shared>>
      %dma_wait3A_162 = arith.constant 0 : i32
      %dma_wait3A_163 = tpu.memref_slice %arg8[%run_scoped3A_71, %dma_wait3A_162] : memref<16x640xf32, #tpu.memory_space<vmem>> -> memref<1x640xf32, #tpu.memory_space<vmem>>
      %dma_wait3A_164 = tpu.memref_squeeze %dma_wait3A_163 : memref<1x640xf32, #tpu.memory_space<vmem>> -> memref<640xf32, #tpu.memory_space<vmem>>
      %dma_wait3A_165 = tpu.memref_slice %arg10[%run_scoped3A_69, %run_scoped3A_70, %mul3A_23] : memref<2x16x10240xf32, #tpu.memory_space<vmem_shared>> -> memref<1x1x640xf32, #tpu.memory_space<vmem_shared>>
      %dma_wait3A_166 = tpu.memref_squeeze %dma_wait3A_165 : memref<1x1x640xf32, #tpu.memory_space<vmem_shared>> -> memref<640xf32, #tpu.memory_space<vmem_shared>>
      tpu.wait_dma2 semaphore(%run_scoped3A_148 : memref<!tpu.dma_semaphore, #tpu.memory_space<semaphore_mem>>) src(%dma_wait3A_166 : memref<640xf32, #tpu.memory_space<vmem_shared>>) dst(%dma_wait3A_164 : memref<640xf32, #tpu.memory_space<vmem>>)
      tpu.yield
    }) : () -> ()
    %scan3A_72 = arith.constant 0 : i32
    %scan3A_73 = arith.constant 0 : i32
    %scan3A_74 = arith.constant 40 : i32
    %scan3A_75 = arith.addi %scan3A_73, %scan3A_74 : i32
    %scan3A_76 = arith.constant 1 : i32
    %scan3A_77 = scf.for %scan3A_148 = %scan3A_73 to %scan3A_75 step %scan3A_76 iter_args(%scan3A_149 = %scan3A_72) -> (i32)  : i32 {
      %mul3A_150 = arith.constant 16 : i32
      %mul3A_151 = arith.muli %scan3A_148, %mul3A_150 : i32
      %get3A = arith.constant 0 : i32
      %get3A_152 = arith.index_cast %get3A : i32 to index
      %get3A_153 = arith.index_cast %mul3A_151 : i32 to index
      %get3A_154 = tpu.vector_load %arg8[%get3A_152, %get3A_153] {strides = array<i32>} : memref<16x640xf32, #tpu.memory_space<vmem>>, vector<16xf32>,
      %mul3A_155 = arith.constant 16 : i32
      %mul3A_156 = arith.muli %scan3A_148, %mul3A_155 : i32
      %get3A_157 = arith.constant 1 : i32
      %get3A_158 = arith.index_cast %get3A_157 : i32 to index
      %get3A_159 = arith.index_cast %mul3A_156 : i32 to index
      %get3A_160 = tpu.vector_load %arg8[%get3A_158, %get3A_159] {strides = array<i32>} : memref<16x640xf32, #tpu.memory_space<vmem>>, vector<16xf32>,
      %add3A_161 = arith.addf %get3A_154, %get3A_160 : vector<16xf32>
      %mul3A_162 = arith.constant 16 : i32
      %mul3A_163 = arith.muli %scan3A_148, %mul3A_162 : i32
      %get3A_164 = arith.constant 2 : i32
      %get3A_165 = arith.index_cast %get3A_164 : i32 to index
      %get3A_166 = arith.index_cast %mul3A_163 : i32 to index
      %get3A_167 = tpu.vector_load %arg8[%get3A_165, %get3A_166] {strides = array<i32>} : memref<16x640xf32, #tpu.memory_space<vmem>>, vector<16xf32>,
      %add3A_168 = arith.addf %add3A_161, %get3A_167 : vector<16xf32>
      %mul3A_169 = arith.constant 16 : i32
      %mul3A_170 = arith.muli %scan3A_148, %mul3A_169 : i32
      %get3A_171 = arith.constant 3 : i32
      %get3A_172 = arith.index_cast %get3A_171 : i32 to index
      %get3A_173 = arith.index_cast %mul3A_170 : i32 to index
      %get3A_174 = tpu.vector_load %arg8[%get3A_172, %get3A_173] {strides = array<i32>} : memref<16x640xf32, #tpu.memory_space<vmem>>, vector<16xf32>,
      %add3A_175 = arith.addf %add3A_168, %get3A_174 : vector<16xf32>
      %mul3A_176 = arith.constant 16 : i32
      %mul3A_177 = arith.muli %scan3A_148, %mul3A_176 : i32
      %get3A_178 = arith.constant 4 : i32
      %get3A_179 = arith.index_cast %get3A_178 : i32 to index
      %get3A_180 = arith.index_cast %mul3A_177 : i32 to index
      %get3A_181 = tpu.vector_load %arg8[%get3A_179, %get3A_180] {strides = array<i32>} : memref<16x640xf32, #tpu.memory_space<vmem>>, vector<16xf32>,
      %add3A_182 = arith.addf %add3A_175, %get3A_181 : vector<16xf32>
      %mul3A_183 = arith.constant 16 : i32
      %mul3A_184 = arith.muli %scan3A_148, %mul3A_183 : i32
      %get3A_185 = arith.constant 5 : i32
      %get3A_186 = arith.index_cast %get3A_185 : i32 to index
      %get3A_187 = arith.index_cast %mul3A_184 : i32 to index
      %get3A_188 = tpu.vector_load %arg8[%get3A_186, %get3A_187] {strides = array<i32>} : memref<16x640xf32, #tpu.memory_space<vmem>>, vector<16xf32>,
      %add3A_189 = arith.addf %add3A_182, %get3A_188 : vector<16xf32>
      %mul3A_190 = arith.constant 16 : i32
      %mul3A_191 = arith.muli %scan3A_148, %mul3A_190 : i32
      %get3A_192 = arith.constant 6 : i32
      %get3A_193 = arith.index_cast %get3A_192 : i32 to index
      %get3A_194 = arith.index_cast %mul3A_191 : i32 to index
      %get3A_195 = tpu.vector_load %arg8[%get3A_193, %get3A_194] {strides = array<i32>} : memref<16x640xf32, #tpu.memory_space<vmem>>, vector<16xf32>,
      %add3A_196 = arith.addf %add3A_189, %get3A_195 : vector<16xf32>
      %mul3A_197 = arith.constant 16 : i32
      %mul3A_198 = arith.muli %scan3A_148, %mul3A_197 : i32
      %get3A_199 = arith.constant 7 : i32
      %get3A_200 = arith.index_cast %get3A_199 : i32 to index
      %get3A_201 = arith.index_cast %mul3A_198 : i32 to index
      %get3A_202 = tpu.vector_load %arg8[%get3A_200, %get3A_201] {strides = array<i32>} : memref<16x640xf32, #tpu.memory_space<vmem>>, vector<16xf32>,
      %add3A_203 = arith.addf %add3A_196, %get3A_202 : vector<16xf32>
      %mul3A_204 = arith.constant 16 : i32
      %mul3A_205 = arith.muli %scan3A_148, %mul3A_204 : i32
      %get3A_206 = arith.constant 8 : i32
      %get3A_207 = arith.index_cast %get3A_206 : i32 to index
      %get3A_208 = arith.index_cast %mul3A_205 : i32 to index
      %get3A_209 = tpu.vector_load %arg8[%get3A_207, %get3A_208] {strides = array<i32>} : memref<16x640xf32, #tpu.memory_space<vmem>>, vector<16xf32>,
      %add3A_210 = arith.addf %add3A_203, %get3A_209 : vector<16xf32>
      %mul3A_211 = arith.constant 16 : i32
      %mul3A_212 = arith.muli %scan3A_148, %mul3A_211 : i32
      %get3A_213 = arith.constant 9 : i32
      %get3A_214 = arith.index_cast %get3A_213 : i32 to index
      %get3A_215 = arith.index_cast %mul3A_212 : i32 to index
      %get3A_216 = tpu.vector_load %arg8[%get3A_214, %get3A_215] {strides = array<i32>} : memref<16x640xf32, #tpu.memory_space<vmem>>, vector<16xf32>,
      %add3A_217 = arith.addf %add3A_210, %get3A_216 : vector<16xf32>
      %mul3A_218 = arith.constant 16 : i32
      %mul3A_219 = arith.muli %scan3A_148, %mul3A_218 : i32
      %get3A_220 = arith.constant 10 : i32
      %get3A_221 = arith.index_cast %get3A_220 : i32 to index
      %get3A_222 = arith.index_cast %mul3A_219 : i32 to index
      %get3A_223 = tpu.vector_load %arg8[%get3A_221, %get3A_222] {strides = array<i32>} : memref<16x640xf32, #tpu.memory_space<vmem>>, vector<16xf32>,
      %add3A_224 = arith.addf %add3A_217, %get3A_223 : vector<16xf32>
      %mul3A_225 = arith.constant 16 : i32
      %mul3A_226 = arith.muli %scan3A_148, %mul3A_225 : i32
      %get3A_227 = arith.constant 11 : i32
      %get3A_228 = arith.index_cast %get3A_227 : i32 to index
      %get3A_229 = arith.index_cast %mul3A_226 : i32 to index
      %get3A_230 = tpu.vector_load %arg8[%get3A_228, %get3A_229] {strides = array<i32>} : memref<16x640xf32, #tpu.memory_space<vmem>>, vector<16xf32>,
      %add3A_231 = arith.addf %add3A_224, %get3A_230 : vector<16xf32>
      %mul3A_232 = arith.constant 16 : i32
      %mul3A_233 = arith.muli %scan3A_148, %mul3A_232 : i32
      %get3A_234 = arith.constant 12 : i32
      %get3A_235 = arith.index_cast %get3A_234 : i32 to index
      %get3A_236 = arith.index_cast %mul3A_233 : i32 to index
      %get3A_237 = tpu.vector_load %arg8[%get3A_235, %get3A_236] {strides = array<i32>} : memref<16x640xf32, #tpu.memory_space<vmem>>, vector<16xf32>,
      %add3A_238 = arith.addf %add3A_231, %get3A_237 : vector<16xf32>
      %mul3A_239 = arith.constant 16 : i32
      %mul3A_240 = arith.muli %scan3A_148, %mul3A_239 : i32
      %get3A_241 = arith.constant 13 : i32
      %get3A_242 = arith.index_cast %get3A_241 : i32 to index
      %get3A_243 = arith.index_cast %mul3A_240 : i32 to index
      %get3A_244 = tpu.vector_load %arg8[%get3A_242, %get3A_243] {strides = array<i32>} : memref<16x640xf32, #tpu.memory_space<vmem>>, vector<16xf32>,
      %add3A_245 = arith.addf %add3A_238, %get3A_244 : vector<16xf32>
      %mul3A_246 = arith.constant 16 : i32
      %mul3A_247 = arith.muli %scan3A_148, %mul3A_246 : i32
      %get3A_248 = arith.constant 14 : i32
      %get3A_249 = arith.index_cast %get3A_248 : i32 to index
      %get3A_250 = arith.index_cast %mul3A_247 : i32 to index
      %get3A_251 = tpu.vector_load %arg8[%get3A_249, %get3A_250] {strides = array<i32>} : memref<16x640xf32, #tpu.memory_space<vmem>>, vector<16xf32>,
      %add3A_252 = arith.addf %add3A_245, %get3A_251 : vector<16xf32>
      %mul3A_253 = arith.constant 16 : i32
      %mul3A_254 = arith.muli %scan3A_148, %mul3A_253 : i32
      %get3A_255 = arith.constant 15 : i32
      %get3A_256 = arith.index_cast %get3A_255 : i32 to index
      %get3A_257 = arith.index_cast %mul3A_254 : i32 to index
      %get3A_258 = tpu.vector_load %arg8[%get3A_256, %get3A_257] {strides = array<i32>} : memref<16x640xf32, #tpu.memory_space<vmem>>, vector<16xf32>,
      %add3A_259 = arith.addf %add3A_252, %get3A_258 : vector<16xf32>
      %mul3A_260 = arith.constant 16 : i32
      %mul3A_261 = arith.muli %scan3A_148, %mul3A_260 : i32
      %swap3A = arith.index_cast %mul3A_261 : i32 to index
      %swap3A_262 = tpu.vector_load %arg9[%swap3A] {strides = array<i32>} : memref<640xf32, #tpu.memory_space<vmem>>, vector<16xf32>,
      tpu.vector_store %arg9[%swap3A], %add3A_259 {strides = array<i32>} : memref<640xf32, #tpu.memory_space<vmem>>, vector<16xf32>,
      %scan3A_263 = arith.constant 0 : i32
      scf.yield %scan3A_263 : i32
    }
    %scan3A_78 = arith.constant 40 : i32
    %mul3A_79 = arith.constant 2 : i32
    %mul3A_80 = arith.muli %arg0, %mul3A_79 : i32
    %add3A_81 = arith.constant 0 : i32
    %add3A_82 = arith.addi %mul3A_80, %add3A_81 : i32
    %mul3A_83 = arith.constant 10240 : i32
    %mul3A_84 = arith.muli %add3A_82, %mul3A_83 : i32
    %add3A_85 = arith.addi %mul3A_84, %mul3A_23 : i32
    "tpu.region"() ({
      %run_scoped3A_148 = tpu.sem_alloc : memref<!tpu.dma_semaphore, #tpu.memory_space<semaphore_mem>>
      %dma_start3A = tpu.memref_slice %arg3[%add3A_85] : memref<40960xf32, #tpu.memory_space<hbm>> -> memref<640xf32, #tpu.memory_space<hbm>>
      %dma_start3A_149 = tpu.memref_slice %arg3[%add3A_85] : memref<40960xf32, #tpu.memory_space<hbm>> -> memref<640xf32, #tpu.memory_space<hbm>>
      tpu.enqueue_dma source(%arg9 : memref<640xf32, #tpu.memory_space<vmem>>) target(%dma_start3A_149 : memref<640xf32, #tpu.memory_space<hbm>>) target_semaphore(%run_scoped3A_148 : memref<!tpu.dma_semaphore, #tpu.memory_space<semaphore_mem>>)
      %dma_wait3A = tpu.memref_slice %arg3[%add3A_85] : memref<40960xf32, #tpu.memory_space<hbm>> -> memref<640xf32, #tpu.memory_space<hbm>>
      %dma_wait3A_150 = tpu.memref_slice %arg3[%add3A_85] : memref<40960xf32, #tpu.memory_space<hbm>> -> memref<640xf32, #tpu.memory_space<hbm>>
      tpu.wait_dma2 semaphore(%run_scoped3A_148 : memref<!tpu.dma_semaphore, #tpu.memory_space<semaphore_mem>>) src(%arg9 : memref<640xf32, #tpu.memory_space<vmem>>) dst(%dma_wait3A_150 : memref<640xf32, #tpu.memory_space<hbm>>)
      tpu.yield
    }) : () -> ()
    %run_scoped3A_86 = arith.constant 1 : i32
    %run_scoped3A_87 = arith.constant 0 : i32
    %run_scoped3A_88 = arith.constant 0 : i32
    "tpu.region"() ({
      %run_scoped3A_148 = tpu.sem_alloc : memref<!tpu.dma_semaphore, #tpu.memory_space<semaphore_mem>>
      %dma_start3A = arith.constant 0 : i32
      %dma_start3A_149 = tpu.memref_slice %arg8[%run_scoped3A_88, %dma_start3A] : memref<16x640xf32, #tpu.memory_space<vmem>> -> memref<1x640xf32, #tpu.memory_space<vmem>>
      %dma_start3A_150 = tpu.memref_squeeze %dma_start3A_149 : memref<1x640xf32, #tpu.memory_space<vmem>> -> memref<640xf32, #tpu.memory_space<vmem>>
      %dma_start3A_151 = tpu.memref_slice %arg10[%run_scoped3A_86, %run_scoped3A_87, %mul3A_23] : memref<2x16x10240xf32, #tpu.memory_space<vmem_shared>> -> memref<1x1x640xf32, #tpu.memory_space<vmem_shared>>
      %dma_start3A_152 = tpu.memref_squeeze %dma_start3A_151 : memref<1x1x640xf32, #tpu.memory_space<vmem_shared>> -> memref<640xf32, #tpu.memory_space<vmem_shared>>
      %dma_start3A_153 = arith.constant 0 : i32
      %dma_start3A_154 = tpu.memref_slice %arg8[%run_scoped3A_88, %dma_start3A_153] : memref<16x640xf32, #tpu.memory_space<vmem>> -> memref<1x640xf32, #tpu.memory_space<vmem>>
      %dma_start3A_155 = tpu.memref_squeeze %dma_start3A_154 : memref<1x640xf32, #tpu.memory_space<vmem>> -> memref<640xf32, #tpu.memory_space<vmem>>
      %dma_start3A_156 = tpu.memref_slice %arg10[%run_scoped3A_86, %run_scoped3A_87, %mul3A_23] : memref<2x16x10240xf32, #tpu.memory_space<vmem_shared>> -> memref<1x1x640xf32, #tpu.memory_space<vmem_shared>>
      %dma_start3A_157 = tpu.memref_squeeze %dma_start3A_156 : memref<1x1x640xf32, #tpu.memory_space<vmem_shared>> -> memref<640xf32, #tpu.memory_space<vmem_shared>>
      tpu.enqueue_dma source(%dma_start3A_157 : memref<640xf32, #tpu.memory_space<vmem_shared>>) target(%dma_start3A_155 : memref<640xf32, #tpu.memory_space<vmem>>) target_semaphore(%run_scoped3A_148 : memref<!tpu.dma_semaphore, #tpu.memory_space<semaphore_mem>>)
      %dma_wait3A = arith.constant 0 : i32
      %dma_wait3A_158 = tpu.memref_slice %arg8[%run_scoped3A_88, %dma_wait3A] : memref<16x640xf32, #tpu.memory_space<vmem>> -> memref<1x640xf32, #tpu.memory_space<vmem>>
      %dma_wait3A_159 = tpu.memref_squeeze %dma_wait3A_158 : memref<1x640xf32, #tpu.memory_space<vmem>> -> memref<640xf32, #tpu.memory_space<vmem>>
      %dma_wait3A_160 = tpu.memref_slice %arg10[%run_scoped3A_86, %run_scoped3A_87, %mul3A_23] : memref<2x16x10240xf32, #tpu.memory_space<vmem_shared>> -> memref<1x1x640xf32, #tpu.memory_space<vmem_shared>>
      %dma_wait3A_161 = tpu.memref_squeeze %dma_wait3A_160 : memref<1x1x640xf32, #tpu.memory_space<vmem_shared>> -> memref<640xf32, #tpu.memory_space<vmem_shared>>
      %dma_wait3A_162 = arith.constant 0 : i32
      %dma_wait3A_163 = tpu.memref_slice %arg8[%run_scoped3A_88, %dma_wait3A_162] : memref<16x640xf32, #tpu.memory_space<vmem>> -> memref<1x640xf32, #tpu.memory_space<vmem>>
      %dma_wait3A_164 = tpu.memref_squeeze %dma_wait3A_163 : memref<1x640xf32, #tpu.memory_space<vmem>> -> memref<640xf32, #tpu.memory_space<vmem>>
      %dma_wait3A_165 = tpu.memref_slice %arg10[%run_scoped3A_86, %run_scoped3A_87, %mul3A_23] : memref<2x16x10240xf32, #tpu.memory_space<vmem_shared>> -> memref<1x1x640xf32, #tpu.memory_space<vmem_shared>>
      %dma_wait3A_166 = tpu.memref_squeeze %dma_wait3A_165 : memref<1x1x640xf32, #tpu.memory_space<vmem_shared>> -> memref<640xf32, #tpu.memory_space<vmem_shared>>
      tpu.wait_dma2 semaphore(%run_scoped3A_148 : memref<!tpu.dma_semaphore, #tpu.memory_space<semaphore_mem>>) src(%dma_wait3A_166 : memref<640xf32, #tpu.memory_space<vmem_shared>>) dst(%dma_wait3A_164 : memref<640xf32, #tpu.memory_space<vmem>>)
      tpu.yield
    }) : () -> ()
    %run_scoped3A_89 = arith.constant 1 : i32
    %run_scoped3A_90 = arith.constant 1 : i32
    %run_scoped3A_91 = arith.constant 1 : i32
    "tpu.region"() ({
      %run_scoped3A_148 = tpu.sem_alloc : memref<!tpu.dma_semaphore, #tpu.memory_space<semaphore_mem>>
      %dma_start3A = arith.constant 0 : i32
      %dma_start3A_149 = tpu.memref_slice %arg8[%run_scoped3A_91, %dma_start3A] : memref<16x640xf32, #tpu.memory_space<vmem>> -> memref<1x640xf32, #tpu.memory_space<vmem>>
      %dma_start3A_150 = tpu.memref_squeeze %dma_start3A_149 : memref<1x640xf32, #tpu.memory_space<vmem>> -> memref<640xf32, #tpu.memory_space<vmem>>
      %dma_start3A_151 = tpu.memref_slice %arg10[%run_scoped3A_89, %run_scoped3A_90, %mul3A_23] : memref<2x16x10240xf32, #tpu.memory_space<vmem_shared>> -> memref<1x1x640xf32, #tpu.memory_space<vmem_shared>>
      %dma_start3A_152 = tpu.memref_squeeze %dma_start3A_151 : memref<1x1x640xf32, #tpu.memory_space<vmem_shared>> -> memref<640xf32, #tpu.memory_space<vmem_shared>>
      %dma_start3A_153 = arith.constant 0 : i32
      %dma_start3A_154 = tpu.memref_slice %arg8[%run_scoped3A_91, %dma_start3A_153] : memref<16x640xf32, #tpu.memory_space<vmem>> -> memref<1x640xf32, #tpu.memory_space<vmem>>
      %dma_start3A_155 = tpu.memref_squeeze %dma_start3A_154 : memref<1x640xf32, #tpu.memory_space<vmem>> -> memref<640xf32, #tpu.memory_space<vmem>>
      %dma_start3A_156 = tpu.memref_slice %arg10[%run_scoped3A_89, %run_scoped3A_90, %mul3A_23] : memref<2x16x10240xf32, #tpu.memory_space<vmem_shared>> -> memref<1x1x640xf32, #tpu.memory_space<vmem_shared>>
      %dma_start3A_157 = tpu.memref_squeeze %dma_start3A_156 : memref<1x1x640xf32, #tpu.memory_space<vmem_shared>> -> memref<640xf32, #tpu.memory_space<vmem_shared>>
      tpu.enqueue_dma source(%dma_start3A_157 : memref<640xf32, #tpu.memory_space<vmem_shared>>) target(%dma_start3A_155 : memref<640xf32, #tpu.memory_space<vmem>>) target_semaphore(%run_scoped3A_148 : memref<!tpu.dma_semaphore, #tpu.memory_space<semaphore_mem>>)
      %dma_wait3A = arith.constant 0 : i32
      %dma_wait3A_158 = tpu.memref_slice %arg8[%run_scoped3A_91, %dma_wait3A] : memref<16x640xf32, #tpu.memory_space<vmem>> -> memref<1x640xf32, #tpu.memory_space<vmem>>
      %dma_wait3A_159 = tpu.memref_squeeze %dma_wait3A_158 : memref<1x640xf32, #tpu.memory_space<vmem>> -> memref<640xf32, #tpu.memory_space<vmem>>
      %dma_wait3A_160 = tpu.memref_slice %arg10[%run_scoped3A_89, %run_scoped3A_90, %mul3A_23] : memref<2x16x10240xf32, #tpu.memory_space<vmem_shared>> -> memref<1x1x640xf32, #tpu.memory_space<vmem_shared>>
      %dma_wait3A_161 = tpu.memref_squeeze %dma_wait3A_160 : memref<1x1x640xf32, #tpu.memory_space<vmem_shared>> -> memref<640xf32, #tpu.memory_space<vmem_shared>>
      %dma_wait3A_162 = arith.constant 0 : i32
      %dma_wait3A_163 = tpu.memref_slice %arg8[%run_scoped3A_91, %dma_wait3A_162] : memref<16x640xf32, #tpu.memory_space<vmem>> -> memref<1x640xf32, #tpu.memory_space<vmem>>
      %dma_wait3A_164 = tpu.memref_squeeze %dma_wait3A_163 : memref<1x640xf32, #tpu.memory_space<vmem>> -> memref<640xf32, #tpu.memory_space<vmem>>
      %dma_wait3A_165 = tpu.memref_slice %arg10[%run_scoped3A_89, %run_scoped3A_90, %mul3A_23] : memref<2x16x10240xf32, #tpu.memory_space<vmem_shared>> -> memref<1x1x640xf32, #tpu.memory_space<vmem_shared>>
      %dma_wait3A_166 = tpu.memref_squeeze %dma_wait3A_165 : memref<1x1x640xf32, #tpu.memory_space<vmem_shared>> -> memref<640xf32, #tpu.memory_space<vmem_shared>>
      tpu.wait_dma2 semaphore(%run_scoped3A_148 : memref<!tpu.dma_semaphore, #tpu.memory_space<semaphore_mem>>) src(%dma_wait3A_166 : memref<640xf32, #tpu.memory_space<vmem_shared>>) dst(%dma_wait3A_164 : memref<640xf32, #tpu.memory_space<vmem>>)
      tpu.yield
    }) : () -> ()
    %run_scoped3A_92 = arith.constant 1 : i32
    %run_scoped3A_93 = arith.constant 2 : i32
    %run_scoped3A_94 = arith.constant 2 : i32
    "tpu.region"() ({
      %run_scoped3A_148 = tpu.sem_alloc : memref<!tpu.dma_semaphore, #tpu.memory_space<semaphore_mem>>
      %dma_start3A = arith.constant 0 : i32
      %dma_start3A_149 = tpu.memref_slice %arg8[%run_scoped3A_94, %dma_start3A] : memref<16x640xf32, #tpu.memory_space<vmem>> -> memref<1x640xf32, #tpu.memory_space<vmem>>
      %dma_start3A_150 = tpu.memref_squeeze %dma_start3A_149 : memref<1x640xf32, #tpu.memory_space<vmem>> -> memref<640xf32, #tpu.memory_space<vmem>>
      %dma_start3A_151 = tpu.memref_slice %arg10[%run_scoped3A_92, %run_scoped3A_93, %mul3A_23] : memref<2x16x10240xf32, #tpu.memory_space<vmem_shared>> -> memref<1x1x640xf32, #tpu.memory_space<vmem_shared>>
      %dma_start3A_152 = tpu.memref_squeeze %dma_start3A_151 : memref<1x1x640xf32, #tpu.memory_space<vmem_shared>> -> memref<640xf32, #tpu.memory_space<vmem_shared>>
      %dma_start3A_153 = arith.constant 0 : i32
      %dma_start3A_154 = tpu.memref_slice %arg8[%run_scoped3A_94, %dma_start3A_153] : memref<16x640xf32, #tpu.memory_space<vmem>> -> memref<1x640xf32, #tpu.memory_space<vmem>>
      %dma_start3A_155 = tpu.memref_squeeze %dma_start3A_154 : memref<1x640xf32, #tpu.memory_space<vmem>> -> memref<640xf32, #tpu.memory_space<vmem>>
      %dma_start3A_156 = tpu.memref_slice %arg10[%run_scoped3A_92, %run_scoped3A_93, %mul3A_23] : memref<2x16x10240xf32, #tpu.memory_space<vmem_shared>> -> memref<1x1x640xf32, #tpu.memory_space<vmem_shared>>
      %dma_start3A_157 = tpu.memref_squeeze %dma_start3A_156 : memref<1x1x640xf32, #tpu.memory_space<vmem_shared>> -> memref<640xf32, #tpu.memory_space<vmem_shared>>
      tpu.enqueue_dma source(%dma_start3A_157 : memref<640xf32, #tpu.memory_space<vmem_shared>>) target(%dma_start3A_155 : memref<640xf32, #tpu.memory_space<vmem>>) target_semaphore(%run_scoped3A_148 : memref<!tpu.dma_semaphore, #tpu.memory_space<semaphore_mem>>)
      %dma_wait3A = arith.constant 0 : i32
      %dma_wait3A_158 = tpu.memref_slice %arg8[%run_scoped3A_94, %dma_wait3A] : memref<16x640xf32, #tpu.memory_space<vmem>> -> memref<1x640xf32, #tpu.memory_space<vmem>>
      %dma_wait3A_159 = tpu.memref_squeeze %dma_wait3A_158 : memref<1x640xf32, #tpu.memory_space<vmem>> -> memref<640xf32, #tpu.memory_space<vmem>>
      %dma_wait3A_160 = tpu.memref_slice %arg10[%run_scoped3A_92, %run_scoped3A_93, %mul3A_23] : memref<2x16x10240xf32, #tpu.memory_space<vmem_shared>> -> memref<1x1x640xf32, #tpu.memory_space<vmem_shared>>
      %dma_wait3A_161 = tpu.memref_squeeze %dma_wait3A_160 : memref<1x1x640xf32, #tpu.memory_space<vmem_shared>> -> memref<640xf32, #tpu.memory_space<vmem_shared>>
      %dma_wait3A_162 = arith.constant 0 : i32
      %dma_wait3A_163 = tpu.memref_slice %arg8[%run_scoped3A_94, %dma_wait3A_162] : memref<16x640xf32, #tpu.memory_space<vmem>> -> memref<1x640xf32, #tpu.memory_space<vmem>>
      %dma_wait3A_164 = tpu.memref_squeeze %dma_wait3A_163 : memref<1x640xf32, #tpu.memory_space<vmem>> -> memref<640xf32, #tpu.memory_space<vmem>>
      %dma_wait3A_165 = tpu.memref_slice %arg10[%run_scoped3A_92, %run_scoped3A_93, %mul3A_23] : memref<2x16x10240xf32, #tpu.memory_space<vmem_shared>> -> memref<1x1x640xf32, #tpu.memory_space<vmem_shared>>
      %dma_wait3A_166 = tpu.memref_squeeze %dma_wait3A_165 : memref<1x1x640xf32, #tpu.memory_space<vmem_shared>> -> memref<640xf32, #tpu.memory_space<vmem_shared>>
      tpu.wait_dma2 semaphore(%run_scoped3A_148 : memref<!tpu.dma_semaphore, #tpu.memory_space<semaphore_mem>>) src(%dma_wait3A_166 : memref<640xf32, #tpu.memory_space<vmem_shared>>) dst(%dma_wait3A_164 : memref<640xf32, #tpu.memory_space<vmem>>)
      tpu.yield
    }) : () -> ()
    %run_scoped3A_95 = arith.constant 1 : i32
    %run_scoped3A_96 = arith.constant 3 : i32
    %run_scoped3A_97 = arith.constant 3 : i32
    "tpu.region"() ({
      %run_scoped3A_148 = tpu.sem_alloc : memref<!tpu.dma_semaphore, #tpu.memory_space<semaphore_mem>>
      %dma_start3A = arith.constant 0 : i32
      %dma_start3A_149 = tpu.memref_slice %arg8[%run_scoped3A_97, %dma_start3A] : memref<16x640xf32, #tpu.memory_space<vmem>> -> memref<1x640xf32, #tpu.memory_space<vmem>>
      %dma_start3A_150 = tpu.memref_squeeze %dma_start3A_149 : memref<1x640xf32, #tpu.memory_space<vmem>> -> memref<640xf32, #tpu.memory_space<vmem>>
      %dma_start3A_151 = tpu.memref_slice %arg10[%run_scoped3A_95, %run_scoped3A_96, %mul3A_23] : memref<2x16x10240xf32, #tpu.memory_space<vmem_shared>> -> memref<1x1x640xf32, #tpu.memory_space<vmem_shared>>
      %dma_start3A_152 = tpu.memref_squeeze %dma_start3A_151 : memref<1x1x640xf32, #tpu.memory_space<vmem_shared>> -> memref<640xf32, #tpu.memory_space<vmem_shared>>
      %dma_start3A_153 = arith.constant 0 : i32
      %dma_start3A_154 = tpu.memref_slice %arg8[%run_scoped3A_97, %dma_start3A_153] : memref<16x640xf32, #tpu.memory_space<vmem>> -> memref<1x640xf32, #tpu.memory_space<vmem>>
      %dma_start3A_155 = tpu.memref_squeeze %dma_start3A_154 : memref<1x640xf32, #tpu.memory_space<vmem>> -> memref<640xf32, #tpu.memory_space<vmem>>
      %dma_start3A_156 = tpu.memref_slice %arg10[%run_scoped3A_95, %run_scoped3A_96, %mul3A_23] : memref<2x16x10240xf32, #tpu.memory_space<vmem_shared>> -> memref<1x1x640xf32, #tpu.memory_space<vmem_shared>>
      %dma_start3A_157 = tpu.memref_squeeze %dma_start3A_156 : memref<1x1x640xf32, #tpu.memory_space<vmem_shared>> -> memref<640xf32, #tpu.memory_space<vmem_shared>>
      tpu.enqueue_dma source(%dma_start3A_157 : memref<640xf32, #tpu.memory_space<vmem_shared>>) target(%dma_start3A_155 : memref<640xf32, #tpu.memory_space<vmem>>) target_semaphore(%run_scoped3A_148 : memref<!tpu.dma_semaphore, #tpu.memory_space<semaphore_mem>>)
      %dma_wait3A = arith.constant 0 : i32
      %dma_wait3A_158 = tpu.memref_slice %arg8[%run_scoped3A_97, %dma_wait3A] : memref<16x640xf32, #tpu.memory_space<vmem>> -> memref<1x640xf32, #tpu.memory_space<vmem>>
      %dma_wait3A_159 = tpu.memref_squeeze %dma_wait3A_158 : memref<1x640xf32, #tpu.memory_space<vmem>> -> memref<640xf32, #tpu.memory_space<vmem>>
      %dma_wait3A_160 = tpu.memref_slice %arg10[%run_scoped3A_95, %run_scoped3A_96, %mul3A_23] : memref<2x16x10240xf32, #tpu.memory_space<vmem_shared>> -> memref<1x1x640xf32, #tpu.memory_space<vmem_shared>>
      %dma_wait3A_161 = tpu.memref_squeeze %dma_wait3A_160 : memref<1x1x640xf32, #tpu.memory_space<vmem_shared>> -> memref<640xf32, #tpu.memory_space<vmem_shared>>
      %dma_wait3A_162 = arith.constant 0 : i32
      %dma_wait3A_163 = tpu.memref_slice %arg8[%run_scoped3A_97, %dma_wait3A_162] : memref<16x640xf32, #tpu.memory_space<vmem>> -> memref<1x640xf32, #tpu.memory_space<vmem>>
      %dma_wait3A_164 = tpu.memref_squeeze %dma_wait3A_163 : memref<1x640xf32, #tpu.memory_space<vmem>> -> memref<640xf32, #tpu.memory_space<vmem>>
      %dma_wait3A_165 = tpu.memref_slice %arg10[%run_scoped3A_95, %run_scoped3A_96, %mul3A_23] : memref<2x16x10240xf32, #tpu.memory_space<vmem_shared>> -> memref<1x1x640xf32, #tpu.memory_space<vmem_shared>>
      %dma_wait3A_166 = tpu.memref_squeeze %dma_wait3A_165 : memref<1x1x640xf32, #tpu.memory_space<vmem_shared>> -> memref<640xf32, #tpu.memory_space<vmem_shared>>
      tpu.wait_dma2 semaphore(%run_scoped3A_148 : memref<!tpu.dma_semaphore, #tpu.memory_space<semaphore_mem>>) src(%dma_wait3A_166 : memref<640xf32, #tpu.memory_space<vmem_shared>>) dst(%dma_wait3A_164 : memref<640xf32, #tpu.memory_space<vmem>>)
      tpu.yield
    }) : () -> ()
    %run_scoped3A_98 = arith.constant 1 : i32
    %run_scoped3A_99 = arith.constant 4 : i32
    %run_scoped3A_100 = arith.constant 4 : i32
    "tpu.region"() ({
      %run_scoped3A_148 = tpu.sem_alloc : memref<!tpu.dma_semaphore, #tpu.memory_space<semaphore_mem>>
      %dma_start3A = arith.constant 0 : i32
      %dma_start3A_149 = tpu.memref_slice %arg8[%run_scoped3A_100, %dma_start3A] : memref<16x640xf32, #tpu.memory_space<vmem>> -> memref<1x640xf32, #tpu.memory_space<vmem>>
      %dma_start3A_150 = tpu.memref_squeeze %dma_start3A_149 : memref<1x640xf32, #tpu.memory_space<vmem>> -> memref<640xf32, #tpu.memory_space<vmem>>
      %dma_start3A_151 = tpu.memref_slice %arg10[%run_scoped3A_98, %run_scoped3A_99, %mul3A_23] : memref<2x16x10240xf32, #tpu.memory_space<vmem_shared>> -> memref<1x1x640xf32, #tpu.memory_space<vmem_shared>>
      %dma_start3A_152 = tpu.memref_squeeze %dma_start3A_151 : memref<1x1x640xf32, #tpu.memory_space<vmem_shared>> -> memref<640xf32, #tpu.memory_space<vmem_shared>>
      %dma_start3A_153 = arith.constant 0 : i32
      %dma_start3A_154 = tpu.memref_slice %arg8[%run_scoped3A_100, %dma_start3A_153] : memref<16x640xf32, #tpu.memory_space<vmem>> -> memref<1x640xf32, #tpu.memory_space<vmem>>
      %dma_start3A_155 = tpu.memref_squeeze %dma_start3A_154 : memref<1x640xf32, #tpu.memory_space<vmem>> -> memref<640xf32, #tpu.memory_space<vmem>>
      %dma_start3A_156 = tpu.memref_slice %arg10[%run_scoped3A_98, %run_scoped3A_99, %mul3A_23] : memref<2x16x10240xf32, #tpu.memory_space<vmem_shared>> -> memref<1x1x640xf32, #tpu.memory_space<vmem_shared>>
      %dma_start3A_157 = tpu.memref_squeeze %dma_start3A_156 : memref<1x1x640xf32, #tpu.memory_space<vmem_shared>> -> memref<640xf32, #tpu.memory_space<vmem_shared>>
      tpu.enqueue_dma source(%dma_start3A_157 : memref<640xf32, #tpu.memory_space<vmem_shared>>) target(%dma_start3A_155 : memref<640xf32, #tpu.memory_space<vmem>>) target_semaphore(%run_scoped3A_148 : memref<!tpu.dma_semaphore, #tpu.memory_space<semaphore_mem>>)
      %dma_wait3A = arith.constant 0 : i32
      %dma_wait3A_158 = tpu.memref_slice %arg8[%run_scoped3A_100, %dma_wait3A] : memref<16x640xf32, #tpu.memory_space<vmem>> -> memref<1x640xf32, #tpu.memory_space<vmem>>
      %dma_wait3A_159 = tpu.memref_squeeze %dma_wait3A_158 : memref<1x640xf32, #tpu.memory_space<vmem>> -> memref<640xf32, #tpu.memory_space<vmem>>
      %dma_wait3A_160 = tpu.memref_slice %arg10[%run_scoped3A_98, %run_scoped3A_99, %mul3A_23] : memref<2x16x10240xf32, #tpu.memory_space<vmem_shared>> -> memref<1x1x640xf32, #tpu.memory_space<vmem_shared>>
      %dma_wait3A_161 = tpu.memref_squeeze %dma_wait3A_160 : memref<1x1x640xf32, #tpu.memory_space<vmem_shared>> -> memref<640xf32, #tpu.memory_space<vmem_shared>>
      %dma_wait3A_162 = arith.constant 0 : i32
      %dma_wait3A_163 = tpu.memref_slice %arg8[%run_scoped3A_100, %dma_wait3A_162] : memref<16x640xf32, #tpu.memory_space<vmem>> -> memref<1x640xf32, #tpu.memory_space<vmem>>
      %dma_wait3A_164 = tpu.memref_squeeze %dma_wait3A_163 : memref<1x640xf32, #tpu.memory_space<vmem>> -> memref<640xf32, #tpu.memory_space<vmem>>
      %dma_wait3A_165 = tpu.memref_slice %arg10[%run_scoped3A_98, %run_scoped3A_99, %mul3A_23] : memref<2x16x10240xf32, #tpu.memory_space<vmem_shared>> -> memref<1x1x640xf32, #tpu.memory_space<vmem_shared>>
      %dma_wait3A_166 = tpu.memref_squeeze %dma_wait3A_165 : memref<1x1x640xf32, #tpu.memory_space<vmem_shared>> -> memref<640xf32, #tpu.memory_space<vmem_shared>>
      tpu.wait_dma2 semaphore(%run_scoped3A_148 : memref<!tpu.dma_semaphore, #tpu.memory_space<semaphore_mem>>) src(%dma_wait3A_166 : memref<640xf32, #tpu.memory_space<vmem_shared>>) dst(%dma_wait3A_164 : memref<640xf32, #tpu.memory_space<vmem>>)
      tpu.yield
    }) : () -> ()
    %run_scoped3A_101 = arith.constant 1 : i32
    %run_scoped3A_102 = arith.constant 5 : i32
    %run_scoped3A_103 = arith.constant 5 : i32
    "tpu.region"() ({
      %run_scoped3A_148 = tpu.sem_alloc : memref<!tpu.dma_semaphore, #tpu.memory_space<semaphore_mem>>
      %dma_start3A = arith.constant 0 : i32
      %dma_start3A_149 = tpu.memref_slice %arg8[%run_scoped3A_103, %dma_start3A] : memref<16x640xf32, #tpu.memory_space<vmem>> -> memref<1x640xf32, #tpu.memory_space<vmem>>
      %dma_start3A_150 = tpu.memref_squeeze %dma_start3A_149 : memref<1x640xf32, #tpu.memory_space<vmem>> -> memref<640xf32, #tpu.memory_space<vmem>>
      %dma_start3A_151 = tpu.memref_slice %arg10[%run_scoped3A_101, %run_scoped3A_102, %mul3A_23] : memref<2x16x10240xf32, #tpu.memory_space<vmem_shared>> -> memref<1x1x640xf32, #tpu.memory_space<vmem_shared>>
      %dma_start3A_152 = tpu.memref_squeeze %dma_start3A_151 : memref<1x1x640xf32, #tpu.memory_space<vmem_shared>> -> memref<640xf32, #tpu.memory_space<vmem_shared>>
      %dma_start3A_153 = arith.constant 0 : i32
      %dma_start3A_154 = tpu.memref_slice %arg8[%run_scoped3A_103, %dma_start3A_153] : memref<16x640xf32, #tpu.memory_space<vmem>> -> memref<1x640xf32, #tpu.memory_space<vmem>>
      %dma_start3A_155 = tpu.memref_squeeze %dma_start3A_154 : memref<1x640xf32, #tpu.memory_space<vmem>> -> memref<640xf32, #tpu.memory_space<vmem>>
      %dma_start3A_156 = tpu.memref_slice %arg10[%run_scoped3A_101, %run_scoped3A_102, %mul3A_23] : memref<2x16x10240xf32, #tpu.memory_space<vmem_shared>> -> memref<1x1x640xf32, #tpu.memory_space<vmem_shared>>
      %dma_start3A_157 = tpu.memref_squeeze %dma_start3A_156 : memref<1x1x640xf32, #tpu.memory_space<vmem_shared>> -> memref<640xf32, #tpu.memory_space<vmem_shared>>
      tpu.enqueue_dma source(%dma_start3A_157 : memref<640xf32, #tpu.memory_space<vmem_shared>>) target(%dma_start3A_155 : memref<640xf32, #tpu.memory_space<vmem>>) target_semaphore(%run_scoped3A_148 : memref<!tpu.dma_semaphore, #tpu.memory_space<semaphore_mem>>)
      %dma_wait3A = arith.constant 0 : i32
      %dma_wait3A_158 = tpu.memref_slice %arg8[%run_scoped3A_103, %dma_wait3A] : memref<16x640xf32, #tpu.memory_space<vmem>> -> memref<1x640xf32, #tpu.memory_space<vmem>>
      %dma_wait3A_159 = tpu.memref_squeeze %dma_wait3A_158 : memref<1x640xf32, #tpu.memory_space<vmem>> -> memref<640xf32, #tpu.memory_space<vmem>>
      %dma_wait3A_160 = tpu.memref_slice %arg10[%run_scoped3A_101, %run_scoped3A_102, %mul3A_23] : memref<2x16x10240xf32, #tpu.memory_space<vmem_shared>> -> memref<1x1x640xf32, #tpu.memory_space<vmem_shared>>
      %dma_wait3A_161 = tpu.memref_squeeze %dma_wait3A_160 : memref<1x1x640xf32, #tpu.memory_space<vmem_shared>> -> memref<640xf32, #tpu.memory_space<vmem_shared>>
      %dma_wait3A_162 = arith.constant 0 : i32
      %dma_wait3A_163 = tpu.memref_slice %arg8[%run_scoped3A_103, %dma_wait3A_162] : memref<16x640xf32, #tpu.memory_space<vmem>> -> memref<1x640xf32, #tpu.memory_space<vmem>>
      %dma_wait3A_164 = tpu.memref_squeeze %dma_wait3A_163 : memref<1x640xf32, #tpu.memory_space<vmem>> -> memref<640xf32, #tpu.memory_space<vmem>>
      %dma_wait3A_165 = tpu.memref_slice %arg10[%run_scoped3A_101, %run_scoped3A_102, %mul3A_23] : memref<2x16x10240xf32, #tpu.memory_space<vmem_shared>> -> memref<1x1x640xf32, #tpu.memory_space<vmem_shared>>
      %dma_wait3A_166 = tpu.memref_squeeze %dma_wait3A_165 : memref<1x1x640xf32, #tpu.memory_space<vmem_shared>> -> memref<640xf32, #tpu.memory_space<vmem_shared>>
      tpu.wait_dma2 semaphore(%run_scoped3A_148 : memref<!tpu.dma_semaphore, #tpu.memory_space<semaphore_mem>>) src(%dma_wait3A_166 : memref<640xf32, #tpu.memory_space<vmem_shared>>) dst(%dma_wait3A_164 : memref<640xf32, #tpu.memory_space<vmem>>)
      tpu.yield
    }) : () -> ()
    %run_scoped3A_104 = arith.constant 1 : i32
    %run_scoped3A_105 = arith.constant 6 : i32
    %run_scoped3A_106 = arith.constant 6 : i32
    "tpu.region"() ({
      %run_scoped3A_148 = tpu.sem_alloc : memref<!tpu.dma_semaphore, #tpu.memory_space<semaphore_mem>>
      %dma_start3A = arith.constant 0 : i32
      %dma_start3A_149 = tpu.memref_slice %arg8[%run_scoped3A_106, %dma_start3A] : memref<16x640xf32, #tpu.memory_space<vmem>> -> memref<1x640xf32, #tpu.memory_space<vmem>>
      %dma_start3A_150 = tpu.memref_squeeze %dma_start3A_149 : memref<1x640xf32, #tpu.memory_space<vmem>> -> memref<640xf32, #tpu.memory_space<vmem>>
      %dma_start3A_151 = tpu.memref_slice %arg10[%run_scoped3A_104, %run_scoped3A_105, %mul3A_23] : memref<2x16x10240xf32, #tpu.memory_space<vmem_shared>> -> memref<1x1x640xf32, #tpu.memory_space<vmem_shared>>
      %dma_start3A_152 = tpu.memref_squeeze %dma_start3A_151 : memref<1x1x640xf32, #tpu.memory_space<vmem_shared>> -> memref<640xf32, #tpu.memory_space<vmem_shared>>
      %dma_start3A_153 = arith.constant 0 : i32
      %dma_start3A_154 = tpu.memref_slice %arg8[%run_scoped3A_106, %dma_start3A_153] : memref<16x640xf32, #tpu.memory_space<vmem>> -> memref<1x640xf32, #tpu.memory_space<vmem>>
      %dma_start3A_155 = tpu.memref_squeeze %dma_start3A_154 : memref<1x640xf32, #tpu.memory_space<vmem>> -> memref<640xf32, #tpu.memory_space<vmem>>
      %dma_start3A_156 = tpu.memref_slice %arg10[%run_scoped3A_104, %run_scoped3A_105, %mul3A_23] : memref<2x16x10240xf32, #tpu.memory_space<vmem_shared>> -> memref<1x1x640xf32, #tpu.memory_space<vmem_shared>>
      %dma_start3A_157 = tpu.memref_squeeze %dma_start3A_156 : memref<1x1x640xf32, #tpu.memory_space<vmem_shared>> -> memref<640xf32, #tpu.memory_space<vmem_shared>>
      tpu.enqueue_dma source(%dma_start3A_157 : memref<640xf32, #tpu.memory_space<vmem_shared>>) target(%dma_start3A_155 : memref<640xf32, #tpu.memory_space<vmem>>) target_semaphore(%run_scoped3A_148 : memref<!tpu.dma_semaphore, #tpu.memory_space<semaphore_mem>>)
      %dma_wait3A = arith.constant 0 : i32
      %dma_wait3A_158 = tpu.memref_slice %arg8[%run_scoped3A_106, %dma_wait3A] : memref<16x640xf32, #tpu.memory_space<vmem>> -> memref<1x640xf32, #tpu.memory_space<vmem>>
      %dma_wait3A_159 = tpu.memref_squeeze %dma_wait3A_158 : memref<1x640xf32, #tpu.memory_space<vmem>> -> memref<640xf32, #tpu.memory_space<vmem>>
      %dma_wait3A_160 = tpu.memref_slice %arg10[%run_scoped3A_104, %run_scoped3A_105, %mul3A_23] : memref<2x16x10240xf32, #tpu.memory_space<vmem_shared>> -> memref<1x1x640xf32, #tpu.memory_space<vmem_shared>>
      %dma_wait3A_161 = tpu.memref_squeeze %dma_wait3A_160 : memref<1x1x640xf32, #tpu.memory_space<vmem_shared>> -> memref<640xf32, #tpu.memory_space<vmem_shared>>
      %dma_wait3A_162 = arith.constant 0 : i32
      %dma_wait3A_163 = tpu.memref_slice %arg8[%run_scoped3A_106, %dma_wait3A_162] : memref<16x640xf32, #tpu.memory_space<vmem>> -> memref<1x640xf32, #tpu.memory_space<vmem>>
      %dma_wait3A_164 = tpu.memref_squeeze %dma_wait3A_163 : memref<1x640xf32, #tpu.memory_space<vmem>> -> memref<640xf32, #tpu.memory_space<vmem>>
      %dma_wait3A_165 = tpu.memref_slice %arg10[%run_scoped3A_104, %run_scoped3A_105, %mul3A_23] : memref<2x16x10240xf32, #tpu.memory_space<vmem_shared>> -> memref<1x1x640xf32, #tpu.memory_space<vmem_shared>>
      %dma_wait3A_166 = tpu.memref_squeeze %dma_wait3A_165 : memref<1x1x640xf32, #tpu.memory_space<vmem_shared>> -> memref<640xf32, #tpu.memory_space<vmem_shared>>
      tpu.wait_dma2 semaphore(%run_scoped3A_148 : memref<!tpu.dma_semaphore, #tpu.memory_space<semaphore_mem>>) src(%dma_wait3A_166 : memref<640xf32, #tpu.memory_space<vmem_shared>>) dst(%dma_wait3A_164 : memref<640xf32, #tpu.memory_space<vmem>>)
      tpu.yield
    }) : () -> ()
    %run_scoped3A_107 = arith.constant 1 : i32
    %run_scoped3A_108 = arith.constant 7 : i32
    %run_scoped3A_109 = arith.constant 7 : i32
    "tpu.region"() ({
      %run_scoped3A_148 = tpu.sem_alloc : memref<!tpu.dma_semaphore, #tpu.memory_space<semaphore_mem>>
      %dma_start3A = arith.constant 0 : i32
      %dma_start3A_149 = tpu.memref_slice %arg8[%run_scoped3A_109, %dma_start3A] : memref<16x640xf32, #tpu.memory_space<vmem>> -> memref<1x640xf32, #tpu.memory_space<vmem>>
      %dma_start3A_150 = tpu.memref_squeeze %dma_start3A_149 : memref<1x640xf32, #tpu.memory_space<vmem>> -> memref<640xf32, #tpu.memory_space<vmem>>
      %dma_start3A_151 = tpu.memref_slice %arg10[%run_scoped3A_107, %run_scoped3A_108, %mul3A_23] : memref<2x16x10240xf32, #tpu.memory_space<vmem_shared>> -> memref<1x1x640xf32, #tpu.memory_space<vmem_shared>>
      %dma_start3A_152 = tpu.memref_squeeze %dma_start3A_151 : memref<1x1x640xf32, #tpu.memory_space<vmem_shared>> -> memref<640xf32, #tpu.memory_space<vmem_shared>>
      %dma_start3A_153 = arith.constant 0 : i32
      %dma_start3A_154 = tpu.memref_slice %arg8[%run_scoped3A_109, %dma_start3A_153] : memref<16x640xf32, #tpu.memory_space<vmem>> -> memref<1x640xf32, #tpu.memory_space<vmem>>
      %dma_start3A_155 = tpu.memref_squeeze %dma_start3A_154 : memref<1x640xf32, #tpu.memory_space<vmem>> -> memref<640xf32, #tpu.memory_space<vmem>>
      %dma_start3A_156 = tpu.memref_slice %arg10[%run_scoped3A_107, %run_scoped3A_108, %mul3A_23] : memref<2x16x10240xf32, #tpu.memory_space<vmem_shared>> -> memref<1x1x640xf32, #tpu.memory_space<vmem_shared>>
      %dma_start3A_157 = tpu.memref_squeeze %dma_start3A_156 : memref<1x1x640xf32, #tpu.memory_space<vmem_shared>> -> memref<640xf32, #tpu.memory_space<vmem_shared>>
      tpu.enqueue_dma source(%dma_start3A_157 : memref<640xf32, #tpu.memory_space<vmem_shared>>) target(%dma_start3A_155 : memref<640xf32, #tpu.memory_space<vmem>>) target_semaphore(%run_scoped3A_148 : memref<!tpu.dma_semaphore, #tpu.memory_space<semaphore_mem>>)
      %dma_wait3A = arith.constant 0 : i32
      %dma_wait3A_158 = tpu.memref_slice %arg8[%run_scoped3A_109, %dma_wait3A] : memref<16x640xf32, #tpu.memory_space<vmem>> -> memref<1x640xf32, #tpu.memory_space<vmem>>
      %dma_wait3A_159 = tpu.memref_squeeze %dma_wait3A_158 : memref<1x640xf32, #tpu.memory_space<vmem>> -> memref<640xf32, #tpu.memory_space<vmem>>
      %dma_wait3A_160 = tpu.memref_slice %arg10[%run_scoped3A_107, %run_scoped3A_108, %mul3A_23] : memref<2x16x10240xf32, #tpu.memory_space<vmem_shared>> -> memref<1x1x640xf32, #tpu.memory_space<vmem_shared>>
      %dma_wait3A_161 = tpu.memref_squeeze %dma_wait3A_160 : memref<1x1x640xf32, #tpu.memory_space<vmem_shared>> -> memref<640xf32, #tpu.memory_space<vmem_shared>>
      %dma_wait3A_162 = arith.constant 0 : i32
      %dma_wait3A_163 = tpu.memref_slice %arg8[%run_scoped3A_109, %dma_wait3A_162] : memref<16x640xf32, #tpu.memory_space<vmem>> -> memref<1x640xf32, #tpu.memory_space<vmem>>
      %dma_wait3A_164 = tpu.memref_squeeze %dma_wait3A_163 : memref<1x640xf32, #tpu.memory_space<vmem>> -> memref<640xf32, #tpu.memory_space<vmem>>
      %dma_wait3A_165 = tpu.memref_slice %arg10[%run_scoped3A_107, %run_scoped3A_108, %mul3A_23] : memref<2x16x10240xf32, #tpu.memory_space<vmem_shared>> -> memref<1x1x640xf32, #tpu.memory_space<vmem_shared>>
      %dma_wait3A_166 = tpu.memref_squeeze %dma_wait3A_165 : memref<1x1x640xf32, #tpu.memory_space<vmem_shared>> -> memref<640xf32, #tpu.memory_space<vmem_shared>>
      tpu.wait_dma2 semaphore(%run_scoped3A_148 : memref<!tpu.dma_semaphore, #tpu.memory_space<semaphore_mem>>) src(%dma_wait3A_166 : memref<640xf32, #tpu.memory_space<vmem_shared>>) dst(%dma_wait3A_164 : memref<640xf32, #tpu.memory_space<vmem>>)
      tpu.yield
    }) : () -> ()
    %run_scoped3A_110 = arith.constant 1 : i32
    %run_scoped3A_111 = arith.constant 8 : i32
    %run_scoped3A_112 = arith.constant 8 : i32
    "tpu.region"() ({
      %run_scoped3A_148 = tpu.sem_alloc : memref<!tpu.dma_semaphore, #tpu.memory_space<semaphore_mem>>
      %dma_start3A = arith.constant 0 : i32
      %dma_start3A_149 = tpu.memref_slice %arg8[%run_scoped3A_112, %dma_start3A] : memref<16x640xf32, #tpu.memory_space<vmem>> -> memref<1x640xf32, #tpu.memory_space<vmem>>
      %dma_start3A_150 = tpu.memref_squeeze %dma_start3A_149 : memref<1x640xf32, #tpu.memory_space<vmem>> -> memref<640xf32, #tpu.memory_space<vmem>>
      %dma_start3A_151 = tpu.memref_slice %arg10[%run_scoped3A_110, %run_scoped3A_111, %mul3A_23] : memref<2x16x10240xf32, #tpu.memory_space<vmem_shared>> -> memref<1x1x640xf32, #tpu.memory_space<vmem_shared>>
      %dma_start3A_152 = tpu.memref_squeeze %dma_start3A_151 : memref<1x1x640xf32, #tpu.memory_space<vmem_shared>> -> memref<640xf32, #tpu.memory_space<vmem_shared>>
      %dma_start3A_153 = arith.constant 0 : i32
      %dma_start3A_154 = tpu.memref_slice %arg8[%run_scoped3A_112, %dma_start3A_153] : memref<16x640xf32, #tpu.memory_space<vmem>> -> memref<1x640xf32, #tpu.memory_space<vmem>>
      %dma_start3A_155 = tpu.memref_squeeze %dma_start3A_154 : memref<1x640xf32, #tpu.memory_space<vmem>> -> memref<640xf32, #tpu.memory_space<vmem>>
      %dma_start3A_156 = tpu.memref_slice %arg10[%run_scoped3A_110, %run_scoped3A_111, %mul3A_23] : memref<2x16x10240xf32, #tpu.memory_space<vmem_shared>> -> memref<1x1x640xf32, #tpu.memory_space<vmem_shared>>
      %dma_start3A_157 = tpu.memref_squeeze %dma_start3A_156 : memref<1x1x640xf32, #tpu.memory_space<vmem_shared>> -> memref<640xf32, #tpu.memory_space<vmem_shared>>
      tpu.enqueue_dma source(%dma_start3A_157 : memref<640xf32, #tpu.memory_space<vmem_shared>>) target(%dma_start3A_155 : memref<640xf32, #tpu.memory_space<vmem>>) target_semaphore(%run_scoped3A_148 : memref<!tpu.dma_semaphore, #tpu.memory_space<semaphore_mem>>)
      %dma_wait3A = arith.constant 0 : i32
      %dma_wait3A_158 = tpu.memref_slice %arg8[%run_scoped3A_112, %dma_wait3A] : memref<16x640xf32, #tpu.memory_space<vmem>> -> memref<1x640xf32, #tpu.memory_space<vmem>>
      %dma_wait3A_159 = tpu.memref_squeeze %dma_wait3A_158 : memref<1x640xf32, #tpu.memory_space<vmem>> -> memref<640xf32, #tpu.memory_space<vmem>>
      %dma_wait3A_160 = tpu.memref_slice %arg10[%run_scoped3A_110, %run_scoped3A_111, %mul3A_23] : memref<2x16x10240xf32, #tpu.memory_space<vmem_shared>> -> memref<1x1x640xf32, #tpu.memory_space<vmem_shared>>
      %dma_wait3A_161 = tpu.memref_squeeze %dma_wait3A_160 : memref<1x1x640xf32, #tpu.memory_space<vmem_shared>> -> memref<640xf32, #tpu.memory_space<vmem_shared>>
      %dma_wait3A_162 = arith.constant 0 : i32
      %dma_wait3A_163 = tpu.memref_slice %arg8[%run_scoped3A_112, %dma_wait3A_162] : memref<16x640xf32, #tpu.memory_space<vmem>> -> memref<1x640xf32, #tpu.memory_space<vmem>>
      %dma_wait3A_164 = tpu.memref_squeeze %dma_wait3A_163 : memref<1x640xf32, #tpu.memory_space<vmem>> -> memref<640xf32, #tpu.memory_space<vmem>>
      %dma_wait3A_165 = tpu.memref_slice %arg10[%run_scoped3A_110, %run_scoped3A_111, %mul3A_23] : memref<2x16x10240xf32, #tpu.memory_space<vmem_shared>> -> memref<1x1x640xf32, #tpu.memory_space<vmem_shared>>
      %dma_wait3A_166 = tpu.memref_squeeze %dma_wait3A_165 : memref<1x1x640xf32, #tpu.memory_space<vmem_shared>> -> memref<640xf32, #tpu.memory_space<vmem_shared>>
      tpu.wait_dma2 semaphore(%run_scoped3A_148 : memref<!tpu.dma_semaphore, #tpu.memory_space<semaphore_mem>>) src(%dma_wait3A_166 : memref<640xf32, #tpu.memory_space<vmem_shared>>) dst(%dma_wait3A_164 : memref<640xf32, #tpu.memory_space<vmem>>)
      tpu.yield
    }) : () -> ()
    %run_scoped3A_113 = arith.constant 1 : i32
    %run_scoped3A_114 = arith.constant 9 : i32
    %run_scoped3A_115 = arith.constant 9 : i32
    "tpu.region"() ({
      %run_scoped3A_148 = tpu.sem_alloc : memref<!tpu.dma_semaphore, #tpu.memory_space<semaphore_mem>>
      %dma_start3A = arith.constant 0 : i32
      %dma_start3A_149 = tpu.memref_slice %arg8[%run_scoped3A_115, %dma_start3A] : memref<16x640xf32, #tpu.memory_space<vmem>> -> memref<1x640xf32, #tpu.memory_space<vmem>>
      %dma_start3A_150 = tpu.memref_squeeze %dma_start3A_149 : memref<1x640xf32, #tpu.memory_space<vmem>> -> memref<640xf32, #tpu.memory_space<vmem>>
      %dma_start3A_151 = tpu.memref_slice %arg10[%run_scoped3A_113, %run_scoped3A_114, %mul3A_23] : memref<2x16x10240xf32, #tpu.memory_space<vmem_shared>> -> memref<1x1x640xf32, #tpu.memory_space<vmem_shared>>
      %dma_start3A_152 = tpu.memref_squeeze %dma_start3A_151 : memref<1x1x640xf32, #tpu.memory_space<vmem_shared>> -> memref<640xf32, #tpu.memory_space<vmem_shared>>
      %dma_start3A_153 = arith.constant 0 : i32
      %dma_start3A_154 = tpu.memref_slice %arg8[%run_scoped3A_115, %dma_start3A_153] : memref<16x640xf32, #tpu.memory_space<vmem>> -> memref<1x640xf32, #tpu.memory_space<vmem>>
      %dma_start3A_155 = tpu.memref_squeeze %dma_start3A_154 : memref<1x640xf32, #tpu.memory_space<vmem>> -> memref<640xf32, #tpu.memory_space<vmem>>
      %dma_start3A_156 = tpu.memref_slice %arg10[%run_scoped3A_113, %run_scoped3A_114, %mul3A_23] : memref<2x16x10240xf32, #tpu.memory_space<vmem_shared>> -> memref<1x1x640xf32, #tpu.memory_space<vmem_shared>>
      %dma_start3A_157 = tpu.memref_squeeze %dma_start3A_156 : memref<1x1x640xf32, #tpu.memory_space<vmem_shared>> -> memref<640xf32, #tpu.memory_space<vmem_shared>>
      tpu.enqueue_dma source(%dma_start3A_157 : memref<640xf32, #tpu.memory_space<vmem_shared>>) target(%dma_start3A_155 : memref<640xf32, #tpu.memory_space<vmem>>) target_semaphore(%run_scoped3A_148 : memref<!tpu.dma_semaphore, #tpu.memory_space<semaphore_mem>>)
      %dma_wait3A = arith.constant 0 : i32
      %dma_wait3A_158 = tpu.memref_slice %arg8[%run_scoped3A_115, %dma_wait3A] : memref<16x640xf32, #tpu.memory_space<vmem>> -> memref<1x640xf32, #tpu.memory_space<vmem>>
      %dma_wait3A_159 = tpu.memref_squeeze %dma_wait3A_158 : memref<1x640xf32, #tpu.memory_space<vmem>> -> memref<640xf32, #tpu.memory_space<vmem>>
      %dma_wait3A_160 = tpu.memref_slice %arg10[%run_scoped3A_113, %run_scoped3A_114, %mul3A_23] : memref<2x16x10240xf32, #tpu.memory_space<vmem_shared>> -> memref<1x1x640xf32, #tpu.memory_space<vmem_shared>>
      %dma_wait3A_161 = tpu.memref_squeeze %dma_wait3A_160 : memref<1x1x640xf32, #tpu.memory_space<vmem_shared>> -> memref<640xf32, #tpu.memory_space<vmem_shared>>
      %dma_wait3A_162 = arith.constant 0 : i32
      %dma_wait3A_163 = tpu.memref_slice %arg8[%run_scoped3A_115, %dma_wait3A_162] : memref<16x640xf32, #tpu.memory_space<vmem>> -> memref<1x640xf32, #tpu.memory_space<vmem>>
      %dma_wait3A_164 = tpu.memref_squeeze %dma_wait3A_163 : memref<1x640xf32, #tpu.memory_space<vmem>> -> memref<640xf32, #tpu.memory_space<vmem>>
      %dma_wait3A_165 = tpu.memref_slice %arg10[%run_scoped3A_113, %run_scoped3A_114, %mul3A_23] : memref<2x16x10240xf32, #tpu.memory_space<vmem_shared>> -> memref<1x1x640xf32, #tpu.memory_space<vmem_shared>>
      %dma_wait3A_166 = tpu.memref_squeeze %dma_wait3A_165 : memref<1x1x640xf32, #tpu.memory_space<vmem_shared>> -> memref<640xf32, #tpu.memory_space<vmem_shared>>
      tpu.wait_dma2 semaphore(%run_scoped3A_148 : memref<!tpu.dma_semaphore, #tpu.memory_space<semaphore_mem>>) src(%dma_wait3A_166 : memref<640xf32, #tpu.memory_space<vmem_shared>>) dst(%dma_wait3A_164 : memref<640xf32, #tpu.memory_space<vmem>>)
      tpu.yield
    }) : () -> ()
    %run_scoped3A_116 = arith.constant 1 : i32
    %run_scoped3A_117 = arith.constant 10 : i32
    %run_scoped3A_118 = arith.constant 10 : i32
    "tpu.region"() ({
      %run_scoped3A_148 = tpu.sem_alloc : memref<!tpu.dma_semaphore, #tpu.memory_space<semaphore_mem>>
      %dma_start3A = arith.constant 0 : i32
      %dma_start3A_149 = tpu.memref_slice %arg8[%run_scoped3A_118, %dma_start3A] : memref<16x640xf32, #tpu.memory_space<vmem>> -> memref<1x640xf32, #tpu.memory_space<vmem>>
      %dma_start3A_150 = tpu.memref_squeeze %dma_start3A_149 : memref<1x640xf32, #tpu.memory_space<vmem>> -> memref<640xf32, #tpu.memory_space<vmem>>
      %dma_start3A_151 = tpu.memref_slice %arg10[%run_scoped3A_116, %run_scoped3A_117, %mul3A_23] : memref<2x16x10240xf32, #tpu.memory_space<vmem_shared>> -> memref<1x1x640xf32, #tpu.memory_space<vmem_shared>>
      %dma_start3A_152 = tpu.memref_squeeze %dma_start3A_151 : memref<1x1x640xf32, #tpu.memory_space<vmem_shared>> -> memref<640xf32, #tpu.memory_space<vmem_shared>>
      %dma_start3A_153 = arith.constant 0 : i32
      %dma_start3A_154 = tpu.memref_slice %arg8[%run_scoped3A_118, %dma_start3A_153] : memref<16x640xf32, #tpu.memory_space<vmem>> -> memref<1x640xf32, #tpu.memory_space<vmem>>
      %dma_start3A_155 = tpu.memref_squeeze %dma_start3A_154 : memref<1x640xf32, #tpu.memory_space<vmem>> -> memref<640xf32, #tpu.memory_space<vmem>>
      %dma_start3A_156 = tpu.memref_slice %arg10[%run_scoped3A_116, %run_scoped3A_117, %mul3A_23] : memref<2x16x10240xf32, #tpu.memory_space<vmem_shared>> -> memref<1x1x640xf32, #tpu.memory_space<vmem_shared>>
      %dma_start3A_157 = tpu.memref_squeeze %dma_start3A_156 : memref<1x1x640xf32, #tpu.memory_space<vmem_shared>> -> memref<640xf32, #tpu.memory_space<vmem_shared>>
      tpu.enqueue_dma source(%dma_start3A_157 : memref<640xf32, #tpu.memory_space<vmem_shared>>) target(%dma_start3A_155 : memref<640xf32, #tpu.memory_space<vmem>>) target_semaphore(%run_scoped3A_148 : memref<!tpu.dma_semaphore, #tpu.memory_space<semaphore_mem>>)
      %dma_wait3A = arith.constant 0 : i32
      %dma_wait3A_158 = tpu.memref_slice %arg8[%run_scoped3A_118, %dma_wait3A] : memref<16x640xf32, #tpu.memory_space<vmem>> -> memref<1x640xf32, #tpu.memory_space<vmem>>
      %dma_wait3A_159 = tpu.memref_squeeze %dma_wait3A_158 : memref<1x640xf32, #tpu.memory_space<vmem>> -> memref<640xf32, #tpu.memory_space<vmem>>
      %dma_wait3A_160 = tpu.memref_slice %arg10[%run_scoped3A_116, %run_scoped3A_117, %mul3A_23] : memref<2x16x10240xf32, #tpu.memory_space<vmem_shared>> -> memref<1x1x640xf32, #tpu.memory_space<vmem_shared>>
      %dma_wait3A_161 = tpu.memref_squeeze %dma_wait3A_160 : memref<1x1x640xf32, #tpu.memory_space<vmem_shared>> -> memref<640xf32, #tpu.memory_space<vmem_shared>>
      %dma_wait3A_162 = arith.constant 0 : i32
      %dma_wait3A_163 = tpu.memref_slice %arg8[%run_scoped3A_118, %dma_wait3A_162] : memref<16x640xf32, #tpu.memory_space<vmem>> -> memref<1x640xf32, #tpu.memory_space<vmem>>
      %dma_wait3A_164 = tpu.memref_squeeze %dma_wait3A_163 : memref<1x640xf32, #tpu.memory_space<vmem>> -> memref<640xf32, #tpu.memory_space<vmem>>
      %dma_wait3A_165 = tpu.memref_slice %arg10[%run_scoped3A_116, %run_scoped3A_117, %mul3A_23] : memref<2x16x10240xf32, #tpu.memory_space<vmem_shared>> -> memref<1x1x640xf32, #tpu.memory_space<vmem_shared>>
      %dma_wait3A_166 = tpu.memref_squeeze %dma_wait3A_165 : memref<1x1x640xf32, #tpu.memory_space<vmem_shared>> -> memref<640xf32, #tpu.memory_space<vmem_shared>>
      tpu.wait_dma2 semaphore(%run_scoped3A_148 : memref<!tpu.dma_semaphore, #tpu.memory_space<semaphore_mem>>) src(%dma_wait3A_166 : memref<640xf32, #tpu.memory_space<vmem_shared>>) dst(%dma_wait3A_164 : memref<640xf32, #tpu.memory_space<vmem>>)
      tpu.yield
    }) : () -> ()
    %run_scoped3A_119 = arith.constant 1 : i32
    %run_scoped3A_120 = arith.constant 11 : i32
    %run_scoped3A_121 = arith.constant 11 : i32
    "tpu.region"() ({
      %run_scoped3A_148 = tpu.sem_alloc : memref<!tpu.dma_semaphore, #tpu.memory_space<semaphore_mem>>
      %dma_start3A = arith.constant 0 : i32
      %dma_start3A_149 = tpu.memref_slice %arg8[%run_scoped3A_121, %dma_start3A] : memref<16x640xf32, #tpu.memory_space<vmem>> -> memref<1x640xf32, #tpu.memory_space<vmem>>
      %dma_start3A_150 = tpu.memref_squeeze %dma_start3A_149 : memref<1x640xf32, #tpu.memory_space<vmem>> -> memref<640xf32, #tpu.memory_space<vmem>>
      %dma_start3A_151 = tpu.memref_slice %arg10[%run_scoped3A_119, %run_scoped3A_120, %mul3A_23] : memref<2x16x10240xf32, #tpu.memory_space<vmem_shared>> -> memref<1x1x640xf32, #tpu.memory_space<vmem_shared>>
      %dma_start3A_152 = tpu.memref_squeeze %dma_start3A_151 : memref<1x1x640xf32, #tpu.memory_space<vmem_shared>> -> memref<640xf32, #tpu.memory_space<vmem_shared>>
      %dma_start3A_153 = arith.constant 0 : i32
      %dma_start3A_154 = tpu.memref_slice %arg8[%run_scoped3A_121, %dma_start3A_153] : memref<16x640xf32, #tpu.memory_space<vmem>> -> memref<1x640xf32, #tpu.memory_space<vmem>>
      %dma_start3A_155 = tpu.memref_squeeze %dma_start3A_154 : memref<1x640xf32, #tpu.memory_space<vmem>> -> memref<640xf32, #tpu.memory_space<vmem>>
      %dma_start3A_156 = tpu.memref_slice %arg10[%run_scoped3A_119, %run_scoped3A_120, %mul3A_23] : memref<2x16x10240xf32, #tpu.memory_space<vmem_shared>> -> memref<1x1x640xf32, #tpu.memory_space<vmem_shared>>
      %dma_start3A_157 = tpu.memref_squeeze %dma_start3A_156 : memref<1x1x640xf32, #tpu.memory_space<vmem_shared>> -> memref<640xf32, #tpu.memory_space<vmem_shared>>
      tpu.enqueue_dma source(%dma_start3A_157 : memref<640xf32, #tpu.memory_space<vmem_shared>>) target(%dma_start3A_155 : memref<640xf32, #tpu.memory_space<vmem>>) target_semaphore(%run_scoped3A_148 : memref<!tpu.dma_semaphore, #tpu.memory_space<semaphore_mem>>)
      %dma_wait3A = arith.constant 0 : i32
      %dma_wait3A_158 = tpu.memref_slice %arg8[%run_scoped3A_121, %dma_wait3A] : memref<16x640xf32, #tpu.memory_space<vmem>> -> memref<1x640xf32, #tpu.memory_space<vmem>>
      %dma_wait3A_159 = tpu.memref_squeeze %dma_wait3A_158 : memref<1x640xf32, #tpu.memory_space<vmem>> -> memref<640xf32, #tpu.memory_space<vmem>>
      %dma_wait3A_160 = tpu.memref_slice %arg10[%run_scoped3A_119, %run_scoped3A_120, %mul3A_23] : memref<2x16x10240xf32, #tpu.memory_space<vmem_shared>> -> memref<1x1x640xf32, #tpu.memory_space<vmem_shared>>
      %dma_wait3A_161 = tpu.memref_squeeze %dma_wait3A_160 : memref<1x1x640xf32, #tpu.memory_space<vmem_shared>> -> memref<640xf32, #tpu.memory_space<vmem_shared>>
      %dma_wait3A_162 = arith.constant 0 : i32
      %dma_wait3A_163 = tpu.memref_slice %arg8[%run_scoped3A_121, %dma_wait3A_162] : memref<16x640xf32, #tpu.memory_space<vmem>> -> memref<1x640xf32, #tpu.memory_space<vmem>>
      %dma_wait3A_164 = tpu.memref_squeeze %dma_wait3A_163 : memref<1x640xf32, #tpu.memory_space<vmem>> -> memref<640xf32, #tpu.memory_space<vmem>>
      %dma_wait3A_165 = tpu.memref_slice %arg10[%run_scoped3A_119, %run_scoped3A_120, %mul3A_23] : memref<2x16x10240xf32, #tpu.memory_space<vmem_shared>> -> memref<1x1x640xf32, #tpu.memory_space<vmem_shared>>
      %dma_wait3A_166 = tpu.memref_squeeze %dma_wait3A_165 : memref<1x1x640xf32, #tpu.memory_space<vmem_shared>> -> memref<640xf32, #tpu.memory_space<vmem_shared>>
      tpu.wait_dma2 semaphore(%run_scoped3A_148 : memref<!tpu.dma_semaphore, #tpu.memory_space<semaphore_mem>>) src(%dma_wait3A_166 : memref<640xf32, #tpu.memory_space<vmem_shared>>) dst(%dma_wait3A_164 : memref<640xf32, #tpu.memory_space<vmem>>)
      tpu.yield
    }) : () -> ()
    %run_scoped3A_122 = arith.constant 1 : i32
    %run_scoped3A_123 = arith.constant 12 : i32
    %run_scoped3A_124 = arith.constant 12 : i32
    "tpu.region"() ({
      %run_scoped3A_148 = tpu.sem_alloc : memref<!tpu.dma_semaphore, #tpu.memory_space<semaphore_mem>>
      %dma_start3A = arith.constant 0 : i32
      %dma_start3A_149 = tpu.memref_slice %arg8[%run_scoped3A_124, %dma_start3A] : memref<16x640xf32, #tpu.memory_space<vmem>> -> memref<1x640xf32, #tpu.memory_space<vmem>>
      %dma_start3A_150 = tpu.memref_squeeze %dma_start3A_149 : memref<1x640xf32, #tpu.memory_space<vmem>> -> memref<640xf32, #tpu.memory_space<vmem>>
      %dma_start3A_151 = tpu.memref_slice %arg10[%run_scoped3A_122, %run_scoped3A_123, %mul3A_23] : memref<2x16x10240xf32, #tpu.memory_space<vmem_shared>> -> memref<1x1x640xf32, #tpu.memory_space<vmem_shared>>
      %dma_start3A_152 = tpu.memref_squeeze %dma_start3A_151 : memref<1x1x640xf32, #tpu.memory_space<vmem_shared>> -> memref<640xf32, #tpu.memory_space<vmem_shared>>
      %dma_start3A_153 = arith.constant 0 : i32
      %dma_start3A_154 = tpu.memref_slice %arg8[%run_scoped3A_124, %dma_start3A_153] : memref<16x640xf32, #tpu.memory_space<vmem>> -> memref<1x640xf32, #tpu.memory_space<vmem>>
      %dma_start3A_155 = tpu.memref_squeeze %dma_start3A_154 : memref<1x640xf32, #tpu.memory_space<vmem>> -> memref<640xf32, #tpu.memory_space<vmem>>
      %dma_start3A_156 = tpu.memref_slice %arg10[%run_scoped3A_122, %run_scoped3A_123, %mul3A_23] : memref<2x16x10240xf32, #tpu.memory_space<vmem_shared>> -> memref<1x1x640xf32, #tpu.memory_space<vmem_shared>>
      %dma_start3A_157 = tpu.memref_squeeze %dma_start3A_156 : memref<1x1x640xf32, #tpu.memory_space<vmem_shared>> -> memref<640xf32, #tpu.memory_space<vmem_shared>>
      tpu.enqueue_dma source(%dma_start3A_157 : memref<640xf32, #tpu.memory_space<vmem_shared>>) target(%dma_start3A_155 : memref<640xf32, #tpu.memory_space<vmem>>) target_semaphore(%run_scoped3A_148 : memref<!tpu.dma_semaphore, #tpu.memory_space<semaphore_mem>>)
      %dma_wait3A = arith.constant 0 : i32
      %dma_wait3A_158 = tpu.memref_slice %arg8[%run_scoped3A_124, %dma_wait3A] : memref<16x640xf32, #tpu.memory_space<vmem>> -> memref<1x640xf32, #tpu.memory_space<vmem>>
      %dma_wait3A_159 = tpu.memref_squeeze %dma_wait3A_158 : memref<1x640xf32, #tpu.memory_space<vmem>> -> memref<640xf32, #tpu.memory_space<vmem>>
      %dma_wait3A_160 = tpu.memref_slice %arg10[%run_scoped3A_122, %run_scoped3A_123, %mul3A_23] : memref<2x16x10240xf32, #tpu.memory_space<vmem_shared>> -> memref<1x1x640xf32, #tpu.memory_space<vmem_shared>>
      %dma_wait3A_161 = tpu.memref_squeeze %dma_wait3A_160 : memref<1x1x640xf32, #tpu.memory_space<vmem_shared>> -> memref<640xf32, #tpu.memory_space<vmem_shared>>
      %dma_wait3A_162 = arith.constant 0 : i32
      %dma_wait3A_163 = tpu.memref_slice %arg8[%run_scoped3A_124, %dma_wait3A_162] : memref<16x640xf32, #tpu.memory_space<vmem>> -> memref<1x640xf32, #tpu.memory_space<vmem>>
      %dma_wait3A_164 = tpu.memref_squeeze %dma_wait3A_163 : memref<1x640xf32, #tpu.memory_space<vmem>> -> memref<640xf32, #tpu.memory_space<vmem>>
      %dma_wait3A_165 = tpu.memref_slice %arg10[%run_scoped3A_122, %run_scoped3A_123, %mul3A_23] : memref<2x16x10240xf32, #tpu.memory_space<vmem_shared>> -> memref<1x1x640xf32, #tpu.memory_space<vmem_shared>>
      %dma_wait3A_166 = tpu.memref_squeeze %dma_wait3A_165 : memref<1x1x640xf32, #tpu.memory_space<vmem_shared>> -> memref<640xf32, #tpu.memory_space<vmem_shared>>
      tpu.wait_dma2 semaphore(%run_scoped3A_148 : memref<!tpu.dma_semaphore, #tpu.memory_space<semaphore_mem>>) src(%dma_wait3A_166 : memref<640xf32, #tpu.memory_space<vmem_shared>>) dst(%dma_wait3A_164 : memref<640xf32, #tpu.memory_space<vmem>>)
      tpu.yield
    }) : () -> ()
    %run_scoped3A_125 = arith.constant 1 : i32
    %run_scoped3A_126 = arith.constant 13 : i32
    %run_scoped3A_127 = arith.constant 13 : i32
    "tpu.region"() ({
      %run_scoped3A_148 = tpu.sem_alloc : memref<!tpu.dma_semaphore, #tpu.memory_space<semaphore_mem>>
      %dma_start3A = arith.constant 0 : i32
      %dma_start3A_149 = tpu.memref_slice %arg8[%run_scoped3A_127, %dma_start3A] : memref<16x640xf32, #tpu.memory_space<vmem>> -> memref<1x640xf32, #tpu.memory_space<vmem>>
      %dma_start3A_150 = tpu.memref_squeeze %dma_start3A_149 : memref<1x640xf32, #tpu.memory_space<vmem>> -> memref<640xf32, #tpu.memory_space<vmem>>
      %dma_start3A_151 = tpu.memref_slice %arg10[%run_scoped3A_125, %run_scoped3A_126, %mul3A_23] : memref<2x16x10240xf32, #tpu.memory_space<vmem_shared>> -> memref<1x1x640xf32, #tpu.memory_space<vmem_shared>>
      %dma_start3A_152 = tpu.memref_squeeze %dma_start3A_151 : memref<1x1x640xf32, #tpu.memory_space<vmem_shared>> -> memref<640xf32, #tpu.memory_space<vmem_shared>>
      %dma_start3A_153 = arith.constant 0 : i32
      %dma_start3A_154 = tpu.memref_slice %arg8[%run_scoped3A_127, %dma_start3A_153] : memref<16x640xf32, #tpu.memory_space<vmem>> -> memref<1x640xf32, #tpu.memory_space<vmem>>
      %dma_start3A_155 = tpu.memref_squeeze %dma_start3A_154 : memref<1x640xf32, #tpu.memory_space<vmem>> -> memref<640xf32, #tpu.memory_space<vmem>>
      %dma_start3A_156 = tpu.memref_slice %arg10[%run_scoped3A_125, %run_scoped3A_126, %mul3A_23] : memref<2x16x10240xf32, #tpu.memory_space<vmem_shared>> -> memref<1x1x640xf32, #tpu.memory_space<vmem_shared>>
      %dma_start3A_157 = tpu.memref_squeeze %dma_start3A_156 : memref<1x1x640xf32, #tpu.memory_space<vmem_shared>> -> memref<640xf32, #tpu.memory_space<vmem_shared>>
      tpu.enqueue_dma source(%dma_start3A_157 : memref<640xf32, #tpu.memory_space<vmem_shared>>) target(%dma_start3A_155 : memref<640xf32, #tpu.memory_space<vmem>>) target_semaphore(%run_scoped3A_148 : memref<!tpu.dma_semaphore, #tpu.memory_space<semaphore_mem>>)
      %dma_wait3A = arith.constant 0 : i32
      %dma_wait3A_158 = tpu.memref_slice %arg8[%run_scoped3A_127, %dma_wait3A] : memref<16x640xf32, #tpu.memory_space<vmem>> -> memref<1x640xf32, #tpu.memory_space<vmem>>
      %dma_wait3A_159 = tpu.memref_squeeze %dma_wait3A_158 : memref<1x640xf32, #tpu.memory_space<vmem>> -> memref<640xf32, #tpu.memory_space<vmem>>
      %dma_wait3A_160 = tpu.memref_slice %arg10[%run_scoped3A_125, %run_scoped3A_126, %mul3A_23] : memref<2x16x10240xf32, #tpu.memory_space<vmem_shared>> -> memref<1x1x640xf32, #tpu.memory_space<vmem_shared>>
      %dma_wait3A_161 = tpu.memref_squeeze %dma_wait3A_160 : memref<1x1x640xf32, #tpu.memory_space<vmem_shared>> -> memref<640xf32, #tpu.memory_space<vmem_shared>>
      %dma_wait3A_162 = arith.constant 0 : i32
      %dma_wait3A_163 = tpu.memref_slice %arg8[%run_scoped3A_127, %dma_wait3A_162] : memref<16x640xf32, #tpu.memory_space<vmem>> -> memref<1x640xf32, #tpu.memory_space<vmem>>
      %dma_wait3A_164 = tpu.memref_squeeze %dma_wait3A_163 : memref<1x640xf32, #tpu.memory_space<vmem>> -> memref<640xf32, #tpu.memory_space<vmem>>
      %dma_wait3A_165 = tpu.memref_slice %arg10[%run_scoped3A_125, %run_scoped3A_126, %mul3A_23] : memref<2x16x10240xf32, #tpu.memory_space<vmem_shared>> -> memref<1x1x640xf32, #tpu.memory_space<vmem_shared>>
      %dma_wait3A_166 = tpu.memref_squeeze %dma_wait3A_165 : memref<1x1x640xf32, #tpu.memory_space<vmem_shared>> -> memref<640xf32, #tpu.memory_space<vmem_shared>>
      tpu.wait_dma2 semaphore(%run_scoped3A_148 : memref<!tpu.dma_semaphore, #tpu.memory_space<semaphore_mem>>) src(%dma_wait3A_166 : memref<640xf32, #tpu.memory_space<vmem_shared>>) dst(%dma_wait3A_164 : memref<640xf32, #tpu.memory_space<vmem>>)
      tpu.yield
    }) : () -> ()
    %run_scoped3A_128 = arith.constant 1 : i32
    %run_scoped3A_129 = arith.constant 14 : i32
    %run_scoped3A_130 = arith.constant 14 : i32
    "tpu.region"() ({
      %run_scoped3A_148 = tpu.sem_alloc : memref<!tpu.dma_semaphore, #tpu.memory_space<semaphore_mem>>
      %dma_start3A = arith.constant 0 : i32
      %dma_start3A_149 = tpu.memref_slice %arg8[%run_scoped3A_130, %dma_start3A] : memref<16x640xf32, #tpu.memory_space<vmem>> -> memref<1x640xf32, #tpu.memory_space<vmem>>
      %dma_start3A_150 = tpu.memref_squeeze %dma_start3A_149 : memref<1x640xf32, #tpu.memory_space<vmem>> -> memref<640xf32, #tpu.memory_space<vmem>>
      %dma_start3A_151 = tpu.memref_slice %arg10[%run_scoped3A_128, %run_scoped3A_129, %mul3A_23] : memref<2x16x10240xf32, #tpu.memory_space<vmem_shared>> -> memref<1x1x640xf32, #tpu.memory_space<vmem_shared>>
      %dma_start3A_152 = tpu.memref_squeeze %dma_start3A_151 : memref<1x1x640xf32, #tpu.memory_space<vmem_shared>> -> memref<640xf32, #tpu.memory_space<vmem_shared>>
      %dma_start3A_153 = arith.constant 0 : i32
      %dma_start3A_154 = tpu.memref_slice %arg8[%run_scoped3A_130, %dma_start3A_153] : memref<16x640xf32, #tpu.memory_space<vmem>> -> memref<1x640xf32, #tpu.memory_space<vmem>>
      %dma_start3A_155 = tpu.memref_squeeze %dma_start3A_154 : memref<1x640xf32, #tpu.memory_space<vmem>> -> memref<640xf32, #tpu.memory_space<vmem>>
      %dma_start3A_156 = tpu.memref_slice %arg10[%run_scoped3A_128, %run_scoped3A_129, %mul3A_23] : memref<2x16x10240xf32, #tpu.memory_space<vmem_shared>> -> memref<1x1x640xf32, #tpu.memory_space<vmem_shared>>
      %dma_start3A_157 = tpu.memref_squeeze %dma_start3A_156 : memref<1x1x640xf32, #tpu.memory_space<vmem_shared>> -> memref<640xf32, #tpu.memory_space<vmem_shared>>
      tpu.enqueue_dma source(%dma_start3A_157 : memref<640xf32, #tpu.memory_space<vmem_shared>>) target(%dma_start3A_155 : memref<640xf32, #tpu.memory_space<vmem>>) target_semaphore(%run_scoped3A_148 : memref<!tpu.dma_semaphore, #tpu.memory_space<semaphore_mem>>)
      %dma_wait3A = arith.constant 0 : i32
      %dma_wait3A_158 = tpu.memref_slice %arg8[%run_scoped3A_130, %dma_wait3A] : memref<16x640xf32, #tpu.memory_space<vmem>> -> memref<1x640xf32, #tpu.memory_space<vmem>>
      %dma_wait3A_159 = tpu.memref_squeeze %dma_wait3A_158 : memref<1x640xf32, #tpu.memory_space<vmem>> -> memref<640xf32, #tpu.memory_space<vmem>>
      %dma_wait3A_160 = tpu.memref_slice %arg10[%run_scoped3A_128, %run_scoped3A_129, %mul3A_23] : memref<2x16x10240xf32, #tpu.memory_space<vmem_shared>> -> memref<1x1x640xf32, #tpu.memory_space<vmem_shared>>
      %dma_wait3A_161 = tpu.memref_squeeze %dma_wait3A_160 : memref<1x1x640xf32, #tpu.memory_space<vmem_shared>> -> memref<640xf32, #tpu.memory_space<vmem_shared>>
      %dma_wait3A_162 = arith.constant 0 : i32
      %dma_wait3A_163 = tpu.memref_slice %arg8[%run_scoped3A_130, %dma_wait3A_162] : memref<16x640xf32, #tpu.memory_space<vmem>> -> memref<1x640xf32, #tpu.memory_space<vmem>>
      %dma_wait3A_164 = tpu.memref_squeeze %dma_wait3A_163 : memref<1x640xf32, #tpu.memory_space<vmem>> -> memref<640xf32, #tpu.memory_space<vmem>>
      %dma_wait3A_165 = tpu.memref_slice %arg10[%run_scoped3A_128, %run_scoped3A_129, %mul3A_23] : memref<2x16x10240xf32, #tpu.memory_space<vmem_shared>> -> memref<1x1x640xf32, #tpu.memory_space<vmem_shared>>
      %dma_wait3A_166 = tpu.memref_squeeze %dma_wait3A_165 : memref<1x1x640xf32, #tpu.memory_space<vmem_shared>> -> memref<640xf32, #tpu.memory_space<vmem_shared>>
      tpu.wait_dma2 semaphore(%run_scoped3A_148 : memref<!tpu.dma_semaphore, #tpu.memory_space<semaphore_mem>>) src(%dma_wait3A_166 : memref<640xf32, #tpu.memory_space<vmem_shared>>) dst(%dma_wait3A_164 : memref<640xf32, #tpu.memory_space<vmem>>)
      tpu.yield
    }) : () -> ()
    %run_scoped3A_131 = arith.constant 1 : i32
    %run_scoped3A_132 = arith.constant 15 : i32
    %run_scoped3A_133 = arith.constant 15 : i32
    "tpu.region"() ({
      %run_scoped3A_148 = tpu.sem_alloc : memref<!tpu.dma_semaphore, #tpu.memory_space<semaphore_mem>>
      %dma_start3A = arith.constant 0 : i32
      %dma_start3A_149 = tpu.memref_slice %arg8[%run_scoped3A_133, %dma_start3A] : memref<16x640xf32, #tpu.memory_space<vmem>> -> memref<1x640xf32, #tpu.memory_space<vmem>>
      %dma_start3A_150 = tpu.memref_squeeze %dma_start3A_149 : memref<1x640xf32, #tpu.memory_space<vmem>> -> memref<640xf32, #tpu.memory_space<vmem>>
      %dma_start3A_151 = tpu.memref_slice %arg10[%run_scoped3A_131, %run_scoped3A_132, %mul3A_23] : memref<2x16x10240xf32, #tpu.memory_space<vmem_shared>> -> memref<1x1x640xf32, #tpu.memory_space<vmem_shared>>
      %dma_start3A_152 = tpu.memref_squeeze %dma_start3A_151 : memref<1x1x640xf32, #tpu.memory_space<vmem_shared>> -> memref<640xf32, #tpu.memory_space<vmem_shared>>
      %dma_start3A_153 = arith.constant 0 : i32
      %dma_start3A_154 = tpu.memref_slice %arg8[%run_scoped3A_133, %dma_start3A_153] : memref<16x640xf32, #tpu.memory_space<vmem>> -> memref<1x640xf32, #tpu.memory_space<vmem>>
      %dma_start3A_155 = tpu.memref_squeeze %dma_start3A_154 : memref<1x640xf32, #tpu.memory_space<vmem>> -> memref<640xf32, #tpu.memory_space<vmem>>
      %dma_start3A_156 = tpu.memref_slice %arg10[%run_scoped3A_131, %run_scoped3A_132, %mul3A_23] : memref<2x16x10240xf32, #tpu.memory_space<vmem_shared>> -> memref<1x1x640xf32, #tpu.memory_space<vmem_shared>>
      %dma_start3A_157 = tpu.memref_squeeze %dma_start3A_156 : memref<1x1x640xf32, #tpu.memory_space<vmem_shared>> -> memref<640xf32, #tpu.memory_space<vmem_shared>>
      tpu.enqueue_dma source(%dma_start3A_157 : memref<640xf32, #tpu.memory_space<vmem_shared>>) target(%dma_start3A_155 : memref<640xf32, #tpu.memory_space<vmem>>) target_semaphore(%run_scoped3A_148 : memref<!tpu.dma_semaphore, #tpu.memory_space<semaphore_mem>>)
      %dma_wait3A = arith.constant 0 : i32
      %dma_wait3A_158 = tpu.memref_slice %arg8[%run_scoped3A_133, %dma_wait3A] : memref<16x640xf32, #tpu.memory_space<vmem>> -> memref<1x640xf32, #tpu.memory_space<vmem>>
      %dma_wait3A_159 = tpu.memref_squeeze %dma_wait3A_158 : memref<1x640xf32, #tpu.memory_space<vmem>> -> memref<640xf32, #tpu.memory_space<vmem>>
      %dma_wait3A_160 = tpu.memref_slice %arg10[%run_scoped3A_131, %run_scoped3A_132, %mul3A_23] : memref<2x16x10240xf32, #tpu.memory_space<vmem_shared>> -> memref<1x1x640xf32, #tpu.memory_space<vmem_shared>>
      %dma_wait3A_161 = tpu.memref_squeeze %dma_wait3A_160 : memref<1x1x640xf32, #tpu.memory_space<vmem_shared>> -> memref<640xf32, #tpu.memory_space<vmem_shared>>
      %dma_wait3A_162 = arith.constant 0 : i32
      %dma_wait3A_163 = tpu.memref_slice %arg8[%run_scoped3A_133, %dma_wait3A_162] : memref<16x640xf32, #tpu.memory_space<vmem>> -> memref<1x640xf32, #tpu.memory_space<vmem>>
      %dma_wait3A_164 = tpu.memref_squeeze %dma_wait3A_163 : memref<1x640xf32, #tpu.memory_space<vmem>> -> memref<640xf32, #tpu.memory_space<vmem>>
      %dma_wait3A_165 = tpu.memref_slice %arg10[%run_scoped3A_131, %run_scoped3A_132, %mul3A_23] : memref<2x16x10240xf32, #tpu.memory_space<vmem_shared>> -> memref<1x1x640xf32, #tpu.memory_space<vmem_shared>>
      %dma_wait3A_166 = tpu.memref_squeeze %dma_wait3A_165 : memref<1x1x640xf32, #tpu.memory_space<vmem_shared>> -> memref<640xf32, #tpu.memory_space<vmem_shared>>
      tpu.wait_dma2 semaphore(%run_scoped3A_148 : memref<!tpu.dma_semaphore, #tpu.memory_space<semaphore_mem>>) src(%dma_wait3A_166 : memref<640xf32, #tpu.memory_space<vmem_shared>>) dst(%dma_wait3A_164 : memref<640xf32, #tpu.memory_space<vmem>>)
      tpu.yield
    }) : () -> ()
    %scan3A_134 = arith.constant 0 : i32
    %scan3A_135 = arith.constant 0 : i32
    %scan3A_136 = arith.constant 40 : i32
    %scan3A_137 = arith.addi %scan3A_135, %scan3A_136 : i32
    %scan3A_138 = arith.constant 1 : i32
    %scan3A_139 = scf.for %scan3A_148 = %scan3A_135 to %scan3A_137 step %scan3A_138 iter_args(%scan3A_149 = %scan3A_134) -> (i32)  : i32 {
      %mul3A_150 = arith.constant 16 : i32
      %mul3A_151 = arith.muli %scan3A_148, %mul3A_150 : i32
      %get3A = arith.constant 0 : i32
      %get3A_152 = arith.index_cast %get3A : i32 to index
      %get3A_153 = arith.index_cast %mul3A_151 : i32 to index
      %get3A_154 = tpu.vector_load %arg8[%get3A_152, %get3A_153] {strides = array<i32>} : memref<16x640xf32, #tpu.memory_space<vmem>>, vector<16xf32>,
      %mul3A_155 = arith.constant 16 : i32
      %mul3A_156 = arith.muli %scan3A_148, %mul3A_155 : i32
      %get3A_157 = arith.constant 1 : i32
      %get3A_158 = arith.index_cast %get3A_157 : i32 to index
      %get3A_159 = arith.index_cast %mul3A_156 : i32 to index
      %get3A_160 = tpu.vector_load %arg8[%get3A_158, %get3A_159] {strides = array<i32>} : memref<16x640xf32, #tpu.memory_space<vmem>>, vector<16xf32>,
      %add3A_161 = arith.addf %get3A_154, %get3A_160 : vector<16xf32>
      %mul3A_162 = arith.constant 16 : i32
      %mul3A_163 = arith.muli %scan3A_148, %mul3A_162 : i32
      %get3A_164 = arith.constant 2 : i32
      %get3A_165 = arith.index_cast %get3A_164 : i32 to index
      %get3A_166 = arith.index_cast %mul3A_163 : i32 to index
      %get3A_167 = tpu.vector_load %arg8[%get3A_165, %get3A_166] {strides = array<i32>} : memref<16x640xf32, #tpu.memory_space<vmem>>, vector<16xf32>,
      %add3A_168 = arith.addf %add3A_161, %get3A_167 : vector<16xf32>
      %mul3A_169 = arith.constant 16 : i32
      %mul3A_170 = arith.muli %scan3A_148, %mul3A_169 : i32
      %get3A_171 = arith.constant 3 : i32
      %get3A_172 = arith.index_cast %get3A_171 : i32 to index
      %get3A_173 = arith.index_cast %mul3A_170 : i32 to index
      %get3A_174 = tpu.vector_load %arg8[%get3A_172, %get3A_173] {strides = array<i32>} : memref<16x640xf32, #tpu.memory_space<vmem>>, vector<16xf32>,
      %add3A_175 = arith.addf %add3A_168, %get3A_174 : vector<16xf32>
      %mul3A_176 = arith.constant 16 : i32
      %mul3A_177 = arith.muli %scan3A_148, %mul3A_176 : i32
      %get3A_178 = arith.constant 4 : i32
      %get3A_179 = arith.index_cast %get3A_178 : i32 to index
      %get3A_180 = arith.index_cast %mul3A_177 : i32 to index
      %get3A_181 = tpu.vector_load %arg8[%get3A_179, %get3A_180] {strides = array<i32>} : memref<16x640xf32, #tpu.memory_space<vmem>>, vector<16xf32>,
      %add3A_182 = arith.addf %add3A_175, %get3A_181 : vector<16xf32>
      %mul3A_183 = arith.constant 16 : i32
      %mul3A_184 = arith.muli %scan3A_148, %mul3A_183 : i32
      %get3A_185 = arith.constant 5 : i32
      %get3A_186 = arith.index_cast %get3A_185 : i32 to index
      %get3A_187 = arith.index_cast %mul3A_184 : i32 to index
      %get3A_188 = tpu.vector_load %arg8[%get3A_186, %get3A_187] {strides = array<i32>} : memref<16x640xf32, #tpu.memory_space<vmem>>, vector<16xf32>,
      %add3A_189 = arith.addf %add3A_182, %get3A_188 : vector<16xf32>
      %mul3A_190 = arith.constant 16 : i32
      %mul3A_191 = arith.muli %scan3A_148, %mul3A_190 : i32
      %get3A_192 = arith.constant 6 : i32
      %get3A_193 = arith.index_cast %get3A_192 : i32 to index
      %get3A_194 = arith.index_cast %mul3A_191 : i32 to index
      %get3A_195 = tpu.vector_load %arg8[%get3A_193, %get3A_194] {strides = array<i32>} : memref<16x640xf32, #tpu.memory_space<vmem>>, vector<16xf32>,
      %add3A_196 = arith.addf %add3A_189, %get3A_195 : vector<16xf32>
      %mul3A_197 = arith.constant 16 : i32
      %mul3A_198 = arith.muli %scan3A_148, %mul3A_197 : i32
      %get3A_199 = arith.constant 7 : i32
      %get3A_200 = arith.index_cast %get3A_199 : i32 to index
      %get3A_201 = arith.index_cast %mul3A_198 : i32 to index
      %get3A_202 = tpu.vector_load %arg8[%get3A_200, %get3A_201] {strides = array<i32>} : memref<16x640xf32, #tpu.memory_space<vmem>>, vector<16xf32>,
      %add3A_203 = arith.addf %add3A_196, %get3A_202 : vector<16xf32>
      %mul3A_204 = arith.constant 16 : i32
      %mul3A_205 = arith.muli %scan3A_148, %mul3A_204 : i32
      %get3A_206 = arith.constant 8 : i32
      %get3A_207 = arith.index_cast %get3A_206 : i32 to index
      %get3A_208 = arith.index_cast %mul3A_205 : i32 to index
      %get3A_209 = tpu.vector_load %arg8[%get3A_207, %get3A_208] {strides = array<i32>} : memref<16x640xf32, #tpu.memory_space<vmem>>, vector<16xf32>,
      %add3A_210 = arith.addf %add3A_203, %get3A_209 : vector<16xf32>
      %mul3A_211 = arith.constant 16 : i32
      %mul3A_212 = arith.muli %scan3A_148, %mul3A_211 : i32
      %get3A_213 = arith.constant 9 : i32
      %get3A_214 = arith.index_cast %get3A_213 : i32 to index
      %get3A_215 = arith.index_cast %mul3A_212 : i32 to index
      %get3A_216 = tpu.vector_load %arg8[%get3A_214, %get3A_215] {strides = array<i32>} : memref<16x640xf32, #tpu.memory_space<vmem>>, vector<16xf32>,
      %add3A_217 = arith.addf %add3A_210, %get3A_216 : vector<16xf32>
      %mul3A_218 = arith.constant 16 : i32
      %mul3A_219 = arith.muli %scan3A_148, %mul3A_218 : i32
      %get3A_220 = arith.constant 10 : i32
      %get3A_221 = arith.index_cast %get3A_220 : i32 to index
      %get3A_222 = arith.index_cast %mul3A_219 : i32 to index
      %get3A_223 = tpu.vector_load %arg8[%get3A_221, %get3A_222] {strides = array<i32>} : memref<16x640xf32, #tpu.memory_space<vmem>>, vector<16xf32>,
      %add3A_224 = arith.addf %add3A_217, %get3A_223 : vector<16xf32>
      %mul3A_225 = arith.constant 16 : i32
      %mul3A_226 = arith.muli %scan3A_148, %mul3A_225 : i32
      %get3A_227 = arith.constant 11 : i32
      %get3A_228 = arith.index_cast %get3A_227 : i32 to index
      %get3A_229 = arith.index_cast %mul3A_226 : i32 to index
      %get3A_230 = tpu.vector_load %arg8[%get3A_228, %get3A_229] {strides = array<i32>} : memref<16x640xf32, #tpu.memory_space<vmem>>, vector<16xf32>,
      %add3A_231 = arith.addf %add3A_224, %get3A_230 : vector<16xf32>
      %mul3A_232 = arith.constant 16 : i32
      %mul3A_233 = arith.muli %scan3A_148, %mul3A_232 : i32
      %get3A_234 = arith.constant 12 : i32
      %get3A_235 = arith.index_cast %get3A_234 : i32 to index
      %get3A_236 = arith.index_cast %mul3A_233 : i32 to index
      %get3A_237 = tpu.vector_load %arg8[%get3A_235, %get3A_236] {strides = array<i32>} : memref<16x640xf32, #tpu.memory_space<vmem>>, vector<16xf32>,
      %add3A_238 = arith.addf %add3A_231, %get3A_237 : vector<16xf32>
      %mul3A_239 = arith.constant 16 : i32
      %mul3A_240 = arith.muli %scan3A_148, %mul3A_239 : i32
      %get3A_241 = arith.constant 13 : i32
      %get3A_242 = arith.index_cast %get3A_241 : i32 to index
      %get3A_243 = arith.index_cast %mul3A_240 : i32 to index
      %get3A_244 = tpu.vector_load %arg8[%get3A_242, %get3A_243] {strides = array<i32>} : memref<16x640xf32, #tpu.memory_space<vmem>>, vector<16xf32>,
      %add3A_245 = arith.addf %add3A_238, %get3A_244 : vector<16xf32>
      %mul3A_246 = arith.constant 16 : i32
      %mul3A_247 = arith.muli %scan3A_148, %mul3A_246 : i32
      %get3A_248 = arith.constant 14 : i32
      %get3A_249 = arith.index_cast %get3A_248 : i32 to index
      %get3A_250 = arith.index_cast %mul3A_247 : i32 to index
      %get3A_251 = tpu.vector_load %arg8[%get3A_249, %get3A_250] {strides = array<i32>} : memref<16x640xf32, #tpu.memory_space<vmem>>, vector<16xf32>,
      %add3A_252 = arith.addf %add3A_245, %get3A_251 : vector<16xf32>
      %mul3A_253 = arith.constant 16 : i32
      %mul3A_254 = arith.muli %scan3A_148, %mul3A_253 : i32
      %get3A_255 = arith.constant 15 : i32
      %get3A_256 = arith.index_cast %get3A_255 : i32 to index
      %get3A_257 = arith.index_cast %mul3A_254 : i32 to index
      %get3A_258 = tpu.vector_load %arg8[%get3A_256, %get3A_257] {strides = array<i32>} : memref<16x640xf32, #tpu.memory_space<vmem>>, vector<16xf32>,
      %add3A_259 = arith.addf %add3A_252, %get3A_258 : vector<16xf32>
      %mul3A_260 = arith.constant 16 : i32
      %mul3A_261 = arith.muli %scan3A_148, %mul3A_260 : i32
      %swap3A = arith.index_cast %mul3A_261 : i32 to index
      %swap3A_262 = tpu.vector_load %arg9[%swap3A] {strides = array<i32>} : memref<640xf32, #tpu.memory_space<vmem>>, vector<16xf32>,
      tpu.vector_store %arg9[%swap3A], %add3A_259 {strides = array<i32>} : memref<640xf32, #tpu.memory_space<vmem>>, vector<16xf32>,
      %scan3A_263 = arith.constant 0 : i32
      scf.yield %scan3A_263 : i32
    }
    %scan3A_140 = arith.constant 40 : i32
    %mul3A_141 = arith.constant 2 : i32
    %mul3A_142 = arith.muli %arg0, %mul3A_141 : i32
    %add3A_143 = arith.constant 1 : i32
    %add3A_144 = arith.addi %mul3A_142, %add3A_143 : i32
    %mul3A_145 = arith.constant 10240 : i32
    %mul3A_146 = arith.muli %add3A_144, %mul3A_145 : i32
    %add3A_147 = arith.addi %mul3A_146, %mul3A_23 : i32
    "tpu.region"() ({
      %run_scoped3A_148 = tpu.sem_alloc : memref<!tpu.dma_semaphore, #tpu.memory_space<semaphore_mem>>
      %dma_start3A = tpu.memref_slice %arg3[%add3A_147] : memref<40960xf32, #tpu.memory_space<hbm>> -> memref<640xf32, #tpu.memory_space<hbm>>
      %dma_start3A_149 = tpu.memref_slice %arg3[%add3A_147] : memref<40960xf32, #tpu.memory_space<hbm>> -> memref<640xf32, #tpu.memory_space<hbm>>
      tpu.enqueue_dma source(%arg9 : memref<640xf32, #tpu.memory_space<vmem>>) target(%dma_start3A_149 : memref<640xf32, #tpu.memory_space<hbm>>) target_semaphore(%run_scoped3A_148 : memref<!tpu.dma_semaphore, #tpu.memory_space<semaphore_mem>>)
      %dma_wait3A = tpu.memref_slice %arg3[%add3A_147] : memref<40960xf32, #tpu.memory_space<hbm>> -> memref<640xf32, #tpu.memory_space<hbm>>
      %dma_wait3A_150 = tpu.memref_slice %arg3[%add3A_147] : memref<40960xf32, #tpu.memory_space<hbm>> -> memref<640xf32, #tpu.memory_space<hbm>>
      tpu.wait_dma2 semaphore(%run_scoped3A_148 : memref<!tpu.dma_semaphore, #tpu.memory_space<semaphore_mem>>) src(%arg9 : memref<640xf32, #tpu.memory_space<vmem>>) dst(%dma_wait3A_150 : memref<640xf32, #tpu.memory_space<hbm>>)
      tpu.yield
    }) : () -> ()
    return
  }
}

#map = affine_map<(d0, d1) -> (0, 0)>
#map1 = affine_map<(d0, d1) -> (0)>
module attributes {stable_mosaic.version = 14 : i64} {
  func.func @_agg_body(%arg0: i32, %arg1: i32, %arg2: memref<20480x128xf32, #tpu.memory_space<hbm>>, %arg3: memref<640000xi32, #tpu.memory_space<hbm>>, %arg4: memref<640000xi32, #tpu.memory_space<hbm>>, %arg5: memref<10240x128xf32, #tpu.memory_space<hbm>>, %arg6: memref<20480x128xf32, #tpu.memory_space<hbm>>, %arg7: memref<20000xi32, #tpu.memory_space<vmem>>, %arg8: memref<80xi32, #tpu.memory_space<vmem>>, %arg9: memref<80xi32, #tpu.memory_space<vmem>>, %arg10: memref<2x80x128xf32, #tpu.memory_space<vmem>>, %arg11: memref<!tpu.dma_semaphore, #tpu.memory_space<semaphore_mem>>, %arg12: memref<!tpu.dma_semaphore, #tpu.memory_space<semaphore_mem>>, %arg13: memref<10240x128xf32, #tpu.memory_space<vmem_shared>>) attributes {dimension_semantics = [#tpu.dimension_semantics<core_parallel>, #tpu.dimension_semantics<subcore_parallel>], iteration_bounds = array<i64: 2, 16>, scalar_prefetch = 0 : i64, scratch_operands = 7 : i64, tpu.core_type = #tpu.core_type<sc_vector_subcore>, window_params = [{transform_indices = #map}, {transform_indices = #map1}, {transform_indices = #map1}, {transform_indices = #map}, {transform_indices = #map}]} {
    %mul3A = arith.constant 640 : i32
    %mul3A_0 = arith.muli %arg1, %mul3A : i32
    "tpu.region"() ({
      %run_scoped3A = tpu.sem_alloc : memref<!tpu.dma_semaphore, #tpu.memory_space<semaphore_mem>>
      %dma_start3A_38 = arith.constant 0 : i32
      %dma_start3A_39 = tpu.memref_slice %arg13[%mul3A_0, %dma_start3A_38] : memref<10240x128xf32, #tpu.memory_space<vmem_shared>> -> memref<640x128xf32, #tpu.memory_space<vmem_shared>>
      %dma_start3A_40 = arith.constant 0 : i32
      %dma_start3A_41 = tpu.memref_slice %arg5[%mul3A_0, %dma_start3A_40] : memref<10240x128xf32, #tpu.memory_space<hbm>> -> memref<640x128xf32, #tpu.memory_space<hbm>>
      tpu.enqueue_dma source(%dma_start3A_41 : memref<640x128xf32, #tpu.memory_space<hbm>>) target(%dma_start3A_39 : memref<640x128xf32, #tpu.memory_space<vmem_shared>>) target_semaphore(%run_scoped3A : memref<!tpu.dma_semaphore, #tpu.memory_space<semaphore_mem>>)
      %dma_wait3A = arith.constant 0 : i32
      %dma_wait3A_42 = tpu.memref_slice %arg13[%mul3A_0, %dma_wait3A] : memref<10240x128xf32, #tpu.memory_space<vmem_shared>> -> memref<640x128xf32, #tpu.memory_space<vmem_shared>>
      %dma_wait3A_43 = arith.constant 0 : i32
      %dma_wait3A_44 = tpu.memref_slice %arg5[%mul3A_0, %dma_wait3A_43] : memref<10240x128xf32, #tpu.memory_space<hbm>> -> memref<640x128xf32, #tpu.memory_space<hbm>>
      tpu.wait_dma2 semaphore(%run_scoped3A : memref<!tpu.dma_semaphore, #tpu.memory_space<semaphore_mem>>) src(%dma_wait3A_44 : memref<640x128xf32, #tpu.memory_space<hbm>>) dst(%dma_wait3A_42 : memref<640x128xf32, #tpu.memory_space<vmem_shared>>)
      tpu.yield
    }) : () -> ()
    %mul3A_1 = arith.constant 320000 : i32
    %mul3A_2 = arith.muli %arg0, %mul3A_1 : i32
    %mul3A_3 = arith.constant 20000 : i32
    %mul3A_4 = arith.muli %arg1, %mul3A_3 : i32
    %add3A = arith.addi %mul3A_2, %mul3A_4 : i32
    "tpu.region"() ({
      %run_scoped3A = tpu.sem_alloc : memref<!tpu.dma_semaphore, #tpu.memory_space<semaphore_mem>>
      %dma_start3A_38 = tpu.memref_slice %arg3[%add3A] : memref<640000xi32, #tpu.memory_space<hbm>> -> memref<20000xi32, #tpu.memory_space<hbm>>
      %dma_start3A_39 = tpu.memref_slice %arg3[%add3A] : memref<640000xi32, #tpu.memory_space<hbm>> -> memref<20000xi32, #tpu.memory_space<hbm>>
      tpu.enqueue_dma source(%dma_start3A_39 : memref<20000xi32, #tpu.memory_space<hbm>>) target(%arg7 : memref<20000xi32, #tpu.memory_space<vmem>>) target_semaphore(%run_scoped3A : memref<!tpu.dma_semaphore, #tpu.memory_space<semaphore_mem>>)
      %dma_wait3A = tpu.memref_slice %arg3[%add3A] : memref<640000xi32, #tpu.memory_space<hbm>> -> memref<20000xi32, #tpu.memory_space<hbm>>
      %dma_wait3A_40 = tpu.memref_slice %arg3[%add3A] : memref<640000xi32, #tpu.memory_space<hbm>> -> memref<20000xi32, #tpu.memory_space<hbm>>
      tpu.wait_dma2 semaphore(%run_scoped3A : memref<!tpu.dma_semaphore, #tpu.memory_space<semaphore_mem>>) src(%dma_wait3A_40 : memref<20000xi32, #tpu.memory_space<hbm>>) dst(%arg7 : memref<20000xi32, #tpu.memory_space<vmem>>)
      tpu.yield
    }) : () -> ()
    %barrier3A = arith.constant 0 : index
    tpu.barrier barrier_id(%barrier3A)
    %add3A_5 = arith.constant 0 : i32
    %add3A_6 = arith.addi %add3A, %add3A_5 : i32
    "tpu.region"() ({
      %run_scoped3A = tpu.sem_alloc : memref<!tpu.dma_semaphore, #tpu.memory_space<semaphore_mem>>
      %dma_start3A_38 = tpu.memref_slice %arg4[%add3A_6] : memref<640000xi32, #tpu.memory_space<hbm>> -> memref<80xi32, #tpu.memory_space<hbm>>
      %dma_start3A_39 = tpu.memref_slice %arg4[%add3A_6] : memref<640000xi32, #tpu.memory_space<hbm>> -> memref<80xi32, #tpu.memory_space<hbm>>
      tpu.enqueue_dma source(%dma_start3A_39 : memref<80xi32, #tpu.memory_space<hbm>>) target(%arg8 : memref<80xi32, #tpu.memory_space<vmem>>) target_semaphore(%run_scoped3A : memref<!tpu.dma_semaphore, #tpu.memory_space<semaphore_mem>>)
      %dma_wait3A = tpu.memref_slice %arg4[%add3A_6] : memref<640000xi32, #tpu.memory_space<hbm>> -> memref<80xi32, #tpu.memory_space<hbm>>
      %dma_wait3A_40 = tpu.memref_slice %arg4[%add3A_6] : memref<640000xi32, #tpu.memory_space<hbm>> -> memref<80xi32, #tpu.memory_space<hbm>>
      tpu.wait_dma2 semaphore(%run_scoped3A : memref<!tpu.dma_semaphore, #tpu.memory_space<semaphore_mem>>) src(%dma_wait3A_40 : memref<80xi32, #tpu.memory_space<hbm>>) dst(%arg8 : memref<80xi32, #tpu.memory_space<vmem>>)
      tpu.yield
    }) : () -> ()
    %dma_start3A = arith.constant 0 : i32
    %dma_start3A_7 = arith.constant 0 : i32
    %dma_start3A_8 = arith.constant 0 : i32
    %dma_start3A_9 = tpu.memref_slice %arg10[%dma_start3A, %dma_start3A_7, %dma_start3A_8] : memref<2x80x128xf32, #tpu.memory_space<vmem>> -> memref<1x80x128xf32, #tpu.memory_space<vmem>>
    %dma_start3A_10 = tpu.memref_squeeze %dma_start3A_9 : memref<1x80x128xf32, #tpu.memory_space<vmem>> -> memref<80x128xf32, #tpu.memory_space<vmem>>
    %dma_start3A_11 = arith.constant 0 : i32
    %dma_start3A_12 = tpu.memref_slice %arg7[%dma_start3A_11] : memref<20000xi32, #tpu.memory_space<vmem>> -> memref<80xi32, #tpu.memory_space<vmem>>
    %dma_start3A_13 = arith.constant 0 : i32
    %dma_start3A_14 = arith.constant 0 : i32
    %dma_start3A_15 = tpu.memref_slice %arg2[%dma_start3A_13, %dma_start3A_14] : memref<20480x128xf32, #tpu.memory_space<hbm>> -> memref<20480x128xf32, #tpu.memory_space<hbm>>
    tpu.enqueue_indirect_dma source(%dma_start3A_15 : memref<20480x128xf32, #tpu.memory_space<hbm>>) target(%dma_start3A_10 : memref<80x128xf32, #tpu.memory_space<vmem>>) offsets(%dma_start3A_12 : memref<80xi32, #tpu.memory_space<vmem>>) semaphore(%arg11 : memref<!tpu.dma_semaphore, #tpu.memory_space<semaphore_mem>>)
    %add3A_16 = arith.constant 80 : i32
    %add3A_17 = arith.addi %add3A, %add3A_16 : i32
    "tpu.region"() ({
      %run_scoped3A = tpu.sem_alloc : memref<!tpu.dma_semaphore, #tpu.memory_space<semaphore_mem>>
      %dma_start3A_38 = tpu.memref_slice %arg4[%add3A_17] : memref<640000xi32, #tpu.memory_space<hbm>> -> memref<80xi32, #tpu.memory_space<hbm>>
      %dma_start3A_39 = tpu.memref_slice %arg4[%add3A_17] : memref<640000xi32, #tpu.memory_space<hbm>> -> memref<80xi32, #tpu.memory_space<hbm>>
      tpu.enqueue_dma source(%dma_start3A_39 : memref<80xi32, #tpu.memory_space<hbm>>) target(%arg9 : memref<80xi32, #tpu.memory_space<vmem>>) target_semaphore(%run_scoped3A : memref<!tpu.dma_semaphore, #tpu.memory_space<semaphore_mem>>)
      %dma_wait3A = tpu.memref_slice %arg4[%add3A_17] : memref<640000xi32, #tpu.memory_space<hbm>> -> memref<80xi32, #tpu.memory_space<hbm>>
      %dma_wait3A_40 = tpu.memref_slice %arg4[%add3A_17] : memref<640000xi32, #tpu.memory_space<hbm>> -> memref<80xi32, #tpu.memory_space<hbm>>
      tpu.wait_dma2 semaphore(%run_scoped3A : memref<!tpu.dma_semaphore, #tpu.memory_space<semaphore_mem>>) src(%dma_wait3A_40 : memref<80xi32, #tpu.memory_space<hbm>>) dst(%arg9 : memref<80xi32, #tpu.memory_space<vmem>>)
      tpu.yield
    }) : () -> ()
    %dma_start3A_18 = arith.constant 1 : i32
    %dma_start3A_19 = arith.constant 0 : i32
    %dma_start3A_20 = arith.constant 0 : i32
    %dma_start3A_21 = tpu.memref_slice %arg10[%dma_start3A_18, %dma_start3A_19, %dma_start3A_20] : memref<2x80x128xf32, #tpu.memory_space<vmem>> -> memref<1x80x128xf32, #tpu.memory_space<vmem>>
    %dma_start3A_22 = tpu.memref_squeeze %dma_start3A_21 : memref<1x80x128xf32, #tpu.memory_space<vmem>> -> memref<80x128xf32, #tpu.memory_space<vmem>>
    %dma_start3A_23 = arith.constant 80 : i32
    %dma_start3A_24 = tpu.memref_slice %arg7[%dma_start3A_23] : memref<20000xi32, #tpu.memory_space<vmem>> -> memref<80xi32, #tpu.memory_space<vmem>>
    %dma_start3A_25 = arith.constant 0 : i32
    %dma_start3A_26 = arith.constant 0 : i32
    %dma_start3A_27 = tpu.memref_slice %arg2[%dma_start3A_25, %dma_start3A_26] : memref<20480x128xf32, #tpu.memory_space<hbm>> -> memref<20480x128xf32, #tpu.memory_space<hbm>>
    tpu.enqueue_indirect_dma source(%dma_start3A_27 : memref<20480x128xf32, #tpu.memory_space<hbm>>) target(%dma_start3A_22 : memref<80x128xf32, #tpu.memory_space<vmem>>) offsets(%dma_start3A_24 : memref<80xi32, #tpu.memory_space<vmem>>) semaphore(%arg12 : memref<!tpu.dma_semaphore, #tpu.memory_space<semaphore_mem>>)
    %scan3A = arith.constant 0 : i32
    %scan3A_28 = arith.constant 0 : i32
    %scan3A_29 = arith.constant 125 : i32
    %scan3A_30 = arith.addi %scan3A_28, %scan3A_29 : i32
    %scan3A_31 = arith.constant 1 : i32
    %scan3A_32 = scf.for %scan3A_38 = %scan3A_28 to %scan3A_30 step %scan3A_31 iter_args(%scan3A_39 = %scan3A) -> (i32)  : i32 {
      %mul3A_40 = arith.constant 2 : i32
      %mul3A_41 = arith.muli %scan3A_38, %mul3A_40 : i32
      %add3A_42 = arith.constant 0 : i32
      %add3A_43 = arith.addi %mul3A_41, %add3A_42 : i32
      %mul3A_44 = arith.constant 80 : i32
      %mul3A_45 = arith.muli %add3A_43, %mul3A_44 : i32
      %dma_wait3A = arith.constant 0 : i32
      %dma_wait3A_46 = arith.constant 0 : i32
      %dma_wait3A_47 = arith.constant 0 : i32
      %dma_wait3A_48 = tpu.memref_slice %arg10[%dma_wait3A, %dma_wait3A_46, %dma_wait3A_47] : memref<2x80x128xf32, #tpu.memory_space<vmem>> -> memref<1x80x128xf32, #tpu.memory_space<vmem>>
      %dma_wait3A_49 = tpu.memref_squeeze %dma_wait3A_48 : memref<1x80x128xf32, #tpu.memory_space<vmem>> -> memref<80x128xf32, #tpu.memory_space<vmem>>
      %dma_wait3A_50 = tpu.memref_slice %arg7[%mul3A_45] : memref<20000xi32, #tpu.memory_space<vmem>> -> memref<80xi32, #tpu.memory_space<vmem>>
      %dma_wait3A_51 = arith.constant 0 : i32
      %dma_wait3A_52 = arith.constant 0 : i32
      %dma_wait3A_53 = tpu.memref_slice %arg2[%dma_wait3A_51, %dma_wait3A_52] : memref<20480x128xf32, #tpu.memory_space<hbm>> -> memref<20480x128xf32, #tpu.memory_space<hbm>>
      tpu.wait_indirect_dma semaphore(%arg11 : memref<!tpu.dma_semaphore, #tpu.memory_space<semaphore_mem>>) src(%dma_wait3A_53 : memref<20480x128xf32, #tpu.memory_space<hbm>>) dst(%dma_wait3A_49 : memref<80x128xf32, #tpu.memory_space<vmem>>)
      %run_scoped3A = arith.constant 0 : i32
      "tpu.region"() ({
        %run_scoped3A_82 = tpu.sem_alloc : memref<!tpu.dma_semaphore, #tpu.memory_space<semaphore_mem>>
        %dma_start3A_83 = arith.constant 0 : i32
        %dma_start3A_84 = arith.constant 0 : i32
        %dma_start3A_85 = tpu.memref_slice %arg10[%run_scoped3A, %dma_start3A_83, %dma_start3A_84] : memref<2x80x128xf32, #tpu.memory_space<vmem>> -> memref<1x80x128xf32, #tpu.memory_space<vmem>>
        %dma_start3A_86 = tpu.memref_squeeze %dma_start3A_85 : memref<1x80x128xf32, #tpu.memory_space<vmem>> -> memref<80x128xf32, #tpu.memory_space<vmem>>
        %dma_start3A_87 = arith.constant 0 : i32
        %dma_start3A_88 = arith.constant 0 : i32
        %dma_start3A_89 = tpu.memref_slice %arg13[%dma_start3A_87, %dma_start3A_88] : memref<10240x128xf32, #tpu.memory_space<vmem_shared>> -> memref<10240x128xf32, #tpu.memory_space<vmem_shared>>
        tpu.enqueue_indirect_dma source(%dma_start3A_86 : memref<80x128xf32, #tpu.memory_space<vmem>>) target(%dma_start3A_89 : memref<10240x128xf32, #tpu.memory_space<vmem_shared>>) offsets(%arg8 : memref<80xi32, #tpu.memory_space<vmem>>) semaphore(%run_scoped3A_82 : memref<!tpu.dma_semaphore, #tpu.memory_space<semaphore_mem>>) {add = true}
        %dma_wait3A_90 = arith.constant 0 : i32
        %dma_wait3A_91 = arith.constant 0 : i32
        %dma_wait3A_92 = tpu.memref_slice %arg10[%run_scoped3A, %dma_wait3A_90, %dma_wait3A_91] : memref<2x80x128xf32, #tpu.memory_space<vmem>> -> memref<1x80x128xf32, #tpu.memory_space<vmem>>
        %dma_wait3A_93 = tpu.memref_squeeze %dma_wait3A_92 : memref<1x80x128xf32, #tpu.memory_space<vmem>> -> memref<80x128xf32, #tpu.memory_space<vmem>>
        %dma_wait3A_94 = arith.constant 0 : i32
        %dma_wait3A_95 = arith.constant 0 : i32
        %dma_wait3A_96 = tpu.memref_slice %arg13[%dma_wait3A_94, %dma_wait3A_95] : memref<10240x128xf32, #tpu.memory_space<vmem_shared>> -> memref<10240x128xf32, #tpu.memory_space<vmem_shared>>
        tpu.wait_indirect_dma semaphore(%run_scoped3A_82 : memref<!tpu.dma_semaphore, #tpu.memory_space<semaphore_mem>>) src(%dma_wait3A_93 : memref<80x128xf32, #tpu.memory_space<vmem>>) dst(%dma_wait3A_96 : memref<10240x128xf32, #tpu.memory_space<vmem_shared>>)
        tpu.yield
      }) : () -> ()
      %add3A_54 = arith.constant 2 : i32
      %add3A_55 = arith.addi %add3A_43, %add3A_54 : i32
      %lt3A = arith.constant 250 : i32
      %lt3A_56 = arith.cmpi slt, %add3A_55, %lt3A : i32
      %convert_element_type3A = arith.extui %lt3A_56 : i1 to i32
      %cond3A = arith.constant 0 : i32
      %cond3A_57 = arith.cmpi ne, %convert_element_type3A, %cond3A : i32
      scf.if %cond3A_57 {
        %add3A_82 = arith.constant 2 : i32
        %add3A_83 = arith.addi %add3A_43, %add3A_82 : i32
        %mul3A_84 = arith.constant 80 : i32
        %mul3A_85 = arith.muli %add3A_83, %mul3A_84 : i32
        %add3A_86 = arith.addi %add3A, %mul3A_85 : i32
        "tpu.region"() ({
          %run_scoped3A_98 = tpu.sem_alloc : memref<!tpu.dma_semaphore, #tpu.memory_space<semaphore_mem>>
          %dma_start3A_99 = tpu.memref_slice %arg4[%add3A_86] : memref<640000xi32, #tpu.memory_space<hbm>> -> memref<80xi32, #tpu.memory_space<hbm>>
          %dma_start3A_100 = tpu.memref_slice %arg4[%add3A_86] : memref<640000xi32, #tpu.memory_space<hbm>> -> memref<80xi32, #tpu.memory_space<hbm>>
          tpu.enqueue_dma source(%dma_start3A_100 : memref<80xi32, #tpu.memory_space<hbm>>) target(%arg8 : memref<80xi32, #tpu.memory_space<vmem>>) target_semaphore(%run_scoped3A_98 : memref<!tpu.dma_semaphore, #tpu.memory_space<semaphore_mem>>)
          %dma_wait3A_101 = tpu.memref_slice %arg4[%add3A_86] : memref<640000xi32, #tpu.memory_space<hbm>> -> memref<80xi32, #tpu.memory_space<hbm>>
          %dma_wait3A_102 = tpu.memref_slice %arg4[%add3A_86] : memref<640000xi32, #tpu.memory_space<hbm>> -> memref<80xi32, #tpu.memory_space<hbm>>
          tpu.wait_dma2 semaphore(%run_scoped3A_98 : memref<!tpu.dma_semaphore, #tpu.memory_space<semaphore_mem>>) src(%dma_wait3A_102 : memref<80xi32, #tpu.memory_space<hbm>>) dst(%arg8 : memref<80xi32, #tpu.memory_space<vmem>>)
          tpu.yield
        }) : () -> ()
        %mul3A_87 = arith.constant 80 : i32
        %mul3A_88 = arith.muli %add3A_83, %mul3A_87 : i32
        %dma_start3A_89 = arith.constant 0 : i32
        %dma_start3A_90 = arith.constant 0 : i32
        %dma_start3A_91 = arith.constant 0 : i32
        %dma_start3A_92 = tpu.memref_slice %arg10[%dma_start3A_89, %dma_start3A_90, %dma_start3A_91] : memref<2x80x128xf32, #tpu.memory_space<vmem>> -> memref<1x80x128xf32, #tpu.memory_space<vmem>>
        %dma_start3A_93 = tpu.memref_squeeze %dma_start3A_92 : memref<1x80x128xf32, #tpu.memory_space<vmem>> -> memref<80x128xf32, #tpu.memory_space<vmem>>
        %dma_start3A_94 = tpu.memref_slice %arg7[%mul3A_88] : memref<20000xi32, #tpu.memory_space<vmem>> -> memref<80xi32, #tpu.memory_space<vmem>>
        %dma_start3A_95 = arith.constant 0 : i32
        %dma_start3A_96 = arith.constant 0 : i32
        %dma_start3A_97 = tpu.memref_slice %arg2[%dma_start3A_95, %dma_start3A_96] : memref<20480x128xf32, #tpu.memory_space<hbm>> -> memref<20480x128xf32, #tpu.memory_space<hbm>>
        tpu.enqueue_indirect_dma source(%dma_start3A_97 : memref<20480x128xf32, #tpu.memory_space<hbm>>) target(%dma_start3A_93 : memref<80x128xf32, #tpu.memory_space<vmem>>) offsets(%dma_start3A_94 : memref<80xi32, #tpu.memory_space<vmem>>) semaphore(%arg11 : memref<!tpu.dma_semaphore, #tpu.memory_space<semaphore_mem>>)
      } else {
      }
      %mul3A_58 = arith.constant 2 : i32
      %mul3A_59 = arith.muli %scan3A_38, %mul3A_58 : i32
      %add3A_60 = arith.constant 1 : i32
      %add3A_61 = arith.addi %mul3A_59, %add3A_60 : i32
      %mul3A_62 = arith.constant 80 : i32
      %mul3A_63 = arith.muli %add3A_61, %mul3A_62 : i32
      %dma_wait3A_64 = arith.constant 1 : i32
      %dma_wait3A_65 = arith.constant 0 : i32
      %dma_wait3A_66 = arith.constant 0 : i32
      %dma_wait3A_67 = tpu.memref_slice %arg10[%dma_wait3A_64, %dma_wait3A_65, %dma_wait3A_66] : memref<2x80x128xf32, #tpu.memory_space<vmem>> -> memref<1x80x128xf32, #tpu.memory_space<vmem>>
      %dma_wait3A_68 = tpu.memref_squeeze %dma_wait3A_67 : memref<1x80x128xf32, #tpu.memory_space<vmem>> -> memref<80x128xf32, #tpu.memory_space<vmem>>
      %dma_wait3A_69 = tpu.memref_slice %arg7[%mul3A_63] : memref<20000xi32, #tpu.memory_space<vmem>> -> memref<80xi32, #tpu.memory_space<vmem>>
      %dma_wait3A_70 = arith.constant 0 : i32
      %dma_wait3A_71 = arith.constant 0 : i32
      %dma_wait3A_72 = tpu.memref_slice %arg2[%dma_wait3A_70, %dma_wait3A_71] : memref<20480x128xf32, #tpu.memory_space<hbm>> -> memref<20480x128xf32, #tpu.memory_space<hbm>>
      tpu.wait_indirect_dma semaphore(%arg12 : memref<!tpu.dma_semaphore, #tpu.memory_space<semaphore_mem>>) src(%dma_wait3A_72 : memref<20480x128xf32, #tpu.memory_space<hbm>>) dst(%dma_wait3A_68 : memref<80x128xf32, #tpu.memory_space<vmem>>)
      %run_scoped3A_73 = arith.constant 1 : i32
      "tpu.region"() ({
        %run_scoped3A_82 = tpu.sem_alloc : memref<!tpu.dma_semaphore, #tpu.memory_space<semaphore_mem>>
        %dma_start3A_83 = arith.constant 0 : i32
        %dma_start3A_84 = arith.constant 0 : i32
        %dma_start3A_85 = tpu.memref_slice %arg10[%run_scoped3A_73, %dma_start3A_83, %dma_start3A_84] : memref<2x80x128xf32, #tpu.memory_space<vmem>> -> memref<1x80x128xf32, #tpu.memory_space<vmem>>
        %dma_start3A_86 = tpu.memref_squeeze %dma_start3A_85 : memref<1x80x128xf32, #tpu.memory_space<vmem>> -> memref<80x128xf32, #tpu.memory_space<vmem>>
        %dma_start3A_87 = arith.constant 0 : i32
        %dma_start3A_88 = arith.constant 0 : i32
        %dma_start3A_89 = tpu.memref_slice %arg13[%dma_start3A_87, %dma_start3A_88] : memref<10240x128xf32, #tpu.memory_space<vmem_shared>> -> memref<10240x128xf32, #tpu.memory_space<vmem_shared>>
        tpu.enqueue_indirect_dma source(%dma_start3A_86 : memref<80x128xf32, #tpu.memory_space<vmem>>) target(%dma_start3A_89 : memref<10240x128xf32, #tpu.memory_space<vmem_shared>>) offsets(%arg9 : memref<80xi32, #tpu.memory_space<vmem>>) semaphore(%run_scoped3A_82 : memref<!tpu.dma_semaphore, #tpu.memory_space<semaphore_mem>>) {add = true}
        %dma_wait3A_90 = arith.constant 0 : i32
        %dma_wait3A_91 = arith.constant 0 : i32
        %dma_wait3A_92 = tpu.memref_slice %arg10[%run_scoped3A_73, %dma_wait3A_90, %dma_wait3A_91] : memref<2x80x128xf32, #tpu.memory_space<vmem>> -> memref<1x80x128xf32, #tpu.memory_space<vmem>>
        %dma_wait3A_93 = tpu.memref_squeeze %dma_wait3A_92 : memref<1x80x128xf32, #tpu.memory_space<vmem>> -> memref<80x128xf32, #tpu.memory_space<vmem>>
        %dma_wait3A_94 = arith.constant 0 : i32
        %dma_wait3A_95 = arith.constant 0 : i32
        %dma_wait3A_96 = tpu.memref_slice %arg13[%dma_wait3A_94, %dma_wait3A_95] : memref<10240x128xf32, #tpu.memory_space<vmem_shared>> -> memref<10240x128xf32, #tpu.memory_space<vmem_shared>>
        tpu.wait_indirect_dma semaphore(%run_scoped3A_82 : memref<!tpu.dma_semaphore, #tpu.memory_space<semaphore_mem>>) src(%dma_wait3A_93 : memref<80x128xf32, #tpu.memory_space<vmem>>) dst(%dma_wait3A_96 : memref<10240x128xf32, #tpu.memory_space<vmem_shared>>)
        tpu.yield
      }) : () -> ()
      %add3A_74 = arith.constant 2 : i32
      %add3A_75 = arith.addi %add3A_61, %add3A_74 : i32
      %lt3A_76 = arith.constant 250 : i32
      %lt3A_77 = arith.cmpi slt, %add3A_75, %lt3A_76 : i32
      %convert_element_type3A_78 = arith.extui %lt3A_77 : i1 to i32
      %cond3A_79 = arith.constant 0 : i32
      %cond3A_80 = arith.cmpi ne, %convert_element_type3A_78, %cond3A_79 : i32
      scf.if %cond3A_80 {
        %add3A_82 = arith.constant 2 : i32
        %add3A_83 = arith.addi %add3A_61, %add3A_82 : i32
        %mul3A_84 = arith.constant 80 : i32
        %mul3A_85 = arith.muli %add3A_83, %mul3A_84 : i32
        %add3A_86 = arith.addi %add3A, %mul3A_85 : i32
        "tpu.region"() ({
          %run_scoped3A_98 = tpu.sem_alloc : memref<!tpu.dma_semaphore, #tpu.memory_space<semaphore_mem>>
          %dma_start3A_99 = tpu.memref_slice %arg4[%add3A_86] : memref<640000xi32, #tpu.memory_space<hbm>> -> memref<80xi32, #tpu.memory_space<hbm>>
          %dma_start3A_100 = tpu.memref_slice %arg4[%add3A_86] : memref<640000xi32, #tpu.memory_space<hbm>> -> memref<80xi32, #tpu.memory_space<hbm>>
          tpu.enqueue_dma source(%dma_start3A_100 : memref<80xi32, #tpu.memory_space<hbm>>) target(%arg9 : memref<80xi32, #tpu.memory_space<vmem>>) target_semaphore(%run_scoped3A_98 : memref<!tpu.dma_semaphore, #tpu.memory_space<semaphore_mem>>)
          %dma_wait3A_101 = tpu.memref_slice %arg4[%add3A_86] : memref<640000xi32, #tpu.memory_space<hbm>> -> memref<80xi32, #tpu.memory_space<hbm>>
          %dma_wait3A_102 = tpu.memref_slice %arg4[%add3A_86] : memref<640000xi32, #tpu.memory_space<hbm>> -> memref<80xi32, #tpu.memory_space<hbm>>
          tpu.wait_dma2 semaphore(%run_scoped3A_98 : memref<!tpu.dma_semaphore, #tpu.memory_space<semaphore_mem>>) src(%dma_wait3A_102 : memref<80xi32, #tpu.memory_space<hbm>>) dst(%arg9 : memref<80xi32, #tpu.memory_space<vmem>>)
          tpu.yield
        }) : () -> ()
        %mul3A_87 = arith.constant 80 : i32
        %mul3A_88 = arith.muli %add3A_83, %mul3A_87 : i32
        %dma_start3A_89 = arith.constant 1 : i32
        %dma_start3A_90 = arith.constant 0 : i32
        %dma_start3A_91 = arith.constant 0 : i32
        %dma_start3A_92 = tpu.memref_slice %arg10[%dma_start3A_89, %dma_start3A_90, %dma_start3A_91] : memref<2x80x128xf32, #tpu.memory_space<vmem>> -> memref<1x80x128xf32, #tpu.memory_space<vmem>>
        %dma_start3A_93 = tpu.memref_squeeze %dma_start3A_92 : memref<1x80x128xf32, #tpu.memory_space<vmem>> -> memref<80x128xf32, #tpu.memory_space<vmem>>
        %dma_start3A_94 = tpu.memref_slice %arg7[%mul3A_88] : memref<20000xi32, #tpu.memory_space<vmem>> -> memref<80xi32, #tpu.memory_space<vmem>>
        %dma_start3A_95 = arith.constant 0 : i32
        %dma_start3A_96 = arith.constant 0 : i32
        %dma_start3A_97 = tpu.memref_slice %arg2[%dma_start3A_95, %dma_start3A_96] : memref<20480x128xf32, #tpu.memory_space<hbm>> -> memref<20480x128xf32, #tpu.memory_space<hbm>>
        tpu.enqueue_indirect_dma source(%dma_start3A_97 : memref<20480x128xf32, #tpu.memory_space<hbm>>) target(%dma_start3A_93 : memref<80x128xf32, #tpu.memory_space<vmem>>) offsets(%dma_start3A_94 : memref<80xi32, #tpu.memory_space<vmem>>) semaphore(%arg12 : memref<!tpu.dma_semaphore, #tpu.memory_space<semaphore_mem>>)
      } else {
      }
      %scan3A_81 = arith.constant 0 : i32
      scf.yield %scan3A_81 : i32
    }
    %scan3A_33 = arith.constant 125 : i32
    %barrier3A_34 = arith.constant 0 : index
    tpu.barrier barrier_id(%barrier3A_34)
    %mul3A_35 = arith.constant 10240 : i32
    %mul3A_36 = arith.muli %arg0, %mul3A_35 : i32
    %add3A_37 = arith.addi %mul3A_36, %mul3A_0 : i32
    "tpu.region"() ({
      %run_scoped3A = tpu.sem_alloc : memref<!tpu.dma_semaphore, #tpu.memory_space<semaphore_mem>>
      %dma_start3A_38 = arith.constant 0 : i32
      %dma_start3A_39 = tpu.memref_slice %arg6[%add3A_37, %dma_start3A_38] : memref<20480x128xf32, #tpu.memory_space<hbm>> -> memref<640x128xf32, #tpu.memory_space<hbm>>
      %dma_start3A_40 = arith.constant 0 : i32
      %dma_start3A_41 = tpu.memref_slice %arg13[%mul3A_0, %dma_start3A_40] : memref<10240x128xf32, #tpu.memory_space<vmem_shared>> -> memref<640x128xf32, #tpu.memory_space<vmem_shared>>
      tpu.enqueue_dma source(%dma_start3A_41 : memref<640x128xf32, #tpu.memory_space<vmem_shared>>) target(%dma_start3A_39 : memref<640x128xf32, #tpu.memory_space<hbm>>) target_semaphore(%run_scoped3A : memref<!tpu.dma_semaphore, #tpu.memory_space<semaphore_mem>>)
      %dma_wait3A = arith.constant 0 : i32
      %dma_wait3A_42 = tpu.memref_slice %arg6[%add3A_37, %dma_wait3A] : memref<20480x128xf32, #tpu.memory_space<hbm>> -> memref<640x128xf32, #tpu.memory_space<hbm>>
      %dma_wait3A_43 = arith.constant 0 : i32
      %dma_wait3A_44 = tpu.memref_slice %arg13[%mul3A_0, %dma_wait3A_43] : memref<10240x128xf32, #tpu.memory_space<vmem_shared>> -> memref<640x128xf32, #tpu.memory_space<vmem_shared>>
      tpu.wait_dma2 semaphore(%run_scoped3A : memref<!tpu.dma_semaphore, #tpu.memory_space<semaphore_mem>>) src(%dma_wait3A_44 : memref<640x128xf32, #tpu.memory_space<vmem_shared>>) dst(%dma_wait3A_42 : memref<640x128xf32, #tpu.memory_space<hbm>>)
      tpu.yield
    }) : () -> ()
    return
  }
}

#map = affine_map<(d0, d1) -> (0, 0)>
#map1 = affine_map<(d0, d1) -> (0)>
module attributes {stable_mosaic.version = 14 : i64} {
  func.func @_agg_body(%arg0: i32, %arg1: i32, %arg2: memref<20480x128xf32, #tpu.memory_space<hbm>>, %arg3: memref<640000xi32, #tpu.memory_space<hbm>>, %arg4: memref<640000xi32, #tpu.memory_space<hbm>>, %arg5: memref<10240x128xf32, #tpu.memory_space<hbm>>, %arg6: memref<20480x128xf32, #tpu.memory_space<hbm>>, %arg7: memref<20000xi32, #tpu.memory_space<vmem>>, %arg8: memref<80xi32, #tpu.memory_space<vmem>>, %arg9: memref<80xi32, #tpu.memory_space<vmem>>, %arg10: memref<2x80x128xf32, #tpu.memory_space<vmem>>, %arg11: memref<!tpu.dma_semaphore, #tpu.memory_space<semaphore_mem>>, %arg12: memref<!tpu.dma_semaphore, #tpu.memory_space<semaphore_mem>>, %arg13: memref<10240x128xf32, #tpu.memory_space<vmem_shared>>) attributes {dimension_semantics = [#tpu.dimension_semantics<core_parallel>, #tpu.dimension_semantics<subcore_parallel>], iteration_bounds = array<i64: 2, 16>, scalar_prefetch = 0 : i64, scratch_operands = 7 : i64, tpu.core_type = #tpu.core_type<sc_vector_subcore>, window_params = [{transform_indices = #map}, {transform_indices = #map1}, {transform_indices = #map1}, {transform_indices = #map}, {transform_indices = #map}]} {
    %mul3A = arith.constant 640 : i32
    %mul3A_0 = arith.muli %arg1, %mul3A : i32
    "tpu.region"() ({
      %run_scoped3A = tpu.sem_alloc : memref<!tpu.dma_semaphore, #tpu.memory_space<semaphore_mem>>
      %dma_start3A_38 = arith.constant 0 : i32
      %dma_start3A_39 = tpu.memref_slice %arg13[%mul3A_0, %dma_start3A_38] : memref<10240x128xf32, #tpu.memory_space<vmem_shared>> -> memref<640x128xf32, #tpu.memory_space<vmem_shared>>
      %dma_start3A_40 = arith.constant 0 : i32
      %dma_start3A_41 = tpu.memref_slice %arg5[%mul3A_0, %dma_start3A_40] : memref<10240x128xf32, #tpu.memory_space<hbm>> -> memref<640x128xf32, #tpu.memory_space<hbm>>
      tpu.enqueue_dma source(%dma_start3A_41 : memref<640x128xf32, #tpu.memory_space<hbm>>) target(%dma_start3A_39 : memref<640x128xf32, #tpu.memory_space<vmem_shared>>) target_semaphore(%run_scoped3A : memref<!tpu.dma_semaphore, #tpu.memory_space<semaphore_mem>>)
      %dma_wait3A = arith.constant 0 : i32
      %dma_wait3A_42 = tpu.memref_slice %arg13[%mul3A_0, %dma_wait3A] : memref<10240x128xf32, #tpu.memory_space<vmem_shared>> -> memref<640x128xf32, #tpu.memory_space<vmem_shared>>
      %dma_wait3A_43 = arith.constant 0 : i32
      %dma_wait3A_44 = tpu.memref_slice %arg5[%mul3A_0, %dma_wait3A_43] : memref<10240x128xf32, #tpu.memory_space<hbm>> -> memref<640x128xf32, #tpu.memory_space<hbm>>
      tpu.wait_dma2 semaphore(%run_scoped3A : memref<!tpu.dma_semaphore, #tpu.memory_space<semaphore_mem>>) src(%dma_wait3A_44 : memref<640x128xf32, #tpu.memory_space<hbm>>) dst(%dma_wait3A_42 : memref<640x128xf32, #tpu.memory_space<vmem_shared>>)
      tpu.yield
    }) : () -> ()
    %mul3A_1 = arith.constant 320000 : i32
    %mul3A_2 = arith.muli %arg0, %mul3A_1 : i32
    %mul3A_3 = arith.constant 20000 : i32
    %mul3A_4 = arith.muli %arg1, %mul3A_3 : i32
    %add3A = arith.addi %mul3A_2, %mul3A_4 : i32
    "tpu.region"() ({
      %run_scoped3A = tpu.sem_alloc : memref<!tpu.dma_semaphore, #tpu.memory_space<semaphore_mem>>
      %dma_start3A_38 = tpu.memref_slice %arg3[%add3A] : memref<640000xi32, #tpu.memory_space<hbm>> -> memref<20000xi32, #tpu.memory_space<hbm>>
      %dma_start3A_39 = tpu.memref_slice %arg3[%add3A] : memref<640000xi32, #tpu.memory_space<hbm>> -> memref<20000xi32, #tpu.memory_space<hbm>>
      tpu.enqueue_dma source(%dma_start3A_39 : memref<20000xi32, #tpu.memory_space<hbm>>) target(%arg7 : memref<20000xi32, #tpu.memory_space<vmem>>) target_semaphore(%run_scoped3A : memref<!tpu.dma_semaphore, #tpu.memory_space<semaphore_mem>>)
      %dma_wait3A = tpu.memref_slice %arg3[%add3A] : memref<640000xi32, #tpu.memory_space<hbm>> -> memref<20000xi32, #tpu.memory_space<hbm>>
      %dma_wait3A_40 = tpu.memref_slice %arg3[%add3A] : memref<640000xi32, #tpu.memory_space<hbm>> -> memref<20000xi32, #tpu.memory_space<hbm>>
      tpu.wait_dma2 semaphore(%run_scoped3A : memref<!tpu.dma_semaphore, #tpu.memory_space<semaphore_mem>>) src(%dma_wait3A_40 : memref<20000xi32, #tpu.memory_space<hbm>>) dst(%arg7 : memref<20000xi32, #tpu.memory_space<vmem>>)
      tpu.yield
    }) : () -> ()
    %barrier3A = arith.constant 0 : index
    tpu.barrier barrier_id(%barrier3A)
    %add3A_5 = arith.constant 0 : i32
    %add3A_6 = arith.addi %add3A, %add3A_5 : i32
    "tpu.region"() ({
      %run_scoped3A = tpu.sem_alloc : memref<!tpu.dma_semaphore, #tpu.memory_space<semaphore_mem>>
      %dma_start3A_38 = tpu.memref_slice %arg4[%add3A_6] : memref<640000xi32, #tpu.memory_space<hbm>> -> memref<80xi32, #tpu.memory_space<hbm>>
      %dma_start3A_39 = tpu.memref_slice %arg4[%add3A_6] : memref<640000xi32, #tpu.memory_space<hbm>> -> memref<80xi32, #tpu.memory_space<hbm>>
      tpu.enqueue_dma source(%dma_start3A_39 : memref<80xi32, #tpu.memory_space<hbm>>) target(%arg8 : memref<80xi32, #tpu.memory_space<vmem>>) target_semaphore(%run_scoped3A : memref<!tpu.dma_semaphore, #tpu.memory_space<semaphore_mem>>)
      %dma_wait3A = tpu.memref_slice %arg4[%add3A_6] : memref<640000xi32, #tpu.memory_space<hbm>> -> memref<80xi32, #tpu.memory_space<hbm>>
      %dma_wait3A_40 = tpu.memref_slice %arg4[%add3A_6] : memref<640000xi32, #tpu.memory_space<hbm>> -> memref<80xi32, #tpu.memory_space<hbm>>
      tpu.wait_dma2 semaphore(%run_scoped3A : memref<!tpu.dma_semaphore, #tpu.memory_space<semaphore_mem>>) src(%dma_wait3A_40 : memref<80xi32, #tpu.memory_space<hbm>>) dst(%arg8 : memref<80xi32, #tpu.memory_space<vmem>>)
      tpu.yield
    }) : () -> ()
    %dma_start3A = arith.constant 0 : i32
    %dma_start3A_7 = arith.constant 0 : i32
    %dma_start3A_8 = arith.constant 0 : i32
    %dma_start3A_9 = tpu.memref_slice %arg10[%dma_start3A, %dma_start3A_7, %dma_start3A_8] : memref<2x80x128xf32, #tpu.memory_space<vmem>> -> memref<1x80x128xf32, #tpu.memory_space<vmem>>
    %dma_start3A_10 = tpu.memref_squeeze %dma_start3A_9 : memref<1x80x128xf32, #tpu.memory_space<vmem>> -> memref<80x128xf32, #tpu.memory_space<vmem>>
    %dma_start3A_11 = arith.constant 0 : i32
    %dma_start3A_12 = tpu.memref_slice %arg7[%dma_start3A_11] : memref<20000xi32, #tpu.memory_space<vmem>> -> memref<80xi32, #tpu.memory_space<vmem>>
    %dma_start3A_13 = arith.constant 0 : i32
    %dma_start3A_14 = arith.constant 0 : i32
    %dma_start3A_15 = tpu.memref_slice %arg2[%dma_start3A_13, %dma_start3A_14] : memref<20480x128xf32, #tpu.memory_space<hbm>> -> memref<20480x128xf32, #tpu.memory_space<hbm>>
    tpu.enqueue_indirect_dma source(%dma_start3A_15 : memref<20480x128xf32, #tpu.memory_space<hbm>>) target(%dma_start3A_10 : memref<80x128xf32, #tpu.memory_space<vmem>>) offsets(%dma_start3A_12 : memref<80xi32, #tpu.memory_space<vmem>>) semaphore(%arg11 : memref<!tpu.dma_semaphore, #tpu.memory_space<semaphore_mem>>)
    %add3A_16 = arith.constant 80 : i32
    %add3A_17 = arith.addi %add3A, %add3A_16 : i32
    "tpu.region"() ({
      %run_scoped3A = tpu.sem_alloc : memref<!tpu.dma_semaphore, #tpu.memory_space<semaphore_mem>>
      %dma_start3A_38 = tpu.memref_slice %arg4[%add3A_17] : memref<640000xi32, #tpu.memory_space<hbm>> -> memref<80xi32, #tpu.memory_space<hbm>>
      %dma_start3A_39 = tpu.memref_slice %arg4[%add3A_17] : memref<640000xi32, #tpu.memory_space<hbm>> -> memref<80xi32, #tpu.memory_space<hbm>>
      tpu.enqueue_dma source(%dma_start3A_39 : memref<80xi32, #tpu.memory_space<hbm>>) target(%arg9 : memref<80xi32, #tpu.memory_space<vmem>>) target_semaphore(%run_scoped3A : memref<!tpu.dma_semaphore, #tpu.memory_space<semaphore_mem>>)
      %dma_wait3A = tpu.memref_slice %arg4[%add3A_17] : memref<640000xi32, #tpu.memory_space<hbm>> -> memref<80xi32, #tpu.memory_space<hbm>>
      %dma_wait3A_40 = tpu.memref_slice %arg4[%add3A_17] : memref<640000xi32, #tpu.memory_space<hbm>> -> memref<80xi32, #tpu.memory_space<hbm>>
      tpu.wait_dma2 semaphore(%run_scoped3A : memref<!tpu.dma_semaphore, #tpu.memory_space<semaphore_mem>>) src(%dma_wait3A_40 : memref<80xi32, #tpu.memory_space<hbm>>) dst(%arg9 : memref<80xi32, #tpu.memory_space<vmem>>)
      tpu.yield
    }) : () -> ()
    %dma_start3A_18 = arith.constant 1 : i32
    %dma_start3A_19 = arith.constant 0 : i32
    %dma_start3A_20 = arith.constant 0 : i32
    %dma_start3A_21 = tpu.memref_slice %arg10[%dma_start3A_18, %dma_start3A_19, %dma_start3A_20] : memref<2x80x128xf32, #tpu.memory_space<vmem>> -> memref<1x80x128xf32, #tpu.memory_space<vmem>>
    %dma_start3A_22 = tpu.memref_squeeze %dma_start3A_21 : memref<1x80x128xf32, #tpu.memory_space<vmem>> -> memref<80x128xf32, #tpu.memory_space<vmem>>
    %dma_start3A_23 = arith.constant 80 : i32
    %dma_start3A_24 = tpu.memref_slice %arg7[%dma_start3A_23] : memref<20000xi32, #tpu.memory_space<vmem>> -> memref<80xi32, #tpu.memory_space<vmem>>
    %dma_start3A_25 = arith.constant 0 : i32
    %dma_start3A_26 = arith.constant 0 : i32
    %dma_start3A_27 = tpu.memref_slice %arg2[%dma_start3A_25, %dma_start3A_26] : memref<20480x128xf32, #tpu.memory_space<hbm>> -> memref<20480x128xf32, #tpu.memory_space<hbm>>
    tpu.enqueue_indirect_dma source(%dma_start3A_27 : memref<20480x128xf32, #tpu.memory_space<hbm>>) target(%dma_start3A_22 : memref<80x128xf32, #tpu.memory_space<vmem>>) offsets(%dma_start3A_24 : memref<80xi32, #tpu.memory_space<vmem>>) semaphore(%arg12 : memref<!tpu.dma_semaphore, #tpu.memory_space<semaphore_mem>>)
    %scan3A = arith.constant 0 : i32
    %scan3A_28 = arith.constant 0 : i32
    %scan3A_29 = arith.constant 125 : i32
    %scan3A_30 = arith.addi %scan3A_28, %scan3A_29 : i32
    %scan3A_31 = arith.constant 1 : i32
    %scan3A_32 = scf.for %scan3A_38 = %scan3A_28 to %scan3A_30 step %scan3A_31 iter_args(%scan3A_39 = %scan3A) -> (i32)  : i32 {
      %mul3A_40 = arith.constant 2 : i32
      %mul3A_41 = arith.muli %scan3A_38, %mul3A_40 : i32
      %add3A_42 = arith.constant 0 : i32
      %add3A_43 = arith.addi %mul3A_41, %add3A_42 : i32
      %mul3A_44 = arith.constant 80 : i32
      %mul3A_45 = arith.muli %add3A_43, %mul3A_44 : i32
      %dma_wait3A = arith.constant 0 : i32
      %dma_wait3A_46 = arith.constant 0 : i32
      %dma_wait3A_47 = arith.constant 0 : i32
      %dma_wait3A_48 = tpu.memref_slice %arg10[%dma_wait3A, %dma_wait3A_46, %dma_wait3A_47] : memref<2x80x128xf32, #tpu.memory_space<vmem>> -> memref<1x80x128xf32, #tpu.memory_space<vmem>>
      %dma_wait3A_49 = tpu.memref_squeeze %dma_wait3A_48 : memref<1x80x128xf32, #tpu.memory_space<vmem>> -> memref<80x128xf32, #tpu.memory_space<vmem>>
      %dma_wait3A_50 = tpu.memref_slice %arg7[%mul3A_45] : memref<20000xi32, #tpu.memory_space<vmem>> -> memref<80xi32, #tpu.memory_space<vmem>>
      %dma_wait3A_51 = arith.constant 0 : i32
      %dma_wait3A_52 = arith.constant 0 : i32
      %dma_wait3A_53 = tpu.memref_slice %arg2[%dma_wait3A_51, %dma_wait3A_52] : memref<20480x128xf32, #tpu.memory_space<hbm>> -> memref<20480x128xf32, #tpu.memory_space<hbm>>
      tpu.wait_indirect_dma semaphore(%arg11 : memref<!tpu.dma_semaphore, #tpu.memory_space<semaphore_mem>>) src(%dma_wait3A_53 : memref<20480x128xf32, #tpu.memory_space<hbm>>) dst(%dma_wait3A_49 : memref<80x128xf32, #tpu.memory_space<vmem>>)
      %run_scoped3A = arith.constant 0 : i32
      "tpu.region"() ({
        %run_scoped3A_82 = tpu.sem_alloc : memref<!tpu.dma_semaphore, #tpu.memory_space<semaphore_mem>>
        %dma_start3A_83 = arith.constant 0 : i32
        %dma_start3A_84 = arith.constant 0 : i32
        %dma_start3A_85 = tpu.memref_slice %arg10[%run_scoped3A, %dma_start3A_83, %dma_start3A_84] : memref<2x80x128xf32, #tpu.memory_space<vmem>> -> memref<1x80x128xf32, #tpu.memory_space<vmem>>
        %dma_start3A_86 = tpu.memref_squeeze %dma_start3A_85 : memref<1x80x128xf32, #tpu.memory_space<vmem>> -> memref<80x128xf32, #tpu.memory_space<vmem>>
        %dma_start3A_87 = arith.constant 0 : i32
        %dma_start3A_88 = arith.constant 0 : i32
        %dma_start3A_89 = tpu.memref_slice %arg13[%dma_start3A_87, %dma_start3A_88] : memref<10240x128xf32, #tpu.memory_space<vmem_shared>> -> memref<10240x128xf32, #tpu.memory_space<vmem_shared>>
        tpu.enqueue_indirect_dma source(%dma_start3A_86 : memref<80x128xf32, #tpu.memory_space<vmem>>) target(%dma_start3A_89 : memref<10240x128xf32, #tpu.memory_space<vmem_shared>>) offsets(%arg8 : memref<80xi32, #tpu.memory_space<vmem>>) semaphore(%run_scoped3A_82 : memref<!tpu.dma_semaphore, #tpu.memory_space<semaphore_mem>>) {add = true}
        %dma_wait3A_90 = arith.constant 0 : i32
        %dma_wait3A_91 = arith.constant 0 : i32
        %dma_wait3A_92 = tpu.memref_slice %arg10[%run_scoped3A, %dma_wait3A_90, %dma_wait3A_91] : memref<2x80x128xf32, #tpu.memory_space<vmem>> -> memref<1x80x128xf32, #tpu.memory_space<vmem>>
        %dma_wait3A_93 = tpu.memref_squeeze %dma_wait3A_92 : memref<1x80x128xf32, #tpu.memory_space<vmem>> -> memref<80x128xf32, #tpu.memory_space<vmem>>
        %dma_wait3A_94 = arith.constant 0 : i32
        %dma_wait3A_95 = arith.constant 0 : i32
        %dma_wait3A_96 = tpu.memref_slice %arg13[%dma_wait3A_94, %dma_wait3A_95] : memref<10240x128xf32, #tpu.memory_space<vmem_shared>> -> memref<10240x128xf32, #tpu.memory_space<vmem_shared>>
        tpu.wait_indirect_dma semaphore(%run_scoped3A_82 : memref<!tpu.dma_semaphore, #tpu.memory_space<semaphore_mem>>) src(%dma_wait3A_93 : memref<80x128xf32, #tpu.memory_space<vmem>>) dst(%dma_wait3A_96 : memref<10240x128xf32, #tpu.memory_space<vmem_shared>>)
        tpu.yield
      }) : () -> ()
      %add3A_54 = arith.constant 2 : i32
      %add3A_55 = arith.addi %add3A_43, %add3A_54 : i32
      %lt3A = arith.constant 250 : i32
      %lt3A_56 = arith.cmpi slt, %add3A_55, %lt3A : i32
      %convert_element_type3A = arith.extui %lt3A_56 : i1 to i32
      %cond3A = arith.constant 0 : i32
      %cond3A_57 = arith.cmpi ne, %convert_element_type3A, %cond3A : i32
      scf.if %cond3A_57 {
        %add3A_82 = arith.constant 2 : i32
        %add3A_83 = arith.addi %add3A_43, %add3A_82 : i32
        %mul3A_84 = arith.constant 80 : i32
        %mul3A_85 = arith.muli %add3A_83, %mul3A_84 : i32
        %add3A_86 = arith.addi %add3A, %mul3A_85 : i32
        "tpu.region"() ({
          %run_scoped3A_98 = tpu.sem_alloc : memref<!tpu.dma_semaphore, #tpu.memory_space<semaphore_mem>>
          %dma_start3A_99 = tpu.memref_slice %arg4[%add3A_86] : memref<640000xi32, #tpu.memory_space<hbm>> -> memref<80xi32, #tpu.memory_space<hbm>>
          %dma_start3A_100 = tpu.memref_slice %arg4[%add3A_86] : memref<640000xi32, #tpu.memory_space<hbm>> -> memref<80xi32, #tpu.memory_space<hbm>>
          tpu.enqueue_dma source(%dma_start3A_100 : memref<80xi32, #tpu.memory_space<hbm>>) target(%arg8 : memref<80xi32, #tpu.memory_space<vmem>>) target_semaphore(%run_scoped3A_98 : memref<!tpu.dma_semaphore, #tpu.memory_space<semaphore_mem>>)
          %dma_wait3A_101 = tpu.memref_slice %arg4[%add3A_86] : memref<640000xi32, #tpu.memory_space<hbm>> -> memref<80xi32, #tpu.memory_space<hbm>>
          %dma_wait3A_102 = tpu.memref_slice %arg4[%add3A_86] : memref<640000xi32, #tpu.memory_space<hbm>> -> memref<80xi32, #tpu.memory_space<hbm>>
          tpu.wait_dma2 semaphore(%run_scoped3A_98 : memref<!tpu.dma_semaphore, #tpu.memory_space<semaphore_mem>>) src(%dma_wait3A_102 : memref<80xi32, #tpu.memory_space<hbm>>) dst(%arg8 : memref<80xi32, #tpu.memory_space<vmem>>)
          tpu.yield
        }) : () -> ()
        %mul3A_87 = arith.constant 80 : i32
        %mul3A_88 = arith.muli %add3A_83, %mul3A_87 : i32
        %dma_start3A_89 = arith.constant 0 : i32
        %dma_start3A_90 = arith.constant 0 : i32
        %dma_start3A_91 = arith.constant 0 : i32
        %dma_start3A_92 = tpu.memref_slice %arg10[%dma_start3A_89, %dma_start3A_90, %dma_start3A_91] : memref<2x80x128xf32, #tpu.memory_space<vmem>> -> memref<1x80x128xf32, #tpu.memory_space<vmem>>
        %dma_start3A_93 = tpu.memref_squeeze %dma_start3A_92 : memref<1x80x128xf32, #tpu.memory_space<vmem>> -> memref<80x128xf32, #tpu.memory_space<vmem>>
        %dma_start3A_94 = tpu.memref_slice %arg7[%mul3A_88] : memref<20000xi32, #tpu.memory_space<vmem>> -> memref<80xi32, #tpu.memory_space<vmem>>
        %dma_start3A_95 = arith.constant 0 : i32
        %dma_start3A_96 = arith.constant 0 : i32
        %dma_start3A_97 = tpu.memref_slice %arg2[%dma_start3A_95, %dma_start3A_96] : memref<20480x128xf32, #tpu.memory_space<hbm>> -> memref<20480x128xf32, #tpu.memory_space<hbm>>
        tpu.enqueue_indirect_dma source(%dma_start3A_97 : memref<20480x128xf32, #tpu.memory_space<hbm>>) target(%dma_start3A_93 : memref<80x128xf32, #tpu.memory_space<vmem>>) offsets(%dma_start3A_94 : memref<80xi32, #tpu.memory_space<vmem>>) semaphore(%arg11 : memref<!tpu.dma_semaphore, #tpu.memory_space<semaphore_mem>>)
      } else {
      }
      %mul3A_58 = arith.constant 2 : i32
      %mul3A_59 = arith.muli %scan3A_38, %mul3A_58 : i32
      %add3A_60 = arith.constant 1 : i32
      %add3A_61 = arith.addi %mul3A_59, %add3A_60 : i32
      %mul3A_62 = arith.constant 80 : i32
      %mul3A_63 = arith.muli %add3A_61, %mul3A_62 : i32
      %dma_wait3A_64 = arith.constant 1 : i32
      %dma_wait3A_65 = arith.constant 0 : i32
      %dma_wait3A_66 = arith.constant 0 : i32
      %dma_wait3A_67 = tpu.memref_slice %arg10[%dma_wait3A_64, %dma_wait3A_65, %dma_wait3A_66] : memref<2x80x128xf32, #tpu.memory_space<vmem>> -> memref<1x80x128xf32, #tpu.memory_space<vmem>>
      %dma_wait3A_68 = tpu.memref_squeeze %dma_wait3A_67 : memref<1x80x128xf32, #tpu.memory_space<vmem>> -> memref<80x128xf32, #tpu.memory_space<vmem>>
      %dma_wait3A_69 = tpu.memref_slice %arg7[%mul3A_63] : memref<20000xi32, #tpu.memory_space<vmem>> -> memref<80xi32, #tpu.memory_space<vmem>>
      %dma_wait3A_70 = arith.constant 0 : i32
      %dma_wait3A_71 = arith.constant 0 : i32
      %dma_wait3A_72 = tpu.memref_slice %arg2[%dma_wait3A_70, %dma_wait3A_71] : memref<20480x128xf32, #tpu.memory_space<hbm>> -> memref<20480x128xf32, #tpu.memory_space<hbm>>
      tpu.wait_indirect_dma semaphore(%arg12 : memref<!tpu.dma_semaphore, #tpu.memory_space<semaphore_mem>>) src(%dma_wait3A_72 : memref<20480x128xf32, #tpu.memory_space<hbm>>) dst(%dma_wait3A_68 : memref<80x128xf32, #tpu.memory_space<vmem>>)
      %run_scoped3A_73 = arith.constant 1 : i32
      "tpu.region"() ({
        %run_scoped3A_82 = tpu.sem_alloc : memref<!tpu.dma_semaphore, #tpu.memory_space<semaphore_mem>>
        %dma_start3A_83 = arith.constant 0 : i32
        %dma_start3A_84 = arith.constant 0 : i32
        %dma_start3A_85 = tpu.memref_slice %arg10[%run_scoped3A_73, %dma_start3A_83, %dma_start3A_84] : memref<2x80x128xf32, #tpu.memory_space<vmem>> -> memref<1x80x128xf32, #tpu.memory_space<vmem>>
        %dma_start3A_86 = tpu.memref_squeeze %dma_start3A_85 : memref<1x80x128xf32, #tpu.memory_space<vmem>> -> memref<80x128xf32, #tpu.memory_space<vmem>>
        %dma_start3A_87 = arith.constant 0 : i32
        %dma_start3A_88 = arith.constant 0 : i32
        %dma_start3A_89 = tpu.memref_slice %arg13[%dma_start3A_87, %dma_start3A_88] : memref<10240x128xf32, #tpu.memory_space<vmem_shared>> -> memref<10240x128xf32, #tpu.memory_space<vmem_shared>>
        tpu.enqueue_indirect_dma source(%dma_start3A_86 : memref<80x128xf32, #tpu.memory_space<vmem>>) target(%dma_start3A_89 : memref<10240x128xf32, #tpu.memory_space<vmem_shared>>) offsets(%arg9 : memref<80xi32, #tpu.memory_space<vmem>>) semaphore(%run_scoped3A_82 : memref<!tpu.dma_semaphore, #tpu.memory_space<semaphore_mem>>) {add = true}
        %dma_wait3A_90 = arith.constant 0 : i32
        %dma_wait3A_91 = arith.constant 0 : i32
        %dma_wait3A_92 = tpu.memref_slice %arg10[%run_scoped3A_73, %dma_wait3A_90, %dma_wait3A_91] : memref<2x80x128xf32, #tpu.memory_space<vmem>> -> memref<1x80x128xf32, #tpu.memory_space<vmem>>
        %dma_wait3A_93 = tpu.memref_squeeze %dma_wait3A_92 : memref<1x80x128xf32, #tpu.memory_space<vmem>> -> memref<80x128xf32, #tpu.memory_space<vmem>>
        %dma_wait3A_94 = arith.constant 0 : i32
        %dma_wait3A_95 = arith.constant 0 : i32
        %dma_wait3A_96 = tpu.memref_slice %arg13[%dma_wait3A_94, %dma_wait3A_95] : memref<10240x128xf32, #tpu.memory_space<vmem_shared>> -> memref<10240x128xf32, #tpu.memory_space<vmem_shared>>
        tpu.wait_indirect_dma semaphore(%run_scoped3A_82 : memref<!tpu.dma_semaphore, #tpu.memory_space<semaphore_mem>>) src(%dma_wait3A_93 : memref<80x128xf32, #tpu.memory_space<vmem>>) dst(%dma_wait3A_96 : memref<10240x128xf32, #tpu.memory_space<vmem_shared>>)
        tpu.yield
      }) : () -> ()
      %add3A_74 = arith.constant 2 : i32
      %add3A_75 = arith.addi %add3A_61, %add3A_74 : i32
      %lt3A_76 = arith.constant 250 : i32
      %lt3A_77 = arith.cmpi slt, %add3A_75, %lt3A_76 : i32
      %convert_element_type3A_78 = arith.extui %lt3A_77 : i1 to i32
      %cond3A_79 = arith.constant 0 : i32
      %cond3A_80 = arith.cmpi ne, %convert_element_type3A_78, %cond3A_79 : i32
      scf.if %cond3A_80 {
        %add3A_82 = arith.constant 2 : i32
        %add3A_83 = arith.addi %add3A_61, %add3A_82 : i32
        %mul3A_84 = arith.constant 80 : i32
        %mul3A_85 = arith.muli %add3A_83, %mul3A_84 : i32
        %add3A_86 = arith.addi %add3A, %mul3A_85 : i32
        "tpu.region"() ({
          %run_scoped3A_98 = tpu.sem_alloc : memref<!tpu.dma_semaphore, #tpu.memory_space<semaphore_mem>>
          %dma_start3A_99 = tpu.memref_slice %arg4[%add3A_86] : memref<640000xi32, #tpu.memory_space<hbm>> -> memref<80xi32, #tpu.memory_space<hbm>>
          %dma_start3A_100 = tpu.memref_slice %arg4[%add3A_86] : memref<640000xi32, #tpu.memory_space<hbm>> -> memref<80xi32, #tpu.memory_space<hbm>>
          tpu.enqueue_dma source(%dma_start3A_100 : memref<80xi32, #tpu.memory_space<hbm>>) target(%arg9 : memref<80xi32, #tpu.memory_space<vmem>>) target_semaphore(%run_scoped3A_98 : memref<!tpu.dma_semaphore, #tpu.memory_space<semaphore_mem>>)
          %dma_wait3A_101 = tpu.memref_slice %arg4[%add3A_86] : memref<640000xi32, #tpu.memory_space<hbm>> -> memref<80xi32, #tpu.memory_space<hbm>>
          %dma_wait3A_102 = tpu.memref_slice %arg4[%add3A_86] : memref<640000xi32, #tpu.memory_space<hbm>> -> memref<80xi32, #tpu.memory_space<hbm>>
          tpu.wait_dma2 semaphore(%run_scoped3A_98 : memref<!tpu.dma_semaphore, #tpu.memory_space<semaphore_mem>>) src(%dma_wait3A_102 : memref<80xi32, #tpu.memory_space<hbm>>) dst(%arg9 : memref<80xi32, #tpu.memory_space<vmem>>)
          tpu.yield
        }) : () -> ()
        %mul3A_87 = arith.constant 80 : i32
        %mul3A_88 = arith.muli %add3A_83, %mul3A_87 : i32
        %dma_start3A_89 = arith.constant 1 : i32
        %dma_start3A_90 = arith.constant 0 : i32
        %dma_start3A_91 = arith.constant 0 : i32
        %dma_start3A_92 = tpu.memref_slice %arg10[%dma_start3A_89, %dma_start3A_90, %dma_start3A_91] : memref<2x80x128xf32, #tpu.memory_space<vmem>> -> memref<1x80x128xf32, #tpu.memory_space<vmem>>
        %dma_start3A_93 = tpu.memref_squeeze %dma_start3A_92 : memref<1x80x128xf32, #tpu.memory_space<vmem>> -> memref<80x128xf32, #tpu.memory_space<vmem>>
        %dma_start3A_94 = tpu.memref_slice %arg7[%mul3A_88] : memref<20000xi32, #tpu.memory_space<vmem>> -> memref<80xi32, #tpu.memory_space<vmem>>
        %dma_start3A_95 = arith.constant 0 : i32
        %dma_start3A_96 = arith.constant 0 : i32
        %dma_start3A_97 = tpu.memref_slice %arg2[%dma_start3A_95, %dma_start3A_96] : memref<20480x128xf32, #tpu.memory_space<hbm>> -> memref<20480x128xf32, #tpu.memory_space<hbm>>
        tpu.enqueue_indirect_dma source(%dma_start3A_97 : memref<20480x128xf32, #tpu.memory_space<hbm>>) target(%dma_start3A_93 : memref<80x128xf32, #tpu.memory_space<vmem>>) offsets(%dma_start3A_94 : memref<80xi32, #tpu.memory_space<vmem>>) semaphore(%arg12 : memref<!tpu.dma_semaphore, #tpu.memory_space<semaphore_mem>>)
      } else {
      }
      %scan3A_81 = arith.constant 0 : i32
      scf.yield %scan3A_81 : i32
    }
    %scan3A_33 = arith.constant 125 : i32
    %barrier3A_34 = arith.constant 0 : index
    tpu.barrier barrier_id(%barrier3A_34)
    %mul3A_35 = arith.constant 10240 : i32
    %mul3A_36 = arith.muli %arg0, %mul3A_35 : i32
    %add3A_37 = arith.addi %mul3A_36, %mul3A_0 : i32
    "tpu.region"() ({
      %run_scoped3A = tpu.sem_alloc : memref<!tpu.dma_semaphore, #tpu.memory_space<semaphore_mem>>
      %dma_start3A_38 = arith.constant 0 : i32
      %dma_start3A_39 = tpu.memref_slice %arg6[%add3A_37, %dma_start3A_38] : memref<20480x128xf32, #tpu.memory_space<hbm>> -> memref<640x128xf32, #tpu.memory_space<hbm>>
      %dma_start3A_40 = arith.constant 0 : i32
      %dma_start3A_41 = tpu.memref_slice %arg13[%mul3A_0, %dma_start3A_40] : memref<10240x128xf32, #tpu.memory_space<vmem_shared>> -> memref<640x128xf32, #tpu.memory_space<vmem_shared>>
      tpu.enqueue_dma source(%dma_start3A_41 : memref<640x128xf32, #tpu.memory_space<vmem_shared>>) target(%dma_start3A_39 : memref<640x128xf32, #tpu.memory_space<hbm>>) target_semaphore(%run_scoped3A : memref<!tpu.dma_semaphore, #tpu.memory_space<semaphore_mem>>)
      %dma_wait3A = arith.constant 0 : i32
      %dma_wait3A_42 = tpu.memref_slice %arg6[%add3A_37, %dma_wait3A] : memref<20480x128xf32, #tpu.memory_space<hbm>> -> memref<640x128xf32, #tpu.memory_space<hbm>>
      %dma_wait3A_43 = arith.constant 0 : i32
      %dma_wait3A_44 = tpu.memref_slice %arg13[%mul3A_0, %dma_wait3A_43] : memref<10240x128xf32, #tpu.memory_space<vmem_shared>> -> memref<640x128xf32, #tpu.memory_space<vmem_shared>>
      tpu.wait_dma2 semaphore(%run_scoped3A : memref<!tpu.dma_semaphore, #tpu.memory_space<semaphore_mem>>) src(%dma_wait3A_44 : memref<640x128xf32, #tpu.memory_space<vmem_shared>>) dst(%dma_wait3A_42 : memref<640x128xf32, #tpu.memory_space<hbm>>)
      tpu.yield
    }) : () -> ()
    return
  }
}

#map = affine_map<(d0, d1) -> (0, 0)>
#map1 = affine_map<(d0, d1) -> (0)>
module attributes {stable_mosaic.version = 14 : i64} {
  func.func @_agg_body(%arg0: i32, %arg1: i32, %arg2: memref<20480x128xf32, #tpu.memory_space<hbm>>, %arg3: memref<640000xi32, #tpu.memory_space<hbm>>, %arg4: memref<640000xi32, #tpu.memory_space<hbm>>, %arg5: memref<10240x128xf32, #tpu.memory_space<hbm>>, %arg6: memref<20480x128xf32, #tpu.memory_space<hbm>>, %arg7: memref<20000xi32, #tpu.memory_space<vmem>>, %arg8: memref<80xi32, #tpu.memory_space<vmem>>, %arg9: memref<80xi32, #tpu.memory_space<vmem>>, %arg10: memref<2x80x128xf32, #tpu.memory_space<vmem>>, %arg11: memref<!tpu.dma_semaphore, #tpu.memory_space<semaphore_mem>>, %arg12: memref<!tpu.dma_semaphore, #tpu.memory_space<semaphore_mem>>, %arg13: memref<10240x128xf32, #tpu.memory_space<vmem_shared>>) attributes {dimension_semantics = [#tpu.dimension_semantics<core_parallel>, #tpu.dimension_semantics<subcore_parallel>], iteration_bounds = array<i64: 2, 16>, scalar_prefetch = 0 : i64, scratch_operands = 7 : i64, tpu.core_type = #tpu.core_type<sc_vector_subcore>, window_params = [{transform_indices = #map}, {transform_indices = #map1}, {transform_indices = #map1}, {transform_indices = #map}, {transform_indices = #map}]} {
    %mul3A = arith.constant 640 : i32
    %mul3A_0 = arith.muli %arg1, %mul3A : i32
    "tpu.region"() ({
      %run_scoped3A = tpu.sem_alloc : memref<!tpu.dma_semaphore, #tpu.memory_space<semaphore_mem>>
      %dma_start3A_38 = arith.constant 0 : i32
      %dma_start3A_39 = tpu.memref_slice %arg13[%mul3A_0, %dma_start3A_38] : memref<10240x128xf32, #tpu.memory_space<vmem_shared>> -> memref<640x128xf32, #tpu.memory_space<vmem_shared>>
      %dma_start3A_40 = arith.constant 0 : i32
      %dma_start3A_41 = tpu.memref_slice %arg5[%mul3A_0, %dma_start3A_40] : memref<10240x128xf32, #tpu.memory_space<hbm>> -> memref<640x128xf32, #tpu.memory_space<hbm>>
      tpu.enqueue_dma source(%dma_start3A_41 : memref<640x128xf32, #tpu.memory_space<hbm>>) target(%dma_start3A_39 : memref<640x128xf32, #tpu.memory_space<vmem_shared>>) target_semaphore(%run_scoped3A : memref<!tpu.dma_semaphore, #tpu.memory_space<semaphore_mem>>)
      %dma_wait3A = arith.constant 0 : i32
      %dma_wait3A_42 = tpu.memref_slice %arg13[%mul3A_0, %dma_wait3A] : memref<10240x128xf32, #tpu.memory_space<vmem_shared>> -> memref<640x128xf32, #tpu.memory_space<vmem_shared>>
      %dma_wait3A_43 = arith.constant 0 : i32
      %dma_wait3A_44 = tpu.memref_slice %arg5[%mul3A_0, %dma_wait3A_43] : memref<10240x128xf32, #tpu.memory_space<hbm>> -> memref<640x128xf32, #tpu.memory_space<hbm>>
      tpu.wait_dma2 semaphore(%run_scoped3A : memref<!tpu.dma_semaphore, #tpu.memory_space<semaphore_mem>>) src(%dma_wait3A_44 : memref<640x128xf32, #tpu.memory_space<hbm>>) dst(%dma_wait3A_42 : memref<640x128xf32, #tpu.memory_space<vmem_shared>>)
      tpu.yield
    }) : () -> ()
    %mul3A_1 = arith.constant 320000 : i32
    %mul3A_2 = arith.muli %arg0, %mul3A_1 : i32
    %mul3A_3 = arith.constant 20000 : i32
    %mul3A_4 = arith.muli %arg1, %mul3A_3 : i32
    %add3A = arith.addi %mul3A_2, %mul3A_4 : i32
    "tpu.region"() ({
      %run_scoped3A = tpu.sem_alloc : memref<!tpu.dma_semaphore, #tpu.memory_space<semaphore_mem>>
      %dma_start3A_38 = tpu.memref_slice %arg3[%add3A] : memref<640000xi32, #tpu.memory_space<hbm>> -> memref<20000xi32, #tpu.memory_space<hbm>>
      %dma_start3A_39 = tpu.memref_slice %arg3[%add3A] : memref<640000xi32, #tpu.memory_space<hbm>> -> memref<20000xi32, #tpu.memory_space<hbm>>
      tpu.enqueue_dma source(%dma_start3A_39 : memref<20000xi32, #tpu.memory_space<hbm>>) target(%arg7 : memref<20000xi32, #tpu.memory_space<vmem>>) target_semaphore(%run_scoped3A : memref<!tpu.dma_semaphore, #tpu.memory_space<semaphore_mem>>)
      %dma_wait3A = tpu.memref_slice %arg3[%add3A] : memref<640000xi32, #tpu.memory_space<hbm>> -> memref<20000xi32, #tpu.memory_space<hbm>>
      %dma_wait3A_40 = tpu.memref_slice %arg3[%add3A] : memref<640000xi32, #tpu.memory_space<hbm>> -> memref<20000xi32, #tpu.memory_space<hbm>>
      tpu.wait_dma2 semaphore(%run_scoped3A : memref<!tpu.dma_semaphore, #tpu.memory_space<semaphore_mem>>) src(%dma_wait3A_40 : memref<20000xi32, #tpu.memory_space<hbm>>) dst(%arg7 : memref<20000xi32, #tpu.memory_space<vmem>>)
      tpu.yield
    }) : () -> ()
    %barrier3A = arith.constant 0 : index
    tpu.barrier barrier_id(%barrier3A)
    %add3A_5 = arith.constant 0 : i32
    %add3A_6 = arith.addi %add3A, %add3A_5 : i32
    "tpu.region"() ({
      %run_scoped3A = tpu.sem_alloc : memref<!tpu.dma_semaphore, #tpu.memory_space<semaphore_mem>>
      %dma_start3A_38 = tpu.memref_slice %arg4[%add3A_6] : memref<640000xi32, #tpu.memory_space<hbm>> -> memref<80xi32, #tpu.memory_space<hbm>>
      %dma_start3A_39 = tpu.memref_slice %arg4[%add3A_6] : memref<640000xi32, #tpu.memory_space<hbm>> -> memref<80xi32, #tpu.memory_space<hbm>>
      tpu.enqueue_dma source(%dma_start3A_39 : memref<80xi32, #tpu.memory_space<hbm>>) target(%arg8 : memref<80xi32, #tpu.memory_space<vmem>>) target_semaphore(%run_scoped3A : memref<!tpu.dma_semaphore, #tpu.memory_space<semaphore_mem>>)
      %dma_wait3A = tpu.memref_slice %arg4[%add3A_6] : memref<640000xi32, #tpu.memory_space<hbm>> -> memref<80xi32, #tpu.memory_space<hbm>>
      %dma_wait3A_40 = tpu.memref_slice %arg4[%add3A_6] : memref<640000xi32, #tpu.memory_space<hbm>> -> memref<80xi32, #tpu.memory_space<hbm>>
      tpu.wait_dma2 semaphore(%run_scoped3A : memref<!tpu.dma_semaphore, #tpu.memory_space<semaphore_mem>>) src(%dma_wait3A_40 : memref<80xi32, #tpu.memory_space<hbm>>) dst(%arg8 : memref<80xi32, #tpu.memory_space<vmem>>)
      tpu.yield
    }) : () -> ()
    %dma_start3A = arith.constant 0 : i32
    %dma_start3A_7 = arith.constant 0 : i32
    %dma_start3A_8 = arith.constant 0 : i32
    %dma_start3A_9 = tpu.memref_slice %arg10[%dma_start3A, %dma_start3A_7, %dma_start3A_8] : memref<2x80x128xf32, #tpu.memory_space<vmem>> -> memref<1x80x128xf32, #tpu.memory_space<vmem>>
    %dma_start3A_10 = tpu.memref_squeeze %dma_start3A_9 : memref<1x80x128xf32, #tpu.memory_space<vmem>> -> memref<80x128xf32, #tpu.memory_space<vmem>>
    %dma_start3A_11 = arith.constant 0 : i32
    %dma_start3A_12 = tpu.memref_slice %arg7[%dma_start3A_11] : memref<20000xi32, #tpu.memory_space<vmem>> -> memref<80xi32, #tpu.memory_space<vmem>>
    %dma_start3A_13 = arith.constant 0 : i32
    %dma_start3A_14 = arith.constant 0 : i32
    %dma_start3A_15 = tpu.memref_slice %arg2[%dma_start3A_13, %dma_start3A_14] : memref<20480x128xf32, #tpu.memory_space<hbm>> -> memref<20480x128xf32, #tpu.memory_space<hbm>>
    tpu.enqueue_indirect_dma source(%dma_start3A_15 : memref<20480x128xf32, #tpu.memory_space<hbm>>) target(%dma_start3A_10 : memref<80x128xf32, #tpu.memory_space<vmem>>) offsets(%dma_start3A_12 : memref<80xi32, #tpu.memory_space<vmem>>) semaphore(%arg11 : memref<!tpu.dma_semaphore, #tpu.memory_space<semaphore_mem>>)
    %add3A_16 = arith.constant 80 : i32
    %add3A_17 = arith.addi %add3A, %add3A_16 : i32
    "tpu.region"() ({
      %run_scoped3A = tpu.sem_alloc : memref<!tpu.dma_semaphore, #tpu.memory_space<semaphore_mem>>
      %dma_start3A_38 = tpu.memref_slice %arg4[%add3A_17] : memref<640000xi32, #tpu.memory_space<hbm>> -> memref<80xi32, #tpu.memory_space<hbm>>
      %dma_start3A_39 = tpu.memref_slice %arg4[%add3A_17] : memref<640000xi32, #tpu.memory_space<hbm>> -> memref<80xi32, #tpu.memory_space<hbm>>
      tpu.enqueue_dma source(%dma_start3A_39 : memref<80xi32, #tpu.memory_space<hbm>>) target(%arg9 : memref<80xi32, #tpu.memory_space<vmem>>) target_semaphore(%run_scoped3A : memref<!tpu.dma_semaphore, #tpu.memory_space<semaphore_mem>>)
      %dma_wait3A = tpu.memref_slice %arg4[%add3A_17] : memref<640000xi32, #tpu.memory_space<hbm>> -> memref<80xi32, #tpu.memory_space<hbm>>
      %dma_wait3A_40 = tpu.memref_slice %arg4[%add3A_17] : memref<640000xi32, #tpu.memory_space<hbm>> -> memref<80xi32, #tpu.memory_space<hbm>>
      tpu.wait_dma2 semaphore(%run_scoped3A : memref<!tpu.dma_semaphore, #tpu.memory_space<semaphore_mem>>) src(%dma_wait3A_40 : memref<80xi32, #tpu.memory_space<hbm>>) dst(%arg9 : memref<80xi32, #tpu.memory_space<vmem>>)
      tpu.yield
    }) : () -> ()
    %dma_start3A_18 = arith.constant 1 : i32
    %dma_start3A_19 = arith.constant 0 : i32
    %dma_start3A_20 = arith.constant 0 : i32
    %dma_start3A_21 = tpu.memref_slice %arg10[%dma_start3A_18, %dma_start3A_19, %dma_start3A_20] : memref<2x80x128xf32, #tpu.memory_space<vmem>> -> memref<1x80x128xf32, #tpu.memory_space<vmem>>
    %dma_start3A_22 = tpu.memref_squeeze %dma_start3A_21 : memref<1x80x128xf32, #tpu.memory_space<vmem>> -> memref<80x128xf32, #tpu.memory_space<vmem>>
    %dma_start3A_23 = arith.constant 80 : i32
    %dma_start3A_24 = tpu.memref_slice %arg7[%dma_start3A_23] : memref<20000xi32, #tpu.memory_space<vmem>> -> memref<80xi32, #tpu.memory_space<vmem>>
    %dma_start3A_25 = arith.constant 0 : i32
    %dma_start3A_26 = arith.constant 0 : i32
    %dma_start3A_27 = tpu.memref_slice %arg2[%dma_start3A_25, %dma_start3A_26] : memref<20480x128xf32, #tpu.memory_space<hbm>> -> memref<20480x128xf32, #tpu.memory_space<hbm>>
    tpu.enqueue_indirect_dma source(%dma_start3A_27 : memref<20480x128xf32, #tpu.memory_space<hbm>>) target(%dma_start3A_22 : memref<80x128xf32, #tpu.memory_space<vmem>>) offsets(%dma_start3A_24 : memref<80xi32, #tpu.memory_space<vmem>>) semaphore(%arg12 : memref<!tpu.dma_semaphore, #tpu.memory_space<semaphore_mem>>)
    %scan3A = arith.constant 0 : i32
    %scan3A_28 = arith.constant 0 : i32
    %scan3A_29 = arith.constant 125 : i32
    %scan3A_30 = arith.addi %scan3A_28, %scan3A_29 : i32
    %scan3A_31 = arith.constant 1 : i32
    %scan3A_32 = scf.for %scan3A_38 = %scan3A_28 to %scan3A_30 step %scan3A_31 iter_args(%scan3A_39 = %scan3A) -> (i32)  : i32 {
      %mul3A_40 = arith.constant 2 : i32
      %mul3A_41 = arith.muli %scan3A_38, %mul3A_40 : i32
      %add3A_42 = arith.constant 0 : i32
      %add3A_43 = arith.addi %mul3A_41, %add3A_42 : i32
      %mul3A_44 = arith.constant 80 : i32
      %mul3A_45 = arith.muli %add3A_43, %mul3A_44 : i32
      %dma_wait3A = arith.constant 0 : i32
      %dma_wait3A_46 = arith.constant 0 : i32
      %dma_wait3A_47 = arith.constant 0 : i32
      %dma_wait3A_48 = tpu.memref_slice %arg10[%dma_wait3A, %dma_wait3A_46, %dma_wait3A_47] : memref<2x80x128xf32, #tpu.memory_space<vmem>> -> memref<1x80x128xf32, #tpu.memory_space<vmem>>
      %dma_wait3A_49 = tpu.memref_squeeze %dma_wait3A_48 : memref<1x80x128xf32, #tpu.memory_space<vmem>> -> memref<80x128xf32, #tpu.memory_space<vmem>>
      %dma_wait3A_50 = tpu.memref_slice %arg7[%mul3A_45] : memref<20000xi32, #tpu.memory_space<vmem>> -> memref<80xi32, #tpu.memory_space<vmem>>
      %dma_wait3A_51 = arith.constant 0 : i32
      %dma_wait3A_52 = arith.constant 0 : i32
      %dma_wait3A_53 = tpu.memref_slice %arg2[%dma_wait3A_51, %dma_wait3A_52] : memref<20480x128xf32, #tpu.memory_space<hbm>> -> memref<20480x128xf32, #tpu.memory_space<hbm>>
      tpu.wait_indirect_dma semaphore(%arg11 : memref<!tpu.dma_semaphore, #tpu.memory_space<semaphore_mem>>) src(%dma_wait3A_53 : memref<20480x128xf32, #tpu.memory_space<hbm>>) dst(%dma_wait3A_49 : memref<80x128xf32, #tpu.memory_space<vmem>>)
      %run_scoped3A = arith.constant 0 : i32
      "tpu.region"() ({
        %run_scoped3A_82 = tpu.sem_alloc : memref<!tpu.dma_semaphore, #tpu.memory_space<semaphore_mem>>
        %dma_start3A_83 = arith.constant 0 : i32
        %dma_start3A_84 = arith.constant 0 : i32
        %dma_start3A_85 = tpu.memref_slice %arg10[%run_scoped3A, %dma_start3A_83, %dma_start3A_84] : memref<2x80x128xf32, #tpu.memory_space<vmem>> -> memref<1x80x128xf32, #tpu.memory_space<vmem>>
        %dma_start3A_86 = tpu.memref_squeeze %dma_start3A_85 : memref<1x80x128xf32, #tpu.memory_space<vmem>> -> memref<80x128xf32, #tpu.memory_space<vmem>>
        %dma_start3A_87 = arith.constant 0 : i32
        %dma_start3A_88 = arith.constant 0 : i32
        %dma_start3A_89 = tpu.memref_slice %arg13[%dma_start3A_87, %dma_start3A_88] : memref<10240x128xf32, #tpu.memory_space<vmem_shared>> -> memref<10240x128xf32, #tpu.memory_space<vmem_shared>>
        tpu.enqueue_indirect_dma source(%dma_start3A_86 : memref<80x128xf32, #tpu.memory_space<vmem>>) target(%dma_start3A_89 : memref<10240x128xf32, #tpu.memory_space<vmem_shared>>) offsets(%arg8 : memref<80xi32, #tpu.memory_space<vmem>>) semaphore(%run_scoped3A_82 : memref<!tpu.dma_semaphore, #tpu.memory_space<semaphore_mem>>) {add = true}
        %dma_wait3A_90 = arith.constant 0 : i32
        %dma_wait3A_91 = arith.constant 0 : i32
        %dma_wait3A_92 = tpu.memref_slice %arg10[%run_scoped3A, %dma_wait3A_90, %dma_wait3A_91] : memref<2x80x128xf32, #tpu.memory_space<vmem>> -> memref<1x80x128xf32, #tpu.memory_space<vmem>>
        %dma_wait3A_93 = tpu.memref_squeeze %dma_wait3A_92 : memref<1x80x128xf32, #tpu.memory_space<vmem>> -> memref<80x128xf32, #tpu.memory_space<vmem>>
        %dma_wait3A_94 = arith.constant 0 : i32
        %dma_wait3A_95 = arith.constant 0 : i32
        %dma_wait3A_96 = tpu.memref_slice %arg13[%dma_wait3A_94, %dma_wait3A_95] : memref<10240x128xf32, #tpu.memory_space<vmem_shared>> -> memref<10240x128xf32, #tpu.memory_space<vmem_shared>>
        tpu.wait_indirect_dma semaphore(%run_scoped3A_82 : memref<!tpu.dma_semaphore, #tpu.memory_space<semaphore_mem>>) src(%dma_wait3A_93 : memref<80x128xf32, #tpu.memory_space<vmem>>) dst(%dma_wait3A_96 : memref<10240x128xf32, #tpu.memory_space<vmem_shared>>)
        tpu.yield
      }) : () -> ()
      %add3A_54 = arith.constant 2 : i32
      %add3A_55 = arith.addi %add3A_43, %add3A_54 : i32
      %lt3A = arith.constant 250 : i32
      %lt3A_56 = arith.cmpi slt, %add3A_55, %lt3A : i32
      %convert_element_type3A = arith.extui %lt3A_56 : i1 to i32
      %cond3A = arith.constant 0 : i32
      %cond3A_57 = arith.cmpi ne, %convert_element_type3A, %cond3A : i32
      scf.if %cond3A_57 {
        %add3A_82 = arith.constant 2 : i32
        %add3A_83 = arith.addi %add3A_43, %add3A_82 : i32
        %mul3A_84 = arith.constant 80 : i32
        %mul3A_85 = arith.muli %add3A_83, %mul3A_84 : i32
        %add3A_86 = arith.addi %add3A, %mul3A_85 : i32
        "tpu.region"() ({
          %run_scoped3A_98 = tpu.sem_alloc : memref<!tpu.dma_semaphore, #tpu.memory_space<semaphore_mem>>
          %dma_start3A_99 = tpu.memref_slice %arg4[%add3A_86] : memref<640000xi32, #tpu.memory_space<hbm>> -> memref<80xi32, #tpu.memory_space<hbm>>
          %dma_start3A_100 = tpu.memref_slice %arg4[%add3A_86] : memref<640000xi32, #tpu.memory_space<hbm>> -> memref<80xi32, #tpu.memory_space<hbm>>
          tpu.enqueue_dma source(%dma_start3A_100 : memref<80xi32, #tpu.memory_space<hbm>>) target(%arg8 : memref<80xi32, #tpu.memory_space<vmem>>) target_semaphore(%run_scoped3A_98 : memref<!tpu.dma_semaphore, #tpu.memory_space<semaphore_mem>>)
          %dma_wait3A_101 = tpu.memref_slice %arg4[%add3A_86] : memref<640000xi32, #tpu.memory_space<hbm>> -> memref<80xi32, #tpu.memory_space<hbm>>
          %dma_wait3A_102 = tpu.memref_slice %arg4[%add3A_86] : memref<640000xi32, #tpu.memory_space<hbm>> -> memref<80xi32, #tpu.memory_space<hbm>>
          tpu.wait_dma2 semaphore(%run_scoped3A_98 : memref<!tpu.dma_semaphore, #tpu.memory_space<semaphore_mem>>) src(%dma_wait3A_102 : memref<80xi32, #tpu.memory_space<hbm>>) dst(%arg8 : memref<80xi32, #tpu.memory_space<vmem>>)
          tpu.yield
        }) : () -> ()
        %mul3A_87 = arith.constant 80 : i32
        %mul3A_88 = arith.muli %add3A_83, %mul3A_87 : i32
        %dma_start3A_89 = arith.constant 0 : i32
        %dma_start3A_90 = arith.constant 0 : i32
        %dma_start3A_91 = arith.constant 0 : i32
        %dma_start3A_92 = tpu.memref_slice %arg10[%dma_start3A_89, %dma_start3A_90, %dma_start3A_91] : memref<2x80x128xf32, #tpu.memory_space<vmem>> -> memref<1x80x128xf32, #tpu.memory_space<vmem>>
        %dma_start3A_93 = tpu.memref_squeeze %dma_start3A_92 : memref<1x80x128xf32, #tpu.memory_space<vmem>> -> memref<80x128xf32, #tpu.memory_space<vmem>>
        %dma_start3A_94 = tpu.memref_slice %arg7[%mul3A_88] : memref<20000xi32, #tpu.memory_space<vmem>> -> memref<80xi32, #tpu.memory_space<vmem>>
        %dma_start3A_95 = arith.constant 0 : i32
        %dma_start3A_96 = arith.constant 0 : i32
        %dma_start3A_97 = tpu.memref_slice %arg2[%dma_start3A_95, %dma_start3A_96] : memref<20480x128xf32, #tpu.memory_space<hbm>> -> memref<20480x128xf32, #tpu.memory_space<hbm>>
        tpu.enqueue_indirect_dma source(%dma_start3A_97 : memref<20480x128xf32, #tpu.memory_space<hbm>>) target(%dma_start3A_93 : memref<80x128xf32, #tpu.memory_space<vmem>>) offsets(%dma_start3A_94 : memref<80xi32, #tpu.memory_space<vmem>>) semaphore(%arg11 : memref<!tpu.dma_semaphore, #tpu.memory_space<semaphore_mem>>)
      } else {
      }
      %mul3A_58 = arith.constant 2 : i32
      %mul3A_59 = arith.muli %scan3A_38, %mul3A_58 : i32
      %add3A_60 = arith.constant 1 : i32
      %add3A_61 = arith.addi %mul3A_59, %add3A_60 : i32
      %mul3A_62 = arith.constant 80 : i32
      %mul3A_63 = arith.muli %add3A_61, %mul3A_62 : i32
      %dma_wait3A_64 = arith.constant 1 : i32
      %dma_wait3A_65 = arith.constant 0 : i32
      %dma_wait3A_66 = arith.constant 0 : i32
      %dma_wait3A_67 = tpu.memref_slice %arg10[%dma_wait3A_64, %dma_wait3A_65, %dma_wait3A_66] : memref<2x80x128xf32, #tpu.memory_space<vmem>> -> memref<1x80x128xf32, #tpu.memory_space<vmem>>
      %dma_wait3A_68 = tpu.memref_squeeze %dma_wait3A_67 : memref<1x80x128xf32, #tpu.memory_space<vmem>> -> memref<80x128xf32, #tpu.memory_space<vmem>>
      %dma_wait3A_69 = tpu.memref_slice %arg7[%mul3A_63] : memref<20000xi32, #tpu.memory_space<vmem>> -> memref<80xi32, #tpu.memory_space<vmem>>
      %dma_wait3A_70 = arith.constant 0 : i32
      %dma_wait3A_71 = arith.constant 0 : i32
      %dma_wait3A_72 = tpu.memref_slice %arg2[%dma_wait3A_70, %dma_wait3A_71] : memref<20480x128xf32, #tpu.memory_space<hbm>> -> memref<20480x128xf32, #tpu.memory_space<hbm>>
      tpu.wait_indirect_dma semaphore(%arg12 : memref<!tpu.dma_semaphore, #tpu.memory_space<semaphore_mem>>) src(%dma_wait3A_72 : memref<20480x128xf32, #tpu.memory_space<hbm>>) dst(%dma_wait3A_68 : memref<80x128xf32, #tpu.memory_space<vmem>>)
      %run_scoped3A_73 = arith.constant 1 : i32
      "tpu.region"() ({
        %run_scoped3A_82 = tpu.sem_alloc : memref<!tpu.dma_semaphore, #tpu.memory_space<semaphore_mem>>
        %dma_start3A_83 = arith.constant 0 : i32
        %dma_start3A_84 = arith.constant 0 : i32
        %dma_start3A_85 = tpu.memref_slice %arg10[%run_scoped3A_73, %dma_start3A_83, %dma_start3A_84] : memref<2x80x128xf32, #tpu.memory_space<vmem>> -> memref<1x80x128xf32, #tpu.memory_space<vmem>>
        %dma_start3A_86 = tpu.memref_squeeze %dma_start3A_85 : memref<1x80x128xf32, #tpu.memory_space<vmem>> -> memref<80x128xf32, #tpu.memory_space<vmem>>
        %dma_start3A_87 = arith.constant 0 : i32
        %dma_start3A_88 = arith.constant 0 : i32
        %dma_start3A_89 = tpu.memref_slice %arg13[%dma_start3A_87, %dma_start3A_88] : memref<10240x128xf32, #tpu.memory_space<vmem_shared>> -> memref<10240x128xf32, #tpu.memory_space<vmem_shared>>
        tpu.enqueue_indirect_dma source(%dma_start3A_86 : memref<80x128xf32, #tpu.memory_space<vmem>>) target(%dma_start3A_89 : memref<10240x128xf32, #tpu.memory_space<vmem_shared>>) offsets(%arg9 : memref<80xi32, #tpu.memory_space<vmem>>) semaphore(%run_scoped3A_82 : memref<!tpu.dma_semaphore, #tpu.memory_space<semaphore_mem>>) {add = true}
        %dma_wait3A_90 = arith.constant 0 : i32
        %dma_wait3A_91 = arith.constant 0 : i32
        %dma_wait3A_92 = tpu.memref_slice %arg10[%run_scoped3A_73, %dma_wait3A_90, %dma_wait3A_91] : memref<2x80x128xf32, #tpu.memory_space<vmem>> -> memref<1x80x128xf32, #tpu.memory_space<vmem>>
        %dma_wait3A_93 = tpu.memref_squeeze %dma_wait3A_92 : memref<1x80x128xf32, #tpu.memory_space<vmem>> -> memref<80x128xf32, #tpu.memory_space<vmem>>
        %dma_wait3A_94 = arith.constant 0 : i32
        %dma_wait3A_95 = arith.constant 0 : i32
        %dma_wait3A_96 = tpu.memref_slice %arg13[%dma_wait3A_94, %dma_wait3A_95] : memref<10240x128xf32, #tpu.memory_space<vmem_shared>> -> memref<10240x128xf32, #tpu.memory_space<vmem_shared>>
        tpu.wait_indirect_dma semaphore(%run_scoped3A_82 : memref<!tpu.dma_semaphore, #tpu.memory_space<semaphore_mem>>) src(%dma_wait3A_93 : memref<80x128xf32, #tpu.memory_space<vmem>>) dst(%dma_wait3A_96 : memref<10240x128xf32, #tpu.memory_space<vmem_shared>>)
        tpu.yield
      }) : () -> ()
      %add3A_74 = arith.constant 2 : i32
      %add3A_75 = arith.addi %add3A_61, %add3A_74 : i32
      %lt3A_76 = arith.constant 250 : i32
      %lt3A_77 = arith.cmpi slt, %add3A_75, %lt3A_76 : i32
      %convert_element_type3A_78 = arith.extui %lt3A_77 : i1 to i32
      %cond3A_79 = arith.constant 0 : i32
      %cond3A_80 = arith.cmpi ne, %convert_element_type3A_78, %cond3A_79 : i32
      scf.if %cond3A_80 {
        %add3A_82 = arith.constant 2 : i32
        %add3A_83 = arith.addi %add3A_61, %add3A_82 : i32
        %mul3A_84 = arith.constant 80 : i32
        %mul3A_85 = arith.muli %add3A_83, %mul3A_84 : i32
        %add3A_86 = arith.addi %add3A, %mul3A_85 : i32
        "tpu.region"() ({
          %run_scoped3A_98 = tpu.sem_alloc : memref<!tpu.dma_semaphore, #tpu.memory_space<semaphore_mem>>
          %dma_start3A_99 = tpu.memref_slice %arg4[%add3A_86] : memref<640000xi32, #tpu.memory_space<hbm>> -> memref<80xi32, #tpu.memory_space<hbm>>
          %dma_start3A_100 = tpu.memref_slice %arg4[%add3A_86] : memref<640000xi32, #tpu.memory_space<hbm>> -> memref<80xi32, #tpu.memory_space<hbm>>
          tpu.enqueue_dma source(%dma_start3A_100 : memref<80xi32, #tpu.memory_space<hbm>>) target(%arg9 : memref<80xi32, #tpu.memory_space<vmem>>) target_semaphore(%run_scoped3A_98 : memref<!tpu.dma_semaphore, #tpu.memory_space<semaphore_mem>>)
          %dma_wait3A_101 = tpu.memref_slice %arg4[%add3A_86] : memref<640000xi32, #tpu.memory_space<hbm>> -> memref<80xi32, #tpu.memory_space<hbm>>
          %dma_wait3A_102 = tpu.memref_slice %arg4[%add3A_86] : memref<640000xi32, #tpu.memory_space<hbm>> -> memref<80xi32, #tpu.memory_space<hbm>>
          tpu.wait_dma2 semaphore(%run_scoped3A_98 : memref<!tpu.dma_semaphore, #tpu.memory_space<semaphore_mem>>) src(%dma_wait3A_102 : memref<80xi32, #tpu.memory_space<hbm>>) dst(%arg9 : memref<80xi32, #tpu.memory_space<vmem>>)
          tpu.yield
        }) : () -> ()
        %mul3A_87 = arith.constant 80 : i32
        %mul3A_88 = arith.muli %add3A_83, %mul3A_87 : i32
        %dma_start3A_89 = arith.constant 1 : i32
        %dma_start3A_90 = arith.constant 0 : i32
        %dma_start3A_91 = arith.constant 0 : i32
        %dma_start3A_92 = tpu.memref_slice %arg10[%dma_start3A_89, %dma_start3A_90, %dma_start3A_91] : memref<2x80x128xf32, #tpu.memory_space<vmem>> -> memref<1x80x128xf32, #tpu.memory_space<vmem>>
        %dma_start3A_93 = tpu.memref_squeeze %dma_start3A_92 : memref<1x80x128xf32, #tpu.memory_space<vmem>> -> memref<80x128xf32, #tpu.memory_space<vmem>>
        %dma_start3A_94 = tpu.memref_slice %arg7[%mul3A_88] : memref<20000xi32, #tpu.memory_space<vmem>> -> memref<80xi32, #tpu.memory_space<vmem>>
        %dma_start3A_95 = arith.constant 0 : i32
        %dma_start3A_96 = arith.constant 0 : i32
        %dma_start3A_97 = tpu.memref_slice %arg2[%dma_start3A_95, %dma_start3A_96] : memref<20480x128xf32, #tpu.memory_space<hbm>> -> memref<20480x128xf32, #tpu.memory_space<hbm>>
        tpu.enqueue_indirect_dma source(%dma_start3A_97 : memref<20480x128xf32, #tpu.memory_space<hbm>>) target(%dma_start3A_93 : memref<80x128xf32, #tpu.memory_space<vmem>>) offsets(%dma_start3A_94 : memref<80xi32, #tpu.memory_space<vmem>>) semaphore(%arg12 : memref<!tpu.dma_semaphore, #tpu.memory_space<semaphore_mem>>)
      } else {
      }
      %scan3A_81 = arith.constant 0 : i32
      scf.yield %scan3A_81 : i32
    }
    %scan3A_33 = arith.constant 125 : i32
    %barrier3A_34 = arith.constant 0 : index
    tpu.barrier barrier_id(%barrier3A_34)
    %mul3A_35 = arith.constant 10240 : i32
    %mul3A_36 = arith.muli %arg0, %mul3A_35 : i32
    %add3A_37 = arith.addi %mul3A_36, %mul3A_0 : i32
    "tpu.region"() ({
      %run_scoped3A = tpu.sem_alloc : memref<!tpu.dma_semaphore, #tpu.memory_space<semaphore_mem>>
      %dma_start3A_38 = arith.constant 0 : i32
      %dma_start3A_39 = tpu.memref_slice %arg6[%add3A_37, %dma_start3A_38] : memref<20480x128xf32, #tpu.memory_space<hbm>> -> memref<640x128xf32, #tpu.memory_space<hbm>>
      %dma_start3A_40 = arith.constant 0 : i32
      %dma_start3A_41 = tpu.memref_slice %arg13[%mul3A_0, %dma_start3A_40] : memref<10240x128xf32, #tpu.memory_space<vmem_shared>> -> memref<640x128xf32, #tpu.memory_space<vmem_shared>>
      tpu.enqueue_dma source(%dma_start3A_41 : memref<640x128xf32, #tpu.memory_space<vmem_shared>>) target(%dma_start3A_39 : memref<640x128xf32, #tpu.memory_space<hbm>>) target_semaphore(%run_scoped3A : memref<!tpu.dma_semaphore, #tpu.memory_space<semaphore_mem>>)
      %dma_wait3A = arith.constant 0 : i32
      %dma_wait3A_42 = tpu.memref_slice %arg6[%add3A_37, %dma_wait3A] : memref<20480x128xf32, #tpu.memory_space<hbm>> -> memref<640x128xf32, #tpu.memory_space<hbm>>
      %dma_wait3A_43 = arith.constant 0 : i32
      %dma_wait3A_44 = tpu.memref_slice %arg13[%mul3A_0, %dma_wait3A_43] : memref<10240x128xf32, #tpu.memory_space<vmem_shared>> -> memref<640x128xf32, #tpu.memory_space<vmem_shared>>
      tpu.wait_dma2 semaphore(%run_scoped3A : memref<!tpu.dma_semaphore, #tpu.memory_space<semaphore_mem>>) src(%dma_wait3A_44 : memref<640x128xf32, #tpu.memory_space<vmem_shared>>) dst(%dma_wait3A_42 : memref<640x128xf32, #tpu.memory_space<hbm>>)
      tpu.yield
    }) : () -> ()
    return
  }
}

module attributes {stable_mosaic.version = 14 : i64} {
  func.func @_norms_kernel(%arg0: memref<4x10240xf32, #tpu.memory_space<vmem>>, %arg1: memref<4x10240xf32, #tpu.memory_space<vmem>>) attributes {dimension_semantics = [], scalar_prefetch = 0 : i64, scratch_operands = 0 : i64, tpu.core_type = #tpu.core_type<tc>} {
    %get3A = arith.constant 0 : index
    %get3A_0 = arith.constant 0 : index
    %get3A_1 = vector.load %arg0[%get3A, %get3A_0] : memref<4x10240xf32, #tpu.memory_space<vmem>>, vector<4x10240xf32>
    %max3A = arith.constant 1.000000e+00 : f32
    %max3A_2 = vector.broadcast %max3A : f32 to vector<4x10240xf32>
    %max3A_3 = arith.maximumf %get3A_1, %max3A_2 : vector<4x10240xf32>
    %rsqrt3A = math.rsqrt %max3A_3 : vector<4x10240xf32>
    %swap3A = arith.constant 0 : index
    %swap3A_4 = arith.constant 0 : index
    %swap3A_5 = vector.load %arg1[%swap3A, %swap3A_4] : memref<4x10240xf32, #tpu.memory_space<vmem>>, vector<4x10240xf32>
    tpu.vector_store %arg1[%swap3A, %swap3A_4], %rsqrt3A {strides = array<i32>} : memref<4x10240xf32, #tpu.memory_space<vmem>>, vector<4x10240xf32>,
    return
  }
}

module attributes {stable_mosaic.version = 14 : i64} {
  func.func @_dense0_kernel(%arg0: i32, %arg1: i32, %arg2: memref<640x128xf32, #tpu.memory_space<vmem>>, %arg3: memref<128x128xf32, #tpu.memory_space<vmem>>, %arg4: memref<640x1xf32, #tpu.memory_space<vmem>>, %arg5: memref<640x128xf32, #tpu.memory_space<vmem>>) attributes {dimension_semantics = [#tpu.dimension_semantics<arbitrary>, #tpu.dimension_semantics<arbitrary>], iteration_bounds = array<i64: 16, 2>, scalar_prefetch = 0 : i64, scratch_operands = 0 : i64, tpu.core_type = #tpu.core_type<tc>, window_params = [{transform_indices = @transform_0, window_bounds = array<i64: 640, 128>}, {transform_indices = @transform_1, window_bounds = array<i64: 128, 128>}, {transform_indices = @transform_2, window_bounds = array<i64: 640, 1>}, {transform_indices = @transform_3, window_bounds = array<i64: 640, 128>}]} {
    %get3A = arith.constant 0 : index
    %get3A_0 = arith.constant 0 : index
    %get3A_1 = vector.load %arg2[%get3A, %get3A_0] : memref<640x128xf32, #tpu.memory_space<vmem>>, vector<640x128xf32>
    %get3A_2 = arith.constant 0 : index
    %get3A_3 = arith.constant 0 : index
    %get3A_4 = vector.load %arg3[%get3A_2, %get3A_3] : memref<128x128xf32, #tpu.memory_space<vmem>>, vector<128x128xf32>
    %dot_general3A = arith.constant dense<0.000000e+00> : vector<640x128xf32>
    %dot_general3A_5 = tpu.matmul %get3A_1, %get3A_4, %dot_general3A {dimension_numbers = #tpu.dot_dimension_numbers<[1], [0], [0], [1], [0, 0, 1, 1], [], []>, transpose_lhs_hint = false} : vector<640x128xf32>, vector<128x128xf32>, vector<640x128xf32> -> vector<640x128xf32>
    %get3A_6 = arith.constant 0 : index
    %get3A_7 = arith.constant 0 : index
    %get3A_8 = vector.load %arg4[%get3A_6, %get3A_7] : memref<640x1xf32, #tpu.memory_space<vmem>>, vector<640x1xf32>
    %mul3A = vector.broadcast %get3A_8 : vector<640x1xf32> to vector<640x128xf32>
    %mul3A_9 = arith.mulf %dot_general3A_5, %mul3A : vector<640x128xf32>
    %swap3A = arith.constant 0 : index
    %swap3A_10 = arith.constant 0 : index
    %swap3A_11 = vector.load %arg5[%swap3A, %swap3A_10] : memref<640x128xf32, #tpu.memory_space<vmem>>, vector<640x128xf32>
    tpu.vector_store %arg5[%swap3A, %swap3A_10], %mul3A_9 {strides = array<i32>} : memref<640x128xf32, #tpu.memory_space<vmem>>, vector<640x128xf32>,
    return
  }
  func.func @transform_0(%arg0: i32, %arg1: i32) -> (i32, i32) {
    %c0_i32 = arith.constant 0 : i32
    %c0_i32_0 = arith.constant 0 : i32
    return %arg0, %c0_i32 : i32, i32
  }
  func.func @transform_1(%arg0: i32, %arg1: i32) -> (i32, i32) {
    %c0_i32 = arith.constant 0 : i32
    %c0_i32_0 = arith.constant 0 : i32
    return %c0_i32, %arg1 : i32, i32
  }
  func.func @transform_2(%arg0: i32, %arg1: i32) -> (i32, i32) {
    %c0_i32 = arith.constant 0 : i32
    %c0_i32_0 = arith.constant 0 : i32
    return %arg0, %c0_i32 : i32, i32
  }
  func.func @transform_3(%arg0: i32, %arg1: i32) -> (i32, i32) {
    %mul3A = arith.constant 16 : i32
    %mul3A_0 = arith.muli %arg1, %mul3A : i32
    %add3A = arith.addi %mul3A_0, %arg0 : i32
    %c0_i32 = arith.constant 0 : i32
    %c0_i32_1 = arith.constant 0 : i32
    return %add3A, %c0_i32 : i32, i32
  }
}

module attributes {stable_mosaic.version = 14 : i64} {
  func.func @_dense_kernel(%arg0: i32, %arg1: i32, %arg2: memref<640x128xf32, #tpu.memory_space<vmem>>, %arg3: memref<640x128xf32, #tpu.memory_space<vmem>>, %arg4: memref<640x1xf32, #tpu.memory_space<vmem>>, %arg5: memref<1x256xf32, #tpu.memory_space<vmem>>, %arg6: memref<256x128xf32, #tpu.memory_space<vmem>>, %arg7: memref<640x1xf32, #tpu.memory_space<vmem>>, %arg8: memref<640x128xf32, #tpu.memory_space<vmem>>) attributes {dimension_semantics = [#tpu.dimension_semantics<arbitrary>, #tpu.dimension_semantics<arbitrary>], iteration_bounds = array<i64: 16, 2>, scalar_prefetch = 0 : i64, scratch_operands = 0 : i64, tpu.core_type = #tpu.core_type<tc>, window_params = [{transform_indices = @transform_0, window_bounds = array<i64: 640, 128>}, {transform_indices = @transform_1, window_bounds = array<i64: 640, 128>}, {transform_indices = @transform_2, window_bounds = array<i64: 640, 1>}, {pipeline_mode = #tpu.pipeline_mode<synchronous>, transform_indices = @transform_3, window_bounds = array<i64: 1, 256>}, {transform_indices = @transform_4, window_bounds = array<i64: 256, 128>}, {transform_indices = @transform_5, window_bounds = array<i64: 640, 1>}, {transform_indices = @transform_6, window_bounds = array<i64: 640, 128>}]} {
    %get3A = arith.constant 0 : index
    %get3A_0 = arith.constant 0 : index
    %get3A_1 = vector.load %arg2[%get3A, %get3A_0] : memref<640x128xf32, #tpu.memory_space<vmem>>, vector<640x128xf32>
    %get3A_2 = arith.constant 0 : index
    %get3A_3 = arith.constant 0 : index
    %get3A_4 = vector.load %arg3[%get3A_2, %get3A_3] : memref<640x128xf32, #tpu.memory_space<vmem>>, vector<640x128xf32>
    %concatenate3A = tpu.concatenate %get3A_1, %get3A_4 in 1 : vector<640x128xf32>, vector<640x128xf32> -> vector<640x256xf32>
    %get3A_5 = arith.constant 0 : index
    %get3A_6 = arith.constant 0 : index
    %get3A_7 = vector.load %arg4[%get3A_5, %get3A_6] : memref<640x1xf32, #tpu.memory_space<vmem>>, vector<640x1xf32>
    %mul3A = vector.broadcast %get3A_7 : vector<640x1xf32> to vector<640x256xf32>
    %mul3A_8 = arith.mulf %concatenate3A, %mul3A : vector<640x256xf32>
    %get3A_9 = arith.constant 0 : index
    %get3A_10 = arith.constant 0 : index
    %get3A_11 = vector.load %arg5[%get3A_9, %get3A_10] : memref<1x256xf32, #tpu.memory_space<vmem>>, vector<1x256xf32>
    %add3A = vector.broadcast %get3A_11 : vector<1x256xf32> to vector<640x256xf32>
    %add3A_12 = arith.addf %mul3A_8, %add3A : vector<640x256xf32>
    %max3A = arith.constant 0.000000e+00 : f32
    %max3A_13 = vector.broadcast %max3A : f32 to vector<640x256xf32>
    %max3A_14 = arith.maximumf %add3A_12, %max3A_13 : vector<640x256xf32>
    %get3A_15 = arith.constant 0 : index
    %get3A_16 = arith.constant 0 : index
    %get3A_17 = vector.load %arg6[%get3A_15, %get3A_16] : memref<256x128xf32, #tpu.memory_space<vmem>>, vector<256x128xf32>
    %dot_general3A = arith.constant dense<0.000000e+00> : vector<640x128xf32>
    %dot_general3A_18 = tpu.matmul %max3A_14, %get3A_17, %dot_general3A {dimension_numbers = #tpu.dot_dimension_numbers<[1], [0], [0], [1], [0, 0, 1, 1], [], []>, transpose_lhs_hint = false} : vector<640x256xf32>, vector<256x128xf32>, vector<640x128xf32> -> vector<640x128xf32>
    %get3A_19 = arith.constant 0 : index
    %get3A_20 = arith.constant 0 : index
    %get3A_21 = vector.load %arg7[%get3A_19, %get3A_20] : memref<640x1xf32, #tpu.memory_space<vmem>>, vector<640x1xf32>
    %mul3A_22 = vector.broadcast %get3A_21 : vector<640x1xf32> to vector<640x128xf32>
    %mul3A_23 = arith.mulf %dot_general3A_18, %mul3A_22 : vector<640x128xf32>
    %swap3A = arith.constant 0 : index
    %swap3A_24 = arith.constant 0 : index
    %swap3A_25 = vector.load %arg8[%swap3A, %swap3A_24] : memref<640x128xf32, #tpu.memory_space<vmem>>, vector<640x128xf32>
    tpu.vector_store %arg8[%swap3A, %swap3A_24], %mul3A_23 {strides = array<i32>} : memref<640x128xf32, #tpu.memory_space<vmem>>, vector<640x128xf32>,
    return
  }
  func.func @transform_0(%arg0: i32, %arg1: i32) -> (i32, i32) {
    %c0_i32 = arith.constant 0 : i32
    %c0_i32_0 = arith.constant 0 : i32
    return %arg0, %c0_i32 : i32, i32
  }
  func.func @transform_1(%arg0: i32, %arg1: i32) -> (i32, i32) {
    %add3A = arith.constant 16 : i32
    %add3A_0 = arith.addi %add3A, %arg0 : i32
    %c0_i32 = arith.constant 0 : i32
    %c0_i32_1 = arith.constant 0 : i32
    return %add3A_0, %c0_i32 : i32, i32
  }
  func.func @transform_2(%arg0: i32, %arg1: i32) -> (i32, i32) {
    %c0_i32 = arith.constant 0 : i32
    %c0_i32_0 = arith.constant 0 : i32
    return %arg0, %c0_i32 : i32, i32
  }
  func.func @transform_3(%arg0: i32, %arg1: i32) -> (i32, i32) {
    %c0_i32 = arith.constant 0 : i32
    %c0_i32_0 = arith.constant 0 : i32
    %c0_i32_1 = arith.constant 0 : i32
    return %c0_i32, %c0_i32_0 : i32, i32
  }
  func.func @transform_4(%arg0: i32, %arg1: i32) -> (i32, i32) {
    %c0_i32 = arith.constant 0 : i32
    %c0_i32_0 = arith.constant 0 : i32
    return %c0_i32, %arg1 : i32, i32
  }
  func.func @transform_5(%arg0: i32, %arg1: i32) -> (i32, i32) {
    %c0_i32 = arith.constant 0 : i32
    %c0_i32_0 = arith.constant 0 : i32
    return %arg0, %c0_i32 : i32, i32
  }
  func.func @transform_6(%arg0: i32, %arg1: i32) -> (i32, i32) {
    %mul3A = arith.constant 16 : i32
    %mul3A_0 = arith.muli %arg1, %mul3A : i32
    %add3A = arith.addi %mul3A_0, %arg0 : i32
    %c0_i32 = arith.constant 0 : i32
    %c0_i32_1 = arith.constant 0 : i32
    return %add3A, %c0_i32 : i32, i32
  }
}

module attributes {stable_mosaic.version = 14 : i64} {
  func.func @_dense_kernel(%arg0: i32, %arg1: memref<640x128xf32, #tpu.memory_space<vmem>>, %arg2: memref<640x128xf32, #tpu.memory_space<vmem>>, %arg3: memref<640x1xf32, #tpu.memory_space<vmem>>, %arg4: memref<1x256xf32, #tpu.memory_space<vmem>>, %arg5: memref<256x128xf32, #tpu.memory_space<vmem>>, %arg6: memref<640x1xf32, #tpu.memory_space<vmem>>, %arg7: memref<640x128xf32, #tpu.memory_space<vmem>>) attributes {dimension_semantics = [#tpu.dimension_semantics<arbitrary>], iteration_bounds = array<i64: 16>, scalar_prefetch = 0 : i64, scratch_operands = 0 : i64, tpu.core_type = #tpu.core_type<tc>, window_params = [{transform_indices = @transform_0, window_bounds = array<i64: 640, 128>}, {transform_indices = @transform_1, window_bounds = array<i64: 640, 128>}, {transform_indices = @transform_2, window_bounds = array<i64: 640, 1>}, {pipeline_mode = #tpu.pipeline_mode<synchronous>, transform_indices = @transform_3, window_bounds = array<i64: 1, 256>}, {pipeline_mode = #tpu.pipeline_mode<synchronous>, transform_indices = @transform_4, window_bounds = array<i64: 256, 128>}, {transform_indices = @transform_5, window_bounds = array<i64: 640, 1>}, {transform_indices = @transform_6, window_bounds = array<i64: 640, 128>}]} {
    %get3A = arith.constant 0 : index
    %get3A_0 = arith.constant 0 : index
    %get3A_1 = vector.load %arg1[%get3A, %get3A_0] : memref<640x128xf32, #tpu.memory_space<vmem>>, vector<640x128xf32>
    %get3A_2 = arith.constant 0 : index
    %get3A_3 = arith.constant 0 : index
    %get3A_4 = vector.load %arg2[%get3A_2, %get3A_3] : memref<640x128xf32, #tpu.memory_space<vmem>>, vector<640x128xf32>
    %concatenate3A = tpu.concatenate %get3A_1, %get3A_4 in 1 : vector<640x128xf32>, vector<640x128xf32> -> vector<640x256xf32>
    %get3A_5 = arith.constant 0 : index
    %get3A_6 = arith.constant 0 : index
    %get3A_7 = vector.load %arg3[%get3A_5, %get3A_6] : memref<640x1xf32, #tpu.memory_space<vmem>>, vector<640x1xf32>
    %mul3A = vector.broadcast %get3A_7 : vector<640x1xf32> to vector<640x256xf32>
    %mul3A_8 = arith.mulf %concatenate3A, %mul3A : vector<640x256xf32>
    %get3A_9 = arith.constant 0 : index
    %get3A_10 = arith.constant 0 : index
    %get3A_11 = vector.load %arg4[%get3A_9, %get3A_10] : memref<1x256xf32, #tpu.memory_space<vmem>>, vector<1x256xf32>
    %add3A = vector.broadcast %get3A_11 : vector<1x256xf32> to vector<640x256xf32>
    %add3A_12 = arith.addf %mul3A_8, %add3A : vector<640x256xf32>
    %max3A = arith.constant 0.000000e+00 : f32
    %max3A_13 = vector.broadcast %max3A : f32 to vector<640x256xf32>
    %max3A_14 = arith.maximumf %add3A_12, %max3A_13 : vector<640x256xf32>
    %get3A_15 = arith.constant 0 : index
    %get3A_16 = arith.constant 0 : index
    %get3A_17 = vector.load %arg5[%get3A_15, %get3A_16] : memref<256x128xf32, #tpu.memory_space<vmem>>, vector<256x128xf32>
    %dot_general3A = arith.constant dense<0.000000e+00> : vector<640x128xf32>
    %dot_general3A_18 = tpu.matmul %max3A_14, %get3A_17, %dot_general3A {dimension_numbers = #tpu.dot_dimension_numbers<[1], [0], [0], [1], [0, 0, 1, 1], [], []>, transpose_lhs_hint = false} : vector<640x256xf32>, vector<256x128xf32>, vector<640x128xf32> -> vector<640x128xf32>
    %get3A_19 = arith.constant 0 : index
    %get3A_20 = arith.constant 0 : index
    %get3A_21 = vector.load %arg6[%get3A_19, %get3A_20] : memref<640x1xf32, #tpu.memory_space<vmem>>, vector<640x1xf32>
    %mul3A_22 = vector.broadcast %get3A_21 : vector<640x1xf32> to vector<640x128xf32>
    %mul3A_23 = arith.mulf %dot_general3A_18, %mul3A_22 : vector<640x128xf32>
    %swap3A = arith.constant 0 : index
    %swap3A_24 = arith.constant 0 : index
    %swap3A_25 = vector.load %arg7[%swap3A, %swap3A_24] : memref<640x128xf32, #tpu.memory_space<vmem>>, vector<640x128xf32>
    tpu.vector_store %arg7[%swap3A, %swap3A_24], %mul3A_23 {strides = array<i32>} : memref<640x128xf32, #tpu.memory_space<vmem>>, vector<640x128xf32>,
    return
  }
  func.func @transform_0(%arg0: i32) -> (i32, i32) {
    %c0_i32 = arith.constant 0 : i32
    %c0_i32_0 = arith.constant 0 : i32
    return %arg0, %c0_i32 : i32, i32
  }
  func.func @transform_1(%arg0: i32) -> (i32, i32) {
    %add3A = arith.constant 16 : i32
    %add3A_0 = arith.addi %add3A, %arg0 : i32
    %c0_i32 = arith.constant 0 : i32
    %c0_i32_1 = arith.constant 0 : i32
    return %add3A_0, %c0_i32 : i32, i32
  }
  func.func @transform_2(%arg0: i32) -> (i32, i32) {
    %c0_i32 = arith.constant 0 : i32
    %c0_i32_0 = arith.constant 0 : i32
    return %arg0, %c0_i32 : i32, i32
  }
  func.func @transform_3(%arg0: i32) -> (i32, i32) {
    %c0_i32 = arith.constant 0 : i32
    %c0_i32_0 = arith.constant 0 : i32
    %c0_i32_1 = arith.constant 0 : i32
    return %c0_i32, %c0_i32_0 : i32, i32
  }
  func.func @transform_4(%arg0: i32) -> (i32, i32) {
    %c0_i32 = arith.constant 0 : i32
    %c0_i32_0 = arith.constant 0 : i32
    %c0_i32_1 = arith.constant 0 : i32
    return %c0_i32, %c0_i32_0 : i32, i32
  }
  func.func @transform_5(%arg0: i32) -> (i32, i32) {
    %c0_i32 = arith.constant 0 : i32
    %c0_i32_0 = arith.constant 0 : i32
    return %arg0, %c0_i32 : i32, i32
  }
  func.func @transform_6(%arg0: i32) -> (i32, i32) {
    %c0_i32 = arith.constant 0 : i32
    %c0_i32_0 = arith.constant 0 : i32
    return %arg0, %c0_i32 : i32, i32
  }
}

module attributes {stable_mosaic.version = 14 : i64} {
  func.func @_final_kernel(%arg0: i32, %arg1: memref<640x128xf32, #tpu.memory_space<vmem>>, %arg2: memref<640x128xf32, #tpu.memory_space<vmem>>, %arg3: memref<640x1xf32, #tpu.memory_space<vmem>>, %arg4: memref<640x1xf32, #tpu.memory_space<vmem>>, %arg5: memref<1x128xf32, #tpu.memory_space<vmem>>, %arg6: memref<640x1xi32, #tpu.memory_space<vmem>>, %arg7: memref<640x128xf32, #tpu.memory_space<vmem>>) attributes {dimension_semantics = [#tpu.dimension_semantics<arbitrary>], iteration_bounds = array<i64: 16>, scalar_prefetch = 0 : i64, scratch_operands = 0 : i64, tpu.core_type = #tpu.core_type<tc>, window_params = [{transform_indices = @transform_0, window_bounds = array<i64: 640, 128>}, {transform_indices = @transform_1, window_bounds = array<i64: 640, 128>}, {transform_indices = @transform_2, window_bounds = array<i64: 640, 1>}, {transform_indices = @transform_3, window_bounds = array<i64: 640, 1>}, {pipeline_mode = #tpu.pipeline_mode<synchronous>, transform_indices = @transform_4, window_bounds = array<i64: 1, 128>}, {transform_indices = @transform_5, window_bounds = array<i64: 640, 1>}, {transform_indices = @transform_6, window_bounds = array<i64: 640, 128>}]} {
    %get3A = arith.constant 0 : index
    %get3A_0 = arith.constant 0 : index
    %get3A_1 = vector.load %arg1[%get3A, %get3A_0] : memref<640x128xf32, #tpu.memory_space<vmem>>, vector<640x128xf32>
    %get3A_2 = arith.constant 0 : index
    %get3A_3 = arith.constant 0 : index
    %get3A_4 = vector.load %arg3[%get3A_2, %get3A_3] : memref<640x1xf32, #tpu.memory_space<vmem>>, vector<640x1xf32>
    %mul3A = vector.broadcast %get3A_4 : vector<640x1xf32> to vector<640x128xf32>
    %mul3A_5 = arith.mulf %get3A_1, %mul3A : vector<640x128xf32>
    %get3A_6 = arith.constant 0 : index
    %get3A_7 = arith.constant 0 : index
    %get3A_8 = vector.load %arg5[%get3A_6, %get3A_7] : memref<1x128xf32, #tpu.memory_space<vmem>>, vector<1x128xf32>
    %add3A = vector.broadcast %get3A_8 : vector<1x128xf32> to vector<640x128xf32>
    %add3A_9 = arith.addf %mul3A_5, %add3A : vector<640x128xf32>
    %get3A_10 = arith.constant 0 : index
    %get3A_11 = arith.constant 0 : index
    %get3A_12 = vector.load %arg2[%get3A_10, %get3A_11] : memref<640x128xf32, #tpu.memory_space<vmem>>, vector<640x128xf32>
    %get3A_13 = arith.constant 0 : index
    %get3A_14 = arith.constant 0 : index
    %get3A_15 = vector.load %arg4[%get3A_13, %get3A_14] : memref<640x1xf32, #tpu.memory_space<vmem>>, vector<640x1xf32>
    %mul3A_16 = vector.broadcast %get3A_15 : vector<640x1xf32> to vector<640x128xf32>
    %mul3A_17 = arith.mulf %get3A_12, %mul3A_16 : vector<640x128xf32>
    %get3A_18 = arith.constant 0 : index
    %get3A_19 = arith.constant 0 : index
    %get3A_20 = vector.load %arg5[%get3A_18, %get3A_19] : memref<1x128xf32, #tpu.memory_space<vmem>>, vector<1x128xf32>
    %add3A_21 = vector.broadcast %get3A_20 : vector<1x128xf32> to vector<640x128xf32>
    %add3A_22 = arith.addf %mul3A_17, %add3A_21 : vector<640x128xf32>
    %get3A_23 = arith.constant 0 : index
    %get3A_24 = arith.constant 0 : index
    %get3A_25 = vector.load %arg6[%get3A_23, %get3A_24] : memref<640x1xi32, #tpu.memory_space<vmem>>, vector<640x1xi32>
    %eq3A = arith.constant 0 : i32
    %eq3A_26 = vector.broadcast %eq3A : i32 to vector<640x1xi32>
    %eq3A_27 = arith.cmpi eq, %get3A_25, %eq3A_26 : vector<640x1xi32>
    %broadcast_in_dim3A = vector.shape_cast %eq3A_27 : vector<640x1xi1> to vector<640x1xi1>
    %broadcast_in_dim3A_28 = vector.broadcast %broadcast_in_dim3A : vector<640x1xi1> to vector<640x128xi1>
    %select_n3A = arith.select %broadcast_in_dim3A_28, %add3A_9, %add3A_22 : vector<640x128xi1>, vector<640x128xf32>
    %swap3A = arith.constant 0 : index
    %swap3A_29 = arith.constant 0 : index
    %swap3A_30 = vector.load %arg7[%swap3A, %swap3A_29] : memref<640x128xf32, #tpu.memory_space<vmem>>, vector<640x128xf32>
    tpu.vector_store %arg7[%swap3A, %swap3A_29], %select_n3A {strides = array<i32>} : memref<640x128xf32, #tpu.memory_space<vmem>>, vector<640x128xf32>,
    return
  }
  func.func @transform_0(%arg0: i32) -> (i32, i32) {
    %c0_i32 = arith.constant 0 : i32
    %c0_i32_0 = arith.constant 0 : i32
    return %arg0, %c0_i32 : i32, i32
  }
  func.func @transform_1(%arg0: i32) -> (i32, i32) {
    %add3A = arith.constant 16 : i32
    %add3A_0 = arith.addi %add3A, %arg0 : i32
    %c0_i32 = arith.constant 0 : i32
    %c0_i32_1 = arith.constant 0 : i32
    return %add3A_0, %c0_i32 : i32, i32
  }
  func.func @transform_2(%arg0: i32) -> (i32, i32) {
    %c0_i32 = arith.constant 0 : i32
    %c0_i32_0 = arith.constant 0 : i32
    return %arg0, %c0_i32 : i32, i32
  }
  func.func @transform_3(%arg0: i32) -> (i32, i32) {
    %c0_i32 = arith.constant 0 : i32
    %c0_i32_0 = arith.constant 0 : i32
    return %arg0, %c0_i32 : i32, i32
  }
  func.func @transform_4(%arg0: i32) -> (i32, i32) {
    %c0_i32 = arith.constant 0 : i32
    %c0_i32_0 = arith.constant 0 : i32
    %c0_i32_1 = arith.constant 0 : i32
    return %c0_i32, %c0_i32_0 : i32, i32
  }
  func.func @transform_5(%arg0: i32) -> (i32, i32) {
    %c0_i32 = arith.constant 0 : i32
    %c0_i32_0 = arith.constant 0 : i32
    return %arg0, %c0_i32 : i32, i32
  }
  func.func @transform_6(%arg0: i32) -> (i32, i32) {
    %c0_i32 = arith.constant 0 : i32
    %c0_i32_0 = arith.constant 0 : i32
    return %arg0, %c0_i32 : i32, i32
  }
}

</mosaic_0001>

<sc_bundles>
// kernel: kernel.16.cloned.1.call-start
scs
__scs_entry_jumppad:
0x0: {  	(pc) =	sbr.rel $0x88, $3  }
0x1: {  	(tag) =	ssettag $0x0;
	lr =	simm.s32 $0x1  }
0x2: {  	[smem:$0x3F97] =	sst lr;
	_ =	strace $0xD0000000  }
0x3: {  	_ = 	snop  }
0x4: {  	_ = 	snop  }
0x5: {  	_ = 	snop  }
0x6: {  	_ = 	snop  }
0x7: {  	_ = 	snop  }
__scs_overlays_trampoline_lowered:
0x8: {  	[smem:$0x3FA6] =	sst s0  }
0x9: {  	[smem:$0x3FA7] =	sst s1  }
0xa: {  	[smem:$0x3FA8] =	sst s2  }
0xb: {  	[smem:$0x3FA9] =	sst s3  }
0xc: {  	[smem:$0x3FAA] =	sst s4  }
0xd: {  	[smem:$0x3FAB] =	sst s5  }
0xe: {  	[smem:$0x3FAC] =	sst s6  }
0xf: {  	[smem:$0x3FAD] =	sst s7  }
0x10: {  	[smem:$0x3FAE] =	sst s8  }
0x11: {  	[smem:$0x3FAF] =	sst s9;
	s0 =	simm.s32 @!p0 $0x0  }
0x12: {  	s1 =	sld [smem:$0x3F95];
	s0 =	simm.s32 @p0 $0x1  }
0x13: {  	[smem:$0x3FB0] =	sst s0;
	s0 =	simm.s32 @!p1 $0x0  }
0x14: {  	s2 =	sld [smem:$0x3F94];
	s0 =	simm.s32 @p1 $0x1  }
0x15: {  	[smem:$0x3FB1] =	sst s0;
	s0 =	simm.s32 @!p2 $0x0  }
0x16: {  	s3 =	sld [smem:$0x3FDB];
	s0 =	simm.s32 @p2 $0x1  }
0x17: {  	s4 =	simm.s32 $0x1BF5;
	[smem:$0x3FB3] =	sst s0  }
0x18: {  	s0 =	sld [smem:$0x3F96];
	_ =	swait.ge [sflag:s4], $0x0  }
0x19: {  	s7 =	sld [smem:$0x3F97]  }
0x1a: {  	s8 =	sadd.s32 $0xFFFFE003, lr  }
0x1b: {  	s9 =	sadd.s32 $0xFFFFFEF7, lr;
	s5 =	simm.s32 $0xFFFFFFFF;
	p2 =	slt.u32 s8, $0xFFFFF086  }
0x1c: {  	p1 =	slt.u32 s9, $0xF7A;
	s5 =	simm.s32 @!p2 $0x0  }
0x1d: {  	s5 =	simm.s32 @p1 $0x1;
	p0 =	seq.s32 s7, s2  }
0x1e: {  	s7 =	smul.u32 @!p0 $0xF7A, s2;
	p2 =	seq.s32 @!p0 s5, $0x0  }
0x1f: {  	s9 =	smul.u32 $0xF7A, s1;
	s8 =	simm.s32 @!p0 $0x1BF5;
	p2 =	por !p2, p0  }
0x20: {  	[sflag:s8] =	ssyncset.s32 @!p0 $0xFFFFF086;
	s6 =	sadd.s32 @!p0 s3, s7;
	s7 =	simm.s32 @!p0 $0x108  }
0x21: {  	s3 =	sadd.s32 s3, s9;
	s6 =	sadd.s32 @!p0 $0x88, s6;
	s7 =	simm.s32 @p2 $0x1082  }
0x22: {  	[simem:s7], [sflag:s8] =	dma.local @!p0 [hbm:s6], $0xF7A  }
0x23: {  	s9 =	sor.u32 $0xD0000000, s2;
	s6 =	simm.s32 $0x108;
	_ =	swait.ge @!p0 [sflag:s8], $0x0  }
0x24: {  	s3 =	sadd.s32 $0x88, s3;
	s6 =	simm.s32 @!p1 $0x1082;
	[sflag:s4] =	ssyncset.s32 $0xFFFFF086  }
0x25: {  	[simem:s6], [sflag:s4] =	dma.local [hbm:s3], $0xF7A  }
0x26: {  	[smem:$0x3F97] =	sst s1;
	(tag) =	ssettag s2;
	_ =	strace s9  }
0x27: {  	s1 =	sld [smem:$0x3FA7]  }
0x28: {  	s2 =	sld [smem:$0x3FA8]  }
0x29: {  	s4 =	sld [smem:$0x3FAA]  }
0x2a: {  	p0 =	seq.s32 s5, $0x0;
	s5 =	sld [smem:$0x3FAB]  }
0x2b: {  	s6 =	sld [smem:$0x3FAC]  }
0x2c: {  	s7 =	sld [smem:$0x3FAD]  }
0x2d: {  	s3 =	simm.s32 $0x108;
	s8 =	sld [smem:$0x3FAE]  }
0x2e: {  	s3 =	simm.s32 @!p0 $0x1082;
	s9 =	sld [smem:$0x3FAF]  }
0x2f: {  	lr =	sadd.s32 s0, s3;
	s0 =	sld [smem:$0x3FA6]  }
0x30: {  	s3 =	sld [smem:$0x3FA9]  }
0x31: {  	[smem:$0x3FB2] =	sst s10  }
0x32: {  	s10 =	sld [smem:$0x3FB0];
	_ =	sdelay $0x3  }
0x33: {  	p0 =	seq.s32 s10, $0x1;
	s10 =	sld [smem:$0x3FB2];
	_ =	sdelay $0x3  }
0x34: {  	[smem:$0x3FB2] =	sst s10  }
0x35: {  	s10 =	sld [smem:$0x3FB1];
	_ =	sdelay $0x3  }
0x36: {  	p1 =	seq.s32 s10, $0x1;
	s10 =	sld [smem:$0x3FB2];
	_ =	sdelay $0x3  }
0x37: {  	[smem:$0x3FB2] =	sst s10  }
0x38: {  	s10 =	sld [smem:$0x3FB3]  }
0x39: {  	_ = 	snop;
	(pc) =	sbr.ind lr, $3  }
0x3a: {  	_ = 	snop  }
0x3b: {  	_ = 	snop  }
0x3c: {  	p2 =	seq.s32 s10, $0x1;
	s10 =	sld [smem:$0x3FB2]  }
0x3d: {  	_ =	shalt  }
0x3e: {  	_ =	shalt  }
0x3f: {  	_ =	shalt  }
0x40: {  	_ =	shalt  }
0x41: {  	_ =	shalt  }
0x42: {  	_ =	shalt  }
0x43: {  	_ =	shalt  }
0x44: {  	_ =	shalt  }
0x45: {  	_ =	shalt  }
0x46: {  	_ =	shalt  }
0x47: {  	_ =	shalt  }
0x48: {  	_ =	shalt  }
0x49: {  	_ =	shalt  }
0x4a: {  	_ =	shalt  }
0x4b: {  	_ =	shalt  }
0x4c: {  	_ =	shalt  }
0x4d: {  	_ =	shalt  }
0x4e: {  	_ =	shalt  }
0x4f: {  	_ =	shalt  }
0x50: {  	_ =	shalt  }
0x51: {  	_ =	shalt  }
0x52: {  	_ =	shalt  }
0x53: {  	_ =	shalt  }
0x54: {  	_ =	shalt  }
0x55: {  	_ =	shalt  }
0x56: {  	_ =	shalt  }
0x57: {  	_ =	shalt  }
0x58: {  	_ =	shalt  }
0x59: {  	_ =	shalt  }
0x5a: {  	_ =	shalt  }
0x5b: {  	_ =	shalt  }
0x5c: {  	_ =	shalt  }
0x5d: {  	_ =	shalt  }
0x5e: {  	_ =	shalt  }
0x5f: {  	_ =	shalt  }
0x60: {  	_ =	shalt  }
0x61: {  	_ =	shalt  }
0x62: {  	_ =	shalt  }
0x63: {  	_ =	shalt  }
0x64: {  	_ =	shalt  }
0x65: {  	_ =	shalt  }
0x66: {  	_ =	shalt  }
0x67: {  	_ =	shalt  }
0x68: {  	_ =	shalt  }
0x69: {  	_ =	shalt  }
0x6a: {  	_ =	shalt  }
0x6b: {  	_ =	shalt  }
0x6c: {  	_ =	shalt  }
0x6d: {  	_ =	shalt  }
0x6e: {  	_ =	shalt  }
0x6f: {  	_ =	shalt  }
0x70: {  	_ =	shalt  }
0x71: {  	_ =	shalt  }
0x72: {  	_ =	shalt  }
0x73: {  	_ =	shalt  }
0x74: {  	_ =	shalt  }
0x75: {  	_ =	shalt  }
0x76: {  	_ =	shalt  }
0x77: {  	_ =	shalt  }
0x78: {  	_ =	shalt  }
0x79: {  	_ =	shalt  }
0x7a: {  	_ =	shalt  }
0x7b: {  	_ =	shalt  }
0x7c: {  	_ =	shalt  }
0x7d: {  	_ =	shalt  }
0x7e: {  	_ =	shalt  }
0x7f: {  	_ =	shalt  }
0x80: {  	_ =	shalt  }
0x81: {  	_ =	shalt  }
0x82: {  	_ =	shalt  }
0x83: {  	_ =	shalt  }
0x84: {  	_ =	shalt  }
0x85: {  	_ =	shalt  }
0x86: {  	_ =	shalt  }
0x87: {  	_ =	shalt  }
.Lfunc_end0:
.L_simem_size_0:
called_computation_lowered:
.L_overlay_start_0:
0x88: {  	s2 =	sld [smem:$0x3FD9]  }
0x89: {  	s3 =	sld [smem:$0x3FFE];
	_ =	sdelay $0x1  }
0x8a: {  	s1 =	srdreg.scid  }
0x8b: {  	s0 =	sand.u32 $0x1, s1  }
0x8c: {  	s17 =	sshll.u32 s0, $0xA;
	s2 =	sadd.s32 s3, s2  }
0x8d: {  	s2 =	sadd.s32 s2, s17  }
0x8e: {  	[smem:$0x3FBE] =	sst s2  }
0x8f: {  	_ = 	snop  }
0x90: {  	s2 =	sld [smem:$0x3FD0];
	(tm) =	ssettm $0x1  }
0x91: {  	s18 =	sld [smem:$0x3FFB];
	_ =	sdelay $0x3  }
0x92: {  	_ =	strace s18  }
0x93: {  	s3 =	sld [smem:$0x3FFC];
	_ =	sdelay $0x3  }
0x94: {  	_ =	strace s3  }
0x95: {  	s3 =	sld [smem:$0x3FFD];
	_ =	sdelay $0x3  }
0x96: {  	_ =	strace s3  }
0x97: {  	_ =	strace $0x8FFFFFFF  }
0x98: {  	s19 =	sld [smem:$0x3FDB];
	_ =	sdelay $0x1  }
0x99: {  	s4 =	simm.s32 $_scs_section_size  }
0x9a: {  	s5 =	simm.s32 $_size__tile_overlayer_lowered;
	s6 =	simm.s32 $_tile_overlayer_lowered  }
0x9b: {  	s22 =	simm.s32 $0x1BFF;
	s21 =	sshll.u32 s6, $0x1;
	s3 =	sadd.s32 s4, s19  }
0x9c: {  	s7 =	simm.s32 $0x0;
	s20 =	sshll.u32 s5, $0x1;
	s5 =	sadd.s32 s21, s3  }
0x9d: {  	[timem:s7], [sflag:s22] =	dma.local [hbm:s5], s20  }
0x9e: {  	_ =	swait.ge [sflag:s22], s20  }
0x9f: {  	s4 =	ssub.s32 $0x0, s20;
	[sflag:s22] =	ssyncset.done $0x0  }
0xa0: {  	[sflag:s22] =	ssyncadd.s32 s4;
	_ =	sdelay $0x1  }
0xa1: {  	s23 =	simm.s32 $0x1B8B  }
0xa2: {  	_ =	swait.ge [sflag:s23], $0x1  }
0xa3: {  	[sflag:s23] =	ssyncset.done $0x0  }
0xa4: {  	s25 =	simm.s32 $0x1B8E;
	s24 =	sld [smem:$0x3FFE];
	[sflag:s23] =	ssyncadd.s32 $0xFFFFFFFF  }
0xa5: {  	s26 =	simm.s32 $execute0_lowered;
	[smem:$0x3FD2] =	sst s25  }
0xa6: {  	s5 =	sshll.u32 s26, $0x1;
	_ =	strace $0x80000046;
	[dreg:$0x1] =	wrdreg $0xFFFFFFFF  }
0xa7: {  	s28 =	simm.s32 $_size_execute0_lowered;
	s3 =	sadd.s32 s3, s5;
	[dreg:$0x0] =	wrdreg $0x0  }
0xa8: {  	s5 =	sshll.u32 s28, $0x1;
	[dreg:$0x2] =	wrdreg s3  }
0xa9: {  	[dreg:$0x3] =	wrdreg s5  }
0xaa: {  	[dreg:$0x4] =	wrdreg $0xC0  }
0xab: {  	_ =	task [dreg:s7], $0x5FFFF  }
0xac: {  	[dreg:$0x1] =	wrdreg $0xFFFFFFFF  }
0xad: {  	[dreg:$0x0] =	wrdreg $0x60  }
0xae: {  	[dreg:$0x2] =	wrdreg s2  }
0xaf: {  	[dreg:$0x3] =	wrdreg s24  }
0xb0: {  	[dreg:$0x4] =	wrdreg $0x117800  }
0xb1: {  	[dreg:$0x5] =	wrdreg $0x9  }
0xb2: {  	_ =	task.clear_ibuf [dreg:s7], $0x6FFFF;
	_ =	strace $0x90000046  }
0xb3: {  	s29 =	simm.s32 $0x9;
	_ =	strace $0x80000048  }
0xb4: {  	_ =	swait.ge [sflag:s29], $0x1  }
0xb5: {  	[sflag:s29] =	ssyncadd.s32 $0xFFFFFFFF  }
0xb6: {  	_ =	strace $0x90000048  }
0xb7: {  	_ =	sfence  }
0xb8: {  	s30 =	sld [smem:$0x0];
	_ =	sdelay $0x2  }
0xb9: {  	s31 =	sshll.u32 s1, $0xD;
	s1 =	sshrl.u32 s1, $0x2  }
0xba: {  	s3 =	sand.u32 $0x4000, s31;
	s1 =	sadd.s32 s1, s30  }
0xbb: {  	s0 =	sor.u32 s3, s0;
	s1 =	sshll.u32 s1, $0x11  }
0xbc: {  	s0 =	sor.u32 s1, s0  }
0xbd: {  	s0 =	sadd.s32 $0x8F2B, s0  }
0xbe: {  	[sflag:s0] =	ssyncadd.remote.s32 $0x1  }
0xbf: {  	_ =	sfence.sel $0xFFFF  }
0xc0: {  	[dreg:$0x0] =	wrdreg $0xFFFFFFFF;
	(pc) =	sbr.abs _section_cstart, $3  }
0xc1: {  	[dreg:$0x1] =	wrdreg $0xFFFFFFFF  }
0xc2: {  	_ =	task.clear_ibuf [dreg:s7], $0x2FFFF;
	_ =	strace $0x9FFFFFFF  }
0xc3: {  	(tm) =	ssettm $0x7FFFFFFF  }
tec
execute0_lowered:
.L_overlay_start_1:
0x0: {  	(tag) =	ssettag $0x1  }
0x1: {  	s0 =	rddreg [dreg:$0x0]  }
0x2: {  	s1 =	srdreg.scid;
	s8 =	stileid.u32  }
0x3: {  	s2 =	rddreg [dreg:$0x1];
	s3 =	smul.u32 $0x280, s8  }
0x4: {  	s4 =	rddreg [dreg:$0x2];
	s13 =	smul.u32 $0x4E20, s8  }
0x5: {  	s6 =	simm.s32 $0x0;
	s1 =	sand.u32 $0x1, s1;
	s16 =	smul.u32 $0x5000, s8  }
0x6: {  	[smem:$0x7FF] =	sst s6;
	s5 =	smul.u32 $0x5000, s1  }
0x7: {  	s7 =	sshrl.u32 s8, $0x3;
	s17 =	sshll.u32 s8, $0x7;
	s12 =	smul.u32 $0x9C400, s1  }
0x8: {  	_ =	strace $0x80000047;
	s1 =	ssub.s32 $0x2, s1;
	s7 =	smul.u32 $0x50000, s7  }
0x9: {  	s6 =	sand.u32 $0x380, s17;
	s14 =	sshrl.u32 s1, $0x1;
	s3 =	sadd.s32 s3, s5  }
0xa: {  	s1 =	ssub.s32 s1, s14;
	s15 =	sadd.s32 s13, s12;
	s7 =	sshrl.u32 s7, $0x2  }
0xb: {  	s5 =	sshrl.u32 s16, $0x2;
	s7 =	sadd.s32 s7, s4;
	s13 =	smax.u32 s1, $0x1  }
0xc: {  	s5 =	sadd.s32 s5, s4;
	s18 =	sadd.s32 s6, s7;
	[dreg:$0x19] =	wrdreg s13  }
0xd: {  	s20 =	sadd.s32 $0x80, s5;
	[dreg:$0x5] =	wrdreg s18  }
0xe: {  	s21 =	sadd.s32 $0x100, s5;
	[dreg:$0x8] =	wrdreg s20  }
0xf: {  	s22 =	sadd.s32 $0x180, s5;
	[dreg:$0x9] =	wrdreg s21  }
0x10: {  	s23 =	sadd.s32 $0x200, s5;
	[dreg:$0xa] =	wrdreg s22  }
0x11: {  	s24 =	sadd.s32 $0x280, s5;
	[dreg:$0xb] =	wrdreg s23  }
0x12: {  	s25 =	sadd.s32 $0x300, s5;
	[dreg:$0xc] =	wrdreg s24  }
0x13: {  	s26 =	sadd.s32 $0x380, s5;
	[dreg:$0xd] =	wrdreg s25  }
0x14: {  	s31 =	sadd.s32 $0x14000, s5;
	[dreg:$0xe] =	wrdreg s26  }
0x15: {  	s4 =	sadd.s32 $0x14100, s5;
	[dreg:$0xf] =	wrdreg s31  }
0x16: {  	s6 =	sadd.s32 $0x14180, s5;
	[dreg:$0x11] =	wrdreg s4  }
0x17: {  	s7 =	sadd.s32 $0x14200, s5;
	[dreg:$0x12] =	wrdreg s6  }
0x18: {  	s8 =	sadd.s32 $0x14280, s5;
	[dreg:$0x13] =	wrdreg s7  }
0x19: {  	s9 =	sadd.s32 $0x14300, s5;
	[dreg:$0x14] =	wrdreg s8  }
0x1a: {  	s3 =	sshrl.u32 s3, $0x3;
	s10 =	sadd.s32 $0x14380, s5;
	[dreg:$0x15] =	wrdreg s9  }
0x1b: {  	s2 =	sadd.s32 s3, s2;
	s14 =	sadd.s32 $0x28000, s5;
	[dreg:$0x16] =	wrdreg s10  }
0x1c: {  	s3 =	sshrl.u32 s15, $0x3;
	s15 =	sadd.s32 $0x28080, s5;
	[dreg:$0x1a] =	wrdreg s14  }
0x1d: {  	s16 =	sadd.s32 $0x28100, s5;
	[dreg:$0x1b] =	wrdreg s15  }
0x1e: {  	s17 =	sadd.s32 $0x28180, s5;
	[dreg:$0x1c] =	wrdreg s16  }
0x1f: {  	s1 =	sadd.s32 $0x3C300, s5;
	[dreg:$0x1d] =	wrdreg s17  }
0x20: {  	s13 =	sadd.s32 $0x900, s5;
	[smem:$0x77C] =	sst s1  }
0x21: {  	s0 =	sadd.s32 s0, s3;
	[smem:$0x787] =	sst s13  }
0x22: {  	s19 =	sadd.s32 $0x28000, s18;
	[dreg:$0x4] =	wrdreg s0  }
0x23: {  	s3 =	sadd.s32 $0x14080, s5;
	[dreg:$0x7] =	wrdreg s19  }
0x24: {  	s11 =	sadd.s32 $0x4C00, s2;
	[dreg:$0x10] =	wrdreg s3  }
0x25: {  	s12 =	sadd.s32 $0x5100, s2;
	[dreg:$0x17] =	wrdreg s11  }
0x26: {  	s18 =	sadd.s32 $0x28200, s5;
	[dreg:$0x18] =	wrdreg s12  }
0x27: {  	s20 =	sadd.s32 $0x28300, s5;
	[dreg:$0x1e] =	wrdreg s18  }
0x28: {  	s21 =	sadd.s32 $0x28380, s5;
	[smem:$0x774] =	sst s20  }
0x29: {  	s22 =	sadd.s32 $0x3C000, s5;
	[smem:$0x775] =	sst s21  }
0x2a: {  	s23 =	sadd.s32 $0x3C080, s5;
	[smem:$0x776] =	sst s22  }
0x2b: {  	s24 =	sadd.s32 $0x3C100, s5;
	[smem:$0x777] =	sst s23  }
0x2c: {  	s25 =	sadd.s32 $0x3C180, s5;
	[smem:$0x778] =	sst s24  }
0x2d: {  	s26 =	sadd.s32 $0x3C200, s5;
	[smem:$0x779] =	sst s25  }
0x2e: {  	s31 =	sadd.s32 $0x3C280, s5;
	[smem:$0x77A] =	sst s26  }
0x2f: {  	s2 =	sadd.s32 $0x3C380, s5;
	[smem:$0x77B] =	sst s31  }
0x30: {  	s4 =	sadd.s32 $0x800, s5;
	[smem:$0x77D] =	sst s2  }
0x31: {  	s6 =	sadd.s32 $0xC00, s5;
	[smem:$0x77F] =	sst s4  }
0x32: {  	s7 =	sadd.s32 $0x1000, s5;
	[smem:$0x780] =	sst s6  }
0x33: {  	s8 =	sadd.s32 $0x480, s5;
	[smem:$0x781] =	sst s7  }
0x34: {  	s9 =	sadd.s32 $0x880, s5;
	[smem:$0x782] =	sst s8  }
0x35: {  	s10 =	sadd.s32 $0xC80, s5;
	[smem:$0x783] =	sst s9  }
0x36: {  	s14 =	sadd.s32 $0xD00, s5;
	[smem:$0x784] =	sst s10  }
0x37: {  	s15 =	sadd.s32 $0x1100, s5;
	[smem:$0x788] =	sst s14  }
0x38: {  	s16 =	sadd.s32 $0x580, s5;
	[smem:$0x789] =	sst s15  }
0x39: {  	s17 =	sadd.s32 $0x980, s5;
	[smem:$0x78A] =	sst s16  }
0x3a: {  	s1 =	sadd.s32 $0x700, s5;
	[smem:$0x78B] =	sst s17  }
0x3b: {  	s13 =	sadd.s32 $0x15000, s5;
	[smem:$0x796] =	sst s1  }
0x3c: {  	s0 =	sadd.s32 $0x9C40, s0;
	[smem:$0x7A1] =	sst s13  }
0x3d: {  	s19 =	sadd.s32 $0x28280, s5;
	[dreg:$0x6] =	wrdreg s0  }
0x3e: {  	s3 =	sadd.s32 $0x400, s5;
	[dreg:$0x1f] =	wrdreg s19  }
0x3f: {  	s11 =	sadd.s32 $0x1080, s5;
	[smem:$0x77E] =	sst s3  }
0x40: {  	s12 =	sadd.s32 $0x500, s5;
	[smem:$0x785] =	sst s11  }
0x41: {  	s18 =	sadd.s32 $0xD80, s5;
	[smem:$0x786] =	sst s12  }
0x42: {  	s20 =	sadd.s32 $0x600, s5;
	[smem:$0x78C] =	sst s18  }
0x43: {  	s21 =	sadd.s32 $0xA00, s5;
	[smem:$0x78E] =	sst s20  }
0x44: {  	s22 =	sadd.s32 $0xE00, s5;
	[smem:$0x78F] =	sst s21  }
0x45: {  	s23 =	sadd.s32 $0x1200, s5;
	[smem:$0x790] =	sst s22  }
0x46: {  	s24 =	sadd.s32 $0x680, s5;
	[smem:$0x791] =	sst s23  }
0x47: {  	s25 =	sadd.s32 $0xA80, s5;
	[smem:$0x792] =	sst s24  }
0x48: {  	s26 =	sadd.s32 $0xE80, s5;
	[smem:$0x793] =	sst s25  }
0x49: {  	s31 =	sadd.s32 $0x1280, s5;
	[smem:$0x794] =	sst s26  }
0x4a: {  	s2 =	sadd.s32 $0xB00, s5;
	[smem:$0x795] =	sst s31  }
0x4b: {  	s4 =	sadd.s32 $0x1300, s5;
	[smem:$0x797] =	sst s2  }
0x4c: {  	s6 =	sadd.s32 $0x780, s5;
	[smem:$0x799] =	sst s4  }
0x4d: {  	s7 =	sadd.s32 $0xB80, s5;
	[smem:$0x79A] =	sst s6  }
0x4e: {  	s8 =	sadd.s32 $0xF80, s5;
	[smem:$0x79B] =	sst s7  }
0x4f: {  	s9 =	sadd.s32 $0x1380, s5;
	[smem:$0x79C] =	sst s8  }
0x50: {  	s10 =	sadd.s32 $0x14400, s5;
	[smem:$0x79D] =	sst s9  }
0x51: {  	s14 =	sadd.s32 $0x14480, s5;
	[smem:$0x79E] =	sst s10  }
0x52: {  	s15 =	sadd.s32 $0x14880, s5;
	[smem:$0x7A2] =	sst s14  }
0x53: {  	s16 =	sadd.s32 $0x14C80, s5;
	[smem:$0x7A3] =	sst s15  }
0x54: {  	s17 =	sadd.s32 $0x15080, s5;
	[smem:$0x7A4] =	sst s16  }
0x55: {  	s1 =	sadd.s32 $0x14E00, s5;
	[smem:$0x7A5] =	sst s17  }
0x56: {  	s13 =	sadd.s32 $0x14B80, s5;
	[smem:$0x7B0] =	sst s1  }
0x57: {  	s19 =	sadd.s32 $0x1180, s5;
	[smem:$0x7BB] =	sst s13  }
0x58: {  	s3 =	sadd.s32 $0xF00, s5;
	[smem:$0x78D] =	sst s19  }
0x59: {  	s11 =	sadd.s32 $0x14800, s5;
	[smem:$0x798] =	sst s3  }
0x5a: {  	s12 =	sadd.s32 $0x14C00, s5;
	[smem:$0x79F] =	sst s11  }
0x5b: {  	s18 =	sadd.s32 $0x14500, s5;
	[smem:$0x7A0] =	sst s12  }
0x5c: {  	s20 =	sadd.s32 $0x14D00, s5;
	[smem:$0x7A6] =	sst s18  }
0x5d: {  	s21 =	sadd.s32 $0x15100, s5;
	[smem:$0x7A8] =	sst s20  }
0x5e: {  	s22 =	sadd.s32 $0x14580, s5;
	[smem:$0x7A9] =	sst s21  }
0x5f: {  	s23 =	sadd.s32 $0x14980, s5;
	[smem:$0x7AA] =	sst s22  }
0x60: {  	s24 =	sadd.s32 $0x14D80, s5;
	[smem:$0x7AB] =	sst s23  }
0x61: {  	s25 =	sadd.s32 $0x15180, s5;
	[smem:$0x7AC] =	sst s24  }
0x62: {  	s26 =	sadd.s32 $0x14600, s5;
	[smem:$0x7AD] =	sst s25  }
0x63: {  	s31 =	sadd.s32 $0x14A00, s5;
	[smem:$0x7AE] =	sst s26  }
0x64: {  	s2 =	sadd.s32 $0x15200, s5;
	[smem:$0x7AF] =	sst s31  }
0x65: {  	s4 =	sadd.s32 $0x14A80, s5;
	[smem:$0x7B1] =	sst s2  }
0x66: {  	s6 =	sadd.s32 $0x14E80, s5;
	[smem:$0x7B3] =	sst s4  }
0x67: {  	s7 =	sadd.s32 $0x15280, s5;
	[smem:$0x7B4] =	sst s6  }
0x68: {  	s8 =	sadd.s32 $0x14700, s5;
	[smem:$0x7B5] =	sst s7  }
0x69: {  	s9 =	sadd.s32 $0x14B00, s5;
	[smem:$0x7B6] =	sst s8  }
0x6a: {  	s10 =	sadd.s32 $0x14F00, s5;
	[smem:$0x7B7] =	sst s9  }
0x6b: {  	s14 =	sadd.s32 $0x14F80, s5;
	[smem:$0x7B8] =	sst s10  }
0x6c: {  	s15 =	sadd.s32 $0x15380, s5;
	[smem:$0x7BC] =	sst s14  }
0x6d: {  	s16 =	sadd.s32 $0x28400, s5;
	[smem:$0x7BD] =	sst s15  }
0x6e: {  	s17 =	sadd.s32 $0x28800, s5;
	[smem:$0x7BE] =	sst s16  }
0x6f: {  	s1 =	sadd.s32 $0x28580, s5;
	[smem:$0x7BF] =	sst s17  }
0x70: {  	s13 =	sadd.s32 $0x29280, s5;
	[smem:$0x7CA] =	sst s1  }
0x71: {  	s19 =	sadd.s32 $0x14900, s5;
	[smem:$0x7D5] =	sst s13  }
0x72: {  	s3 =	sadd.s32 $0x14680, s5;
	[smem:$0x7A7] =	sst s19  }
0x73: {  	s11 =	sadd.s32 $0x15300, s5;
	[smem:$0x7B2] =	sst s3  }
0x74: {  	s12 =	sadd.s32 $0x14780, s5;
	[smem:$0x7B9] =	sst s11  }
0x75: {  	s18 =	sadd.s32 $0x28C00, s5;
	[smem:$0x7BA] =	sst s12  }
0x76: {  	s20 =	sadd.s32 $0x28480, s5;
	[smem:$0x7C0] =	sst s18  }
0x77: {  	s21 =	sadd.s32 $0x28880, s5;
	[smem:$0x7C2] =	sst s20  }
0x78: {  	s22 =	sadd.s32 $0x28C80, s5;
	[smem:$0x7C3] =	sst s21  }
0x79: {  	s23 =	sadd.s32 $0x29080, s5;
	[smem:$0x7C4] =	sst s22  }
0x7a: {  	s24 =	sadd.s32 $0x28500, s5;
	[smem:$0x7C5] =	sst s23  }
0x7b: {  	s25 =	sadd.s32 $0x28900, s5;
	[smem:$0x7C6] =	sst s24  }
0x7c: {  	s26 =	sadd.s32 $0x28D00, s5;
	[smem:$0x7C7] =	sst s25  }
0x7d: {  	s31 =	sadd.s32 $0x29100, s5;
	[smem:$0x7C8] =	sst s26  }
0x7e: {  	s2 =	sadd.s32 $0x28980, s5;
	[smem:$0x7C9] =	sst s31  }
0x7f: {  	s4 =	sadd.s32 $0x29180, s5;
	[smem:$0x7CB] =	sst s2  }
0x80: {  	s6 =	sadd.s32 $0x28600, s5;
	[smem:$0x7CD] =	sst s4  }
0x81: {  	s7 =	sadd.s32 $0x28A00, s5;
	[smem:$0x7CE] =	sst s6  }
0x82: {  	s8 =	sadd.s32 $0x28E00, s5;
	[smem:$0x7CF] =	sst s7  }
0x83: {  	s9 =	sadd.s32 $0x29200, s5;
	[smem:$0x7D0] =	sst s8  }
0x84: {  	s10 =	sadd.s32 $0x28680, s5;
	[smem:$0x7D1] =	sst s9  }
0x85: {  	s14 =	sadd.s32 $0x28700, s5;
	[smem:$0x7D2] =	sst s10  }
0x86: {  	s15 =	sadd.s32 $0x28B00, s5;
	[smem:$0x7D6] =	sst s14  }
0x87: {  	s16 =	sadd.s32 $0x28F00, s5;
	[smem:$0x7D7] =	sst s15  }
0x88: {  	s17 =	sadd.s32 $0x29300, s5;
	[smem:$0x7D8] =	sst s16  }
0x89: {  	s1 =	sadd.s32 $0x3CC80, s5;
	[smem:$0x7D9] =	sst s17  }
0x8a: {  	s13 =	sadd.s32 $0x3CA00, s5;
	[smem:$0x7E4] =	sst s1  }
0x8b: {  	s19 =	sadd.s32 $0x29000, s5;
	[smem:$0x7EF] =	sst s13  }
0x8c: {  	s3 =	sadd.s32 $0x28D80, s5;
	[smem:$0x7C1] =	sst s19  }
0x8d: {  	s11 =	sadd.s32 $0x28A80, s5;
	[smem:$0x7CC] =	sst s3  }
0x8e: {  	s12 =	sadd.s32 $0x28E80, s5;
	[smem:$0x7D3] =	sst s11  }
0x8f: {  	s18 =	sadd.s32 $0x28780, s5;
	[smem:$0x7D4] =	sst s12  }
0x90: {  	s20 =	sadd.s32 $0x28F80, s5;
	[smem:$0x7DA] =	sst s18  }
0x91: {  	s21 =	sadd.s32 $0x29380, s5;
	[smem:$0x7DC] =	sst s20  }
0x92: {  	s22 =	sadd.s32 $0x3C400, s5;
	[smem:$0x7DD] =	sst s21  }
0x93: {  	s23 =	sadd.s32 $0x3C800, s5;
	[smem:$0x7DE] =	sst s22  }
0x94: {  	s24 =	sadd.s32 $0x3CC00, s5;
	[smem:$0x7DF] =	sst s23  }
0x95: {  	s25 =	sadd.s32 $0x3D000, s5;
	[smem:$0x7E0] =	sst s24  }
0x96: {  	s26 =	sadd.s32 $0x3C480, s5;
	[smem:$0x7E1] =	sst s25  }
0x97: {  	s31 =	sadd.s32 $0x3C880, s5;
	[smem:$0x7E2] =	sst s26  }
0x98: {  	s2 =	sadd.s32 $0x3D080, s5;
	[smem:$0x7E3] =	sst s31  }
0x99: {  	s4 =	sadd.s32 $0x3C900, s5;
	[smem:$0x7E5] =	sst s2  }
0x9a: {  	s6 =	sadd.s32 $0x3CD00, s5;
	[smem:$0x7E7] =	sst s4  }
0x9b: {  	s7 =	sadd.s32 $0x3D100, s5;
	[smem:$0x7E8] =	sst s6  }
0x9c: {  	s8 =	sadd.s32 $0x3C580, s5;
	[smem:$0x7E9] =	sst s7  }
0x9d: {  	s9 =	sadd.s32 $0x3C980, s5;
	[smem:$0x7EA] =	sst s8  }
0x9e: {  	s10 =	sadd.s32 $0x3CD80, s5;
	[smem:$0x7EB] =	sst s9  }
0x9f: {  	s14 =	sadd.s32 $0x3CE00, s5;
	[smem:$0x7EC] =	sst s10  }
0xa0: {  	s28 =	simm.s32 $0x10880;
	s15 =	sadd.s32 $0x3D200, s5;
	[smem:$0x7F0] =	sst s14  }
0xa1: {  	s29 =	simm.s32 $0x11080;
	s16 =	sadd.s32 $0x3C680, s5;
	[smem:$0x7F1] =	sst s15  }
0xa2: {  	s30 =	simm.s32 $0x0;
	s17 =	sadd.s32 $0x3CA80, s5;
	[smem:$0x7F2] =	sst s16  }
0xa3: {  	s0 =	simm.s32 $0x10700;
	s19 =	sadd.s32 $0x28B80, s5;
	[smem:$0x7F3] =	sst s17  }
0xa4: {  	s1 =	simm.s32 $0x11280;
	s3 =	sadd.s32 $0x3C500, s5;
	[smem:$0x7DB] =	sst s19  }
0xa5: {  	s13 =	simm.s32 $0x10400;
	s11 =	sadd.s32 $0x3D180, s5;
	[smem:$0x7E6] =	sst s3  }
0xa6: {  	s12 =	sadd.s32 $0x3C600, s5;
	s18 =	sadd.s32 $0x3CE80, s5;
	[smem:$0x7ED] =	sst s11  }
0xa7: {  	s20 =	sadd.s32 $0x3C700, s5;
	s21 =	sadd.s32 $0x3CB00, s5;
	[smem:$0x7EE] =	sst s12  }
0xa8: {  	s22 =	sadd.s32 $0x3CF00, s5;
	s23 =	sadd.s32 $0x3D300, s5;
	[smem:$0x7F4] =	sst s18  }
0xa9: {  	s24 =	sadd.s32 $0x3C780, s5;
	s25 =	sadd.s32 $0x3CB80, s5;
	[smem:$0x7F6] =	sst s20  }
0xaa: {  	s26 =	sadd.s32 $0x3CF80, s5;
	s31 =	sadd.s32 $0x3D380, s5;
	[smem:$0x7F7] =	sst s21  }
0xab: {  	s4 =	simm.s32 $0x10300;
	s2 =	simm.s32 $0x10B00;
	[smem:$0x7F8] =	sst s22  }
0xac: {  	s6 =	simm.s32 $0x10F00;
	s7 =	simm.s32 $0x11300;
	[smem:$0x7F9] =	sst s23  }
0xad: {  	s8 =	simm.s32 $0x10380;
	s9 =	simm.s32 $0x10780;
	[smem:$0x7FA] =	sst s24  }
0xae: {  	s10 =	simm.s32 $0x10B80;
	s14 =	simm.s32 $0x10800;
	[smem:$0x7FB] =	sst s25  }
0xaf: {  	s15 =	simm.s32 $0x11000;
	s16 =	simm.s32 $0x10480;
	[smem:$0x7FC] =	sst s26  }
0xb0: {  	s17 =	simm.s32 $0x10C80;
	s19 =	sadd.s32 $0x3D280, s5;
	[smem:$0x7FD] =	sst s31  }
0xb1: {  	s22 =	simm.s32 $0x1;
	s23 =	simm.s32 $0x9D00;
	s24 =	simm.s32 $0xC500  }
0xb2: {  	s11 =	simm.s32 $0x10F80;
	s12 =	simm.s32 $0x11380;
	s25 =	simm.s32 $0x10C00  }
0xb3: {  	v0 =	vimm.f32 $0.0e+00;
	v1 =	vimm.f32 $1.000000000e+00;
	s26 =	simm.s32 $0x11400;
	s18 =	simm.s32 $0x11480;
	[smem:$0x7F5] =	sst s19  }
.LBB2_1:
0xb4: {  	s3 =	simm.s32 $0x40;
	s19 =	simm.s32 $0x0  }
.LBB2_2:
0xb5: {  	p0 =	sne.s32 s3, $0x9FC0;
	[tilespmem:s19+$0x9D00] =	vst v0;
	s20 =	smov.u32 s3;
	s3 =	sadd.s32 $0x40, s3  }
.Ltmp0:
0xb6: {  	[tilespmem:s19+$0xC500] =	vst v0;
	(pc) =	sbr.rel @p0 .LBB2_2-.Ltmp0, $2  }
0xb7: {  	_ =	sdelay $0x2  }
0xb8: {  	s19 =	sshra.s32 s20, $0x2  }
0xb9: {  	[tilespmem:s19+$0x9D00] =	vst v0  }
0xba: {  	[tilespmem:s19+$0xC500] =	vst v0;
	s3 =	simm.s32 $0x0;
	s21 =	rddreg [dreg:$0x4]  }
0xbb: {  	[tilespmem:s3], [sflag:$0x1] =	stream.linear.gather [hbm4b:s21+s3], $0x4E20, $0x38;
	[tilespmem:$0x16780] =	vst v63  }
0xbc: {  	_ =	swait.ge [sflag:s22], $0x4E20  }
0xbd: {  	[sflag:s22] =	ssyncset.done $0x0  }
0xbe: {  	s20 =	simm.s32 $0x4E80;
	s31 =	rddreg [dreg:$0x6];
	[sflag:s22] =	ssyncadd.s32 $0xFFFFB1E0  }
0xbf: {  	[tilespmem:s20], [sflag:$0x1] =	stream.linear.gather [hbm4b:s31+s3], $0x4E20, $0x38;
	[tilespmem:$0x16780] =	vst v63  }
0xc0: {  	_ =	swait.ge [sflag:s22], $0x4E20  }
0xc1: {  	[sflag:s22] =	ssyncset.done $0x0  }
0xc2: {  	s19 =	simm.s32 $0x0;
	s3 =	simm.s32 $0x40;
	[sflag:s22] =	ssyncadd.s32 $0xFFFFB1E0  }
.LBB2_4:
0xc3: {  	p0 =	sne.s32 s3, $0x13840;
	v2 =	vld [tilespmem:s19+$0x0];
	_ =	sdelay $0x7  }
0xc4: {  	[tilespmem:v2+s23+$0x0] =	vst.idx.add.f32.msk $0xffff, v1  }
0xc5: {  	v2 =	vld [tilespmem:s19+$0x4E80];
	_ =	sdelay $0x3  }
.Ltmp1:
0xc6: {  	(pc) =	sbr.rel @p0 .LBB2_4-.Ltmp1, $2  }
0xc7: {  	_ =	sdelay $0x2  }
0xc8: {  	s19 =	sshra.s32 s3, $0x2;
	s3 =	sadd.s32 $0x40, s3;
	[tilespmem:v2+s24+$0x0] =	vst.idx.add.f32.msk $0xffff, v1  }
0xc9: {  	v2 =	vld [tilespmem:s19+$0x0];
	_ =	sdelay $0x7  }
0xca: {  	[tilespmem:v2+s23+$0x0] =	vst.idx.add.f32.msk $0xffff, v1  }
0xcb: {  	v2 =	vld [tilespmem:s19+$0x4E80];
	_ =	sdelay $0x7  }
0xcc: {  	s3 =	rddreg [dreg:$0x5];
	s20 =	simm.s32 $0x400;
	s19 =	simm.s32 $0x80;
	[tilespmem:v2+s24+$0x0] =	vst.idx.add.f32.msk $0xffff, v1  }
0xcd: {  	[spmem:s3] =	stream.strided.scatter [tilespmem:s23], [sflag:$0x1], $0x2800, s20, s19, $0x38;
	[tilespmem:$0x16780] =	vst v63  }
0xce: {  	_ =	swait.ge [sflag:s22], $0x2800  }
0xcf: {  	[sflag:s22] =	ssyncset.done $0x0  }
0xd0: {  	s21 =	rddreg [dreg:$0x7];
	[sflag:s22] =	ssyncadd.s32 $0xFFFFD800  }
0xd1: {  	[spmem:s21] =	stream.strided.scatter [tilespmem:s24], [sflag:$0x1], $0x2800, s20, s19, $0x38;
	[tilespmem:$0x16780] =	vst v63  }
0xd2: {  	_ =	swait.ge [sflag:s22], $0x2800  }
0xd3: {  	[sflag:s22] =	ssyncset.done $0x0  }
0xd4: {  	[sflag:s22] =	ssyncadd.s32 $0xFFFFD800  }
0xd5: {  	[bflag:$0x0] =	sbarrier.arrive $0xFFFF  }
0xd6: {  	s19 =	simm.s32 $0xED00;
	s20 =	sld [smem:$0x77E]  }
0xd7: {  	[tilespmem:s19], [sflag:$0x1] =	stream.linear.gather [spmem:s5], $0x80, $0x38;
	[tilespmem:$0x16780] =	vst v63  }
0xd8: {  	s21 =	simm.s32 $0xF100  }
0xd9: {  	[tilespmem:s21], [sflag:$0x1] =	stream.linear.gather [spmem:s20], $0x80, $0x38;
	[tilespmem:$0x16780] =	vst v63  }
0xda: {  	s20 =	sld [smem:$0x77F];
	_ =	sdelay $0x1  }
0xdb: {  	s21 =	simm.s32 $0xF500  }
0xdc: {  	[tilespmem:s21], [sflag:$0x1] =	stream.linear.gather [spmem:s20], $0x80, $0x38;
	[tilespmem:$0x16780] =	vst v63  }
0xdd: {  	s20 =	sld [smem:$0x780];
	_ =	sdelay $0x1  }
0xde: {  	s21 =	simm.s32 $0xF900  }
0xdf: {  	[tilespmem:s21], [sflag:$0x1] =	stream.linear.gather [spmem:s20], $0x80, $0x38;
	[tilespmem:$0x16780] =	vst v63  }
0xe0: {  	s20 =	sld [smem:$0x781];
	_ =	sdelay $0x1  }
0xe1: {  	s21 =	simm.s32 $0xFD00  }
0xe2: {  	[tilespmem:s21], [sflag:$0x1] =	stream.linear.gather [spmem:s20], $0x80, $0x38;
	[tilespmem:$0x16780] =	vst v63  }
0xe3: {  	_ =	swait.ge [sflag:s22], $0x280  }
0xe4: {  	[sflag:s22] =	ssyncset.done $0x0  }
0xe5: {  	s21 =	simm.s32 $0xED80;
	s20 =	rddreg [dreg:$0x8];
	[sflag:s22] =	ssyncadd.s32 $0xFFFFFD80  }
0xe6: {  	[tilespmem:s21], [sflag:$0x1] =	stream.linear.gather [spmem:s20], $0x80, $0x38;
	[tilespmem:$0x16780] =	vst v63  }
0xe7: {  	s20 =	sld [smem:$0x782];
	_ =	sdelay $0x1  }
0xe8: {  	s21 =	simm.s32 $0xF180  }
0xe9: {  	[tilespmem:s21], [sflag:$0x1] =	stream.linear.gather [spmem:s20], $0x80, $0x38;
	[tilespmem:$0x16780] =	vst v63  }
0xea: {  	s20 =	sld [smem:$0x783];
	_ =	sdelay $0x1  }
0xeb: {  	s21 =	simm.s32 $0xF580  }
0xec: {  	[tilespmem:s21], [sflag:$0x1] =	stream.linear.gather [spmem:s20], $0x80, $0x38;
	[tilespmem:$0x16780] =	vst v63  }
0xed: {  	s20 =	sld [smem:$0x784];
	_ =	sdelay $0x1  }
0xee: {  	s21 =	simm.s32 $0xF980  }
0xef: {  	[tilespmem:s21], [sflag:$0x1] =	stream.linear.gather [spmem:s20], $0x80, $0x38;
	[tilespmem:$0x16780] =	vst v63  }
0xf0: {  	s20 =	sld [smem:$0x785];
	_ =	sdelay $0x1  }
0xf1: {  	s21 =	simm.s32 $0xFD80  }
0xf2: {  	[tilespmem:s21], [sflag:$0x1] =	stream.linear.gather [spmem:s20], $0x80, $0x38;
	[tilespmem:$0x16780] =	vst v63  }
0xf3: {  	_ =	swait.ge [sflag:s22], $0x280  }
0xf4: {  	[sflag:s22] =	ssyncset.done $0x0  }
0xf5: {  	s21 =	simm.s32 $0xEE00;
	s20 =	rddreg [dreg:$0x9];
	[sflag:s22] =	ssyncadd.s32 $0xFFFFFD80  }
0xf6: {  	[tilespmem:s21], [sflag:$0x1] =	stream.linear.gather [spmem:s20], $0x80, $0x38;
	[tilespmem:$0x16780] =	vst v63  }
0xf7: {  	s20 =	sld [smem:$0x786];
	_ =	sdelay $0x1  }
0xf8: {  	s21 =	simm.s32 $0xF200  }
0xf9: {  	[tilespmem:s21], [sflag:$0x1] =	stream.linear.gather [spmem:s20], $0x80, $0x38;
	[tilespmem:$0x16780] =	vst v63  }
0xfa: {  	s20 =	sld [smem:$0x787];
	_ =	sdelay $0x1  }
0xfb: {  	s21 =	simm.s32 $0xF600  }
0xfc: {  	[tilespmem:s21], [sflag:$0x1] =	stream.linear.gather [spmem:s20], $0x80, $0x38;
	[tilespmem:$0x16780] =	vst v63  }
0xfd: {  	s20 =	sld [smem:$0x788];
	_ =	sdelay $0x1  }
0xfe: {  	s21 =	simm.s32 $0xFA00  }
0xff: {  	[tilespmem:s21], [sflag:$0x1] =	stream.linear.gather [spmem:s20], $0x80, $0x38;
	[tilespmem:$0x16780] =	vst v63  }
0x100: {  	s20 =	sld [smem:$0x789];
	_ =	sdelay $0x1  }
0x101: {  	s21 =	simm.s32 $0xFE00  }
0x102: {  	[tilespmem:s21], [sflag:$0x1] =	stream.linear.gather [spmem:s20], $0x80, $0x38;
	[tilespmem:$0x16780] =	vst v63  }
0x103: {  	_ =	swait.ge [sflag:s22], $0x280  }
0x104: {  	[sflag:s22] =	ssyncset.done $0x0  }
0x105: {  	s21 =	simm.s32 $0xEE80;
	s20 =	rddreg [dreg:$0xa];
	[sflag:s22] =	ssyncadd.s32 $0xFFFFFD80  }
0x106: {  	[tilespmem:s21], [sflag:$0x1] =	stream.linear.gather [spmem:s20], $0x80, $0x38;
	[tilespmem:$0x16780] =	vst v63  }
0x107: {  	s20 =	sld [smem:$0x78A];
	_ =	sdelay $0x1  }
0x108: {  	s21 =	simm.s32 $0xF280  }
0x109: {  	[tilespmem:s21], [sflag:$0x1] =	stream.linear.gather [spmem:s20], $0x80, $0x38;
	[tilespmem:$0x16780] =	vst v63  }
0x10a: {  	s20 =	sld [smem:$0x78B];
	_ =	sdelay $0x1  }
0x10b: {  	s21 =	simm.s32 $0xF680  }
0x10c: {  	[tilespmem:s21], [sflag:$0x1] =	stream.linear.gather [spmem:s20], $0x80, $0x38;
	[tilespmem:$0x16780] =	vst v63  }
0x10d: {  	s20 =	sld [smem:$0x78C];
	_ =	sdelay $0x1  }
0x10e: {  	s21 =	simm.s32 $0xFA80  }
0x10f: {  	[tilespmem:s21], [sflag:$0x1] =	stream.linear.gather [spmem:s20], $0x80, $0x38;
	[tilespmem:$0x16780] =	vst v63  }
0x110: {  	s20 =	sld [smem:$0x78D];
	_ =	sdelay $0x1  }
0x111: {  	s21 =	simm.s32 $0xFE80  }
0x112: {  	[tilespmem:s21], [sflag:$0x1] =	stream.linear.gather [spmem:s20], $0x80, $0x38;
	[tilespmem:$0x16780] =	vst v63  }
0x113: {  	_ =	swait.ge [sflag:s22], $0x280  }
0x114: {  	[sflag:s22] =	ssyncset.done $0x0  }
0x115: {  	s21 =	simm.s32 $0xEF00;
	s20 =	rddreg [dreg:$0xb];
	[sflag:s22] =	ssyncadd.s32 $0xFFFFFD80  }
0x116: {  	[tilespmem:s21], [sflag:$0x1] =	stream.linear.gather [spmem:s20], $0x80, $0x38;
	[tilespmem:$0x16780] =	vst v63  }
0x117: {  	s20 =	sld [smem:$0x78E];
	_ =	sdelay $0x1  }
0x118: {  	s21 =	simm.s32 $0xF300  }
0x119: {  	[tilespmem:s21], [sflag:$0x1] =	stream.linear.gather [spmem:s20], $0x80, $0x38;
	[tilespmem:$0x16780] =	vst v63  }
0x11a: {  	s20 =	sld [smem:$0x78F];
	_ =	sdelay $0x1  }
0x11b: {  	s21 =	simm.s32 $0xF700  }
0x11c: {  	[tilespmem:s21], [sflag:$0x1] =	stream.linear.gather [spmem:s20], $0x80, $0x38;
	[tilespmem:$0x16780] =	vst v63  }
0x11d: {  	s20 =	sld [smem:$0x790];
	_ =	sdelay $0x1  }
0x11e: {  	s21 =	simm.s32 $0xFB00  }
0x11f: {  	[tilespmem:s21], [sflag:$0x1] =	stream.linear.gather [spmem:s20], $0x80, $0x38;
	[tilespmem:$0x16780] =	vst v63  }
0x120: {  	s20 =	sld [smem:$0x791];
	_ =	sdelay $0x1  }
0x121: {  	s21 =	simm.s32 $0xFF00  }
0x122: {  	[tilespmem:s21], [sflag:$0x1] =	stream.linear.gather [spmem:s20], $0x80, $0x38;
	[tilespmem:$0x16780] =	vst v63  }
0x123: {  	_ =	swait.ge [sflag:s22], $0x280  }
0x124: {  	[sflag:s22] =	ssyncset.done $0x0  }
0x125: {  	s21 =	simm.s32 $0xEF80;
	s20 =	rddreg [dreg:$0xc];
	[sflag:s22] =	ssyncadd.s32 $0xFFFFFD80  }
0x126: {  	[tilespmem:s21], [sflag:$0x1] =	stream.linear.gather [spmem:s20], $0x80, $0x38;
	[tilespmem:$0x16780] =	vst v63  }
0x127: {  	s20 =	sld [smem:$0x792];
	_ =	sdelay $0x1  }
0x128: {  	s21 =	simm.s32 $0xF380  }
0x129: {  	[tilespmem:s21], [sflag:$0x1] =	stream.linear.gather [spmem:s20], $0x80, $0x38;
	[tilespmem:$0x16780] =	vst v63  }
0x12a: {  	s20 =	sld [smem:$0x793];
	_ =	sdelay $0x1  }
0x12b: {  	s21 =	simm.s32 $0xF780  }
0x12c: {  	[tilespmem:s21], [sflag:$0x1] =	stream.linear.gather [spmem:s20], $0x80, $0x38;
	[tilespmem:$0x16780] =	vst v63  }
0x12d: {  	s20 =	sld [smem:$0x794];
	_ =	sdelay $0x1  }
0x12e: {  	s21 =	simm.s32 $0xFB80  }
0x12f: {  	[tilespmem:s21], [sflag:$0x1] =	stream.linear.gather [spmem:s20], $0x80, $0x38;
	[tilespmem:$0x16780] =	vst v63  }
0x130: {  	s20 =	sld [smem:$0x795];
	_ =	sdelay $0x1  }
0x131: {  	s21 =	simm.s32 $0xFF80  }
0x132: {  	[tilespmem:s21], [sflag:$0x1] =	stream.linear.gather [spmem:s20], $0x80, $0x38;
	[tilespmem:$0x16780] =	vst v63  }
0x133: {  	_ =	swait.ge [sflag:s22], $0x280  }
0x134: {  	[sflag:s22] =	ssyncset.done $0x0  }
0x135: {  	s21 =	simm.s32 $0xF000;
	s20 =	rddreg [dreg:$0xd];
	[sflag:s22] =	ssyncadd.s32 $0xFFFFFD80  }
0x136: {  	[tilespmem:s21], [sflag:$0x1] =	stream.linear.gather [spmem:s20], $0x80, $0x38;
	[tilespmem:$0x16780] =	vst v63  }
0x137: {  	s20 =	sld [smem:$0x796];
	_ =	sdelay $0x1  }
0x138: {  	s21 =	simm.s32 $0xF400  }
0x139: {  	[tilespmem:s21], [sflag:$0x1] =	stream.linear.gather [spmem:s20], $0x80, $0x38;
	[tilespmem:$0x16780] =	vst v63  }
0x13a: {  	s20 =	sld [smem:$0x797];
	_ =	sdelay $0x1  }
0x13b: {  	s21 =	simm.s32 $0xF800  }
0x13c: {  	[tilespmem:s21], [sflag:$0x1] =	stream.linear.gather [spmem:s20], $0x80, $0x38;
	[tilespmem:$0x16780] =	vst v63  }
0x13d: {  	s20 =	sld [smem:$0x798];
	_ =	sdelay $0x1  }
0x13e: {  	s21 =	simm.s32 $0xFC00  }
0x13f: {  	[tilespmem:s21], [sflag:$0x1] =	stream.linear.gather [spmem:s20], $0x80, $0x38;
	[tilespmem:$0x16780] =	vst v63  }
0x140: {  	s20 =	sld [smem:$0x799];
	_ =	sdelay $0x1  }
0x141: {  	s21 =	simm.s32 $0x10000  }
0x142: {  	[tilespmem:s21], [sflag:$0x1] =	stream.linear.gather [spmem:s20], $0x80, $0x38;
	[tilespmem:$0x16780] =	vst v63  }
0x143: {  	_ =	swait.ge [sflag:s22], $0x280  }
0x144: {  	[sflag:s22] =	ssyncset.done $0x0  }
0x145: {  	s21 =	simm.s32 $0xF080;
	s20 =	rddreg [dreg:$0xe];
	[sflag:s22] =	ssyncadd.s32 $0xFFFFFD80  }
0x146: {  	[tilespmem:s21], [sflag:$0x1] =	stream.linear.gather [spmem:s20], $0x80, $0x38;
	[tilespmem:$0x16780] =	vst v63  }
0x147: {  	s20 =	sld [smem:$0x79A];
	_ =	sdelay $0x1  }
0x148: {  	s21 =	simm.s32 $0xF480  }
0x149: {  	[tilespmem:s21], [sflag:$0x1] =	stream.linear.gather [spmem:s20], $0x80, $0x38;
	[tilespmem:$0x16780] =	vst v63  }
0x14a: {  	s20 =	sld [smem:$0x79B];
	_ =	sdelay $0x1  }
0x14b: {  	s21 =	simm.s32 $0xF880  }
0x14c: {  	[tilespmem:s21], [sflag:$0x1] =	stream.linear.gather [spmem:s20], $0x80, $0x38;
	[tilespmem:$0x16780] =	vst v63  }
0x14d: {  	s20 =	sld [smem:$0x79C];
	_ =	sdelay $0x1  }
0x14e: {  	s21 =	simm.s32 $0xFC80  }
0x14f: {  	[tilespmem:s21], [sflag:$0x1] =	stream.linear.gather [spmem:s20], $0x80, $0x38;
	[tilespmem:$0x16780] =	vst v63  }
0x150: {  	s20 =	sld [smem:$0x79D];
	_ =	sdelay $0x1  }
0x151: {  	s21 =	simm.s32 $0x10080  }
0x152: {  	[tilespmem:s21], [sflag:$0x1] =	stream.linear.gather [spmem:s20], $0x80, $0x38;
	[tilespmem:$0x16780] =	vst v63  }
0x153: {  	_ =	swait.ge [sflag:s22], $0x280  }
0x154: {  	[sflag:s22] =	ssyncset.done $0x0  }
0x155: {  	s21 =	simm.s32 $0x10100;
	s20 =	rddreg [dreg:$0xf];
	[sflag:s22] =	ssyncadd.s32 $0xFFFFFD80  }
0x156: {  	[tilespmem:s21], [sflag:$0x1] =	stream.linear.gather [spmem:s20], $0x80, $0x38;
	[tilespmem:$0x16780] =	vst v63  }
0x157: {  	s20 =	sld [smem:$0x79E];
	_ =	sdelay $0x1  }
0x158: {  	s21 =	simm.s32 $0x10500  }
0x159: {  	[tilespmem:s21], [sflag:$0x1] =	stream.linear.gather [spmem:s20], $0x80, $0x38;
	[tilespmem:$0x16780] =	vst v63  }
0x15a: {  	s20 =	sld [smem:$0x79F];
	_ =	sdelay $0x1  }
0x15b: {  	s21 =	simm.s32 $0x10900  }
0x15c: {  	[tilespmem:s21], [sflag:$0x1] =	stream.linear.gather [spmem:s20], $0x80, $0x38;
	[tilespmem:$0x16780] =	vst v63  }
0x15d: {  	s20 =	sld [smem:$0x7A0];
	_ =	sdelay $0x1  }
0x15e: {  	s21 =	simm.s32 $0x10D00  }
0x15f: {  	[tilespmem:s21], [sflag:$0x1] =	stream.linear.gather [spmem:s20], $0x80, $0x38;
	[tilespmem:$0x16780] =	vst v63  }
0x160: {  	s20 =	sld [smem:$0x7A1];
	_ =	sdelay $0x1  }
0x161: {  	s21 =	simm.s32 $0x11100  }
0x162: {  	[tilespmem:s21], [sflag:$0x1] =	stream.linear.gather [spmem:s20], $0x80, $0x38;
	[tilespmem:$0x16780] =	vst v63  }
0x163: {  	_ =	swait.ge [sflag:s22], $0x280  }
0x164: {  	[sflag:s22] =	ssyncset.done $0x0  }
0x165: {  	s21 =	simm.s32 $0x10180;
	s20 =	rddreg [dreg:$0x10];
	[sflag:s22] =	ssyncadd.s32 $0xFFFFFD80  }
0x166: {  	[tilespmem:s21], [sflag:$0x1] =	stream.linear.gather [spmem:s20], $0x80, $0x38;
	[tilespmem:$0x16780] =	vst v63  }
0x167: {  	s20 =	sld [smem:$0x7A2];
	_ =	sdelay $0x1  }
0x168: {  	s21 =	simm.s32 $0x10580  }
0x169: {  	[tilespmem:s21], [sflag:$0x1] =	stream.linear.gather [spmem:s20], $0x80, $0x38;
	[tilespmem:$0x16780] =	vst v63  }
0x16a: {  	s20 =	sld [smem:$0x7A3];
	_ =	sdelay $0x1  }
0x16b: {  	s21 =	simm.s32 $0x10980  }
0x16c: {  	[tilespmem:s21], [sflag:$0x1] =	stream.linear.gather [spmem:s20], $0x80, $0x38;
	[tilespmem:$0x16780] =	vst v63  }
0x16d: {  	s20 =	sld [smem:$0x7A4];
	_ =	sdelay $0x1  }
0x16e: {  	s21 =	simm.s32 $0x10D80  }
0x16f: {  	[tilespmem:s21], [sflag:$0x1] =	stream.linear.gather [spmem:s20], $0x80, $0x38;
	[tilespmem:$0x16780] =	vst v63  }
0x170: {  	s20 =	sld [smem:$0x7A5];
	_ =	sdelay $0x1  }
0x171: {  	s21 =	simm.s32 $0x11180  }
0x172: {  	[tilespmem:s21], [sflag:$0x1] =	stream.linear.gather [spmem:s20], $0x80, $0x38;
	[tilespmem:$0x16780] =	vst v63  }
0x173: {  	_ =	swait.ge [sflag:s22], $0x280  }
0x174: {  	[sflag:s22] =	ssyncset.done $0x0  }
0x175: {  	s21 =	simm.s32 $0x10200;
	s20 =	rddreg [dreg:$0x11];
	[sflag:s22] =	ssyncadd.s32 $0xFFFFFD80  }
0x176: {  	[tilespmem:s21], [sflag:$0x1] =	stream.linear.gather [spmem:s20], $0x80, $0x38;
	[tilespmem:$0x16780] =	vst v63  }
0x177: {  	s20 =	sld [smem:$0x7A6];
	_ =	sdelay $0x1  }
0x178: {  	s21 =	simm.s32 $0x10600  }
0x179: {  	[tilespmem:s21], [sflag:$0x1] =	stream.linear.gather [spmem:s20], $0x80, $0x38;
	[tilespmem:$0x16780] =	vst v63  }
0x17a: {  	s20 =	sld [smem:$0x7A7];
	_ =	sdelay $0x1  }
0x17b: {  	s21 =	simm.s32 $0x10A00  }
0x17c: {  	[tilespmem:s21], [sflag:$0x1] =	stream.linear.gather [spmem:s20], $0x80, $0x38;
	[tilespmem:$0x16780] =	vst v63  }
0x17d: {  	s20 =	sld [smem:$0x7A8];
	_ =	sdelay $0x1  }
0x17e: {  	s21 =	simm.s32 $0x10E00  }
0x17f: {  	[tilespmem:s21], [sflag:$0x1] =	stream.linear.gather [spmem:s20], $0x80, $0x38;
	[tilespmem:$0x16780] =	vst v63  }
0x180: {  	s20 =	sld [smem:$0x7A9];
	_ =	sdelay $0x1  }
0x181: {  	s21 =	simm.s32 $0x11200  }
0x182: {  	[tilespmem:s21], [sflag:$0x1] =	stream.linear.gather [spmem:s20], $0x80, $0x38;
	[tilespmem:$0x16780] =	vst v63  }
0x183: {  	_ =	swait.ge [sflag:s22], $0x280  }
0x184: {  	[sflag:s22] =	ssyncset.done $0x0  }
0x185: {  	s21 =	simm.s32 $0x10280;
	s20 =	rddreg [dreg:$0x12];
	[sflag:s22] =	ssyncadd.s32 $0xFFFFFD80  }
0x186: {  	[tilespmem:s21], [sflag:$0x1] =	stream.linear.gather [spmem:s20], $0x80, $0x38;
	[tilespmem:$0x16780] =	vst v63  }
0x187: {  	s20 =	sld [smem:$0x7AA];
	_ =	sdelay $0x1  }
0x188: {  	s21 =	simm.s32 $0x10680  }
0x189: {  	[tilespmem:s21], [sflag:$0x1] =	stream.linear.gather [spmem:s20], $0x80, $0x38;
	[tilespmem:$0x16780] =	vst v63  }
0x18a: {  	s20 =	sld [smem:$0x7AB];
	_ =	sdelay $0x1  }
0x18b: {  	s21 =	simm.s32 $0x10A80  }
0x18c: {  	[tilespmem:s21], [sflag:$0x1] =	stream.linear.gather [spmem:s20], $0x80, $0x38;
	[tilespmem:$0x16780] =	vst v63  }
0x18d: {  	s20 =	sld [smem:$0x7AC];
	_ =	sdelay $0x1  }
0x18e: {  	s19 =	sld [smem:$0x7AD];
	s21 =	simm.s32 $0x10E80  }
0x18f: {  	[tilespmem:s21], [sflag:$0x1] =	stream.linear.gather [spmem:s20], $0x80, $0x38;
	[tilespmem:$0x16780] =	vst v63  }
0x190: {  	_ = 	snop  }
0x191: {  	[tilespmem:s1], [sflag:$0x1] =	stream.linear.gather [spmem:s19], $0x80, $0x38;
	[tilespmem:$0x16780] =	vst v63  }
0x192: {  	_ =	swait.ge [sflag:s22], $0x280  }
0x193: {  	[sflag:s22] =	ssyncset.done $0x0;
	s20 =	rddreg [dreg:$0x13]  }
0x194: {  	s21 =	sld [smem:$0x7AE];
	[sflag:s22] =	ssyncadd.s32 $0xFFFFFD80  }
0x195: {  	[tilespmem:s4], [sflag:$0x1] =	stream.linear.gather [spmem:s20], $0x80, $0x38;
	[tilespmem:$0x16780] =	vst v63  }
0x196: {  	s19 =	sld [smem:$0x7AF]  }
0x197: {  	[tilespmem:s0], [sflag:$0x1] =	stream.linear.gather [spmem:s21], $0x80, $0x38;
	[tilespmem:$0x16780] =	vst v63  }
0x198: {  	s20 =	sld [smem:$0x7B0]  }
0x199: {  	[tilespmem:s2], [sflag:$0x1] =	stream.linear.gather [spmem:s19], $0x80, $0x38;
	[tilespmem:$0x16780] =	vst v63  }
0x19a: {  	s21 =	sld [smem:$0x7B1]  }
0x19b: {  	[tilespmem:s6], [sflag:$0x1] =	stream.linear.gather [spmem:s20], $0x80, $0x38;
	[tilespmem:$0x16780] =	vst v63  }
0x19c: {  	_ = 	snop  }
0x19d: {  	[tilespmem:s7], [sflag:$0x1] =	stream.linear.gather [spmem:s21], $0x80, $0x38;
	[tilespmem:$0x16780] =	vst v63  }
0x19e: {  	_ =	swait.ge [sflag:s22], $0x280  }
0x19f: {  	[sflag:s22] =	ssyncset.done $0x0;
	s19 =	rddreg [dreg:$0x14]  }
0x1a0: {  	s20 =	sld [smem:$0x7B2];
	[sflag:s22] =	ssyncadd.s32 $0xFFFFFD80  }
0x1a1: {  	[tilespmem:s8], [sflag:$0x1] =	stream.linear.gather [spmem:s19], $0x80, $0x38;
	[tilespmem:$0x16780] =	vst v63  }
0x1a2: {  	s21 =	sld [smem:$0x7B3]  }
0x1a3: {  	[tilespmem:s9], [sflag:$0x1] =	stream.linear.gather [spmem:s20], $0x80, $0x38;
	[tilespmem:$0x16780] =	vst v63  }
0x1a4: {  	s19 =	sld [smem:$0x7B4]  }
0x1a5: {  	[tilespmem:s10], [sflag:$0x1] =	stream.linear.gather [spmem:s21], $0x80, $0x38;
	[tilespmem:$0x16780] =	vst v63  }
0x1a6: {  	s20 =	sld [smem:$0x7B5]  }
0x1a7: {  	[tilespmem:s11], [sflag:$0x1] =	stream.linear.gather [spmem:s19], $0x80, $0x38;
	[tilespmem:$0x16780] =	vst v63  }
0x1a8: {  	_ = 	snop  }
0x1a9: {  	[tilespmem:s12], [sflag:$0x1] =	stream.linear.gather [spmem:s20], $0x80, $0x38;
	[tilespmem:$0x16780] =	vst v63  }
0x1aa: {  	_ =	swait.ge [sflag:s22], $0x280  }
0x1ab: {  	[sflag:s22] =	ssyncset.done $0x0;
	s21 =	rddreg [dreg:$0x15]  }
0x1ac: {  	s19 =	sld [smem:$0x7B6];
	[sflag:s22] =	ssyncadd.s32 $0xFFFFFD80  }
0x1ad: {  	[tilespmem:s13], [sflag:$0x1] =	stream.linear.gather [spmem:s21], $0x80, $0x38;
	[tilespmem:$0x16780] =	vst v63  }
0x1ae: {  	s20 =	sld [smem:$0x7B7]  }
0x1af: {  	[tilespmem:s14], [sflag:$0x1] =	stream.linear.gather [spmem:s19], $0x80, $0x38;
	[tilespmem:$0x16780] =	vst v63  }
0x1b0: {  	s21 =	sld [smem:$0x7B8]  }
0x1b1: {  	[tilespmem:s25], [sflag:$0x1] =	stream.linear.gather [spmem:s20], $0x80, $0x38;
	[tilespmem:$0x16780] =	vst v63  }
0x1b2: {  	s19 =	sld [smem:$0x7B9]  }
0x1b3: {  	[tilespmem:s15], [sflag:$0x1] =	stream.linear.gather [spmem:s21], $0x80, $0x38;
	[tilespmem:$0x16780] =	vst v63  }
0x1b4: {  	_ = 	snop  }
0x1b5: {  	[tilespmem:s26], [sflag:$0x1] =	stream.linear.gather [spmem:s19], $0x80, $0x38;
	[tilespmem:$0x16780] =	vst v63  }
0x1b6: {  	_ =	swait.ge [sflag:s22], $0x280  }
0x1b7: {  	[sflag:s22] =	ssyncset.done $0x0;
	s20 =	rddreg [dreg:$0x16]  }
0x1b8: {  	s21 =	sld [smem:$0x7BA];
	[sflag:s22] =	ssyncadd.s32 $0xFFFFFD80  }
0x1b9: {  	[tilespmem:s16], [sflag:$0x1] =	stream.linear.gather [spmem:s20], $0x80, $0x38;
	[tilespmem:$0x16780] =	vst v63  }
0x1ba: {  	s19 =	sld [smem:$0x7BB]  }
0x1bb: {  	[tilespmem:s28], [sflag:$0x1] =	stream.linear.gather [spmem:s21], $0x80, $0x38;
	[tilespmem:$0x16780] =	vst v63  }
0x1bc: {  	s20 =	sld [smem:$0x7BC]  }
0x1bd: {  	[tilespmem:s17], [sflag:$0x1] =	stream.linear.gather [spmem:s19], $0x80, $0x38;
	[tilespmem:$0x16780] =	vst v63  }
0x1be: {  	s21 =	sld [smem:$0x7BD]  }
0x1bf: {  	[tilespmem:s29], [sflag:$0x1] =	stream.linear.gather [spmem:s20], $0x80, $0x38;
	[tilespmem:$0x16780] =	vst v63  }
0x1c0: {  	_ = 	snop  }
0x1c1: {  	[tilespmem:s18], [sflag:$0x1] =	stream.linear.gather [spmem:s21], $0x80, $0x38;
	[tilespmem:$0x16780] =	vst v63  }
0x1c2: {  	s19 =	simm.s32 $0x0;
	_ =	swait.ge [sflag:s22], $0x280  }
0x1c3: {  	s3 =	sand.u32 $0x1C00, s19;
	s20 =	sand.u32 $0x70, s19;
	[sflag:s22] =	ssyncset.done $0x0  }
0x1c4: {  	s3 =	sor.u32 s20, s3;
	[sflag:s22] =	ssyncadd.s32 $0xFFFFFD80  }
0x1c5: {  	v2 =	vld [tilespmem:s3+$0xED80]  }
0x1c6: {  	v3 =	vld [tilespmem:s3+$0xED00];
	_ =	sdelay $0x1  }
0x1c7: {  	v4 =	vld [tilespmem:s3+$0xEE00];
	_ =	sdelay $0x1  }
0x1c8: {  	v5 =	vld [tilespmem:s3+$0xEE80]  }
0x1c9: {  	v2 =	vadd.f32 v2, v3  }
0x1ca: {  	v3 =	vld [tilespmem:s3+$0xEF00]  }
0x1cb: {  	v2 =	vadd.f32 v4, v2  }
0x1cc: {  	v56 =	vld [tilespmem:s3+$0xEF80]  }
0x1cd: {  	v2 =	vadd.f32 v5, v2  }
0x1ce: {  	v57 =	vld [tilespmem:s3+$0xF000]  }
0x1cf: {  	v2 =	vadd.f32 v3, v2  }
0x1d0: {  	v3 =	vld [tilespmem:s3+$0xF080]  }
0x1d1: {  	v2 =	vadd.f32 v56, v2  }
0x1d2: {  	v58 =	vld [tilespmem:s3+$0x10100]  }
0x1d3: {  	v2 =	vadd.f32 v57, v2  }
0x1d4: {  	v59 =	vld [tilespmem:s3+$0x10180]  }
0x1d5: {  	v2 =	vadd.f32 v3, v2  }
0x1d6: {  	v3 =	vld [tilespmem:s3+$0x10200]  }
0x1d7: {  	v2 =	vadd.f32 v58, v2  }
0x1d8: {  	v60 =	vld [tilespmem:s3+$0x10280]  }
0x1d9: {  	v2 =	vadd.f32 v59, v2  }
0x1da: {  	v61 =	vld [tilespmem:s3+$0x10300]  }
0x1db: {  	v2 =	vadd.f32 v3, v2  }
0x1dc: {  	v3 =	vld [tilespmem:s3+$0x10380]  }
0x1dd: {  	v2 =	vadd.f32 v60, v2  }
0x1de: {  	v62 =	vld [tilespmem:s3+$0x10400]  }
0x1df: {  	v2 =	vadd.f32 v61, v2  }
0x1e0: {  	v63 =	vld [tilespmem:s3+$0x10480]  }
0x1e1: {  	v2 =	vadd.f32 v3, v2;
	_ =	sdelay $0x1  }
0x1e2: {  	v2 =	vadd.f32 v62, v2;
	_ =	sdelay $0x1  }
0x1e3: {  	s20 =	simm.s32 $0x80;
	s21 =	simm.s32 $0x10;
	v2 =	vadd.f32 v63, v2  }
0x1e4: {  	s19 =	simm.s32 $0x11500;
	s31 =	sand.u32 $0x1C00, s20;
	s3 =	sand.u32 $0x70, s21  }
0x1e5: {  	s31 =	sor.u32 s3, s31;
	s3 =	simm.s32 $0x20;
	[tilespmem:s19+$0x0] =	vst v2  }
.LBB2_6:
0x1e6: {  	p0 =	sne.s32 s3, $0x270;
	v2 =	vld [tilespmem:s31+$0xED80]  }
0x1e7: {  	v3 =	vld [tilespmem:s31+$0xED00];
	_ =	sdelay $0x1  }
0x1e8: {  	v4 =	vld [tilespmem:s31+$0xEE00];
	_ =	sdelay $0x1  }
0x1e9: {  	v5 =	vld [tilespmem:s31+$0xEE80]  }
0x1ea: {  	v2 =	vadd.f32 v2, v3  }
0x1eb: {  	v3 =	vld [tilespmem:s31+$0xEF00]  }
0x1ec: {  	v2 =	vadd.f32 v4, v2  }
0x1ed: {  	v4 =	vld [tilespmem:s31+$0xEF80]  }
0x1ee: {  	v2 =	vadd.f32 v5, v2  }
0x1ef: {  	v5 =	vld [tilespmem:s31+$0xF000]  }
0x1f0: {  	v2 =	vadd.f32 v3, v2  }
0x1f1: {  	v3 =	vld [tilespmem:s31+$0xF080]  }
0x1f2: {  	v2 =	vadd.f32 v4, v2  }
0x1f3: {  	v4 =	vld [tilespmem:s31+$0x10100]  }
0x1f4: {  	v2 =	vadd.f32 v5, v2  }
0x1f5: {  	v5 =	vld [tilespmem:s31+$0x10180]  }
0x1f6: {  	v2 =	vadd.f32 v3, v2  }
0x1f7: {  	v3 =	vld [tilespmem:s31+$0x10200]  }
0x1f8: {  	v2 =	vadd.f32 v4, v2  }
0x1f9: {  	v4 =	vld [tilespmem:s31+$0x10280]  }
0x1fa: {  	v2 =	vadd.f32 v5, v2  }
0x1fb: {  	v5 =	vld [tilespmem:s31+$0x10300]  }
0x1fc: {  	v2 =	vadd.f32 v3, v2  }
0x1fd: {  	v3 =	vld [tilespmem:s31+$0x10380]  }
0x1fe: {  	v2 =	vadd.f32 v4, v2  }
0x1ff: {  	v4 =	vld [tilespmem:s31+$0x10400]  }
0x200: {  	v2 =	vadd.f32 v5, v2  }
0x201: {  	v5 =	vld [tilespmem:s31+$0x10480]  }
0x202: {  	v2 =	vadd.f32 v3, v2;
	_ =	sdelay $0x1  }
.Ltmp2:
0x203: {  	v2 =	vadd.f32 v4, v2;
	(pc) =	sbr.rel @p0 .LBB2_6-.Ltmp2, $4  }
0x204: {  	_ = 	snop  }
0x205: {  	s20 =	sadd.s32 $0x80, s20;
	v2 =	vadd.f32 v5, v2  }
0x206: {  	s19 =	sadd.s32 $0x10, s19;
	s21 =	sand.u32 $0x1C00, s20;
	s31 =	sand.u32 $0x70, s3  }
0x207: {  	s3 =	sadd.s32 $0x10, s3;
	s31 =	sor.u32 s31, s21;
	[tilespmem:s19+$0x0] =	vst v2  }
0x208: {  	v2 =	vld [tilespmem:s31+$0xED80]  }
0x209: {  	v3 =	vld [tilespmem:s31+$0xED00];
	_ =	sdelay $0x1  }
0x20a: {  	v4 =	vld [tilespmem:s31+$0xEE00];
	_ =	sdelay $0x1  }
0x20b: {  	v5 =	vld [tilespmem:s31+$0xEE80]  }
0x20c: {  	v2 =	vadd.f32 v2, v3  }
0x20d: {  	v3 =	vld [tilespmem:s31+$0xEF00]  }
0x20e: {  	v2 =	vadd.f32 v4, v2  }
0x20f: {  	v46 =	vld [tilespmem:s31+$0xEF80]  }
0x210: {  	v2 =	vadd.f32 v5, v2  }
0x211: {  	v47 =	vld [tilespmem:s31+$0xF000]  }
0x212: {  	v2 =	vadd.f32 v3, v2  }
0x213: {  	v3 =	vld [tilespmem:s31+$0xF080]  }
0x214: {  	v2 =	vadd.f32 v46, v2  }
0x215: {  	v48 =	vld [tilespmem:s31+$0x10100]  }
0x216: {  	v2 =	vadd.f32 v47, v2  }
0x217: {  	v49 =	vld [tilespmem:s31+$0x10180]  }
0x218: {  	v2 =	vadd.f32 v3, v2  }
0x219: {  	v3 =	vld [tilespmem:s31+$0x10200]  }
0x21a: {  	v2 =	vadd.f32 v48, v2  }
0x21b: {  	v50 =	vld [tilespmem:s31+$0x10280]  }
0x21c: {  	v2 =	vadd.f32 v49, v2  }
0x21d: {  	v51 =	vld [tilespmem:s31+$0x10300]  }
0x21e: {  	v2 =	vadd.f32 v3, v2  }
0x21f: {  	v3 =	vld [tilespmem:s31+$0x10380]  }
0x220: {  	v2 =	vadd.f32 v50, v2  }
0x221: {  	v52 =	vld [tilespmem:s31+$0x10400]  }
0x222: {  	v2 =	vadd.f32 v51, v2  }
0x223: {  	v53 =	vld [tilespmem:s31+$0x10480]  }
0x224: {  	v2 =	vadd.f32 v3, v2;
	_ =	sdelay $0x1  }
0x225: {  	v2 =	vadd.f32 v52, v2;
	_ =	sdelay $0x1  }
0x226: {  	v2 =	vadd.f32 v53, v2  }
0x227: {  	s3 =	sadd.s32 $0x10, s19  }
0x228: {  	s19 =	simm.s32 $0x11500;
	s20 =	rddreg [dreg:$0x17];
	s31 =	simm.s32 $0x0;
	[tilespmem:s3+$0x0] =	vst v2  }
0x229: {  	[hbm4b:s20+s31] =	stream.linear.scatter [tilespmem:s19], [sflag:$0x1], $0x280, $0x38;
	[tilespmem:$0x16780] =	vst v63  }
0x22a: {  	_ =	swait.ge [sflag:s22], $0x280  }
0x22b: {  	[sflag:s22] =	ssyncset.done $0x0  }
0x22c: {  	s20 =	simm.s32 $0xED00;
	s21 =	rddreg [dreg:$0x1a];
	[sflag:s22] =	ssyncadd.s32 $0xFFFFFD80  }
0x22d: {  	[tilespmem:s20], [sflag:$0x1] =	stream.linear.gather [spmem:s21], $0x80, $0x38;
	[tilespmem:$0x16780] =	vst v63  }
0x22e: {  	s20 =	sld [smem:$0x7BE];
	_ =	sdelay $0x1  }
0x22f: {  	s21 =	simm.s32 $0xF100  }
0x230: {  	[tilespmem:s21], [sflag:$0x1] =	stream.linear.gather [spmem:s20], $0x80, $0x38;
	[tilespmem:$0x16780] =	vst v63  }
0x231: {  	s20 =	sld [smem:$0x7BF];
	_ =	sdelay $0x1  }
0x232: {  	s21 =	simm.s32 $0xF500  }
0x233: {  	[tilespmem:s21], [sflag:$0x1] =	stream.linear.gather [spmem:s20], $0x80, $0x38;
	[tilespmem:$0x16780] =	vst v63  }
0x234: {  	s20 =	sld [smem:$0x7C0];
	_ =	sdelay $0x1  }
0x235: {  	s21 =	simm.s32 $0xF900  }
0x236: {  	[tilespmem:s21], [sflag:$0x1] =	stream.linear.gather [spmem:s20], $0x80, $0x38;
	[tilespmem:$0x16780] =	vst v63  }
0x237: {  	s20 =	sld [smem:$0x7C1];
	_ =	sdelay $0x1  }
0x238: {  	s21 =	simm.s32 $0xFD00  }
0x239: {  	[tilespmem:s21], [sflag:$0x1] =	stream.linear.gather [spmem:s20], $0x80, $0x38;
	[tilespmem:$0x16780] =	vst v63  }
0x23a: {  	_ =	swait.ge [sflag:s22], $0x280  }
0x23b: {  	[sflag:s22] =	ssyncset.done $0x0  }
0x23c: {  	s21 =	simm.s32 $0xED80;
	s20 =	rddreg [dreg:$0x1b];
	[sflag:s22] =	ssyncadd.s32 $0xFFFFFD80  }
0x23d: {  	[tilespmem:s21], [sflag:$0x1] =	stream.linear.gather [spmem:s20], $0x80, $0x38;
	[tilespmem:$0x16780] =	vst v63  }
0x23e: {  	s20 =	sld [smem:$0x7C2];
	_ =	sdelay $0x1  }
0x23f: {  	s21 =	simm.s32 $0xF180  }
0x240: {  	[tilespmem:s21], [sflag:$0x1] =	stream.linear.gather [spmem:s20], $0x80, $0x38;
	[tilespmem:$0x16780] =	vst v63  }
0x241: {  	s20 =	sld [smem:$0x7C3];
	_ =	sdelay $0x1  }
0x242: {  	s21 =	simm.s32 $0xF580  }
0x243: {  	[tilespmem:s21], [sflag:$0x1] =	stream.linear.gather [spmem:s20], $0x80, $0x38;
	[tilespmem:$0x16780] =	vst v63  }
0x244: {  	s20 =	sld [smem:$0x7C4];
	_ =	sdelay $0x1  }
0x245: {  	s21 =	simm.s32 $0xF980  }
0x246: {  	[tilespmem:s21], [sflag:$0x1] =	stream.linear.gather [spmem:s20], $0x80, $0x38;
	[tilespmem:$0x16780] =	vst v63  }
0x247: {  	s20 =	sld [smem:$0x7C5];
	_ =	sdelay $0x1  }
0x248: {  	s21 =	simm.s32 $0xFD80  }
0x249: {  	[tilespmem:s21], [sflag:$0x1] =	stream.linear.gather [spmem:s20], $0x80, $0x38;
	[tilespmem:$0x16780] =	vst v63  }
0x24a: {  	_ =	swait.ge [sflag:s22], $0x280  }
0x24b: {  	[sflag:s22] =	ssyncset.done $0x0  }
0x24c: {  	s21 =	simm.s32 $0xEE00;
	s20 =	rddreg [dreg:$0x1c];
	[sflag:s22] =	ssyncadd.s32 $0xFFFFFD80  }
0x24d: {  	[tilespmem:s21], [sflag:$0x1] =	stream.linear.gather [spmem:s20], $0x80, $0x38;
	[tilespmem:$0x16780] =	vst v63  }
0x24e: {  	s20 =	sld [smem:$0x7C6];
	_ =	sdelay $0x1  }
0x24f: {  	s21 =	simm.s32 $0xF200  }
0x250: {  	[tilespmem:s21], [sflag:$0x1] =	stream.linear.gather [spmem:s20], $0x80, $0x38;
	[tilespmem:$0x16780] =	vst v63  }
0x251: {  	s20 =	sld [smem:$0x7C7];
	_ =	sdelay $0x1  }
0x252: {  	s21 =	simm.s32 $0xF600  }
0x253: {  	[tilespmem:s21], [sflag:$0x1] =	stream.linear.gather [spmem:s20], $0x80, $0x38;
	[tilespmem:$0x16780] =	vst v63  }
0x254: {  	s20 =	sld [smem:$0x7C8];
	_ =	sdelay $0x1  }
0x255: {  	s21 =	simm.s32 $0xFA00  }
0x256: {  	[tilespmem:s21], [sflag:$0x1] =	stream.linear.gather [spmem:s20], $0x80, $0x38;
	[tilespmem:$0x16780] =	vst v63  }
0x257: {  	s20 =	sld [smem:$0x7C9];
	_ =	sdelay $0x1  }
0x258: {  	s21 =	simm.s32 $0xFE00  }
0x259: {  	[tilespmem:s21], [sflag:$0x1] =	stream.linear.gather [spmem:s20], $0x80, $0x38;
	[tilespmem:$0x16780] =	vst v63  }
0x25a: {  	_ =	swait.ge [sflag:s22], $0x280  }
0x25b: {  	[sflag:s22] =	ssyncset.done $0x0  }
0x25c: {  	s21 =	simm.s32 $0xEE80;
	s20 =	rddreg [dreg:$0x1d];
	[sflag:s22] =	ssyncadd.s32 $0xFFFFFD80  }
0x25d: {  	[tilespmem:s21], [sflag:$0x1] =	stream.linear.gather [spmem:s20], $0x80, $0x38;
	[tilespmem:$0x16780] =	vst v63  }
0x25e: {  	s20 =	sld [smem:$0x7CA];
	_ =	sdelay $0x1  }
0x25f: {  	s21 =	simm.s32 $0xF280  }
0x260: {  	[tilespmem:s21], [sflag:$0x1] =	stream.linear.gather [spmem:s20], $0x80, $0x38;
	[tilespmem:$0x16780] =	vst v63  }
0x261: {  	s20 =	sld [smem:$0x7CB];
	_ =	sdelay $0x1  }
0x262: {  	s21 =	simm.s32 $0xF680  }
0x263: {  	[tilespmem:s21], [sflag:$0x1] =	stream.linear.gather [spmem:s20], $0x80, $0x38;
	[tilespmem:$0x16780] =	vst v63  }
0x264: {  	s20 =	sld [smem:$0x7CC];
	_ =	sdelay $0x1  }
0x265: {  	s21 =	simm.s32 $0xFA80  }
0x266: {  	[tilespmem:s21], [sflag:$0x1] =	stream.linear.gather [spmem:s20], $0x80, $0x38;
	[tilespmem:$0x16780] =	vst v63  }
0x267: {  	s20 =	sld [smem:$0x7CD];
	_ =	sdelay $0x1  }
0x268: {  	s21 =	simm.s32 $0xFE80  }
0x269: {  	[tilespmem:s21], [sflag:$0x1] =	stream.linear.gather [spmem:s20], $0x80, $0x38;
	[tilespmem:$0x16780] =	vst v63  }
0x26a: {  	_ =	swait.ge [sflag:s22], $0x280  }
0x26b: {  	[sflag:s22] =	ssyncset.done $0x0  }
0x26c: {  	s21 =	simm.s32 $0xEF00;
	s20 =	rddreg [dreg:$0x1e];
	[sflag:s22] =	ssyncadd.s32 $0xFFFFFD80  }
0x26d: {  	[tilespmem:s21], [sflag:$0x1] =	stream.linear.gather [spmem:s20], $0x80, $0x38;
	[tilespmem:$0x16780] =	vst v63  }
0x26e: {  	s20 =	sld [smem:$0x7CE];
	_ =	sdelay $0x1  }
0x26f: {  	s21 =	simm.s32 $0xF300  }
0x270: {  	[tilespmem:s21], [sflag:$0x1] =	stream.linear.gather [spmem:s20], $0x80, $0x38;
	[tilespmem:$0x16780] =	vst v63  }
0x271: {  	s20 =	sld [smem:$0x7CF];
	_ =	sdelay $0x1  }
0x272: {  	s21 =	simm.s32 $0xF700  }
0x273: {  	[tilespmem:s21], [sflag:$0x1] =	stream.linear.gather [spmem:s20], $0x80, $0x38;
	[tilespmem:$0x16780] =	vst v63  }
0x274: {  	s20 =	sld [smem:$0x7D0];
	_ =	sdelay $0x1  }
0x275: {  	s21 =	simm.s32 $0xFB00  }
0x276: {  	[tilespmem:s21], [sflag:$0x1] =	stream.linear.gather [spmem:s20], $0x80, $0x38;
	[tilespmem:$0x16780] =	vst v63  }
0x277: {  	s20 =	sld [smem:$0x7D1];
	_ =	sdelay $0x1  }
0x278: {  	s21 =	simm.s32 $0xFF00  }
0x279: {  	[tilespmem:s21], [sflag:$0x1] =	stream.linear.gather [spmem:s20], $0x80, $0x38;
	[tilespmem:$0x16780] =	vst v63  }
0x27a: {  	_ =	swait.ge [sflag:s22], $0x280  }
0x27b: {  	[sflag:s22] =	ssyncset.done $0x0  }
0x27c: {  	s21 =	simm.s32 $0xEF80;
	s20 =	rddreg [dreg:$0x1f];
	[sflag:s22] =	ssyncadd.s32 $0xFFFFFD80  }
0x27d: {  	[tilespmem:s21], [sflag:$0x1] =	stream.linear.gather [spmem:s20], $0x80, $0x38;
	[tilespmem:$0x16780] =	vst v63  }
0x27e: {  	s20 =	sld [smem:$0x7D2];
	_ =	sdelay $0x1  }
0x27f: {  	s21 =	simm.s32 $0xF380  }
0x280: {  	[tilespmem:s21], [sflag:$0x1] =	stream.linear.gather [spmem:s20], $0x80, $0x38;
	[tilespmem:$0x16780] =	vst v63  }
0x281: {  	s20 =	sld [smem:$0x7D3];
	_ =	sdelay $0x1  }
0x282: {  	s21 =	simm.s32 $0xF780  }
0x283: {  	[tilespmem:s21], [sflag:$0x1] =	stream.linear.gather [spmem:s20], $0x80, $0x38;
	[tilespmem:$0x16780] =	vst v63  }
0x284: {  	s20 =	sld [smem:$0x7D4];
	_ =	sdelay $0x1  }
0x285: {  	s21 =	simm.s32 $0xFB80  }
0x286: {  	[tilespmem:s21], [sflag:$0x1] =	stream.linear.gather [spmem:s20], $0x80, $0x38;
	[tilespmem:$0x16780] =	vst v63  }
0x287: {  	s20 =	sld [smem:$0x7D5];
	_ =	sdelay $0x1  }
0x288: {  	s21 =	simm.s32 $0xFF80  }
0x289: {  	[tilespmem:s21], [sflag:$0x1] =	stream.linear.gather [spmem:s20], $0x80, $0x38;
	[tilespmem:$0x16780] =	vst v63  }
0x28a: {  	_ =	swait.ge [sflag:s22], $0x280  }
0x28b: {  	s20 =	sld [smem:$0x774]  }
0x28c: {  	[sflag:s22] =	ssyncset.done $0x0  }
0x28d: {  	s21 =	simm.s32 $0xF000;
	[sflag:s22] =	ssyncadd.s32 $0xFFFFFD80  }
0x28e: {  	[tilespmem:s21], [sflag:$0x1] =	stream.linear.gather [spmem:s20], $0x80, $0x38;
	[tilespmem:$0x16780] =	vst v63  }
0x28f: {  	s20 =	sld [smem:$0x7D6];
	_ =	sdelay $0x1  }
0x290: {  	s21 =	simm.s32 $0xF400  }
0x291: {  	[tilespmem:s21], [sflag:$0x1] =	stream.linear.gather [spmem:s20], $0x80, $0x38;
	[tilespmem:$0x16780] =	vst v63  }
0x292: {  	s20 =	sld [smem:$0x7D7];
	_ =	sdelay $0x1  }
0x293: {  	s21 =	simm.s32 $0xF800  }
0x294: {  	[tilespmem:s21], [sflag:$0x1] =	stream.linear.gather [spmem:s20], $0x80, $0x38;
	[tilespmem:$0x16780] =	vst v63  }
0x295: {  	s20 =	sld [smem:$0x7D8];
	_ =	sdelay $0x1  }
0x296: {  	s21 =	simm.s32 $0xFC00  }
0x297: {  	[tilespmem:s21], [sflag:$0x1] =	stream.linear.gather [spmem:s20], $0x80, $0x38;
	[tilespmem:$0x16780] =	vst v63  }
0x298: {  	s20 =	sld [smem:$0x7D9];
	_ =	sdelay $0x1  }
0x299: {  	s21 =	simm.s32 $0x10000  }
0x29a: {  	[tilespmem:s21], [sflag:$0x1] =	stream.linear.gather [spmem:s20], $0x80, $0x38;
	[tilespmem:$0x16780] =	vst v63  }
0x29b: {  	_ =	swait.ge [sflag:s22], $0x280  }
0x29c: {  	s20 =	sld [smem:$0x775]  }
0x29d: {  	[sflag:s22] =	ssyncset.done $0x0  }
0x29e: {  	s21 =	simm.s32 $0xF080;
	[sflag:s22] =	ssyncadd.s32 $0xFFFFFD80  }
0x29f: {  	[tilespmem:s21], [sflag:$0x1] =	stream.linear.gather [spmem:s20], $0x80, $0x38;
	[tilespmem:$0x16780] =	vst v63  }
0x2a0: {  	s20 =	sld [smem:$0x7DA];
	_ =	sdelay $0x1  }
0x2a1: {  	s21 =	simm.s32 $0xF480  }
0x2a2: {  	[tilespmem:s21], [sflag:$0x1] =	stream.linear.gather [spmem:s20], $0x80, $0x38;
	[tilespmem:$0x16780] =	vst v63  }
0x2a3: {  	s20 =	sld [smem:$0x7DB];
	_ =	sdelay $0x1  }
0x2a4: {  	s21 =	simm.s32 $0xF880  }
0x2a5: {  	[tilespmem:s21], [sflag:$0x1] =	stream.linear.gather [spmem:s20], $0x80, $0x38;
	[tilespmem:$0x16780] =	vst v63  }
0x2a6: {  	s20 =	sld [smem:$0x7DC];
	_ =	sdelay $0x1  }
0x2a7: {  	s21 =	simm.s32 $0xFC80  }
0x2a8: {  	[tilespmem:s21], [sflag:$0x1] =	stream.linear.gather [spmem:s20], $0x80, $0x38;
	[tilespmem:$0x16780] =	vst v63  }
0x2a9: {  	s20 =	sld [smem:$0x7DD];
	_ =	sdelay $0x1  }
0x2aa: {  	s21 =	simm.s32 $0x10080  }
0x2ab: {  	[tilespmem:s21], [sflag:$0x1] =	stream.linear.gather [spmem:s20], $0x80, $0x38;
	[tilespmem:$0x16780] =	vst v63  }
0x2ac: {  	_ =	swait.ge [sflag:s22], $0x280  }
0x2ad: {  	s20 =	sld [smem:$0x776]  }
0x2ae: {  	[sflag:s22] =	ssyncset.done $0x0  }
0x2af: {  	s21 =	simm.s32 $0x10100;
	[sflag:s22] =	ssyncadd.s32 $0xFFFFFD80  }
0x2b0: {  	[tilespmem:s21], [sflag:$0x1] =	stream.linear.gather [spmem:s20], $0x80, $0x38;
	[tilespmem:$0x16780] =	vst v63  }
0x2b1: {  	s20 =	sld [smem:$0x7DE];
	_ =	sdelay $0x1  }
0x2b2: {  	s21 =	simm.s32 $0x10500  }
0x2b3: {  	[tilespmem:s21], [sflag:$0x1] =	stream.linear.gather [spmem:s20], $0x80, $0x38;
	[tilespmem:$0x16780] =	vst v63  }
0x2b4: {  	s20 =	sld [smem:$0x7DF];
	_ =	sdelay $0x1  }
0x2b5: {  	s21 =	simm.s32 $0x10900  }
0x2b6: {  	[tilespmem:s21], [sflag:$0x1] =	stream.linear.gather [spmem:s20], $0x80, $0x38;
	[tilespmem:$0x16780] =	vst v63  }
0x2b7: {  	s20 =	sld [smem:$0x7E0];
	_ =	sdelay $0x1  }
0x2b8: {  	s21 =	simm.s32 $0x10D00  }
0x2b9: {  	[tilespmem:s21], [sflag:$0x1] =	stream.linear.gather [spmem:s20], $0x80, $0x38;
	[tilespmem:$0x16780] =	vst v63  }
0x2ba: {  	s20 =	sld [smem:$0x7E1];
	_ =	sdelay $0x1  }
0x2bb: {  	s21 =	simm.s32 $0x11100  }
0x2bc: {  	[tilespmem:s21], [sflag:$0x1] =	stream.linear.gather [spmem:s20], $0x80, $0x38;
	[tilespmem:$0x16780] =	vst v63  }
0x2bd: {  	_ =	swait.ge [sflag:s22], $0x280  }
0x2be: {  	s20 =	sld [smem:$0x777]  }
0x2bf: {  	[sflag:s22] =	ssyncset.done $0x0  }
0x2c0: {  	s21 =	simm.s32 $0x10180;
	[sflag:s22] =	ssyncadd.s32 $0xFFFFFD80  }
0x2c1: {  	[tilespmem:s21], [sflag:$0x1] =	stream.linear.gather [spmem:s20], $0x80, $0x38;
	[tilespmem:$0x16780] =	vst v63  }
0x2c2: {  	s20 =	sld [smem:$0x7E2];
	_ =	sdelay $0x1  }
0x2c3: {  	s21 =	simm.s32 $0x10580  }
0x2c4: {  	[tilespmem:s21], [sflag:$0x1] =	stream.linear.gather [spmem:s20], $0x80, $0x38;
	[tilespmem:$0x16780] =	vst v63  }
0x2c5: {  	s20 =	sld [smem:$0x7E3];
	_ =	sdelay $0x1  }
0x2c6: {  	s21 =	simm.s32 $0x10980  }
0x2c7: {  	[tilespmem:s21], [sflag:$0x1] =	stream.linear.gather [spmem:s20], $0x80, $0x38;
	[tilespmem:$0x16780] =	vst v63  }
0x2c8: {  	s20 =	sld [smem:$0x7E4];
	_ =	sdelay $0x1  }
0x2c9: {  	s21 =	simm.s32 $0x10D80  }
0x2ca: {  	[tilespmem:s21], [sflag:$0x1] =	stream.linear.gather [spmem:s20], $0x80, $0x38;
	[tilespmem:$0x16780] =	vst v63  }
0x2cb: {  	s20 =	sld [smem:$0x7E5];
	_ =	sdelay $0x1  }
0x2cc: {  	s21 =	simm.s32 $0x11180  }
0x2cd: {  	[tilespmem:s21], [sflag:$0x1] =	stream.linear.gather [spmem:s20], $0x80, $0x38;
	[tilespmem:$0x16780] =	vst v63  }
0x2ce: {  	_ =	swait.ge [sflag:s22], $0x280  }
0x2cf: {  	s20 =	sld [smem:$0x778]  }
0x2d0: {  	[sflag:s22] =	ssyncset.done $0x0  }
0x2d1: {  	s21 =	simm.s32 $0x10200;
	[sflag:s22] =	ssyncadd.s32 $0xFFFFFD80  }
0x2d2: {  	[tilespmem:s21], [sflag:$0x1] =	stream.linear.gather [spmem:s20], $0x80, $0x38;
	[tilespmem:$0x16780] =	vst v63  }
0x2d3: {  	s20 =	sld [smem:$0x7E6];
	_ =	sdelay $0x1  }
0x2d4: {  	s21 =	simm.s32 $0x10600  }
0x2d5: {  	[tilespmem:s21], [sflag:$0x1] =	stream.linear.gather [spmem:s20], $0x80, $0x38;
	[tilespmem:$0x16780] =	vst v63  }
0x2d6: {  	s20 =	sld [smem:$0x7E7];
	_ =	sdelay $0x1  }
0x2d7: {  	s21 =	simm.s32 $0x10A00  }
0x2d8: {  	[tilespmem:s21], [sflag:$0x1] =	stream.linear.gather [spmem:s20], $0x80, $0x38;
	[tilespmem:$0x16780] =	vst v63  }
0x2d9: {  	s20 =	sld [smem:$0x7E8];
	_ =	sdelay $0x1  }
0x2da: {  	s21 =	simm.s32 $0x10E00  }
0x2db: {  	[tilespmem:s21], [sflag:$0x1] =	stream.linear.gather [spmem:s20], $0x80, $0x38;
	[tilespmem:$0x16780] =	vst v63  }
0x2dc: {  	s20 =	sld [smem:$0x7E9];
	_ =	sdelay $0x1  }
0x2dd: {  	s21 =	simm.s32 $0x11200  }
0x2de: {  	[tilespmem:s21], [sflag:$0x1] =	stream.linear.gather [spmem:s20], $0x80, $0x38;
	[tilespmem:$0x16780] =	vst v63  }
0x2df: {  	_ =	swait.ge [sflag:s22], $0x280  }
0x2e0: {  	s20 =	sld [smem:$0x779]  }
0x2e1: {  	[sflag:s22] =	ssyncset.done $0x0  }
0x2e2: {  	s21 =	simm.s32 $0x10280;
	[sflag:s22] =	ssyncadd.s32 $0xFFFFFD80  }
0x2e3: {  	[tilespmem:s21], [sflag:$0x1] =	stream.linear.gather [spmem:s20], $0x80, $0x38;
	[tilespmem:$0x16780] =	vst v63  }
0x2e4: {  	s20 =	sld [smem:$0x7EA];
	_ =	sdelay $0x1  }
0x2e5: {  	s21 =	simm.s32 $0x10680  }
0x2e6: {  	[tilespmem:s21], [sflag:$0x1] =	stream.linear.gather [spmem:s20], $0x80, $0x38;
	[tilespmem:$0x16780] =	vst v63  }
0x2e7: {  	s20 =	sld [smem:$0x7EB];
	_ =	sdelay $0x1  }
0x2e8: {  	s21 =	simm.s32 $0x10A80  }
0x2e9: {  	[tilespmem:s21], [sflag:$0x1] =	stream.linear.gather [spmem:s20], $0x80, $0x38;
	[tilespmem:$0x16780] =	vst v63  }
0x2ea: {  	s20 =	sld [smem:$0x7EC];
	_ =	sdelay $0x1  }
0x2eb: {  	s21 =	simm.s32 $0x10E80  }
0x2ec: {  	[tilespmem:s21], [sflag:$0x1] =	stream.linear.gather [spmem:s20], $0x80, $0x38;
	[tilespmem:$0x16780] =	vst v63  }
0x2ed: {  	s21 =	sld [smem:$0x7ED];
	_ =	sdelay $0x2  }
0x2ee: {  	[tilespmem:s1], [sflag:$0x1] =	stream.linear.gather [spmem:s21], $0x80, $0x38;
	[tilespmem:$0x16780] =	vst v63  }
0x2ef: {  	_ =	swait.ge [sflag:s22], $0x280  }
0x2f0: {  	s20 =	sld [smem:$0x77A]  }
0x2f1: {  	[sflag:s22] =	ssyncset.done $0x0  }
0x2f2: {  	s21 =	sld [smem:$0x7EE];
	[sflag:s22] =	ssyncadd.s32 $0xFFFFFD80  }
0x2f3: {  	[tilespmem:s4], [sflag:$0x1] =	stream.linear.gather [spmem:s20], $0x80, $0x38;
	[tilespmem:$0x16780] =	vst v63  }
0x2f4: {  	s20 =	sld [smem:$0x7EF]  }
0x2f5: {  	[tilespmem:s0], [sflag:$0x1] =	stream.linear.gather [spmem:s21], $0x80, $0x38;
	[tilespmem:$0x16780] =	vst v63  }
0x2f6: {  	s21 =	sld [smem:$0x7F0]  }
0x2f7: {  	[tilespmem:s2], [sflag:$0x1] =	stream.linear.gather [spmem:s20], $0x80, $0x38;
	[tilespmem:$0x16780] =	vst v63  }
0x2f8: {  	s20 =	sld [smem:$0x7F1]  }
0x2f9: {  	[tilespmem:s6], [sflag:$0x1] =	stream.linear.gather [spmem:s21], $0x80, $0x38;
	[tilespmem:$0x16780] =	vst v63  }
0x2fa: {  	_ = 	snop  }
0x2fb: {  	[tilespmem:s7], [sflag:$0x1] =	stream.linear.gather [spmem:s20], $0x80, $0x38;
	[tilespmem:$0x16780] =	vst v63  }
0x2fc: {  	_ =	swait.ge [sflag:s22], $0x280  }
0x2fd: {  	s21 =	sld [smem:$0x77B]  }
0x2fe: {  	[sflag:s22] =	ssyncset.done $0x0  }
0x2ff: {  	s20 =	sld [smem:$0x7F2];
	[sflag:s22] =	ssyncadd.s32 $0xFFFFFD80  }
0x300: {  	[tilespmem:s8], [sflag:$0x1] =	stream.linear.gather [spmem:s21], $0x80, $0x38;
	[tilespmem:$0x16780] =	vst v63  }
0x301: {  	s21 =	sld [smem:$0x7F3]  }
0x302: {  	[tilespmem:s9], [sflag:$0x1] =	stream.linear.gather [spmem:s20], $0x80, $0x38;
	[tilespmem:$0x16780] =	vst v63  }
0x303: {  	s20 =	sld [smem:$0x7F4]  }
0x304: {  	[tilespmem:s10], [sflag:$0x1] =	stream.linear.gather [spmem:s21], $0x80, $0x38;
	[tilespmem:$0x16780] =	vst v63  }
0x305: {  	s21 =	sld [smem:$0x7F5]  }
0x306: {  	[tilespmem:s11], [sflag:$0x1] =	stream.linear.gather [spmem:s20], $0x80, $0x38;
	[tilespmem:$0x16780] =	vst v63  }
0x307: {  	_ = 	snop  }
0x308: {  	[tilespmem:s12], [sflag:$0x1] =	stream.linear.gather [spmem:s21], $0x80, $0x38;
	[tilespmem:$0x16780] =	vst v63  }
0x309: {  	_ =	swait.ge [sflag:s22], $0x280  }
0x30a: {  	s20 =	sld [smem:$0x77C]  }
0x30b: {  	[sflag:s22] =	ssyncset.done $0x0  }
0x30c: {  	s21 =	sld [smem:$0x7F6];
	[sflag:s22] =	ssyncadd.s32 $0xFFFFFD80  }
0x30d: {  	[tilespmem:s13], [sflag:$0x1] =	stream.linear.gather [spmem:s20], $0x80, $0x38;
	[tilespmem:$0x16780] =	vst v63  }
0x30e: {  	s20 =	sld [smem:$0x7F7]  }
0x30f: {  	[tilespmem:s14], [sflag:$0x1] =	stream.linear.gather [spmem:s21], $0x80, $0x38;
	[tilespmem:$0x16780] =	vst v63  }
0x310: {  	s21 =	sld [smem:$0x7F8]  }
0x311: {  	[tilespmem:s25], [sflag:$0x1] =	stream.linear.gather [spmem:s20], $0x80, $0x38;
	[tilespmem:$0x16780] =	vst v63  }
0x312: {  	s20 =	sld [smem:$0x7F9]  }
0x313: {  	[tilespmem:s15], [sflag:$0x1] =	stream.linear.gather [spmem:s21], $0x80, $0x38;
	[tilespmem:$0x16780] =	vst v63  }
0x314: {  	_ = 	snop  }
0x315: {  	[tilespmem:s26], [sflag:$0x1] =	stream.linear.gather [spmem:s20], $0x80, $0x38;
	[tilespmem:$0x16780] =	vst v63  }
0x316: {  	_ =	swait.ge [sflag:s22], $0x280  }
0x317: {  	s21 =	sld [smem:$0x77D]  }
0x318: {  	[sflag:s22] =	ssyncset.done $0x0  }
0x319: {  	s20 =	sld [smem:$0x7FA];
	[sflag:s22] =	ssyncadd.s32 $0xFFFFFD80  }
0x31a: {  	[tilespmem:s16], [sflag:$0x1] =	stream.linear.gather [spmem:s21], $0x80, $0x38;
	[tilespmem:$0x16780] =	vst v63  }
0x31b: {  	s21 =	sld [smem:$0x7FB]  }
0x31c: {  	[tilespmem:s28], [sflag:$0x1] =	stream.linear.gather [spmem:s20], $0x80, $0x38;
	[tilespmem:$0x16780] =	vst v63  }
0x31d: {  	s20 =	sld [smem:$0x7FC]  }
0x31e: {  	[tilespmem:s17], [sflag:$0x1] =	stream.linear.gather [spmem:s21], $0x80, $0x38;
	[tilespmem:$0x16780] =	vst v63  }
0x31f: {  	s21 =	sld [smem:$0x7FD]  }
0x320: {  	[tilespmem:s29], [sflag:$0x1] =	stream.linear.gather [spmem:s20], $0x80, $0x38;
	[tilespmem:$0x16780] =	vst v63  }
0x321: {  	_ = 	snop  }
0x322: {  	[tilespmem:s18], [sflag:$0x1] =	stream.linear.gather [spmem:s21], $0x80, $0x38;
	[tilespmem:$0x16780] =	vst v63  }
0x323: {  	_ =	swait.ge [sflag:s22], $0x280  }
0x324: {  	s20 =	sand.u32 $0x70, s31;
	s21 =	sand.u32 $0x1C00, s31;
	[sflag:s22] =	ssyncset.done $0x0  }
0x325: {  	s3 =	sor.u32 s20, s21;
	[sflag:s22] =	ssyncadd.s32 $0xFFFFFD80  }
0x326: {  	v2 =	vld [tilespmem:s3+$0xED80]  }
0x327: {  	v3 =	vld [tilespmem:s3+$0xED00];
	_ =	sdelay $0x1  }
0x328: {  	v54 =	vld [tilespmem:s3+$0xEE00];
	_ =	sdelay $0x1  }
0x329: {  	v55 =	vld [tilespmem:s3+$0xEE80]  }
0x32a: {  	v2 =	vadd.f32 v2, v3  }
0x32b: {  	v3 =	vld [tilespmem:s3+$0xEF00]  }
0x32c: {  	v2 =	vadd.f32 v54, v2  }
0x32d: {  	v56 =	vld [tilespmem:s3+$0xEF80]  }
0x32e: {  	v2 =	vadd.f32 v55, v2  }
0x32f: {  	v57 =	vld [tilespmem:s3+$0xF000]  }
0x330: {  	v2 =	vadd.f32 v3, v2  }
0x331: {  	v3 =	vld [tilespmem:s3+$0xF080]  }
0x332: {  	v2 =	vadd.f32 v56, v2  }
0x333: {  	v58 =	vld [tilespmem:s3+$0x10100]  }
0x334: {  	v2 =	vadd.f32 v57, v2  }
0x335: {  	v59 =	vld [tilespmem:s3+$0x10180]  }
0x336: {  	v2 =	vadd.f32 v3, v2  }
0x337: {  	v3 =	vld [tilespmem:s3+$0x10200]  }
0x338: {  	v2 =	vadd.f32 v58, v2  }
0x339: {  	v60 =	vld [tilespmem:s3+$0x10280]  }
0x33a: {  	v2 =	vadd.f32 v59, v2  }
0x33b: {  	v61 =	vld [tilespmem:s3+$0x10300]  }
0x33c: {  	v2 =	vadd.f32 v3, v2  }
0x33d: {  	v3 =	vld [tilespmem:s3+$0x10380]  }
0x33e: {  	v2 =	vadd.f32 v60, v2  }
0x33f: {  	v62 =	vld [tilespmem:s3+$0x10400]  }
0x340: {  	v2 =	vadd.f32 v61, v2  }
0x341: {  	v63 =	vld [tilespmem:s3+$0x10480]  }
0x342: {  	v2 =	vadd.f32 v3, v2;
	_ =	sdelay $0x1  }
0x343: {  	v2 =	vadd.f32 v62, v2;
	_ =	sdelay $0x1  }
0x344: {  	s21 =	simm.s32 $0x10;
	s20 =	simm.s32 $0x80;
	v2 =	vadd.f32 v63, v2  }
0x345: {  	s3 =	sand.u32 $0x70, s21;
	s21 =	sand.u32 $0x1C00, s20  }
0x346: {  	s31 =	sor.u32 s3, s21;
	s3 =	simm.s32 $0x20;
	[tilespmem:s19+$0x0] =	vst v2  }
.LBB2_8:
0x347: {  	p0 =	sne.s32 s3, $0x270;
	v2 =	vld [tilespmem:s31+$0xED80]  }
0x348: {  	v3 =	vld [tilespmem:s31+$0xED00];
	_ =	sdelay $0x1  }
0x349: {  	v4 =	vld [tilespmem:s31+$0xEE00];
	_ =	sdelay $0x1  }
0x34a: {  	v5 =	vld [tilespmem:s31+$0xEE80]  }
0x34b: {  	v2 =	vadd.f32 v2, v3  }
0x34c: {  	v3 =	vld [tilespmem:s31+$0xEF00]  }
0x34d: {  	v2 =	vadd.f32 v4, v2  }
0x34e: {  	v4 =	vld [tilespmem:s31+$0xEF80]  }
0x34f: {  	v2 =	vadd.f32 v5, v2  }
0x350: {  	v5 =	vld [tilespmem:s31+$0xF000]  }
0x351: {  	v2 =	vadd.f32 v3, v2  }
0x352: {  	v3 =	vld [tilespmem:s31+$0xF080]  }
0x353: {  	v2 =	vadd.f32 v4, v2  }
0x354: {  	v4 =	vld [tilespmem:s31+$0x10100]  }
0x355: {  	v2 =	vadd.f32 v5, v2  }
0x356: {  	v5 =	vld [tilespmem:s31+$0x10180]  }
0x357: {  	v2 =	vadd.f32 v3, v2  }
0x358: {  	v3 =	vld [tilespmem:s31+$0x10200]  }
0x359: {  	v2 =	vadd.f32 v4, v2  }
0x35a: {  	v4 =	vld [tilespmem:s31+$0x10280]  }
0x35b: {  	v2 =	vadd.f32 v5, v2  }
0x35c: {  	v5 =	vld [tilespmem:s31+$0x10300]  }
0x35d: {  	v2 =	vadd.f32 v3, v2  }
0x35e: {  	v3 =	vld [tilespmem:s31+$0x10380]  }
0x35f: {  	v2 =	vadd.f32 v4, v2  }
0x360: {  	v4 =	vld [tilespmem:s31+$0x10400]  }
0x361: {  	v2 =	vadd.f32 v5, v2  }
0x362: {  	v5 =	vld [tilespmem:s31+$0x10480]  }
0x363: {  	v2 =	vadd.f32 v3, v2;
	_ =	sdelay $0x1  }
.Ltmp3:
0x364: {  	v2 =	vadd.f32 v4, v2;
	(pc) =	sbr.rel @p0 .LBB2_8-.Ltmp3, $4  }
0x365: {  	_ = 	snop  }
0x366: {  	s20 =	sadd.s32 $0x80, s20;
	v2 =	vadd.f32 v5, v2  }
0x367: {  	s21 =	sand.u32 $0x70, s3;
	s19 =	sadd.s32 $0x10, s19;
	s31 =	sand.u32 $0x1C00, s20  }
0x368: {  	s3 =	sadd.s32 $0x10, s3;
	s31 =	sor.u32 s21, s31;
	[tilespmem:s19+$0x0] =	vst v2  }
0x369: {  	v2 =	vld [tilespmem:s31+$0xED80]  }
0x36a: {  	v3 =	vld [tilespmem:s31+$0xED00];
	_ =	sdelay $0x1  }
0x36b: {  	v4 =	vld [tilespmem:s31+$0xEE00];
	_ =	sdelay $0x1  }
0x36c: {  	v5 =	vld [tilespmem:s31+$0xEE80]  }
0x36d: {  	v2 =	vadd.f32 v2, v3  }
0x36e: {  	v3 =	vld [tilespmem:s31+$0xEF00]  }
0x36f: {  	v2 =	vadd.f32 v4, v2  }
0x370: {  	v56 =	vld [tilespmem:s31+$0xEF80]  }
0x371: {  	v2 =	vadd.f32 v5, v2  }
0x372: {  	v57 =	vld [tilespmem:s31+$0xF000]  }
0x373: {  	v2 =	vadd.f32 v3, v2  }
0x374: {  	v3 =	vld [tilespmem:s31+$0xF080]  }
0x375: {  	v2 =	vadd.f32 v56, v2  }
0x376: {  	v58 =	vld [tilespmem:s31+$0x10100]  }
0x377: {  	v2 =	vadd.f32 v57, v2  }
0x378: {  	v59 =	vld [tilespmem:s31+$0x10180]  }
0x379: {  	v2 =	vadd.f32 v3, v2  }
0x37a: {  	v3 =	vld [tilespmem:s31+$0x10200]  }
0x37b: {  	v2 =	vadd.f32 v58, v2  }
0x37c: {  	v60 =	vld [tilespmem:s31+$0x10280]  }
0x37d: {  	v2 =	vadd.f32 v59, v2  }
0x37e: {  	v61 =	vld [tilespmem:s31+$0x10300]  }
0x37f: {  	v2 =	vadd.f32 v3, v2  }
0x380: {  	v3 =	vld [tilespmem:s31+$0x10380]  }
0x381: {  	v2 =	vadd.f32 v60, v2  }
0x382: {  	v62 =	vld [tilespmem:s31+$0x10400]  }
0x383: {  	v2 =	vadd.f32 v61, v2  }
0x384: {  	v63 =	vld [tilespmem:s31+$0x10480]  }
0x385: {  	v2 =	vadd.f32 v3, v2;
	_ =	sdelay $0x1  }
0x386: {  	v2 =	vadd.f32 v62, v2;
	_ =	sdelay $0x1  }
0x387: {  	v2 =	vadd.f32 v63, v2  }
0x388: {  	s3 =	sadd.s32 $0x10, s19  }
0x389: {  	s19 =	simm.s32 $0x0;
	s21 =	rddreg [dreg:$0x18];
	s20 =	simm.s32 $0x11500;
	[tilespmem:s3+$0x0] =	vst v2  }
0x38a: {  	[hbm4b:s21+s19] =	stream.linear.scatter [tilespmem:s20], [sflag:$0x1], $0x280, $0x38;
	[tilespmem:$0x16780] =	vst v63  }
0x38b: {  	_ =	swait.ge [sflag:s22], $0x280  }
0x38c: {  	s30 =	sadd.s32 $0x1, s30;
	s31 =	rddreg [dreg:$0x19]  }
0x38d: {  	p0 =	sne.s32 s30, s31  }
.Ltmp4:
0x38e: {  	_ = 	snop;
	(pc) =	sbr.rel @p0 .LBB2_1-.Ltmp4, $3  }
0x38f: {  	_ =	sdelay $0x1  }
0x390: {  	[sflag:s22] =	ssyncset.done $0x0  }
0x391: {  	[sflag:s22] =	ssyncadd.s32 $0xFFFFFD80  }
0x392: {  	_ =	sfence.sel $0x180000  }
0x393: {  	[bflag:$0x0] =	sbarrier.arrive $0xFFFF  }
0x394: {  	_ =	strace $0x90000047  }
0x395: {  	s0 =	stileid.u32;
	[bflag:$0x2] =	sbarrier.arrive $0xFFFF  }
0x396: {  	p0 =	sne.s32 s0, $0x0;
	s0 =	rddreg [dreg:$0x3]  }
0x397: {  	s0 =	sadd.s32 @!p0 $0x100000, s0  }
0x398: {  	[sflag:s0] =	ssyncadd.tile.s32 @!p0 $0x1;
	_ =	shalt  }
.Lfunc_end2:
_tile_overlayer_lowered:
.L_overlay_start_2:
0x399: {  	(tag) =	ssettag $0x2  }
0x39a: {  	s0 =	rddreg [dreg:$0x0];
	s2 =	stileid.u32  }
0x39b: {  	s1 =	rddreg [dreg:$0x1];
	p0 =	sne.s32 s2, $0x0  }
0x39c: {  	s3 =	rddreg [dreg:$0x2];
	[bflag:$0x3] =	sbarrier.arrive $0xFFFF;
	s2 =	simm.s32 @!p0 $0x1C01  }
0x39d: {  	[timem:s3], [sflag:s2] =	dma.local @!p0 [hbm:s0], s1  }
0x39e: {  	s0 =	simm.s32 @!p0 $0x1  }
0x39f: {  	_ =	swait.ge @!p0 [sflag:s0], s1  }
0x3a0: {  	s1 =	ssub.s32 @!p0 $0x0, s1;
	[sflag:s0] =	ssyncset.done @!p0 $0x0  }
0x3a1: {  	[sflag:s0] =	ssyncadd.s32 @!p0 s1  }
0x3a2: {  	[bflag:$0x3] =	sbarrier.arrive $0xFFFF  }
0x3a3: {  	_ =	shalt  }

// kernel: kernel.19.cloned.1.call-start
scs
__scs_entry_jumppad:
0x0: {  	(pc) =	sbr.rel $0x88, $3  }
0x1: {  	(tag) =	ssettag $0x0;
	lr =	simm.s32 $0x1  }
0x2: {  	[smem:$0x3F97] =	sst lr;
	_ =	strace $0xD0000000  }
0x3: {  	_ = 	snop  }
0x4: {  	_ = 	snop  }
0x5: {  	_ = 	snop  }
0x6: {  	_ = 	snop  }
0x7: {  	_ = 	snop  }
__scs_overlays_trampoline_lowered:
0x8: {  	[smem:$0x3FA6] =	sst s0  }
0x9: {  	[smem:$0x3FA7] =	sst s1  }
0xa: {  	[smem:$0x3FA8] =	sst s2  }
0xb: {  	[smem:$0x3FA9] =	sst s3  }
0xc: {  	[smem:$0x3FAA] =	sst s4  }
0xd: {  	[smem:$0x3FAB] =	sst s5  }
0xe: {  	[smem:$0x3FAC] =	sst s6  }
0xf: {  	[smem:$0x3FAD] =	sst s7  }
0x10: {  	[smem:$0x3FAE] =	sst s8  }
0x11: {  	[smem:$0x3FAF] =	sst s9;
	s0 =	simm.s32 @!p0 $0x0  }
0x12: {  	s1 =	sld [smem:$0x3F95];
	s0 =	simm.s32 @p0 $0x1  }
0x13: {  	[smem:$0x3FB0] =	sst s0;
	s0 =	simm.s32 @!p1 $0x0  }
0x14: {  	s2 =	sld [smem:$0x3F94];
	s0 =	simm.s32 @p1 $0x1  }
0x15: {  	[smem:$0x3FB1] =	sst s0;
	s0 =	simm.s32 @!p2 $0x0  }
0x16: {  	s3 =	sld [smem:$0x3FDB];
	s0 =	simm.s32 @p2 $0x1  }
0x17: {  	s4 =	simm.s32 $0x1BF5;
	[smem:$0x3FB3] =	sst s0  }
0x18: {  	s0 =	sld [smem:$0x3F96];
	_ =	swait.ge [sflag:s4], $0x0  }
0x19: {  	s7 =	sld [smem:$0x3F97]  }
0x1a: {  	s8 =	sadd.s32 $0xFFFFE003, lr  }
0x1b: {  	s9 =	sadd.s32 $0xFFFFFEF7, lr;
	s5 =	simm.s32 $0xFFFFFFFF;
	p2 =	slt.u32 s8, $0xFFFFF086  }
0x1c: {  	p1 =	slt.u32 s9, $0xF7A;
	s5 =	simm.s32 @!p2 $0x0  }
0x1d: {  	s5 =	simm.s32 @p1 $0x1;
	p0 =	seq.s32 s7, s2  }
0x1e: {  	s7 =	smul.u32 @!p0 $0xF7A, s2;
	p2 =	seq.s32 @!p0 s5, $0x0  }
0x1f: {  	s9 =	smul.u32 $0xF7A, s1;
	s8 =	simm.s32 @!p0 $0x1BF5;
	p2 =	por !p2, p0  }
0x20: {  	[sflag:s8] =	ssyncset.s32 @!p0 $0xFFFFF086;
	s6 =	sadd.s32 @!p0 s3, s7;
	s7 =	simm.s32 @!p0 $0x108  }
0x21: {  	s3 =	sadd.s32 s3, s9;
	s6 =	sadd.s32 @!p0 $0x88, s6;
	s7 =	simm.s32 @p2 $0x1082  }
0x22: {  	[simem:s7], [sflag:s8] =	dma.local @!p0 [hbm:s6], $0xF7A  }
0x23: {  	s9 =	sor.u32 $0xD0000000, s2;
	s6 =	simm.s32 $0x108;
	_ =	swait.ge @!p0 [sflag:s8], $0x0  }
0x24: {  	s3 =	sadd.s32 $0x88, s3;
	s6 =	simm.s32 @!p1 $0x1082;
	[sflag:s4] =	ssyncset.s32 $0xFFFFF086  }
0x25: {  	[simem:s6], [sflag:s4] =	dma.local [hbm:s3], $0xF7A  }
0x26: {  	[smem:$0x3F97] =	sst s1;
	(tag) =	ssettag s2;
	_ =	strace s9  }
0x27: {  	s1 =	sld [smem:$0x3FA7]  }
0x28: {  	s2 =	sld [smem:$0x3FA8]  }
0x29: {  	s4 =	sld [smem:$0x3FAA]  }
0x2a: {  	p0 =	seq.s32 s5, $0x0;
	s5 =	sld [smem:$0x3FAB]  }
0x2b: {  	s6 =	sld [smem:$0x3FAC]  }
0x2c: {  	s7 =	sld [smem:$0x3FAD]  }
0x2d: {  	s3 =	simm.s32 $0x108;
	s8 =	sld [smem:$0x3FAE]  }
0x2e: {  	s3 =	simm.s32 @!p0 $0x1082;
	s9 =	sld [smem:$0x3FAF]  }
0x2f: {  	lr =	sadd.s32 s0, s3;
	s0 =	sld [smem:$0x3FA6]  }
0x30: {  	s3 =	sld [smem:$0x3FA9]  }
0x31: {  	[smem:$0x3FB2] =	sst s10  }
0x32: {  	s10 =	sld [smem:$0x3FB0];
	_ =	sdelay $0x3  }
0x33: {  	p0 =	seq.s32 s10, $0x1;
	s10 =	sld [smem:$0x3FB2];
	_ =	sdelay $0x3  }
0x34: {  	[smem:$0x3FB2] =	sst s10  }
0x35: {  	s10 =	sld [smem:$0x3FB1];
	_ =	sdelay $0x3  }
0x36: {  	p1 =	seq.s32 s10, $0x1;
	s10 =	sld [smem:$0x3FB2];
	_ =	sdelay $0x3  }
0x37: {  	[smem:$0x3FB2] =	sst s10  }
0x38: {  	s10 =	sld [smem:$0x3FB3]  }
0x39: {  	_ = 	snop;
	(pc) =	sbr.ind lr, $3  }
0x3a: {  	_ = 	snop  }
0x3b: {  	_ = 	snop  }
0x3c: {  	p2 =	seq.s32 s10, $0x1;
	s10 =	sld [smem:$0x3FB2]  }
0x3d: {  	_ =	shalt  }
0x3e: {  	_ =	shalt  }
0x3f: {  	_ =	shalt  }
0x40: {  	_ =	shalt  }
0x41: {  	_ =	shalt  }
0x42: {  	_ =	shalt  }
0x43: {  	_ =	shalt  }
0x44: {  	_ =	shalt  }
0x45: {  	_ =	shalt  }
0x46: {  	_ =	shalt  }
0x47: {  	_ =	shalt  }
0x48: {  	_ =	shalt  }
0x49: {  	_ =	shalt  }
0x4a: {  	_ =	shalt  }
0x4b: {  	_ =	shalt  }
0x4c: {  	_ =	shalt  }
0x4d: {  	_ =	shalt  }
0x4e: {  	_ =	shalt  }
0x4f: {  	_ =	shalt  }
0x50: {  	_ =	shalt  }
0x51: {  	_ =	shalt  }
0x52: {  	_ =	shalt  }
0x53: {  	_ =	shalt  }
0x54: {  	_ =	shalt  }
0x55: {  	_ =	shalt  }
0x56: {  	_ =	shalt  }
0x57: {  	_ =	shalt  }
0x58: {  	_ =	shalt  }
0x59: {  	_ =	shalt  }
0x5a: {  	_ =	shalt  }
0x5b: {  	_ =	shalt  }
0x5c: {  	_ =	shalt  }
0x5d: {  	_ =	shalt  }
0x5e: {  	_ =	shalt  }
0x5f: {  	_ =	shalt  }
0x60: {  	_ =	shalt  }
0x61: {  	_ =	shalt  }
0x62: {  	_ =	shalt  }
0x63: {  	_ =	shalt  }
0x64: {  	_ =	shalt  }
0x65: {  	_ =	shalt  }
0x66: {  	_ =	shalt  }
0x67: {  	_ =	shalt  }
0x68: {  	_ =	shalt  }
0x69: {  	_ =	shalt  }
0x6a: {  	_ =	shalt  }
0x6b: {  	_ =	shalt  }
0x6c: {  	_ =	shalt  }
0x6d: {  	_ =	shalt  }
0x6e: {  	_ =	shalt  }
0x6f: {  	_ =	shalt  }
0x70: {  	_ =	shalt  }
0x71: {  	_ =	shalt  }
0x72: {  	_ =	shalt  }
0x73: {  	_ =	shalt  }
0x74: {  	_ =	shalt  }
0x75: {  	_ =	shalt  }
0x76: {  	_ =	shalt  }
0x77: {  	_ =	shalt  }
0x78: {  	_ =	shalt  }
0x79: {  	_ =	shalt  }
0x7a: {  	_ =	shalt  }
0x7b: {  	_ =	shalt  }
0x7c: {  	_ =	shalt  }
0x7d: {  	_ =	shalt  }
0x7e: {  	_ =	shalt  }
0x7f: {  	_ =	shalt  }
0x80: {  	_ =	shalt  }
0x81: {  	_ =	shalt  }
0x82: {  	_ =	shalt  }
0x83: {  	_ =	shalt  }
0x84: {  	_ =	shalt  }
0x85: {  	_ =	shalt  }
0x86: {  	_ =	shalt  }
0x87: {  	_ =	shalt  }
.Lfunc_end0:
.L_simem_size_0:
called_computation.1_lowered:
.L_overlay_start_0:
0x88: {  	s2 =	sld [smem:$0x3FD9]  }
0x89: {  	s3 =	sld [smem:$0x3FFE];
	_ =	sdelay $0x1  }
0x8a: {  	s1 =	srdreg.scid  }
0x8b: {  	s0 =	sand.u32 $0x1, s1  }
0x8c: {  	s16 =	sshll.u32 s0, $0xA;
	s2 =	sadd.s32 s3, s2  }
0x8d: {  	s2 =	sadd.s32 s2, s16  }
0x8e: {  	[smem:$0x3FBE] =	sst s2  }
0x8f: {  	_ = 	snop  }
0x90: {  	(tm) =	ssettm $0x1  }
0x91: {  	s17 =	sld [smem:$0x3FFB];
	_ =	sdelay $0x3  }
0x92: {  	_ =	strace s17  }
0x93: {  	s2 =	sld [smem:$0x3FFC];
	_ =	sdelay $0x3  }
0x94: {  	_ =	strace s2  }
0x95: {  	s2 =	sld [smem:$0x3FFD];
	_ =	sdelay $0x3  }
0x96: {  	_ =	strace s2  }
0x97: {  	_ =	strace $0x8FFFFFFF  }
0x98: {  	s18 =	sld [smem:$0x3FDB];
	_ =	sdelay $0x1  }
0x99: {  	s19 =	simm.s32 $_scs_section_size  }
0x9a: {  	s4 =	simm.s32 $_size__tile_overlayer_lowered;
	s5 =	simm.s32 $_tile_overlayer_lowered  }
0x9b: {  	s22 =	simm.s32 $0x1BFF;
	s21 =	sshll.u32 s5, $0x1;
	s2 =	sadd.s32 s19, s18  }
0x9c: {  	s6 =	simm.s32 $0x0;
	s20 =	sshll.u32 s4, $0x1;
	s4 =	sadd.s32 s21, s2  }
0x9d: {  	[timem:s6], [sflag:s22] =	dma.local [hbm:s4], s20  }
0x9e: {  	_ =	swait.ge [sflag:s22], s20  }
0x9f: {  	s3 =	ssub.s32 $0x0, s20;
	[sflag:s22] =	ssyncset.done $0x0  }
0xa0: {  	[sflag:s22] =	ssyncadd.s32 s3;
	_ =	sdelay $0x1  }
0xa1: {  	s23 =	simm.s32 $0x1B8B  }
0xa2: {  	_ =	swait.ge [sflag:s23], $0x1  }
0xa3: {  	[sflag:s23] =	ssyncset.done $0x0  }
0xa4: {  	s25 =	simm.s32 $0x1B8E;
	s24 =	sld [smem:$0x3FFE];
	[sflag:s23] =	ssyncadd.s32 $0xFFFFFFFF  }
0xa5: {  	s26 =	simm.s32 $execute0_lowered;
	[smem:$0x3FD2] =	sst s25  }
0xa6: {  	s4 =	sshll.u32 s26, $0x1;
	_ =	strace $0x80000049;
	[dreg:$0x1] =	wrdreg $0xFFFFFFFF  }
0xa7: {  	s28 =	simm.s32 $_size_execute0_lowered;
	s2 =	sadd.s32 s2, s4;
	[dreg:$0x0] =	wrdreg $0x0  }
0xa8: {  	s4 =	sshll.u32 s28, $0x1;
	[dreg:$0x2] =	wrdreg s2  }
0xa9: {  	[dreg:$0x3] =	wrdreg s4  }
0xaa: {  	[dreg:$0x4] =	wrdreg $0xC0  }
0xab: {  	_ =	task [dreg:s6], $0x5FFFF  }
0xac: {  	[dreg:$0x1] =	wrdreg $0xFFFFFFFF  }
0xad: {  	[dreg:$0x0] =	wrdreg $0x60  }
0xae: {  	[dreg:$0x2] =	wrdreg s24  }
0xaf: {  	[dreg:$0x3] =	wrdreg $0x9F800  }
0xb0: {  	[dreg:$0x4] =	wrdreg $0x9  }
0xb1: {  	_ =	task.clear_ibuf [dreg:s6], $0x5FFFF;
	_ =	strace $0x90000049  }
0xb2: {  	s29 =	simm.s32 $0x9;
	_ =	strace $0x8000004B  }
0xb3: {  	_ =	swait.ge [sflag:s29], $0x1  }
0xb4: {  	[sflag:s29] =	ssyncadd.s32 $0xFFFFFFFF  }
0xb5: {  	_ =	strace $0x9000004B  }
0xb6: {  	_ =	sfence  }
0xb7: {  	s30 =	sld [smem:$0x0];
	_ =	sdelay $0x2  }
0xb8: {  	s31 =	sshll.u32 s1, $0xD;
	s1 =	sshrl.u32 s1, $0x2  }
0xb9: {  	s3 =	sand.u32 $0x4000, s31;
	s1 =	sadd.s32 s1, s30  }
0xba: {  	s0 =	sor.u32 s3, s0;
	s1 =	sshll.u32 s1, $0x11  }
0xbb: {  	s0 =	sor.u32 s1, s0  }
0xbc: {  	s0 =	sadd.s32 $0x8F2B, s0  }
0xbd: {  	[sflag:s0] =	ssyncadd.remote.s32 $0x1  }
0xbe: {  	_ =	sfence.sel $0xFFFF  }
0xbf: {  	[dreg:$0x0] =	wrdreg $0xFFFFFFFF;
	(pc) =	sbr.abs _section_cstart, $3  }
0xc0: {  	[dreg:$0x1] =	wrdreg $0xFFFFFFFF  }
0xc1: {  	_ =	task.clear_ibuf [dreg:s6], $0x2FFFF;
	_ =	strace $0x9FFFFFFF  }
0xc2: {  	(tm) =	ssettm $0x7FFFFFFF  }
0xc3: {  	_ =	shalt  }
tec
execute0_lowered:
.L_overlay_start_1:
0x0: {  	(tag) =	ssettag $0x1  }
0x1: {  	s6 =	rddreg [dreg:$0x0];
	s0 =	srdreg.scid  }
0x2: {  	s2 =	rddreg [dreg:$0x1];
	s1 =	stileid.u32  }
0x3: {  	s3 =	simm.s32 $0x0;
	s17 =	simm.s32 $0x4E80;
	s18 =	simm.s32 $0x50  }
0x4: {  	s19 =	simm.s32 $0x4F80;
	s20 =	simm.s32 $0x4F00;
	s21 =	simm.s32 $0x7780  }
0x5: {  	s22 =	simm.s32 $0x1;
	s23 =	simm.s32 $0x2;
	s5 =	smul.u32 $0x4E20, s1  }
0x6: {  	s7 =	sand.u32 $0x1, s0;
	s0 =	rddreg [dreg:$0x2];
	s8 =	smul.u32 $0x2800, s1  }
0x7: {  	s24 =	simm.s32 $0x0;
	[smem:$0x7FF] =	sst s3;
	s12 =	smul.u32 $0x50000, s1  }
0x8: {  	s30 =	sshll.u32 s1, $0x6;
	s4 =	smul.u32 $0x4E200, s7;
	_ =	strace $0x8000004A  }
0x9: {  	s10 =	smul.u32 $0x28000, s7;
	s7 =	ssub.s32 $0x2, s7;
	s13 =	sadd.s32 s8, s6  }
0xa: {  	s26 =	sshrl.u32 s7, $0x1;
	s28 =	sshrl.u32 s12, $0x2;
	s14 =	sadd.s32 s5, s4  }
0xb: {  	s4 =	sadd.s32 $0x7BC00, s6;
	s5 =	sadd.s32 $0x19A00, s6;
	s8 =	sadd.s32 s8, s10  }
0xc: {  	s29 =	ssub.s32 s7, s26;
	s16 =	sadd.s32 s28, s2;
	s7 =	sor.u32 $0x1C03, s30  }
0xd: {  	s9 =	sshrl.u32 s14, $0x3;
	s15 =	sadd.s32 s8, s6;
	s31 =	sadd.s32 $0xF0, s14  }
0xe: {  	s12 =	smax.u32 s29, $0x1;
	s14 =	sadd.s32 $0xA0, s14;
	s11 =	sadd.s32 s9, s6  }
0xf: {  	s6 =	sadd.s32 $0xCBC00, s13;
	s8 =	sadd.s32 s5, s9;
	s13 =	sshrl.u32 s31, $0x3  }
0x10: {  	s9 =	sadd.s32 $0x6000, s11;
	s10 =	sadd.s32 $0xA, s8;
	s11 =	sadd.s32 $0xF3C00, s15  }
0x11: {  	s13 =	sadd.s32 s13, s5;
	s15 =	sshrl.u32 s16, $0x3;
	s16 =	simm.s32 $0x3  }
.LBB2_1:
0x12: {  	[spmem:s15], [sflag:s7] =	dma.local [hbm:s6], $0x2800  }
0x13: {  	_ =	swait.ge [sflag:s16], $0x2800  }
0x14: {  	[sflag:s16] =	ssyncset.done $0x0  }
0x15: {  	[sflag:s16] =	ssyncadd.s32 $0xFFFFD800  }
0x16: {  	[tilespmem:s3], [sflag:$0x3] =	stream.linear.gather [hbm4b:s9+s3], $0x4E20, $0x38;
	[tilespmem:$0x1DF80] =	vst v63  }
0x17: {  	_ =	swait.ge [sflag:s16], $0x4E20  }
0x18: {  	[sflag:s16] =	ssyncset.done $0x0  }
0x19: {  	[sflag:s16] =	ssyncadd.s32 $0xFFFFB1E0  }
0x1a: {  	[bflag:$0x0] =	sbarrier.arrive $0xFFFF  }
0x1b: {  	[tilespmem:s17], [sflag:$0x3] =	stream.linear.gather [hbm4b:s8+s3], $0x50, $0x38;
	[tilespmem:$0x1DF80] =	vst v63  }
0x1c: {  	_ =	swait.ge [sflag:s16], $0x50  }
0x1d: {  	[sflag:s16] =	ssyncset.done $0x0  }
0x1e: {  	[sflag:s16] =	ssyncadd.s32 $0xFFFFFFB0  }
0x1f: {  	[tilespmem:s19], [sflag:$0x1] =	stream.indirect.gather [hbm4b:s4+s18], $0x80, s3, s18, $0xb8;
	[tilespmem:$0x1DF80] =	vst v63  }
0x20: {  	_ = 	snop  }
0x21: {  	[tilespmem:s20], [sflag:$0x3] =	stream.linear.gather [hbm4b:s10+s3], $0x50, $0x38;
	[tilespmem:$0x1DF80] =	vst v63  }
0x22: {  	_ =	swait.ge [sflag:s16], $0x50  }
0x23: {  	[sflag:s16] =	ssyncset.done $0x0  }
0x24: {  	[sflag:s16] =	ssyncadd.s32 $0xFFFFFFB0  }
0x25: {  	[tilespmem:s21], [sflag:$0x2] =	stream.indirect.gather [hbm4b:s4+s18], $0x80, s18, s18, $0xb8;
	[tilespmem:$0x1DF80] =	vst v63  }
0x26: {  	_ =	swait.ge [sflag:s22], $0x2800  }
0x27: {  	[sflag:s22] =	ssyncset.done $0x0  }
0x28: {  	[sflag:s22] =	ssyncadd.s32 $0xFFFFD800  }
0x29: {  	[spmem:s2] =	stream.indirect.scatter.add.f32 [tilespmem:s19], [sflag:$0x3], $0x80, s17, s18, $0xb8;
	[tilespmem:$0x1DF80] =	vst v63  }
0x2a: {  	_ =	swait.ge [sflag:s16], $0x2800  }
0x2b: {  	s25 =	sshrl.u32 s14, $0x3;
	[sflag:s16] =	ssyncset.done $0x0  }
0x2c: {  	s25 =	sadd.s32 s5, s25;
	[sflag:s16] =	ssyncadd.s32 $0xFFFFD800  }
0x2d: {  	[tilespmem:s17], [sflag:$0x3] =	stream.linear.gather [hbm4b:s25+s3], $0x50, $0x38;
	[tilespmem:$0x1DF80] =	vst v63  }
0x2e: {  	_ =	swait.ge [sflag:s16], $0x50  }
0x2f: {  	[sflag:s16] =	ssyncset.done $0x0  }
0x30: {  	s30 =	simm.s32 $0xA0;
	[sflag:s16] =	ssyncadd.s32 $0xFFFFFFB0  }
0x31: {  	[tilespmem:s19], [sflag:$0x1] =	stream.indirect.gather [hbm4b:s4+s18], $0x80, s30, s18, $0xb8;
	[tilespmem:$0x1DF80] =	vst v63  }
0x32: {  	_ =	swait.ge [sflag:s23], $0x2800  }
0x33: {  	[sflag:s23] =	ssyncset.done $0x0  }
0x34: {  	[sflag:s23] =	ssyncadd.s32 $0xFFFFD800  }
0x35: {  	[spmem:s2] =	stream.indirect.scatter.add.f32 [tilespmem:s21], [sflag:$0x3], $0x80, s20, s18, $0xb8;
	[tilespmem:$0x1DF80] =	vst v63  }
0x36: {  	_ =	swait.ge [sflag:s16], $0x2800  }
0x37: {  	[sflag:s16] =	ssyncset.done $0x0  }
0x38: {  	s31 =	sadd.s32 $0x0, s13;
	[sflag:s16] =	ssyncadd.s32 $0xFFFFD800  }
0x39: {  	[tilespmem:s20], [sflag:$0x3] =	stream.linear.gather [hbm4b:s31+s3], $0x50, $0x38;
	[tilespmem:$0x1DF80] =	vst v63  }
0x3a: {  	_ =	swait.ge [sflag:s16], $0x50  }
0x3b: {  	s26 =	simm.s32 $0x14;
	s28 =	simm.s32 $0x190;
	[sflag:s16] =	ssyncset.done $0x0  }
0x3c: {  	s29 =	sadd.s32 $0xA0, s14;
	s25 =	simm.s32 $0xF0;
	[sflag:s16] =	ssyncadd.s32 $0xFFFFFFB0  }
.LBB2_2:
0x3d: {  	[tilespmem:s21], [sflag:$0x2] =	stream.indirect.gather [hbm4b:s4+s18], $0x80, s25, s18, $0xb8;
	[tilespmem:$0x1DF80] =	vst v63  }
0x3e: {  	s30 =	smov.u32 s26;
	s25 =	smov.u32 s28  }
0x3f: {  	p0 =	sne.s32 s26, $0x99C;
	s26 =	sadd.s32 $0x14, s26;
	_ =	swait.ge [sflag:s22], $0x2800  }
0x40: {  	[sflag:s22] =	ssyncset.done $0x0  }
0x41: {  	[sflag:s22] =	ssyncadd.s32 $0xFFFFD800  }
0x42: {  	[spmem:s2] =	stream.indirect.scatter.add.f32 [tilespmem:s19], [sflag:$0x3], $0x80, s17, s18, $0xb8;
	[tilespmem:$0x1DF80] =	vst v63  }
0x43: {  	_ =	swait.ge [sflag:s16], $0x2800  }
0x44: {  	s31 =	sshrl.u32 s29, $0x3;
	[sflag:s16] =	ssyncset.done $0x0  }
0x45: {  	s31 =	sadd.s32 s5, s31;
	[sflag:s16] =	ssyncadd.s32 $0xFFFFD800  }
0x46: {  	[tilespmem:s17], [sflag:$0x3] =	stream.linear.gather [hbm4b:s31+s3], $0x50, $0x38;
	[tilespmem:$0x1DF80] =	vst v63  }
0x47: {  	_ =	swait.ge [sflag:s16], $0x50  }
0x48: {  	[sflag:s16] =	ssyncset.done $0x0  }
0x49: {  	s31 =	sadd.s32 $0xFFFFFFB0, s28;
	[sflag:s16] =	ssyncadd.s32 $0xFFFFFFB0  }
0x4a: {  	[tilespmem:s19], [sflag:$0x1] =	stream.indirect.gather [hbm4b:s4+s18], $0x80, s31, s18, $0xb8;
	[tilespmem:$0x1DF80] =	vst v63  }
0x4b: {  	_ =	swait.ge [sflag:s23], $0x2800  }
0x4c: {  	[sflag:s23] =	ssyncset.done $0x0  }
0x4d: {  	[sflag:s23] =	ssyncadd.s32 $0xFFFFD800  }
0x4e: {  	[spmem:s2] =	stream.indirect.scatter.add.f32 [tilespmem:s21], [sflag:$0x3], $0x80, s20, s18, $0xb8;
	[tilespmem:$0x1DF80] =	vst v63  }
0x4f: {  	_ =	swait.ge [sflag:s16], $0x2800  }
0x50: {  	[sflag:s16] =	ssyncset.done $0x0  }
.Ltmp0:
0x51: {  	s30 =	sadd.s32 s30, s13;
	[sflag:s16] =	ssyncadd.s32 $0xFFFFD800;
	(pc) =	sbr.rel @p0 .LBB2_2-.Ltmp0, $4  }
0x52: {  	[tilespmem:s20], [sflag:$0x3] =	stream.linear.gather [hbm4b:s30+s3], $0x50, $0x38;
	[tilespmem:$0x1DF80] =	vst v63  }
0x53: {  	_ =	swait.ge [sflag:s16], $0x50  }
0x54: {  	[sflag:s16] =	ssyncset.done $0x0  }
0x55: {  	s29 =	sadd.s32 $0xA0, s29;
	s28 =	sadd.s32 $0xA0, s28;
	[sflag:s16] =	ssyncadd.s32 $0xFFFFFFB0  }
0x56: {  	[tilespmem:s21], [sflag:$0x2] =	stream.indirect.gather [hbm4b:s4+s18], $0x80, s25, s18, $0xb8;
	[tilespmem:$0x1DF80] =	vst v63  }
0x57: {  	_ =	swait.ge [sflag:s22], $0x2800  }
0x58: {  	[sflag:s22] =	ssyncset.done $0x0  }
0x59: {  	[sflag:s22] =	ssyncadd.s32 $0xFFFFD800  }
0x5a: {  	[spmem:s2] =	stream.indirect.scatter.add.f32 [tilespmem:s19], [sflag:$0x3], $0x80, s17, s18, $0xb8;
	[tilespmem:$0x1DF80] =	vst v63  }
0x5b: {  	_ =	swait.ge [sflag:s16], $0x2800  }
0x5c: {  	[sflag:s16] =	ssyncset.done $0x0  }
0x5d: {  	[sflag:s16] =	ssyncadd.s32 $0xFFFFD800  }
0x5e: {  	_ =	swait.ge [sflag:s23], $0x2800  }
0x5f: {  	[sflag:s23] =	ssyncset.done $0x0  }
0x60: {  	[sflag:s23] =	ssyncadd.s32 $0xFFFFD800  }
0x61: {  	[spmem:s2] =	stream.indirect.scatter.add.f32 [tilespmem:s21], [sflag:$0x3], $0x80, s20, s18, $0xb8;
	[tilespmem:$0x1DF80] =	vst v63  }
0x62: {  	_ =	swait.ge [sflag:s16], $0x2800  }
0x63: {  	s24 =	sadd.s32 $0x1, s24;
	[sflag:s16] =	ssyncset.done $0x0  }
0x64: {  	p0 =	sne.s32 s24, s12;
	[sflag:s16] =	ssyncadd.s32 $0xFFFFD800  }
.Ltmp1:
0x65: {  	[bflag:$0x0] =	sbarrier.arrive $0xFFFF;
	(pc) =	sbr.rel @p0 .LBB2_1-.Ltmp1, $4  }
0x66: {  	[hbm:s11], [sflag:s7] =	dma.local [spmem:s15], $0x2800  }
0x67: {  	_ =	swait.ge [sflag:s16], $0x2800  }
0x68: {  	[sflag:s16] =	ssyncset.done $0x0  }
0x69: {  	[sflag:s16] =	ssyncadd.s32 $0xFFFFD800  }
0x6a: {  	_ =	sfence.sel $0x180000  }
0x6b: {  	[bflag:$0x0] =	sbarrier.arrive $0xFFFF  }
0x6c: {  	p0 =	sne.s32 s1, $0x0;
	_ =	strace $0x9000004A  }
0x6d: {  	s0 =	sadd.s32 @!p0 $0x100000, s0;
	[bflag:$0x2] =	sbarrier.arrive $0xFFFF  }
0x6e: {  	[sflag:s0] =	ssyncadd.tile.s32 @!p0 $0x1;
	_ =	shalt  }
.Lfunc_end2:
_tile_overlayer_lowered:
.L_overlay_start_2:
0x6f: {  	(tag) =	ssettag $0x2  }
0x70: {  	s0 =	rddreg [dreg:$0x0];
	s2 =	stileid.u32  }
0x71: {  	s1 =	rddreg [dreg:$0x1];
	p0 =	sne.s32 s2, $0x0  }
0x72: {  	s3 =	rddreg [dreg:$0x2];
	[bflag:$0x3] =	sbarrier.arrive $0xFFFF;
	s2 =	simm.s32 @!p0 $0x1C03  }
0x73: {  	[timem:s3], [sflag:s2] =	dma.local @!p0 [hbm:s0], s1  }
0x74: {  	s0 =	simm.s32 @!p0 $0x3  }
0x75: {  	_ =	swait.ge @!p0 [sflag:s0], s1  }
0x76: {  	s1 =	ssub.s32 @!p0 $0x0, s1;
	[sflag:s0] =	ssyncset.done @!p0 $0x0  }
0x77: {  	[sflag:s0] =	ssyncadd.s32 @!p0 s1  }
0x78: {  	[bflag:$0x3] =	sbarrier.arrive $0xFFFF  }
0x79: {  	_ =	shalt  }

// kernel: kernel.22.cloned.1.call-start
scs
__scs_entry_jumppad:
0x0: {  	(pc) =	sbr.rel $0x88, $3  }
0x1: {  	(tag) =	ssettag $0x0;
	lr =	simm.s32 $0x1  }
0x2: {  	[smem:$0x3F97] =	sst lr;
	_ =	strace $0xD0000000  }
0x3: {  	_ = 	snop  }
0x4: {  	_ = 	snop  }
0x5: {  	_ = 	snop  }
0x6: {  	_ = 	snop  }
0x7: {  	_ = 	snop  }
__scs_overlays_trampoline_lowered:
0x8: {  	[smem:$0x3FA6] =	sst s0  }
0x9: {  	[smem:$0x3FA7] =	sst s1  }
0xa: {  	[smem:$0x3FA8] =	sst s2  }
0xb: {  	[smem:$0x3FA9] =	sst s3  }
0xc: {  	[smem:$0x3FAA] =	sst s4  }
0xd: {  	[smem:$0x3FAB] =	sst s5  }
0xe: {  	[smem:$0x3FAC] =	sst s6  }
0xf: {  	[smem:$0x3FAD] =	sst s7  }
0x10: {  	[smem:$0x3FAE] =	sst s8  }
0x11: {  	[smem:$0x3FAF] =	sst s9;
	s0 =	simm.s32 @!p0 $0x0  }
0x12: {  	s1 =	sld [smem:$0x3F95];
	s0 =	simm.s32 @p0 $0x1  }
0x13: {  	[smem:$0x3FB0] =	sst s0;
	s0 =	simm.s32 @!p1 $0x0  }
0x14: {  	s2 =	sld [smem:$0x3F94];
	s0 =	simm.s32 @p1 $0x1  }
0x15: {  	[smem:$0x3FB1] =	sst s0;
	s0 =	simm.s32 @!p2 $0x0  }
0x16: {  	s3 =	sld [smem:$0x3FDB];
	s0 =	simm.s32 @p2 $0x1  }
0x17: {  	s4 =	simm.s32 $0x1BF5;
	[smem:$0x3FB3] =	sst s0  }
0x18: {  	s0 =	sld [smem:$0x3F96];
	_ =	swait.ge [sflag:s4], $0x0  }
0x19: {  	s7 =	sld [smem:$0x3F97]  }
0x1a: {  	s8 =	sadd.s32 $0xFFFFE003, lr  }
0x1b: {  	s9 =	sadd.s32 $0xFFFFFEF7, lr;
	s5 =	simm.s32 $0xFFFFFFFF;
	p2 =	slt.u32 s8, $0xFFFFF086  }
0x1c: {  	p1 =	slt.u32 s9, $0xF7A;
	s5 =	simm.s32 @!p2 $0x0  }
0x1d: {  	s5 =	simm.s32 @p1 $0x1;
	p0 =	seq.s32 s7, s2  }
0x1e: {  	s7 =	smul.u32 @!p0 $0xF7A, s2;
	p2 =	seq.s32 @!p0 s5, $0x0  }
0x1f: {  	s9 =	smul.u32 $0xF7A, s1;
	s8 =	simm.s32 @!p0 $0x1BF5;
	p2 =	por !p2, p0  }
0x20: {  	[sflag:s8] =	ssyncset.s32 @!p0 $0xFFFFF086;
	s6 =	sadd.s32 @!p0 s3, s7;
	s7 =	simm.s32 @!p0 $0x108  }
0x21: {  	s3 =	sadd.s32 s3, s9;
	s6 =	sadd.s32 @!p0 $0x88, s6;
	s7 =	simm.s32 @p2 $0x1082  }
0x22: {  	[simem:s7], [sflag:s8] =	dma.local @!p0 [hbm:s6], $0xF7A  }
0x23: {  	s9 =	sor.u32 $0xD0000000, s2;
	s6 =	simm.s32 $0x108;
	_ =	swait.ge @!p0 [sflag:s8], $0x0  }
0x24: {  	s3 =	sadd.s32 $0x88, s3;
	s6 =	simm.s32 @!p1 $0x1082;
	[sflag:s4] =	ssyncset.s32 $0xFFFFF086  }
0x25: {  	[simem:s6], [sflag:s4] =	dma.local [hbm:s3], $0xF7A  }
0x26: {  	[smem:$0x3F97] =	sst s1;
	(tag) =	ssettag s2;
	_ =	strace s9  }
0x27: {  	s1 =	sld [smem:$0x3FA7]  }
0x28: {  	s2 =	sld [smem:$0x3FA8]  }
0x29: {  	s4 =	sld [smem:$0x3FAA]  }
0x2a: {  	p0 =	seq.s32 s5, $0x0;
	s5 =	sld [smem:$0x3FAB]  }
0x2b: {  	s6 =	sld [smem:$0x3FAC]  }
0x2c: {  	s7 =	sld [smem:$0x3FAD]  }
0x2d: {  	s3 =	simm.s32 $0x108;
	s8 =	sld [smem:$0x3FAE]  }
0x2e: {  	s3 =	simm.s32 @!p0 $0x1082;
	s9 =	sld [smem:$0x3FAF]  }
0x2f: {  	lr =	sadd.s32 s0, s3;
	s0 =	sld [smem:$0x3FA6]  }
0x30: {  	s3 =	sld [smem:$0x3FA9]  }
0x31: {  	[smem:$0x3FB2] =	sst s10  }
0x32: {  	s10 =	sld [smem:$0x3FB0];
	_ =	sdelay $0x3  }
0x33: {  	p0 =	seq.s32 s10, $0x1;
	s10 =	sld [smem:$0x3FB2];
	_ =	sdelay $0x3  }
0x34: {  	[smem:$0x3FB2] =	sst s10  }
0x35: {  	s10 =	sld [smem:$0x3FB1];
	_ =	sdelay $0x3  }
0x36: {  	p1 =	seq.s32 s10, $0x1;
	s10 =	sld [smem:$0x3FB2];
	_ =	sdelay $0x3  }
0x37: {  	[smem:$0x3FB2] =	sst s10  }
0x38: {  	s10 =	sld [smem:$0x3FB3]  }
0x39: {  	_ = 	snop;
	(pc) =	sbr.ind lr, $3  }
0x3a: {  	_ = 	snop  }
0x3b: {  	_ = 	snop  }
0x3c: {  	p2 =	seq.s32 s10, $0x1;
	s10 =	sld [smem:$0x3FB2]  }
0x3d: {  	_ =	shalt  }
0x3e: {  	_ =	shalt  }
0x3f: {  	_ =	shalt  }
0x40: {  	_ =	shalt  }
0x41: {  	_ =	shalt  }
0x42: {  	_ =	shalt  }
0x43: {  	_ =	shalt  }
0x44: {  	_ =	shalt  }
0x45: {  	_ =	shalt  }
0x46: {  	_ =	shalt  }
0x47: {  	_ =	shalt  }
0x48: {  	_ =	shalt  }
0x49: {  	_ =	shalt  }
0x4a: {  	_ =	shalt  }
0x4b: {  	_ =	shalt  }
0x4c: {  	_ =	shalt  }
0x4d: {  	_ =	shalt  }
0x4e: {  	_ =	shalt  }
0x4f: {  	_ =	shalt  }
0x50: {  	_ =	shalt  }
0x51: {  	_ =	shalt  }
0x52: {  	_ =	shalt  }
0x53: {  	_ =	shalt  }
0x54: {  	_ =	shalt  }
0x55: {  	_ =	shalt  }
0x56: {  	_ =	shalt  }
0x57: {  	_ =	shalt  }
0x58: {  	_ =	shalt  }
0x59: {  	_ =	shalt  }
0x5a: {  	_ =	shalt  }
0x5b: {  	_ =	shalt  }
0x5c: {  	_ =	shalt  }
0x5d: {  	_ =	shalt  }
0x5e: {  	_ =	shalt  }
0x5f: {  	_ =	shalt  }
0x60: {  	_ =	shalt  }
0x61: {  	_ =	shalt  }
0x62: {  	_ =	shalt  }
0x63: {  	_ =	shalt  }
0x64: {  	_ =	shalt  }
0x65: {  	_ =	shalt  }
0x66: {  	_ =	shalt  }
0x67: {  	_ =	shalt  }
0x68: {  	_ =	shalt  }
0x69: {  	_ =	shalt  }
0x6a: {  	_ =	shalt  }
0x6b: {  	_ =	shalt  }
0x6c: {  	_ =	shalt  }
0x6d: {  	_ =	shalt  }
0x6e: {  	_ =	shalt  }
0x6f: {  	_ =	shalt  }
0x70: {  	_ =	shalt  }
0x71: {  	_ =	shalt  }
0x72: {  	_ =	shalt  }
0x73: {  	_ =	shalt  }
0x74: {  	_ =	shalt  }
0x75: {  	_ =	shalt  }
0x76: {  	_ =	shalt  }
0x77: {  	_ =	shalt  }
0x78: {  	_ =	shalt  }
0x79: {  	_ =	shalt  }
0x7a: {  	_ =	shalt  }
0x7b: {  	_ =	shalt  }
0x7c: {  	_ =	shalt  }
0x7d: {  	_ =	shalt  }
0x7e: {  	_ =	shalt  }
0x7f: {  	_ =	shalt  }
0x80: {  	_ =	shalt  }
0x81: {  	_ =	shalt  }
0x82: {  	_ =	shalt  }
0x83: {  	_ =	shalt  }
0x84: {  	_ =	shalt  }
0x85: {  	_ =	shalt  }
0x86: {  	_ =	shalt  }
0x87: {  	_ =	shalt  }
.Lfunc_end0:
.L_simem_size_0:
called_computation.2_lowered:
.L_overlay_start_0:
0x88: {  	s2 =	sld [smem:$0x3FD9]  }
0x89: {  	s3 =	sld [smem:$0x3FFE];
	_ =	sdelay $0x1  }
0x8a: {  	s1 =	srdreg.scid  }
0x8b: {  	s0 =	sand.u32 $0x1, s1  }
0x8c: {  	s17 =	sshll.u32 s0, $0xA;
	s2 =	sadd.s32 s3, s2  }
0x8d: {  	s2 =	sadd.s32 s2, s17  }
0x8e: {  	[smem:$0x3FBE] =	sst s2  }
0x8f: {  	_ = 	snop  }
0x90: {  	(tm) =	ssettm $0x1  }
0x91: {  	s18 =	sld [smem:$0x3FFB];
	_ =	sdelay $0x3  }
0x92: {  	_ =	strace s18  }
0x93: {  	s2 =	sld [smem:$0x3FFC];
	_ =	sdelay $0x3  }
0x94: {  	_ =	strace s2  }
0x95: {  	s2 =	sld [smem:$0x3FFD];
	_ =	sdelay $0x3  }
0x96: {  	_ =	strace s2  }
0x97: {  	_ =	strace $0x8FFFFFFF  }
0x98: {  	s19 =	sld [smem:$0x3FDB];
	_ =	sdelay $0x1  }
0x99: {  	s20 =	simm.s32 $_scs_section_size  }
0x9a: {  	s4 =	simm.s32 $_size__tile_overlayer_lowered;
	s5 =	simm.s32 $_tile_overlayer_lowered  }
0x9b: {  	s6 =	simm.s32 $0x1BFF;
	s21 =	sshll.u32 s5, $0x1;
	s3 =	sadd.s32 s20, s19  }
0x9c: {  	s22 =	simm.s32 $0x0;
	s4 =	sshll.u32 s4, $0x1;
	s5 =	sadd.s32 s21, s3  }
0x9d: {  	[timem:s22], [sflag:s6] =	dma.local [hbm:s5], s4  }
0x9e: {  	_ =	swait.ge [sflag:s6], s4  }
0x9f: {  	s4 =	ssub.s32 $0x0, s4;
	[sflag:s6] =	ssyncset.done $0x0  }
0xa0: {  	[sflag:s6] =	ssyncadd.s32 s4;
	_ =	sdelay $0x1  }
0xa1: {  	s23 =	simm.s32 $0x1B8B  }
0xa2: {  	_ =	swait.ge [sflag:s23], $0x1  }
0xa3: {  	[sflag:s23] =	ssyncset.done $0x0  }
0xa4: {  	[sflag:s23] =	ssyncadd.s32 $0xFFFFFFFF  }
0xa5: {  	s4 =	sld [smem:$0x0]  }
0xa6: {  	s5 =	sand.u32 $0xFFFFFFFE, s1  }
0xa7: {  	p0 =	sne.s32 s1, s5  }
0xa8: {  	s5 =	sshll.u32 @p0 s5, $0xE  }
0xa9: {  	s5 =	sadd.s32 @p0 $0x11B8D, s5;
	s6 =	sshll.u32 @p0 s4, $0x11  }
0xaa: {  	s5 =	sor.u32 @p0 s6, s5  }
0xab: {  	[sflag:s5] =	ssyncadd.remote.s32 @p0 $0x1;
	_ =	sdelay $0x1  }
0xac: {  	s5 =	simm.s32 @p0 $0x1B8D  }
0xad: {  	_ =	swait.eq @p0 [sflag:s5], $0x1  }
0xae: {  	[sflag:s5] =	ssyncadd.s32 @p0 $0xFFFFFFFF  }
0xaf: {  	s6 =	sshll.u32 @!p0 s1, $0xE  }
0xb0: {  	s6 =	sor.u32 @!p0 $0x4000, s6;
	s5 =	simm.s32 @!p0 $0x1B8D  }
0xb1: {  	s4 =	sshll.u32 @!p0 s4, $0x11;
	s6 =	sadd.s32 @!p0 $0x11B8D, s6;
	_ =	swait.eq @!p0 [sflag:s5], $0x1  }
0xb2: {  	s4 =	sor.u32 @!p0 s4, s6;
	[sflag:s5] =	ssyncadd.s32 @!p0 $0xFFFFFFFF  }
0xb3: {  	s25 =	simm.s32 $0x1B8E;
	s24 =	sld [smem:$0x3FFE];
	[sflag:s4] =	ssyncadd.remote.s32 @!p0 $0x1  }
0xb4: {  	s26 =	simm.s32 $execute0_lowered;
	[smem:$0x3FD2] =	sst s25  }
0xb5: {  	s5 =	sshll.u32 s26, $0x1;
	_ =	strace $0x8000004F;
	[dreg:$0x1] =	wrdreg $0xFFFFFFFF  }
0xb6: {  	s28 =	simm.s32 $_size_execute0_lowered;
	s3 =	sadd.s32 s3, s5;
	[dreg:$0x0] =	wrdreg $0x0  }
0xb7: {  	s5 =	sshll.u32 s28, $0x1;
	[dreg:$0x2] =	wrdreg s3  }
0xb8: {  	[dreg:$0x3] =	wrdreg s5  }
0xb9: {  	[dreg:$0x4] =	wrdreg $0xC0  }
0xba: {  	_ =	task [dreg:s22], $0x5FFFF  }
0xbb: {  	[dreg:$0x1] =	wrdreg $0xFFFFFFFF  }
0xbc: {  	[dreg:$0x0] =	wrdreg $0x60  }
0xbd: {  	[dreg:$0x2] =	wrdreg s24  }
0xbe: {  	[dreg:$0x3] =	wrdreg $0x9F800  }
0xbf: {  	[dreg:$0x4] =	wrdreg $0x9  }
0xc0: {  	_ =	task.clear_ibuf [dreg:s22], $0x5FFFF;
	_ =	strace $0x9000004F  }
0xc1: {  	s29 =	simm.s32 $0x9;
	_ =	strace $0x80000051  }
0xc2: {  	_ =	swait.ge [sflag:s29], $0x1  }
0xc3: {  	[sflag:s29] =	ssyncadd.s32 $0xFFFFFFFF  }
0xc4: {  	_ =	strace $0x90000051  }
0xc5: {  	_ =	sfence  }
0xc6: {  	s30 =	sld [smem:$0x0];
	_ =	sdelay $0x2  }
0xc7: {  	s31 =	sshll.u32 s1, $0xD;
	s1 =	sshrl.u32 s1, $0x2  }
0xc8: {  	s4 =	sand.u32 $0x4000, s31;
	s1 =	sadd.s32 s1, s30  }
0xc9: {  	s0 =	sor.u32 s4, s0;
	s1 =	sshll.u32 s1, $0x11  }
0xca: {  	s0 =	sor.u32 s1, s0  }
0xcb: {  	s0 =	sadd.s32 $0x8F2B, s0  }
0xcc: {  	[sflag:s0] =	ssyncadd.remote.s32 $0x1  }
0xcd: {  	_ =	sfence.sel $0xFFFF  }
0xce: {  	[dreg:$0x0] =	wrdreg $0xFFFFFFFF;
	(pc) =	sbr.abs _section_cstart, $3  }
0xcf: {  	[dreg:$0x1] =	wrdreg $0xFFFFFFFF  }
0xd0: {  	_ =	task.clear_ibuf [dreg:s22], $0x2FFFF;
	_ =	strace $0x9FFFFFFF  }
0xd1: {  	(tm) =	ssettm $0x7FFFFFFF  }
tec
execute0_lowered:
.L_overlay_start_1:
0x0: {  	(tag) =	ssettag $0x1  }
0x1: {  	s6 =	rddreg [dreg:$0x0];
	s0 =	srdreg.scid  }
0x2: {  	s2 =	rddreg [dreg:$0x1];
	s1 =	stileid.u32  }
0x3: {  	s3 =	simm.s32 $0x0;
	s17 =	simm.s32 $0x4E80;
	s18 =	simm.s32 $0x50  }
0x4: {  	s19 =	simm.s32 $0x4F80;
	s20 =	simm.s32 $0x4F00;
	s21 =	simm.s32 $0x7780  }
0x5: {  	s22 =	simm.s32 $0x1;
	s23 =	simm.s32 $0x2;
	s5 =	smul.u32 $0x4E20, s1  }
0x6: {  	s7 =	sand.u32 $0x1, s0;
	s0 =	rddreg [dreg:$0x2];
	s8 =	smul.u32 $0x2800, s1  }
0x7: {  	s24 =	simm.s32 $0x0;
	[smem:$0x7FF] =	sst s3;
	s12 =	smul.u32 $0x50000, s1  }
0x8: {  	s30 =	sshll.u32 s1, $0x6;
	s4 =	smul.u32 $0x4E200, s7;
	_ =	strace $0x80000050  }
0x9: {  	s10 =	smul.u32 $0x28000, s7;
	s7 =	ssub.s32 $0x2, s7;
	s13 =	sadd.s32 s8, s6  }
0xa: {  	s26 =	sshrl.u32 s7, $0x1;
	s28 =	sshrl.u32 s12, $0x2;
	s14 =	sadd.s32 s5, s4  }
0xb: {  	s4 =	sadd.s32 $0x7BC00, s6;
	s5 =	sadd.s32 $0x19A00, s6;
	s8 =	sadd.s32 s8, s10  }
0xc: {  	s29 =	ssub.s32 s7, s26;
	s16 =	sadd.s32 s28, s2;
	s7 =	sor.u32 $0x1C03, s30  }
0xd: {  	s9 =	sshrl.u32 s14, $0x3;
	s15 =	sadd.s32 s8, s6;
	s31 =	sadd.s32 $0xF0, s14  }
0xe: {  	s12 =	smax.u32 s29, $0x1;
	s14 =	sadd.s32 $0xA0, s14;
	s11 =	sadd.s32 s9, s6  }
0xf: {  	s6 =	sadd.s32 $0xCBC00, s13;
	s8 =	sadd.s32 s5, s9;
	s13 =	sshrl.u32 s31, $0x3  }
0x10: {  	s9 =	sadd.s32 $0x6000, s11;
	s10 =	sadd.s32 $0xA, s8;
	s11 =	sadd.s32 $0xF3C00, s15  }
0x11: {  	s13 =	sadd.s32 s13, s5;
	s15 =	sshrl.u32 s16, $0x3;
	s16 =	simm.s32 $0x3  }
.LBB2_1:
0x12: {  	[spmem:s15], [sflag:s7] =	dma.local [hbm:s6], $0x2800  }
0x13: {  	_ =	swait.ge [sflag:s16], $0x2800  }
0x14: {  	[sflag:s16] =	ssyncset.done $0x0  }
0x15: {  	[sflag:s16] =	ssyncadd.s32 $0xFFFFD800  }
0x16: {  	[tilespmem:s3], [sflag:$0x3] =	stream.linear.gather [hbm4b:s9+s3], $0x4E20, $0x38;
	[tilespmem:$0x1DF80] =	vst v63  }
0x17: {  	_ =	swait.ge [sflag:s16], $0x4E20  }
0x18: {  	[sflag:s16] =	ssyncset.done $0x0  }
0x19: {  	[sflag:s16] =	ssyncadd.s32 $0xFFFFB1E0  }
0x1a: {  	[bflag:$0x0] =	sbarrier.arrive $0xFFFF  }
0x1b: {  	[tilespmem:s17], [sflag:$0x3] =	stream.linear.gather [hbm4b:s8+s3], $0x50, $0x38;
	[tilespmem:$0x1DF80] =	vst v63  }
0x1c: {  	_ =	swait.ge [sflag:s16], $0x50  }
0x1d: {  	[sflag:s16] =	ssyncset.done $0x0  }
0x1e: {  	[sflag:s16] =	ssyncadd.s32 $0xFFFFFFB0  }
0x1f: {  	[tilespmem:s19], [sflag:$0x1] =	stream.indirect.gather [hbm4b:s4+s18], $0x80, s3, s18, $0xb8;
	[tilespmem:$0x1DF80] =	vst v63  }
0x20: {  	_ = 	snop  }
0x21: {  	[tilespmem:s20], [sflag:$0x3] =	stream.linear.gather [hbm4b:s10+s3], $0x50, $0x38;
	[tilespmem:$0x1DF80] =	vst v63  }
0x22: {  	_ =	swait.ge [sflag:s16], $0x50  }
0x23: {  	[sflag:s16] =	ssyncset.done $0x0  }
0x24: {  	[sflag:s16] =	ssyncadd.s32 $0xFFFFFFB0  }
0x25: {  	[tilespmem:s21], [sflag:$0x2] =	stream.indirect.gather [hbm4b:s4+s18], $0x80, s18, s18, $0xb8;
	[tilespmem:$0x1DF80] =	vst v63  }
0x26: {  	_ =	swait.ge [sflag:s22], $0x2800  }
0x27: {  	[sflag:s22] =	ssyncset.done $0x0  }
0x28: {  	[sflag:s22] =	ssyncadd.s32 $0xFFFFD800  }
0x29: {  	[spmem:s2] =	stream.indirect.scatter.add.f32 [tilespmem:s19], [sflag:$0x3], $0x80, s17, s18, $0xb8;
	[tilespmem:$0x1DF80] =	vst v63  }
0x2a: {  	_ =	swait.ge [sflag:s16], $0x2800  }
0x2b: {  	s25 =	sshrl.u32 s14, $0x3;
	[sflag:s16] =	ssyncset.done $0x0  }
0x2c: {  	s25 =	sadd.s32 s5, s25;
	[sflag:s16] =	ssyncadd.s32 $0xFFFFD800  }
0x2d: {  	[tilespmem:s17], [sflag:$0x3] =	stream.linear.gather [hbm4b:s25+s3], $0x50, $0x38;
	[tilespmem:$0x1DF80] =	vst v63  }
0x2e: {  	_ =	swait.ge [sflag:s16], $0x50  }
0x2f: {  	[sflag:s16] =	ssyncset.done $0x0  }
0x30: {  	s30 =	simm.s32 $0xA0;
	[sflag:s16] =	ssyncadd.s32 $0xFFFFFFB0  }
0x31: {  	[tilespmem:s19], [sflag:$0x1] =	stream.indirect.gather [hbm4b:s4+s18], $0x80, s30, s18, $0xb8;
	[tilespmem:$0x1DF80] =	vst v63  }
0x32: {  	_ =	swait.ge [sflag:s23], $0x2800  }
0x33: {  	[sflag:s23] =	ssyncset.done $0x0  }
0x34: {  	[sflag:s23] =	ssyncadd.s32 $0xFFFFD800  }
0x35: {  	[spmem:s2] =	stream.indirect.scatter.add.f32 [tilespmem:s21], [sflag:$0x3], $0x80, s20, s18, $0xb8;
	[tilespmem:$0x1DF80] =	vst v63  }
0x36: {  	_ =	swait.ge [sflag:s16], $0x2800  }
0x37: {  	[sflag:s16] =	ssyncset.done $0x0  }
0x38: {  	s31 =	sadd.s32 $0x0, s13;
	[sflag:s16] =	ssyncadd.s32 $0xFFFFD800  }
0x39: {  	[tilespmem:s20], [sflag:$0x3] =	stream.linear.gather [hbm4b:s31+s3], $0x50, $0x38;
	[tilespmem:$0x1DF80] =	vst v63  }
0x3a: {  	_ =	swait.ge [sflag:s16], $0x50  }
0x3b: {  	s26 =	simm.s32 $0x14;
	s28 =	simm.s32 $0x190;
	[sflag:s16] =	ssyncset.done $0x0  }
0x3c: {  	s29 =	sadd.s32 $0xA0, s14;
	s25 =	simm.s32 $0xF0;
	[sflag:s16] =	ssyncadd.s32 $0xFFFFFFB0  }
.LBB2_2:
0x3d: {  	[tilespmem:s21], [sflag:$0x2] =	stream.indirect.gather [hbm4b:s4+s18], $0x80, s25, s18, $0xb8;
	[tilespmem:$0x1DF80] =	vst v63  }
0x3e: {  	s30 =	smov.u32 s26;
	s25 =	smov.u32 s28  }
0x3f: {  	p0 =	sne.s32 s26, $0x99C;
	s26 =	sadd.s32 $0x14, s26;
	_ =	swait.ge [sflag:s22], $0x2800  }
0x40: {  	[sflag:s22] =	ssyncset.done $0x0  }
0x41: {  	[sflag:s22] =	ssyncadd.s32 $0xFFFFD800  }
0x42: {  	[spmem:s2] =	stream.indirect.scatter.add.f32 [tilespmem:s19], [sflag:$0x3], $0x80, s17, s18, $0xb8;
	[tilespmem:$0x1DF80] =	vst v63  }
0x43: {  	_ =	swait.ge [sflag:s16], $0x2800  }
0x44: {  	s31 =	sshrl.u32 s29, $0x3;
	[sflag:s16] =	ssyncset.done $0x0  }
0x45: {  	s31 =	sadd.s32 s5, s31;
	[sflag:s16] =	ssyncadd.s32 $0xFFFFD800  }
0x46: {  	[tilespmem:s17], [sflag:$0x3] =	stream.linear.gather [hbm4b:s31+s3], $0x50, $0x38;
	[tilespmem:$0x1DF80] =	vst v63  }
0x47: {  	_ =	swait.ge [sflag:s16], $0x50  }
0x48: {  	[sflag:s16] =	ssyncset.done $0x0  }
0x49: {  	s31 =	sadd.s32 $0xFFFFFFB0, s28;
	[sflag:s16] =	ssyncadd.s32 $0xFFFFFFB0  }
0x4a: {  	[tilespmem:s19], [sflag:$0x1] =	stream.indirect.gather [hbm4b:s4+s18], $0x80, s31, s18, $0xb8;
	[tilespmem:$0x1DF80] =	vst v63  }
0x4b: {  	_ =	swait.ge [sflag:s23], $0x2800  }
0x4c: {  	[sflag:s23] =	ssyncset.done $0x0  }
0x4d: {  	[sflag:s23] =	ssyncadd.s32 $0xFFFFD800  }
0x4e: {  	[spmem:s2] =	stream.indirect.scatter.add.f32 [tilespmem:s21], [sflag:$0x3], $0x80, s20, s18, $0xb8;
	[tilespmem:$0x1DF80] =	vst v63  }
0x4f: {  	_ =	swait.ge [sflag:s16], $0x2800  }
0x50: {  	[sflag:s16] =	ssyncset.done $0x0  }
.Ltmp0:
0x51: {  	s30 =	sadd.s32 s30, s13;
	[sflag:s16] =	ssyncadd.s32 $0xFFFFD800;
	(pc) =	sbr.rel @p0 .LBB2_2-.Ltmp0, $4  }
0x52: {  	[tilespmem:s20], [sflag:$0x3] =	stream.linear.gather [hbm4b:s30+s3], $0x50, $0x38;
	[tilespmem:$0x1DF80] =	vst v63  }
0x53: {  	_ =	swait.ge [sflag:s16], $0x50  }
0x54: {  	[sflag:s16] =	ssyncset.done $0x0  }
0x55: {  	s29 =	sadd.s32 $0xA0, s29;
	s28 =	sadd.s32 $0xA0, s28;
	[sflag:s16] =	ssyncadd.s32 $0xFFFFFFB0  }
0x56: {  	[tilespmem:s21], [sflag:$0x2] =	stream.indirect.gather [hbm4b:s4+s18], $0x80, s25, s18, $0xb8;
	[tilespmem:$0x1DF80] =	vst v63  }
0x57: {  	_ =	swait.ge [sflag:s22], $0x2800  }
0x58: {  	[sflag:s22] =	ssyncset.done $0x0  }
0x59: {  	[sflag:s22] =	ssyncadd.s32 $0xFFFFD800  }
0x5a: {  	[spmem:s2] =	stream.indirect.scatter.add.f32 [tilespmem:s19], [sflag:$0x3], $0x80, s17, s18, $0xb8;
	[tilespmem:$0x1DF80] =	vst v63  }
0x5b: {  	_ =	swait.ge [sflag:s16], $0x2800  }
0x5c: {  	[sflag:s16] =	ssyncset.done $0x0  }
0x5d: {  	[sflag:s16] =	ssyncadd.s32 $0xFFFFD800  }
0x5e: {  	_ =	swait.ge [sflag:s23], $0x2800  }
0x5f: {  	[sflag:s23] =	ssyncset.done $0x0  }
0x60: {  	[sflag:s23] =	ssyncadd.s32 $0xFFFFD800  }
0x61: {  	[spmem:s2] =	stream.indirect.scatter.add.f32 [tilespmem:s21], [sflag:$0x3], $0x80, s20, s18, $0xb8;
	[tilespmem:$0x1DF80] =	vst v63  }
0x62: {  	_ =	swait.ge [sflag:s16], $0x2800  }
0x63: {  	s24 =	sadd.s32 $0x1, s24;
	[sflag:s16] =	ssyncset.done $0x0  }
0x64: {  	p0 =	sne.s32 s24, s12;
	[sflag:s16] =	ssyncadd.s32 $0xFFFFD800  }
.Ltmp1:
0x65: {  	[bflag:$0x0] =	sbarrier.arrive $0xFFFF;
	(pc) =	sbr.rel @p0 .LBB2_1-.Ltmp1, $4  }
0x66: {  	[hbm:s11], [sflag:s7] =	dma.local [spmem:s15], $0x2800  }
0x67: {  	_ =	swait.ge [sflag:s16], $0x2800  }
0x68: {  	[sflag:s16] =	ssyncset.done $0x0  }
0x69: {  	[sflag:s16] =	ssyncadd.s32 $0xFFFFD800  }
0x6a: {  	_ =	sfence.sel $0x180000  }
0x6b: {  	[bflag:$0x0] =	sbarrier.arrive $0xFFFF  }
0x6c: {  	p0 =	sne.s32 s1, $0x0;
	_ =	strace $0x90000050  }
0x6d: {  	s0 =	sadd.s32 @!p0 $0x100000, s0;
	[bflag:$0x2] =	sbarrier.arrive $0xFFFF  }
0x6e: {  	[sflag:s0] =	ssyncadd.tile.s32 @!p0 $0x1;
	_ =	shalt  }
.Lfunc_end2:
_tile_overlayer_lowered:
.L_overlay_start_2:
0x6f: {  	(tag) =	ssettag $0x2  }
0x70: {  	s0 =	rddreg [dreg:$0x0];
	s2 =	stileid.u32  }
0x71: {  	s1 =	rddreg [dreg:$0x1];
	p0 =	sne.s32 s2, $0x0  }
0x72: {  	s3 =	rddreg [dreg:$0x2];
	[bflag:$0x3] =	sbarrier.arrive $0xFFFF;
	s2 =	simm.s32 @!p0 $0x1C03  }
0x73: {  	[timem:s3], [sflag:s2] =	dma.local @!p0 [hbm:s0], s1  }
0x74: {  	s0 =	simm.s32 @!p0 $0x3  }
0x75: {  	_ =	swait.ge @!p0 [sflag:s0], s1  }
0x76: {  	s1 =	ssub.s32 @!p0 $0x0, s1;
	[sflag:s0] =	ssyncset.done @!p0 $0x0  }
0x77: {  	[sflag:s0] =	ssyncadd.s32 @!p0 s1  }
0x78: {  	[bflag:$0x3] =	sbarrier.arrive $0xFFFF  }
0x79: {  	_ =	shalt  }

// kernel: kernel.25.cloned.1.call-start
scs
__scs_entry_jumppad:
0x0: {  	(pc) =	sbr.rel $0x88, $3  }
0x1: {  	(tag) =	ssettag $0x0;
	lr =	simm.s32 $0x1  }
0x2: {  	[smem:$0x3F97] =	sst lr;
	_ =	strace $0xD0000000  }
0x3: {  	_ = 	snop  }
0x4: {  	_ = 	snop  }
0x5: {  	_ = 	snop  }
0x6: {  	_ = 	snop  }
0x7: {  	_ = 	snop  }
__scs_overlays_trampoline_lowered:
0x8: {  	[smem:$0x3FA6] =	sst s0  }
0x9: {  	[smem:$0x3FA7] =	sst s1  }
0xa: {  	[smem:$0x3FA8] =	sst s2  }
0xb: {  	[smem:$0x3FA9] =	sst s3  }
0xc: {  	[smem:$0x3FAA] =	sst s4  }
0xd: {  	[smem:$0x3FAB] =	sst s5  }
0xe: {  	[smem:$0x3FAC] =	sst s6  }
0xf: {  	[smem:$0x3FAD] =	sst s7  }
0x10: {  	[smem:$0x3FAE] =	sst s8  }
0x11: {  	[smem:$0x3FAF] =	sst s9;
	s0 =	simm.s32 @!p0 $0x0  }
0x12: {  	s1 =	sld [smem:$0x3F95];
	s0 =	simm.s32 @p0 $0x1  }
0x13: {  	[smem:$0x3FB0] =	sst s0;
	s0 =	simm.s32 @!p1 $0x0  }
0x14: {  	s2 =	sld [smem:$0x3F94];
	s0 =	simm.s32 @p1 $0x1  }
0x15: {  	[smem:$0x3FB1] =	sst s0;
	s0 =	simm.s32 @!p2 $0x0  }
0x16: {  	s3 =	sld [smem:$0x3FDB];
	s0 =	simm.s32 @p2 $0x1  }
0x17: {  	s4 =	simm.s32 $0x1BF5;
	[smem:$0x3FB3] =	sst s0  }
0x18: {  	s0 =	sld [smem:$0x3F96];
	_ =	swait.ge [sflag:s4], $0x0  }
0x19: {  	s7 =	sld [smem:$0x3F97]  }
0x1a: {  	s8 =	sadd.s32 $0xFFFFE003, lr  }
0x1b: {  	s9 =	sadd.s32 $0xFFFFFEF7, lr;
	s5 =	simm.s32 $0xFFFFFFFF;
	p2 =	slt.u32 s8, $0xFFFFF086  }
0x1c: {  	p1 =	slt.u32 s9, $0xF7A;
	s5 =	simm.s32 @!p2 $0x0  }
0x1d: {  	s5 =	simm.s32 @p1 $0x1;
	p0 =	seq.s32 s7, s2  }
0x1e: {  	s7 =	smul.u32 @!p0 $0xF7A, s2;
	p2 =	seq.s32 @!p0 s5, $0x0  }
0x1f: {  	s9 =	smul.u32 $0xF7A, s1;
	s8 =	simm.s32 @!p0 $0x1BF5;
	p2 =	por !p2, p0  }
0x20: {  	[sflag:s8] =	ssyncset.s32 @!p0 $0xFFFFF086;
	s6 =	sadd.s32 @!p0 s3, s7;
	s7 =	simm.s32 @!p0 $0x108  }
0x21: {  	s3 =	sadd.s32 s3, s9;
	s6 =	sadd.s32 @!p0 $0x88, s6;
	s7 =	simm.s32 @p2 $0x1082  }
0x22: {  	[simem:s7], [sflag:s8] =	dma.local @!p0 [hbm:s6], $0xF7A  }
0x23: {  	s9 =	sor.u32 $0xD0000000, s2;
	s6 =	simm.s32 $0x108;
	_ =	swait.ge @!p0 [sflag:s8], $0x0  }
0x24: {  	s3 =	sadd.s32 $0x88, s3;
	s6 =	simm.s32 @!p1 $0x1082;
	[sflag:s4] =	ssyncset.s32 $0xFFFFF086  }
0x25: {  	[simem:s6], [sflag:s4] =	dma.local [hbm:s3], $0xF7A  }
0x26: {  	[smem:$0x3F97] =	sst s1;
	(tag) =	ssettag s2;
	_ =	strace s9  }
0x27: {  	s1 =	sld [smem:$0x3FA7]  }
0x28: {  	s2 =	sld [smem:$0x3FA8]  }
0x29: {  	s4 =	sld [smem:$0x3FAA]  }
0x2a: {  	p0 =	seq.s32 s5, $0x0;
	s5 =	sld [smem:$0x3FAB]  }
0x2b: {  	s6 =	sld [smem:$0x3FAC]  }
0x2c: {  	s7 =	sld [smem:$0x3FAD]  }
0x2d: {  	s3 =	simm.s32 $0x108;
	s8 =	sld [smem:$0x3FAE]  }
0x2e: {  	s3 =	simm.s32 @!p0 $0x1082;
	s9 =	sld [smem:$0x3FAF]  }
0x2f: {  	lr =	sadd.s32 s0, s3;
	s0 =	sld [smem:$0x3FA6]  }
0x30: {  	s3 =	sld [smem:$0x3FA9]  }
0x31: {  	[smem:$0x3FB2] =	sst s10  }
0x32: {  	s10 =	sld [smem:$0x3FB0];
	_ =	sdelay $0x3  }
0x33: {  	p0 =	seq.s32 s10, $0x1;
	s10 =	sld [smem:$0x3FB2];
	_ =	sdelay $0x3  }
0x34: {  	[smem:$0x3FB2] =	sst s10  }
0x35: {  	s10 =	sld [smem:$0x3FB1];
	_ =	sdelay $0x3  }
0x36: {  	p1 =	seq.s32 s10, $0x1;
	s10 =	sld [smem:$0x3FB2];
	_ =	sdelay $0x3  }
0x37: {  	[smem:$0x3FB2] =	sst s10  }
0x38: {  	s10 =	sld [smem:$0x3FB3]  }
0x39: {  	_ = 	snop;
	(pc) =	sbr.ind lr, $3  }
0x3a: {  	_ = 	snop  }
0x3b: {  	_ = 	snop  }
0x3c: {  	p2 =	seq.s32 s10, $0x1;
	s10 =	sld [smem:$0x3FB2]  }
0x3d: {  	_ =	shalt  }
0x3e: {  	_ =	shalt  }
0x3f: {  	_ =	shalt  }
0x40: {  	_ =	shalt  }
0x41: {  	_ =	shalt  }
0x42: {  	_ =	shalt  }
0x43: {  	_ =	shalt  }
0x44: {  	_ =	shalt  }
0x45: {  	_ =	shalt  }
0x46: {  	_ =	shalt  }
0x47: {  	_ =	shalt  }
0x48: {  	_ =	shalt  }
0x49: {  	_ =	shalt  }
0x4a: {  	_ =	shalt  }
0x4b: {  	_ =	shalt  }
0x4c: {  	_ =	shalt  }
0x4d: {  	_ =	shalt  }
0x4e: {  	_ =	shalt  }
0x4f: {  	_ =	shalt  }
0x50: {  	_ =	shalt  }
0x51: {  	_ =	shalt  }
0x52: {  	_ =	shalt  }
0x53: {  	_ =	shalt  }
0x54: {  	_ =	shalt  }
0x55: {  	_ =	shalt  }
0x56: {  	_ =	shalt  }
0x57: {  	_ =	shalt  }
0x58: {  	_ =	shalt  }
0x59: {  	_ =	shalt  }
0x5a: {  	_ =	shalt  }
0x5b: {  	_ =	shalt  }
0x5c: {  	_ =	shalt  }
0x5d: {  	_ =	shalt  }
0x5e: {  	_ =	shalt  }
0x5f: {  	_ =	shalt  }
0x60: {  	_ =	shalt  }
0x61: {  	_ =	shalt  }
0x62: {  	_ =	shalt  }
0x63: {  	_ =	shalt  }
0x64: {  	_ =	shalt  }
0x65: {  	_ =	shalt  }
0x66: {  	_ =	shalt  }
0x67: {  	_ =	shalt  }
0x68: {  	_ =	shalt  }
0x69: {  	_ =	shalt  }
0x6a: {  	_ =	shalt  }
0x6b: {  	_ =	shalt  }
0x6c: {  	_ =	shalt  }
0x6d: {  	_ =	shalt  }
0x6e: {  	_ =	shalt  }
0x6f: {  	_ =	shalt  }
0x70: {  	_ =	shalt  }
0x71: {  	_ =	shalt  }
0x72: {  	_ =	shalt  }
0x73: {  	_ =	shalt  }
0x74: {  	_ =	shalt  }
0x75: {  	_ =	shalt  }
0x76: {  	_ =	shalt  }
0x77: {  	_ =	shalt  }
0x78: {  	_ =	shalt  }
0x79: {  	_ =	shalt  }
0x7a: {  	_ =	shalt  }
0x7b: {  	_ =	shalt  }
0x7c: {  	_ =	shalt  }
0x7d: {  	_ =	shalt  }
0x7e: {  	_ =	shalt  }
0x7f: {  	_ =	shalt  }
0x80: {  	_ =	shalt  }
0x81: {  	_ =	shalt  }
0x82: {  	_ =	shalt  }
0x83: {  	_ =	shalt  }
0x84: {  	_ =	shalt  }
0x85: {  	_ =	shalt  }
0x86: {  	_ =	shalt  }
0x87: {  	_ =	shalt  }
.Lfunc_end0:
.L_simem_size_0:
called_computation.3_lowered:
.L_overlay_start_0:
0x88: {  	s2 =	sld [smem:$0x3FD9]  }
0x89: {  	s3 =	sld [smem:$0x3FFE];
	_ =	sdelay $0x1  }
0x8a: {  	s1 =	srdreg.scid  }
0x8b: {  	s0 =	sand.u32 $0x1, s1  }
0x8c: {  	s17 =	sshll.u32 s0, $0xA;
	s2 =	sadd.s32 s3, s2  }
0x8d: {  	s2 =	sadd.s32 s2, s17  }
0x8e: {  	[smem:$0x3FBE] =	sst s2  }
0x8f: {  	_ = 	snop  }
0x90: {  	(tm) =	ssettm $0x1  }
0x91: {  	s18 =	sld [smem:$0x3FFB];
	_ =	sdelay $0x3  }
0x92: {  	_ =	strace s18  }
0x93: {  	s2 =	sld [smem:$0x3FFC];
	_ =	sdelay $0x3  }
0x94: {  	_ =	strace s2  }
0x95: {  	s2 =	sld [smem:$0x3FFD];
	_ =	sdelay $0x3  }
0x96: {  	_ =	strace s2  }
0x97: {  	_ =	strace $0x8FFFFFFF  }
0x98: {  	s19 =	sld [smem:$0x3FDB];
	_ =	sdelay $0x1  }
0x99: {  	s20 =	simm.s32 $_scs_section_size  }
0x9a: {  	s4 =	simm.s32 $_size__tile_overlayer_lowered;
	s5 =	simm.s32 $_tile_overlayer_lowered  }
0x9b: {  	s6 =	simm.s32 $0x1BFF;
	s21 =	sshll.u32 s5, $0x1;
	s3 =	sadd.s32 s20, s19  }
0x9c: {  	s22 =	simm.s32 $0x0;
	s4 =	sshll.u32 s4, $0x1;
	s5 =	sadd.s32 s21, s3  }
0x9d: {  	[timem:s22], [sflag:s6] =	dma.local [hbm:s5], s4  }
0x9e: {  	_ =	swait.ge [sflag:s6], s4  }
0x9f: {  	s4 =	ssub.s32 $0x0, s4;
	[sflag:s6] =	ssyncset.done $0x0  }
0xa0: {  	[sflag:s6] =	ssyncadd.s32 s4;
	_ =	sdelay $0x1  }
0xa1: {  	s23 =	simm.s32 $0x1B8B  }
0xa2: {  	_ =	swait.ge [sflag:s23], $0x1  }
0xa3: {  	[sflag:s23] =	ssyncset.done $0x0  }
0xa4: {  	[sflag:s23] =	ssyncadd.s32 $0xFFFFFFFF  }
0xa5: {  	s4 =	sld [smem:$0x0]  }
0xa6: {  	s5 =	sand.u32 $0xFFFFFFFE, s1  }
0xa7: {  	p0 =	sne.s32 s1, s5  }
0xa8: {  	s5 =	sshll.u32 @p0 s5, $0xE  }
0xa9: {  	s5 =	sadd.s32 @p0 $0x11B8D, s5;
	s6 =	sshll.u32 @p0 s4, $0x11  }
0xaa: {  	s5 =	sor.u32 @p0 s6, s5  }
0xab: {  	[sflag:s5] =	ssyncadd.remote.s32 @p0 $0x1;
	_ =	sdelay $0x1  }
0xac: {  	s5 =	simm.s32 @p0 $0x1B8D  }
0xad: {  	_ =	swait.eq @p0 [sflag:s5], $0x1  }
0xae: {  	[sflag:s5] =	ssyncadd.s32 @p0 $0xFFFFFFFF  }
0xaf: {  	s6 =	sshll.u32 @!p0 s1, $0xE  }
0xb0: {  	s6 =	sor.u32 @!p0 $0x4000, s6;
	s5 =	simm.s32 @!p0 $0x1B8D  }
0xb1: {  	s4 =	sshll.u32 @!p0 s4, $0x11;
	s6 =	sadd.s32 @!p0 $0x11B8D, s6;
	_ =	swait.eq @!p0 [sflag:s5], $0x1  }
0xb2: {  	s4 =	sor.u32 @!p0 s4, s6;
	[sflag:s5] =	ssyncadd.s32 @!p0 $0xFFFFFFFF  }
0xb3: {  	s25 =	simm.s32 $0x1B8E;
	s24 =	sld [smem:$0x3FFE];
	[sflag:s4] =	ssyncadd.remote.s32 @!p0 $0x1  }
0xb4: {  	s26 =	simm.s32 $execute0_lowered;
	[smem:$0x3FD2] =	sst s25  }
0xb5: {  	s5 =	sshll.u32 s26, $0x1;
	_ =	strace $0x8000004C;
	[dreg:$0x1] =	wrdreg $0xFFFFFFFF  }
0xb6: {  	s28 =	simm.s32 $_size_execute0_lowered;
	s3 =	sadd.s32 s3, s5;
	[dreg:$0x0] =	wrdreg $0x0  }
0xb7: {  	s5 =	sshll.u32 s28, $0x1;
	[dreg:$0x2] =	wrdreg s3  }
0xb8: {  	[dreg:$0x3] =	wrdreg s5  }
0xb9: {  	[dreg:$0x4] =	wrdreg $0xC0  }
0xba: {  	_ =	task [dreg:s22], $0x5FFFF  }
0xbb: {  	[dreg:$0x1] =	wrdreg $0xFFFFFFFF  }
0xbc: {  	[dreg:$0x0] =	wrdreg $0x60  }
0xbd: {  	[dreg:$0x2] =	wrdreg s24  }
0xbe: {  	[dreg:$0x3] =	wrdreg $0x9F800  }
0xbf: {  	[dreg:$0x4] =	wrdreg $0xA  }
0xc0: {  	_ =	task.clear_ibuf [dreg:s22], $0x5FFFF;
	_ =	strace $0x9000004C  }
0xc1: {  	s29 =	simm.s32 $0xA;
	_ =	strace $0x8000004E  }
0xc2: {  	_ =	swait.ge [sflag:s29], $0x1  }
0xc3: {  	[sflag:s29] =	ssyncadd.s32 $0xFFFFFFFF  }
0xc4: {  	_ =	strace $0x9000004E  }
0xc5: {  	_ =	sfence  }
0xc6: {  	s30 =	sld [smem:$0x0];
	_ =	sdelay $0x2  }
0xc7: {  	s31 =	sshll.u32 s1, $0xD;
	s1 =	sshrl.u32 s1, $0x2  }
0xc8: {  	s4 =	sand.u32 $0x4000, s31;
	s1 =	sadd.s32 s1, s30  }
0xc9: {  	s0 =	sor.u32 s4, s0;
	s1 =	sshll.u32 s1, $0x11  }
0xca: {  	s0 =	sor.u32 s1, s0  }
0xcb: {  	s0 =	sadd.s32 $0x8F2B, s0  }
0xcc: {  	[sflag:s0] =	ssyncadd.remote.s32 $0x1  }
0xcd: {  	_ =	sfence.sel $0xFFFF  }
0xce: {  	[dreg:$0x0] =	wrdreg $0xFFFFFFFF;
	(pc) =	sbr.abs _section_cstart, $3  }
0xcf: {  	[dreg:$0x1] =	wrdreg $0xFFFFFFFF  }
0xd0: {  	_ =	task.clear_ibuf [dreg:s22], $0x2FFFF;
	_ =	strace $0x9FFFFFFF  }
0xd1: {  	(tm) =	ssettm $0x7FFFFFFF  }
tec
execute0_lowered:
.L_overlay_start_1:
0x0: {  	(tag) =	ssettag $0x1  }
0x1: {  	s6 =	rddreg [dreg:$0x0];
	s0 =	srdreg.scid  }
0x2: {  	s2 =	rddreg [dreg:$0x1];
	s1 =	stileid.u32  }
0x3: {  	s3 =	simm.s32 $0x0;
	s17 =	simm.s32 $0x4E80;
	s18 =	simm.s32 $0x50  }
0x4: {  	s19 =	simm.s32 $0x4F80;
	s20 =	simm.s32 $0x4F00;
	s21 =	simm.s32 $0x7780  }
0x5: {  	s22 =	simm.s32 $0x1;
	s23 =	simm.s32 $0x2;
	s5 =	smul.u32 $0x4E20, s1  }
0x6: {  	s7 =	sand.u32 $0x1, s0;
	s0 =	rddreg [dreg:$0x2];
	s8 =	smul.u32 $0x2800, s1  }
0x7: {  	s24 =	simm.s32 $0x0;
	[smem:$0x7FF] =	sst s3;
	s12 =	smul.u32 $0x50000, s1  }
0x8: {  	s30 =	sshll.u32 s1, $0x6;
	s4 =	smul.u32 $0x4E200, s7;
	_ =	strace $0x8000004D  }
0x9: {  	s10 =	smul.u32 $0x28000, s7;
	s7 =	ssub.s32 $0x2, s7;
	s13 =	sadd.s32 s8, s6  }
0xa: {  	s26 =	sshrl.u32 s7, $0x1;
	s28 =	sshrl.u32 s12, $0x2;
	s14 =	sadd.s32 s5, s4  }
0xb: {  	s4 =	sadd.s32 $0x143C00, s6;
	s5 =	sadd.s32 $0x40E00, s6;
	s8 =	sadd.s32 s8, s10  }
0xc: {  	s29 =	ssub.s32 s7, s26;
	s16 =	sadd.s32 s28, s2;
	s7 =	sor.u32 $0x1C03, s30  }
0xd: {  	s9 =	sshrl.u32 s14, $0x3;
	s15 =	sadd.s32 s8, s6;
	s31 =	sadd.s32 $0xF0, s14  }
0xe: {  	s12 =	smax.u32 s29, $0x1;
	s14 =	sadd.s32 $0xA0, s14;
	s11 =	sadd.s32 s9, s6  }
0xf: {  	s6 =	sadd.s32 $0xCBC00, s13;
	s8 =	sadd.s32 s5, s9;
	s13 =	sshrl.u32 s31, $0x3  }
0x10: {  	s9 =	sadd.s32 $0x2D400, s11;
	s10 =	sadd.s32 $0xA, s8;
	s11 =	sadd.s32 $0x193C00, s15  }
0x11: {  	s13 =	sadd.s32 s13, s5;
	s15 =	sshrl.u32 s16, $0x3;
	s16 =	simm.s32 $0x3  }
.LBB2_1:
0x12: {  	[spmem:s15], [sflag:s7] =	dma.local [hbm:s6], $0x2800  }
0x13: {  	_ =	swait.ge [sflag:s16], $0x2800  }
0x14: {  	[sflag:s16] =	ssyncset.done $0x0  }
0x15: {  	[sflag:s16] =	ssyncadd.s32 $0xFFFFD800  }
0x16: {  	[tilespmem:s3], [sflag:$0x3] =	stream.linear.gather [hbm4b:s9+s3], $0x4E20, $0x38;
	[tilespmem:$0x1DF80] =	vst v63  }
0x17: {  	_ =	swait.ge [sflag:s16], $0x4E20  }
0x18: {  	[sflag:s16] =	ssyncset.done $0x0  }
0x19: {  	[sflag:s16] =	ssyncadd.s32 $0xFFFFB1E0  }
0x1a: {  	[bflag:$0x0] =	sbarrier.arrive $0xFFFF  }
0x1b: {  	[tilespmem:s17], [sflag:$0x3] =	stream.linear.gather [hbm4b:s8+s3], $0x50, $0x38;
	[tilespmem:$0x1DF80] =	vst v63  }
0x1c: {  	_ =	swait.ge [sflag:s16], $0x50  }
0x1d: {  	[sflag:s16] =	ssyncset.done $0x0  }
0x1e: {  	[sflag:s16] =	ssyncadd.s32 $0xFFFFFFB0  }
0x1f: {  	[tilespmem:s19], [sflag:$0x1] =	stream.indirect.gather [hbm4b:s4+s18], $0x80, s3, s18, $0xb8;
	[tilespmem:$0x1DF80] =	vst v63  }
0x20: {  	_ = 	snop  }
0x21: {  	[tilespmem:s20], [sflag:$0x3] =	stream.linear.gather [hbm4b:s10+s3], $0x50, $0x38;
	[tilespmem:$0x1DF80] =	vst v63  }
0x22: {  	_ =	swait.ge [sflag:s16], $0x50  }
0x23: {  	[sflag:s16] =	ssyncset.done $0x0  }
0x24: {  	[sflag:s16] =	ssyncadd.s32 $0xFFFFFFB0  }
0x25: {  	[tilespmem:s21], [sflag:$0x2] =	stream.indirect.gather [hbm4b:s4+s18], $0x80, s18, s18, $0xb8;
	[tilespmem:$0x1DF80] =	vst v63  }
0x26: {  	_ =	swait.ge [sflag:s22], $0x2800  }
0x27: {  	[sflag:s22] =	ssyncset.done $0x0  }
0x28: {  	[sflag:s22] =	ssyncadd.s32 $0xFFFFD800  }
0x29: {  	[spmem:s2] =	stream.indirect.scatter.add.f32 [tilespmem:s19], [sflag:$0x3], $0x80, s17, s18, $0xb8;
	[tilespmem:$0x1DF80] =	vst v63  }
0x2a: {  	_ =	swait.ge [sflag:s16], $0x2800  }
0x2b: {  	s25 =	sshrl.u32 s14, $0x3;
	[sflag:s16] =	ssyncset.done $0x0  }
0x2c: {  	s25 =	sadd.s32 s5, s25;
	[sflag:s16] =	ssyncadd.s32 $0xFFFFD800  }
0x2d: {  	[tilespmem:s17], [sflag:$0x3] =	stream.linear.gather [hbm4b:s25+s3], $0x50, $0x38;
	[tilespmem:$0x1DF80] =	vst v63  }
0x2e: {  	_ =	swait.ge [sflag:s16], $0x50  }
0x2f: {  	[sflag:s16] =	ssyncset.done $0x0  }
0x30: {  	s30 =	simm.s32 $0xA0;
	[sflag:s16] =	ssyncadd.s32 $0xFFFFFFB0  }
0x31: {  	[tilespmem:s19], [sflag:$0x1] =	stream.indirect.gather [hbm4b:s4+s18], $0x80, s30, s18, $0xb8;
	[tilespmem:$0x1DF80] =	vst v63  }
0x32: {  	_ =	swait.ge [sflag:s23], $0x2800  }
0x33: {  	[sflag:s23] =	ssyncset.done $0x0  }
0x34: {  	[sflag:s23] =	ssyncadd.s32 $0xFFFFD800  }
0x35: {  	[spmem:s2] =	stream.indirect.scatter.add.f32 [tilespmem:s21], [sflag:$0x3], $0x80, s20, s18, $0xb8;
	[tilespmem:$0x1DF80] =	vst v63  }
0x36: {  	_ =	swait.ge [sflag:s16], $0x2800  }
0x37: {  	[sflag:s16] =	ssyncset.done $0x0  }
0x38: {  	s31 =	sadd.s32 $0x0, s13;
	[sflag:s16] =	ssyncadd.s32 $0xFFFFD800  }
0x39: {  	[tilespmem:s20], [sflag:$0x3] =	stream.linear.gather [hbm4b:s31+s3], $0x50, $0x38;
	[tilespmem:$0x1DF80] =	vst v63  }
0x3a: {  	_ =	swait.ge [sflag:s16], $0x50  }
0x3b: {  	s26 =	simm.s32 $0x14;
	s28 =	simm.s32 $0x190;
	[sflag:s16] =	ssyncset.done $0x0  }
0x3c: {  	s29 =	sadd.s32 $0xA0, s14;
	s25 =	simm.s32 $0xF0;
	[sflag:s16] =	ssyncadd.s32 $0xFFFFFFB0  }
.LBB2_2:
0x3d: {  	[tilespmem:s21], [sflag:$0x2] =	stream.indirect.gather [hbm4b:s4+s18], $0x80, s25, s18, $0xb8;
	[tilespmem:$0x1DF80] =	vst v63  }
0x3e: {  	s30 =	smov.u32 s26;
	s25 =	smov.u32 s28  }
0x3f: {  	p0 =	sne.s32 s26, $0x99C;
	s26 =	sadd.s32 $0x14, s26;
	_ =	swait.ge [sflag:s22], $0x2800  }
0x40: {  	[sflag:s22] =	ssyncset.done $0x0  }
0x41: {  	[sflag:s22] =	ssyncadd.s32 $0xFFFFD800  }
0x42: {  	[spmem:s2] =	stream.indirect.scatter.add.f32 [tilespmem:s19], [sflag:$0x3], $0x80, s17, s18, $0xb8;
	[tilespmem:$0x1DF80] =	vst v63  }
0x43: {  	_ =	swait.ge [sflag:s16], $0x2800  }
0x44: {  	s31 =	sshrl.u32 s29, $0x3;
	[sflag:s16] =	ssyncset.done $0x0  }
0x45: {  	s31 =	sadd.s32 s5, s31;
	[sflag:s16] =	ssyncadd.s32 $0xFFFFD800  }
0x46: {  	[tilespmem:s17], [sflag:$0x3] =	stream.linear.gather [hbm4b:s31+s3], $0x50, $0x38;
	[tilespmem:$0x1DF80] =	vst v63  }
0x47: {  	_ =	swait.ge [sflag:s16], $0x50  }
0x48: {  	[sflag:s16] =	ssyncset.done $0x0  }
0x49: {  	s31 =	sadd.s32 $0xFFFFFFB0, s28;
	[sflag:s16] =	ssyncadd.s32 $0xFFFFFFB0  }
0x4a: {  	[tilespmem:s19], [sflag:$0x1] =	stream.indirect.gather [hbm4b:s4+s18], $0x80, s31, s18, $0xb8;
	[tilespmem:$0x1DF80] =	vst v63  }
0x4b: {  	_ =	swait.ge [sflag:s23], $0x2800  }
0x4c: {  	[sflag:s23] =	ssyncset.done $0x0  }
0x4d: {  	[sflag:s23] =	ssyncadd.s32 $0xFFFFD800  }
0x4e: {  	[spmem:s2] =	stream.indirect.scatter.add.f32 [tilespmem:s21], [sflag:$0x3], $0x80, s20, s18, $0xb8;
	[tilespmem:$0x1DF80] =	vst v63  }
0x4f: {  	_ =	swait.ge [sflag:s16], $0x2800  }
0x50: {  	[sflag:s16] =	ssyncset.done $0x0  }
.Ltmp0:
0x51: {  	s30 =	sadd.s32 s30, s13;
	[sflag:s16] =	ssyncadd.s32 $0xFFFFD800;
	(pc) =	sbr.rel @p0 .LBB2_2-.Ltmp0, $4  }
0x52: {  	[tilespmem:s20], [sflag:$0x3] =	stream.linear.gather [hbm4b:s30+s3], $0x50, $0x38;
	[tilespmem:$0x1DF80] =	vst v63  }
0x53: {  	_ =	swait.ge [sflag:s16], $0x50  }
0x54: {  	[sflag:s16] =	ssyncset.done $0x0  }
0x55: {  	s29 =	sadd.s32 $0xA0, s29;
	s28 =	sadd.s32 $0xA0, s28;
	[sflag:s16] =	ssyncadd.s32 $0xFFFFFFB0  }
0x56: {  	[tilespmem:s21], [sflag:$0x2] =	stream.indirect.gather [hbm4b:s4+s18], $0x80, s25, s18, $0xb8;
	[tilespmem:$0x1DF80] =	vst v63  }
0x57: {  	_ =	swait.ge [sflag:s22], $0x2800  }
0x58: {  	[sflag:s22] =	ssyncset.done $0x0  }
0x59: {  	[sflag:s22] =	ssyncadd.s32 $0xFFFFD800  }
0x5a: {  	[spmem:s2] =	stream.indirect.scatter.add.f32 [tilespmem:s19], [sflag:$0x3], $0x80, s17, s18, $0xb8;
	[tilespmem:$0x1DF80] =	vst v63  }
0x5b: {  	_ =	swait.ge [sflag:s16], $0x2800  }
0x5c: {  	[sflag:s16] =	ssyncset.done $0x0  }
0x5d: {  	[sflag:s16] =	ssyncadd.s32 $0xFFFFD800  }
0x5e: {  	_ =	swait.ge [sflag:s23], $0x2800  }
0x5f: {  	[sflag:s23] =	ssyncset.done $0x0  }
0x60: {  	[sflag:s23] =	ssyncadd.s32 $0xFFFFD800  }
0x61: {  	[spmem:s2] =	stream.indirect.scatter.add.f32 [tilespmem:s21], [sflag:$0x3], $0x80, s20, s18, $0xb8;
	[tilespmem:$0x1DF80] =	vst v63  }
0x62: {  	_ =	swait.ge [sflag:s16], $0x2800  }
0x63: {  	s24 =	sadd.s32 $0x1, s24;
	[sflag:s16] =	ssyncset.done $0x0  }
0x64: {  	p0 =	sne.s32 s24, s12;
	[sflag:s16] =	ssyncadd.s32 $0xFFFFD800  }
.Ltmp1:
0x65: {  	[bflag:$0x0] =	sbarrier.arrive $0xFFFF;
	(pc) =	sbr.rel @p0 .LBB2_1-.Ltmp1, $4  }
0x66: {  	[hbm:s11], [sflag:s7] =	dma.local [spmem:s15], $0x2800  }
0x67: {  	_ =	swait.ge [sflag:s16], $0x2800  }
0x68: {  	[sflag:s16] =	ssyncset.done $0x0  }
0x69: {  	[sflag:s16] =	ssyncadd.s32 $0xFFFFD800  }
0x6a: {  	_ =	sfence.sel $0x180000  }
0x6b: {  	[bflag:$0x0] =	sbarrier.arrive $0xFFFF  }
0x6c: {  	p0 =	sne.s32 s1, $0x0;
	_ =	strace $0x9000004D  }
0x6d: {  	s0 =	sadd.s32 @!p0 $0x100000, s0;
	[bflag:$0x2] =	sbarrier.arrive $0xFFFF  }
0x6e: {  	[sflag:s0] =	ssyncadd.tile.s32 @!p0 $0x1;
	_ =	shalt  }
.Lfunc_end2:
_tile_overlayer_lowered:
.L_overlay_start_2:
0x6f: {  	(tag) =	ssettag $0x2  }
0x70: {  	s0 =	rddreg [dreg:$0x0];
	s2 =	stileid.u32  }
0x71: {  	s1 =	rddreg [dreg:$0x1];
	p0 =	sne.s32 s2, $0x0  }
0x72: {  	s3 =	rddreg [dreg:$0x2];
	[bflag:$0x3] =	sbarrier.arrive $0xFFFF;
	s2 =	simm.s32 @!p0 $0x1C03  }
0x73: {  	[timem:s3], [sflag:s2] =	dma.local @!p0 [hbm:s0], s1  }
0x74: {  	s0 =	simm.s32 @!p0 $0x3  }
0x75: {  	_ =	swait.ge @!p0 [sflag:s0], s1  }
0x76: {  	s1 =	ssub.s32 @!p0 $0x0, s1;
	[sflag:s0] =	ssyncset.done @!p0 $0x0  }
0x77: {  	[sflag:s0] =	ssyncadd.s32 @!p0 s1  }
0x78: {  	[bflag:$0x3] =	sbarrier.arrive $0xFFFF  }
0x79: {  	_ =	shalt  }

// kernel: kernel.28.cloned.1.call-start
scs
__scs_entry_jumppad:
0x0: {  	(pc) =	sbr.rel $0x88, $3  }
0x1: {  	(tag) =	ssettag $0x0;
	lr =	simm.s32 $0x1  }
0x2: {  	[smem:$0x3F97] =	sst lr;
	_ =	strace $0xD0000000  }
0x3: {  	_ = 	snop  }
0x4: {  	_ = 	snop  }
0x5: {  	_ = 	snop  }
0x6: {  	_ = 	snop  }
0x7: {  	_ = 	snop  }
__scs_overlays_trampoline_lowered:
0x8: {  	[smem:$0x3FA6] =	sst s0  }
0x9: {  	[smem:$0x3FA7] =	sst s1  }
0xa: {  	[smem:$0x3FA8] =	sst s2  }
0xb: {  	[smem:$0x3FA9] =	sst s3  }
0xc: {  	[smem:$0x3FAA] =	sst s4  }
0xd: {  	[smem:$0x3FAB] =	sst s5  }
0xe: {  	[smem:$0x3FAC] =	sst s6  }
0xf: {  	[smem:$0x3FAD] =	sst s7  }
0x10: {  	[smem:$0x3FAE] =	sst s8  }
0x11: {  	[smem:$0x3FAF] =	sst s9;
	s0 =	simm.s32 @!p0 $0x0  }
0x12: {  	s1 =	sld [smem:$0x3F95];
	s0 =	simm.s32 @p0 $0x1  }
0x13: {  	[smem:$0x3FB0] =	sst s0;
	s0 =	simm.s32 @!p1 $0x0  }
0x14: {  	s2 =	sld [smem:$0x3F94];
	s0 =	simm.s32 @p1 $0x1  }
0x15: {  	[smem:$0x3FB1] =	sst s0;
	s0 =	simm.s32 @!p2 $0x0  }
0x16: {  	s3 =	sld [smem:$0x3FDB];
	s0 =	simm.s32 @p2 $0x1  }
0x17: {  	s4 =	simm.s32 $0x1BF5;
	[smem:$0x3FB3] =	sst s0  }
0x18: {  	s0 =	sld [smem:$0x3F96];
	_ =	swait.ge [sflag:s4], $0x0  }
0x19: {  	s7 =	sld [smem:$0x3F97]  }
0x1a: {  	s8 =	sadd.s32 $0xFFFFE003, lr  }
0x1b: {  	s9 =	sadd.s32 $0xFFFFFEF7, lr;
	s5 =	simm.s32 $0xFFFFFFFF;
	p2 =	slt.u32 s8, $0xFFFFF086  }
0x1c: {  	p1 =	slt.u32 s9, $0xF7A;
	s5 =	simm.s32 @!p2 $0x0  }
0x1d: {  	s5 =	simm.s32 @p1 $0x1;
	p0 =	seq.s32 s7, s2  }
0x1e: {  	s7 =	smul.u32 @!p0 $0xF7A, s2;
	p2 =	seq.s32 @!p0 s5, $0x0  }
0x1f: {  	s9 =	smul.u32 $0xF7A, s1;
	s8 =	simm.s32 @!p0 $0x1BF5;
	p2 =	por !p2, p0  }
0x20: {  	[sflag:s8] =	ssyncset.s32 @!p0 $0xFFFFF086;
	s6 =	sadd.s32 @!p0 s3, s7;
	s7 =	simm.s32 @!p0 $0x108  }
0x21: {  	s3 =	sadd.s32 s3, s9;
	s6 =	sadd.s32 @!p0 $0x88, s6;
	s7 =	simm.s32 @p2 $0x1082  }
0x22: {  	[simem:s7], [sflag:s8] =	dma.local @!p0 [hbm:s6], $0xF7A  }
0x23: {  	s9 =	sor.u32 $0xD0000000, s2;
	s6 =	simm.s32 $0x108;
	_ =	swait.ge @!p0 [sflag:s8], $0x0  }
0x24: {  	s3 =	sadd.s32 $0x88, s3;
	s6 =	simm.s32 @!p1 $0x1082;
	[sflag:s4] =	ssyncset.s32 $0xFFFFF086  }
0x25: {  	[simem:s6], [sflag:s4] =	dma.local [hbm:s3], $0xF7A  }
0x26: {  	[smem:$0x3F97] =	sst s1;
	(tag) =	ssettag s2;
	_ =	strace s9  }
0x27: {  	s1 =	sld [smem:$0x3FA7]  }
0x28: {  	s2 =	sld [smem:$0x3FA8]  }
0x29: {  	s4 =	sld [smem:$0x3FAA]  }
0x2a: {  	p0 =	seq.s32 s5, $0x0;
	s5 =	sld [smem:$0x3FAB]  }
0x2b: {  	s6 =	sld [smem:$0x3FAC]  }
0x2c: {  	s7 =	sld [smem:$0x3FAD]  }
0x2d: {  	s3 =	simm.s32 $0x108;
	s8 =	sld [smem:$0x3FAE]  }
0x2e: {  	s3 =	simm.s32 @!p0 $0x1082;
	s9 =	sld [smem:$0x3FAF]  }
0x2f: {  	lr =	sadd.s32 s0, s3;
	s0 =	sld [smem:$0x3FA6]  }
0x30: {  	s3 =	sld [smem:$0x3FA9]  }
0x31: {  	[smem:$0x3FB2] =	sst s10  }
0x32: {  	s10 =	sld [smem:$0x3FB0];
	_ =	sdelay $0x3  }
0x33: {  	p0 =	seq.s32 s10, $0x1;
	s10 =	sld [smem:$0x3FB2];
	_ =	sdelay $0x3  }
0x34: {  	[smem:$0x3FB2] =	sst s10  }
0x35: {  	s10 =	sld [smem:$0x3FB1];
	_ =	sdelay $0x3  }
0x36: {  	p1 =	seq.s32 s10, $0x1;
	s10 =	sld [smem:$0x3FB2];
	_ =	sdelay $0x3  }
0x37: {  	[smem:$0x3FB2] =	sst s10  }
0x38: {  	s10 =	sld [smem:$0x3FB3]  }
0x39: {  	_ = 	snop;
	(pc) =	sbr.ind lr, $3  }
0x3a: {  	_ = 	snop  }
0x3b: {  	_ = 	snop  }
0x3c: {  	p2 =	seq.s32 s10, $0x1;
	s10 =	sld [smem:$0x3FB2]  }
0x3d: {  	_ =	shalt  }
0x3e: {  	_ =	shalt  }
0x3f: {  	_ =	shalt  }
0x40: {  	_ =	shalt  }
0x41: {  	_ =	shalt  }
0x42: {  	_ =	shalt  }
0x43: {  	_ =	shalt  }
0x44: {  	_ =	shalt  }
0x45: {  	_ =	shalt  }
0x46: {  	_ =	shalt  }
0x47: {  	_ =	shalt  }
0x48: {  	_ =	shalt  }
0x49: {  	_ =	shalt  }
0x4a: {  	_ =	shalt  }
0x4b: {  	_ =	shalt  }
0x4c: {  	_ =	shalt  }
0x4d: {  	_ =	shalt  }
0x4e: {  	_ =	shalt  }
0x4f: {  	_ =	shalt  }
0x50: {  	_ =	shalt  }
0x51: {  	_ =	shalt  }
0x52: {  	_ =	shalt  }
0x53: {  	_ =	shalt  }
0x54: {  	_ =	shalt  }
0x55: {  	_ =	shalt  }
0x56: {  	_ =	shalt  }
0x57: {  	_ =	shalt  }
0x58: {  	_ =	shalt  }
0x59: {  	_ =	shalt  }
0x5a: {  	_ =	shalt  }
0x5b: {  	_ =	shalt  }
0x5c: {  	_ =	shalt  }
0x5d: {  	_ =	shalt  }
0x5e: {  	_ =	shalt  }
0x5f: {  	_ =	shalt  }
0x60: {  	_ =	shalt  }
0x61: {  	_ =	shalt  }
0x62: {  	_ =	shalt  }
0x63: {  	_ =	shalt  }
0x64: {  	_ =	shalt  }
0x65: {  	_ =	shalt  }
0x66: {  	_ =	shalt  }
0x67: {  	_ =	shalt  }
0x68: {  	_ =	shalt  }
0x69: {  	_ =	shalt  }
0x6a: {  	_ =	shalt  }
0x6b: {  	_ =	shalt  }
0x6c: {  	_ =	shalt  }
0x6d: {  	_ =	shalt  }
0x6e: {  	_ =	shalt  }
0x6f: {  	_ =	shalt  }
0x70: {  	_ =	shalt  }
0x71: {  	_ =	shalt  }
0x72: {  	_ =	shalt  }
0x73: {  	_ =	shalt  }
0x74: {  	_ =	shalt  }
0x75: {  	_ =	shalt  }
0x76: {  	_ =	shalt  }
0x77: {  	_ =	shalt  }
0x78: {  	_ =	shalt  }
0x79: {  	_ =	shalt  }
0x7a: {  	_ =	shalt  }
0x7b: {  	_ =	shalt  }
0x7c: {  	_ =	shalt  }
0x7d: {  	_ =	shalt  }
0x7e: {  	_ =	shalt  }
0x7f: {  	_ =	shalt  }
0x80: {  	_ =	shalt  }
0x81: {  	_ =	shalt  }
0x82: {  	_ =	shalt  }
0x83: {  	_ =	shalt  }
0x84: {  	_ =	shalt  }
0x85: {  	_ =	shalt  }
0x86: {  	_ =	shalt  }
0x87: {  	_ =	shalt  }
.Lfunc_end0:
.L_simem_size_0:
called_computation.4_lowered:
.L_overlay_start_0:
0x88: {  	s2 =	sld [smem:$0x3FD9]  }
0x89: {  	s3 =	sld [smem:$0x3FFE];
	_ =	sdelay $0x1  }
0x8a: {  	s1 =	srdreg.scid  }
0x8b: {  	s0 =	sand.u32 $0x1, s1  }
0x8c: {  	s17 =	sshll.u32 s0, $0xA;
	s2 =	sadd.s32 s3, s2  }
0x8d: {  	s2 =	sadd.s32 s2, s17  }
0x8e: {  	[smem:$0x3FBE] =	sst s2  }
0x8f: {  	_ = 	snop  }
0x90: {  	(tm) =	ssettm $0x1  }
0x91: {  	s18 =	sld [smem:$0x3FFB];
	_ =	sdelay $0x3  }
0x92: {  	_ =	strace s18  }
0x93: {  	s2 =	sld [smem:$0x3FFC];
	_ =	sdelay $0x3  }
0x94: {  	_ =	strace s2  }
0x95: {  	s2 =	sld [smem:$0x3FFD];
	_ =	sdelay $0x3  }
0x96: {  	_ =	strace s2  }
0x97: {  	_ =	strace $0x8FFFFFFF  }
0x98: {  	s19 =	sld [smem:$0x3FDB];
	_ =	sdelay $0x1  }
0x99: {  	s20 =	simm.s32 $_scs_section_size  }
0x9a: {  	s4 =	simm.s32 $_size__tile_overlayer_lowered;
	s5 =	simm.s32 $_tile_overlayer_lowered  }
0x9b: {  	s6 =	simm.s32 $0x1BFF;
	s21 =	sshll.u32 s5, $0x1;
	s3 =	sadd.s32 s20, s19  }
0x9c: {  	s22 =	simm.s32 $0x0;
	s4 =	sshll.u32 s4, $0x1;
	s5 =	sadd.s32 s21, s3  }
0x9d: {  	[timem:s22], [sflag:s6] =	dma.local [hbm:s5], s4  }
0x9e: {  	_ =	swait.ge [sflag:s6], s4  }
0x9f: {  	s4 =	ssub.s32 $0x0, s4;
	[sflag:s6] =	ssyncset.done $0x0  }
0xa0: {  	[sflag:s6] =	ssyncadd.s32 s4;
	_ =	sdelay $0x1  }
0xa1: {  	s23 =	simm.s32 $0x1B8B  }
0xa2: {  	_ =	swait.ge [sflag:s23], $0x1  }
0xa3: {  	[sflag:s23] =	ssyncset.done $0x0  }
0xa4: {  	[sflag:s23] =	ssyncadd.s32 $0xFFFFFFFF  }
0xa5: {  	s4 =	sld [smem:$0x0]  }
0xa6: {  	s5 =	sand.u32 $0xFFFFFFFE, s1  }
0xa7: {  	p0 =	sne.s32 s1, s5  }
0xa8: {  	s5 =	sshll.u32 @p0 s5, $0xE  }
0xa9: {  	s5 =	sadd.s32 @p0 $0x11B8D, s5;
	s6 =	sshll.u32 @p0 s4, $0x11  }
0xaa: {  	s5 =	sor.u32 @p0 s6, s5  }
0xab: {  	[sflag:s5] =	ssyncadd.remote.s32 @p0 $0x1;
	_ =	sdelay $0x1  }
0xac: {  	s5 =	simm.s32 @p0 $0x1B8D  }
0xad: {  	_ =	swait.eq @p0 [sflag:s5], $0x1  }
0xae: {  	[sflag:s5] =	ssyncadd.s32 @p0 $0xFFFFFFFF  }
0xaf: {  	s6 =	sshll.u32 @!p0 s1, $0xE  }
0xb0: {  	s6 =	sor.u32 @!p0 $0x4000, s6;
	s5 =	simm.s32 @!p0 $0x1B8D  }
0xb1: {  	s4 =	sshll.u32 @!p0 s4, $0x11;
	s6 =	sadd.s32 @!p0 $0x11B8D, s6;
	_ =	swait.eq @!p0 [sflag:s5], $0x1  }
0xb2: {  	s4 =	sor.u32 @!p0 s4, s6;
	[sflag:s5] =	ssyncadd.s32 @!p0 $0xFFFFFFFF  }
0xb3: {  	s25 =	simm.s32 $0x1B8E;
	s24 =	sld [smem:$0x3FFE];
	[sflag:s4] =	ssyncadd.remote.s32 @!p0 $0x1  }
0xb4: {  	s26 =	simm.s32 $execute0_lowered;
	[smem:$0x3FD2] =	sst s25  }
0xb5: {  	s5 =	sshll.u32 s26, $0x1;
	_ =	strace $0x80000052;
	[dreg:$0x1] =	wrdreg $0xFFFFFFFF  }
0xb6: {  	s28 =	simm.s32 $_size_execute0_lowered;
	s3 =	sadd.s32 s3, s5;
	[dreg:$0x0] =	wrdreg $0x0  }
0xb7: {  	s5 =	sshll.u32 s28, $0x1;
	[dreg:$0x2] =	wrdreg s3  }
0xb8: {  	[dreg:$0x3] =	wrdreg s5  }
0xb9: {  	[dreg:$0x4] =	wrdreg $0xC0  }
0xba: {  	_ =	task [dreg:s22], $0x5FFFF  }
0xbb: {  	[dreg:$0x1] =	wrdreg $0xFFFFFFFF  }
0xbc: {  	[dreg:$0x0] =	wrdreg $0x60  }
0xbd: {  	[dreg:$0x2] =	wrdreg s24  }
0xbe: {  	[dreg:$0x3] =	wrdreg $0x9F800  }
0xbf: {  	[dreg:$0x4] =	wrdreg $0xA  }
0xc0: {  	_ =	task.clear_ibuf [dreg:s22], $0x5FFFF;
	_ =	strace $0x90000052  }
0xc1: {  	s29 =	simm.s32 $0xA;
	_ =	strace $0x80000054  }
0xc2: {  	_ =	swait.ge [sflag:s29], $0x1  }
0xc3: {  	[sflag:s29] =	ssyncadd.s32 $0xFFFFFFFF  }
0xc4: {  	_ =	strace $0x90000054  }
0xc5: {  	_ =	sfence  }
0xc6: {  	s30 =	sld [smem:$0x0];
	_ =	sdelay $0x2  }
0xc7: {  	s31 =	sshll.u32 s1, $0xD;
	s1 =	sshrl.u32 s1, $0x2  }
0xc8: {  	s4 =	sand.u32 $0x4000, s31;
	s1 =	sadd.s32 s1, s30  }
0xc9: {  	s0 =	sor.u32 s4, s0;
	s1 =	sshll.u32 s1, $0x11  }
0xca: {  	s0 =	sor.u32 s1, s0  }
0xcb: {  	s0 =	sadd.s32 $0x8F2B, s0  }
0xcc: {  	[sflag:s0] =	ssyncadd.remote.s32 $0x1  }
0xcd: {  	_ =	sfence.sel $0xFFFF  }
0xce: {  	[dreg:$0x0] =	wrdreg $0xFFFFFFFF;
	(pc) =	sbr.abs _section_cstart, $3  }
0xcf: {  	[dreg:$0x1] =	wrdreg $0xFFFFFFFF  }
0xd0: {  	_ =	task.clear_ibuf [dreg:s22], $0x2FFFF;
	_ =	strace $0x9FFFFFFF  }
0xd1: {  	(tm) =	ssettm $0x7FFFFFFF  }
tec
execute0_lowered:
.L_overlay_start_1:
0x0: {  	(tag) =	ssettag $0x1  }
0x1: {  	s6 =	rddreg [dreg:$0x0];
	s0 =	srdreg.scid  }
0x2: {  	s2 =	rddreg [dreg:$0x1];
	s1 =	stileid.u32  }
0x3: {  	s3 =	simm.s32 $0x0;
	s17 =	simm.s32 $0x4E80;
	s18 =	simm.s32 $0x50  }
0x4: {  	s19 =	simm.s32 $0x4F80;
	s20 =	simm.s32 $0x4F00;
	s21 =	simm.s32 $0x7780  }
0x5: {  	s22 =	simm.s32 $0x1;
	s23 =	simm.s32 $0x2;
	s5 =	smul.u32 $0x4E20, s1  }
0x6: {  	s7 =	sand.u32 $0x1, s0;
	s0 =	rddreg [dreg:$0x2];
	s8 =	smul.u32 $0x2800, s1  }
0x7: {  	s24 =	simm.s32 $0x0;
	[smem:$0x7FF] =	sst s3;
	s12 =	smul.u32 $0x50000, s1  }
0x8: {  	s30 =	sshll.u32 s1, $0x6;
	s4 =	smul.u32 $0x4E200, s7;
	_ =	strace $0x80000053  }
0x9: {  	s10 =	smul.u32 $0x28000, s7;
	s7 =	ssub.s32 $0x2, s7;
	s13 =	sadd.s32 s8, s6  }
0xa: {  	s26 =	sshrl.u32 s7, $0x1;
	s28 =	sshrl.u32 s12, $0x2;
	s14 =	sadd.s32 s5, s4  }
0xb: {  	s4 =	sadd.s32 $0x143C00, s6;
	s5 =	sadd.s32 $0x40E00, s6;
	s8 =	sadd.s32 s8, s10  }
0xc: {  	s29 =	ssub.s32 s7, s26;
	s16 =	sadd.s32 s28, s2;
	s7 =	sor.u32 $0x1C03, s30  }
0xd: {  	s9 =	sshrl.u32 s14, $0x3;
	s15 =	sadd.s32 s8, s6;
	s31 =	sadd.s32 $0xF0, s14  }
0xe: {  	s12 =	smax.u32 s29, $0x1;
	s14 =	sadd.s32 $0xA0, s14;
	s11 =	sadd.s32 s9, s6  }
0xf: {  	s6 =	sadd.s32 $0xCBC00, s13;
	s8 =	sadd.s32 s5, s9;
	s13 =	sshrl.u32 s31, $0x3  }
0x10: {  	s9 =	sadd.s32 $0x2D400, s11;
	s10 =	sadd.s32 $0xA, s8;
	s11 =	sadd.s32 $0x193C00, s15  }
0x11: {  	s13 =	sadd.s32 s13, s5;
	s15 =	sshrl.u32 s16, $0x3;
	s16 =	simm.s32 $0x3  }
.LBB2_1:
0x12: {  	[spmem:s15], [sflag:s7] =	dma.local [hbm:s6], $0x2800  }
0x13: {  	_ =	swait.ge [sflag:s16], $0x2800  }
0x14: {  	[sflag:s16] =	ssyncset.done $0x0  }
0x15: {  	[sflag:s16] =	ssyncadd.s32 $0xFFFFD800  }
0x16: {  	[tilespmem:s3], [sflag:$0x3] =	stream.linear.gather [hbm4b:s9+s3], $0x4E20, $0x38;
	[tilespmem:$0x1DF80] =	vst v63  }
0x17: {  	_ =	swait.ge [sflag:s16], $0x4E20  }
0x18: {  	[sflag:s16] =	ssyncset.done $0x0  }
0x19: {  	[sflag:s16] =	ssyncadd.s32 $0xFFFFB1E0  }
0x1a: {  	[bflag:$0x0] =	sbarrier.arrive $0xFFFF  }
0x1b: {  	[tilespmem:s17], [sflag:$0x3] =	stream.linear.gather [hbm4b:s8+s3], $0x50, $0x38;
	[tilespmem:$0x1DF80] =	vst v63  }
0x1c: {  	_ =	swait.ge [sflag:s16], $0x50  }
0x1d: {  	[sflag:s16] =	ssyncset.done $0x0  }
0x1e: {  	[sflag:s16] =	ssyncadd.s32 $0xFFFFFFB0  }
0x1f: {  	[tilespmem:s19], [sflag:$0x1] =	stream.indirect.gather [hbm4b:s4+s18], $0x80, s3, s18, $0xb8;
	[tilespmem:$0x1DF80] =	vst v63  }
0x20: {  	_ = 	snop  }
0x21: {  	[tilespmem:s20], [sflag:$0x3] =	stream.linear.gather [hbm4b:s10+s3], $0x50, $0x38;
	[tilespmem:$0x1DF80] =	vst v63  }
0x22: {  	_ =	swait.ge [sflag:s16], $0x50  }
0x23: {  	[sflag:s16] =	ssyncset.done $0x0  }
0x24: {  	[sflag:s16] =	ssyncadd.s32 $0xFFFFFFB0  }
0x25: {  	[tilespmem:s21], [sflag:$0x2] =	stream.indirect.gather [hbm4b:s4+s18], $0x80, s18, s18, $0xb8;
	[tilespmem:$0x1DF80] =	vst v63  }
0x26: {  	_ =	swait.ge [sflag:s22], $0x2800  }
0x27: {  	[sflag:s22] =	ssyncset.done $0x0  }
0x28: {  	[sflag:s22] =	ssyncadd.s32 $0xFFFFD800  }
0x29: {  	[spmem:s2] =	stream.indirect.scatter.add.f32 [tilespmem:s19], [sflag:$0x3], $0x80, s17, s18, $0xb8;
	[tilespmem:$0x1DF80] =	vst v63  }
0x2a: {  	_ =	swait.ge [sflag:s16], $0x2800  }
0x2b: {  	s25 =	sshrl.u32 s14, $0x3;
	[sflag:s16] =	ssyncset.done $0x0  }
0x2c: {  	s25 =	sadd.s32 s5, s25;
	[sflag:s16] =	ssyncadd.s32 $0xFFFFD800  }
0x2d: {  	[tilespmem:s17], [sflag:$0x3] =	stream.linear.gather [hbm4b:s25+s3], $0x50, $0x38;
	[tilespmem:$0x1DF80] =	vst v63  }
0x2e: {  	_ =	swait.ge [sflag:s16], $0x50  }
0x2f: {  	[sflag:s16] =	ssyncset.done $0x0  }
0x30: {  	s30 =	simm.s32 $0xA0;
	[sflag:s16] =	ssyncadd.s32 $0xFFFFFFB0  }
0x31: {  	[tilespmem:s19], [sflag:$0x1] =	stream.indirect.gather [hbm4b:s4+s18], $0x80, s30, s18, $0xb8;
	[tilespmem:$0x1DF80] =	vst v63  }
0x32: {  	_ =	swait.ge [sflag:s23], $0x2800  }
0x33: {  	[sflag:s23] =	ssyncset.done $0x0  }
0x34: {  	[sflag:s23] =	ssyncadd.s32 $0xFFFFD800  }
0x35: {  	[spmem:s2] =	stream.indirect.scatter.add.f32 [tilespmem:s21], [sflag:$0x3], $0x80, s20, s18, $0xb8;
	[tilespmem:$0x1DF80] =	vst v63  }
0x36: {  	_ =	swait.ge [sflag:s16], $0x2800  }
0x37: {  	[sflag:s16] =	ssyncset.done $0x0  }
0x38: {  	s31 =	sadd.s32 $0x0, s13;
	[sflag:s16] =	ssyncadd.s32 $0xFFFFD800  }
0x39: {  	[tilespmem:s20], [sflag:$0x3] =	stream.linear.gather [hbm4b:s31+s3], $0x50, $0x38;
	[tilespmem:$0x1DF80] =	vst v63  }
0x3a: {  	_ =	swait.ge [sflag:s16], $0x50  }
0x3b: {  	s26 =	simm.s32 $0x14;
	s28 =	simm.s32 $0x190;
	[sflag:s16] =	ssyncset.done $0x0  }
0x3c: {  	s29 =	sadd.s32 $0xA0, s14;
	s25 =	simm.s32 $0xF0;
	[sflag:s16] =	ssyncadd.s32 $0xFFFFFFB0  }
.LBB2_2:
0x3d: {  	[tilespmem:s21], [sflag:$0x2] =	stream.indirect.gather [hbm4b:s4+s18], $0x80, s25, s18, $0xb8;
	[tilespmem:$0x1DF80] =	vst v63  }
0x3e: {  	s30 =	smov.u32 s26;
	s25 =	smov.u32 s28  }
0x3f: {  	p0 =	sne.s32 s26, $0x99C;
	s26 =	sadd.s32 $0x14, s26;
	_ =	swait.ge [sflag:s22], $0x2800  }
0x40: {  	[sflag:s22] =	ssyncset.done $0x0  }
0x41: {  	[sflag:s22] =	ssyncadd.s32 $0xFFFFD800  }
0x42: {  	[spmem:s2] =	stream.indirect.scatter.add.f32 [tilespmem:s19], [sflag:$0x3], $0x80, s17, s18, $0xb8;
	[tilespmem:$0x1DF80] =	vst v63  }
0x43: {  	_ =	swait.ge [sflag:s16], $0x2800  }
0x44: {  	s31 =	sshrl.u32 s29, $0x3;
	[sflag:s16] =	ssyncset.done $0x0  }
0x45: {  	s31 =	sadd.s32 s5, s31;
	[sflag:s16] =	ssyncadd.s32 $0xFFFFD800  }
0x46: {  	[tilespmem:s17], [sflag:$0x3] =	stream.linear.gather [hbm4b:s31+s3], $0x50, $0x38;
	[tilespmem:$0x1DF80] =	vst v63  }
0x47: {  	_ =	swait.ge [sflag:s16], $0x50  }
0x48: {  	[sflag:s16] =	ssyncset.done $0x0  }
0x49: {  	s31 =	sadd.s32 $0xFFFFFFB0, s28;
	[sflag:s16] =	ssyncadd.s32 $0xFFFFFFB0  }
0x4a: {  	[tilespmem:s19], [sflag:$0x1] =	stream.indirect.gather [hbm4b:s4+s18], $0x80, s31, s18, $0xb8;
	[tilespmem:$0x1DF80] =	vst v63  }
0x4b: {  	_ =	swait.ge [sflag:s23], $0x2800  }
0x4c: {  	[sflag:s23] =	ssyncset.done $0x0  }
0x4d: {  	[sflag:s23] =	ssyncadd.s32 $0xFFFFD800  }
0x4e: {  	[spmem:s2] =	stream.indirect.scatter.add.f32 [tilespmem:s21], [sflag:$0x3], $0x80, s20, s18, $0xb8;
	[tilespmem:$0x1DF80] =	vst v63  }
0x4f: {  	_ =	swait.ge [sflag:s16], $0x2800  }
0x50: {  	[sflag:s16] =	ssyncset.done $0x0  }
.Ltmp0:
0x51: {  	s30 =	sadd.s32 s30, s13;
	[sflag:s16] =	ssyncadd.s32 $0xFFFFD800;
	(pc) =	sbr.rel @p0 .LBB2_2-.Ltmp0, $4  }
0x52: {  	[tilespmem:s20], [sflag:$0x3] =	stream.linear.gather [hbm4b:s30+s3], $0x50, $0x38;
	[tilespmem:$0x1DF80] =	vst v63  }
0x53: {  	_ =	swait.ge [sflag:s16], $0x50  }
0x54: {  	[sflag:s16] =	ssyncset.done $0x0  }
0x55: {  	s29 =	sadd.s32 $0xA0, s29;
	s28 =	sadd.s32 $0xA0, s28;
	[sflag:s16] =	ssyncadd.s32 $0xFFFFFFB0  }
0x56: {  	[tilespmem:s21], [sflag:$0x2] =	stream.indirect.gather [hbm4b:s4+s18], $0x80, s25, s18, $0xb8;
	[tilespmem:$0x1DF80] =	vst v63  }
0x57: {  	_ =	swait.ge [sflag:s22], $0x2800  }
0x58: {  	[sflag:s22] =	ssyncset.done $0x0  }
0x59: {  	[sflag:s22] =	ssyncadd.s32 $0xFFFFD800  }
0x5a: {  	[spmem:s2] =	stream.indirect.scatter.add.f32 [tilespmem:s19], [sflag:$0x3], $0x80, s17, s18, $0xb8;
	[tilespmem:$0x1DF80] =	vst v63  }
0x5b: {  	_ =	swait.ge [sflag:s16], $0x2800  }
0x5c: {  	[sflag:s16] =	ssyncset.done $0x0  }
0x5d: {  	[sflag:s16] =	ssyncadd.s32 $0xFFFFD800  }
0x5e: {  	_ =	swait.ge [sflag:s23], $0x2800  }
0x5f: {  	[sflag:s23] =	ssyncset.done $0x0  }
0x60: {  	[sflag:s23] =	ssyncadd.s32 $0xFFFFD800  }
0x61: {  	[spmem:s2] =	stream.indirect.scatter.add.f32 [tilespmem:s21], [sflag:$0x3], $0x80, s20, s18, $0xb8;
	[tilespmem:$0x1DF80] =	vst v63  }
0x62: {  	_ =	swait.ge [sflag:s16], $0x2800  }
0x63: {  	s24 =	sadd.s32 $0x1, s24;
	[sflag:s16] =	ssyncset.done $0x0  }
0x64: {  	p0 =	sne.s32 s24, s12;
	[sflag:s16] =	ssyncadd.s32 $0xFFFFD800  }
.Ltmp1:
0x65: {  	[bflag:$0x0] =	sbarrier.arrive $0xFFFF;
	(pc) =	sbr.rel @p0 .LBB2_1-.Ltmp1, $4  }
0x66: {  	[hbm:s11], [sflag:s7] =	dma.local [spmem:s15], $0x2800  }
0x67: {  	_ =	swait.ge [sflag:s16], $0x2800  }
0x68: {  	[sflag:s16] =	ssyncset.done $0x0  }
0x69: {  	[sflag:s16] =	ssyncadd.s32 $0xFFFFD800  }
0x6a: {  	_ =	sfence.sel $0x180000  }
0x6b: {  	[bflag:$0x0] =	sbarrier.arrive $0xFFFF  }
0x6c: {  	p0 =	sne.s32 s1, $0x0;
	_ =	strace $0x90000053  }
0x6d: {  	s0 =	sadd.s32 @!p0 $0x100000, s0;
	[bflag:$0x2] =	sbarrier.arrive $0xFFFF  }
0x6e: {  	[sflag:s0] =	ssyncadd.tile.s32 @!p0 $0x1;
	_ =	shalt  }
.Lfunc_end2:
_tile_overlayer_lowered:
.L_overlay_start_2:
0x6f: {  	(tag) =	ssettag $0x2  }
0x70: {  	s0 =	rddreg [dreg:$0x0];
	s2 =	stileid.u32  }
0x71: {  	s1 =	rddreg [dreg:$0x1];
	p0 =	sne.s32 s2, $0x0  }
0x72: {  	s3 =	rddreg [dreg:$0x2];
	[bflag:$0x3] =	sbarrier.arrive $0xFFFF;
	s2 =	simm.s32 @!p0 $0x1C03  }
0x73: {  	[timem:s3], [sflag:s2] =	dma.local @!p0 [hbm:s0], s1  }
0x74: {  	s0 =	simm.s32 @!p0 $0x3  }
0x75: {  	_ =	swait.ge @!p0 [sflag:s0], s1  }
0x76: {  	s1 =	ssub.s32 @!p0 $0x0, s1;
	[sflag:s0] =	ssyncset.done @!p0 $0x0  }
0x77: {  	[sflag:s0] =	ssyncadd.s32 @!p0 s1  }
0x78: {  	[bflag:$0x3] =	sbarrier.arrive $0xFFFF  }
0x79: {  	_ =	shalt  }

// kernel: kernel.31.cloned.1.call-start
scs
__scs_entry_jumppad:
0x0: {  	(pc) =	sbr.rel $0x88, $3  }
0x1: {  	(tag) =	ssettag $0x0;
	lr =	simm.s32 $0x1  }
0x2: {  	[smem:$0x3F97] =	sst lr;
	_ =	strace $0xD0000000  }
0x3: {  	_ = 	snop  }
0x4: {  	_ = 	snop  }
0x5: {  	_ = 	snop  }
0x6: {  	_ = 	snop  }
0x7: {  	_ = 	snop  }
__scs_overlays_trampoline_lowered:
0x8: {  	[smem:$0x3FA6] =	sst s0  }
0x9: {  	[smem:$0x3FA7] =	sst s1  }
0xa: {  	[smem:$0x3FA8] =	sst s2  }
0xb: {  	[smem:$0x3FA9] =	sst s3  }
0xc: {  	[smem:$0x3FAA] =	sst s4  }
0xd: {  	[smem:$0x3FAB] =	sst s5  }
0xe: {  	[smem:$0x3FAC] =	sst s6  }
0xf: {  	[smem:$0x3FAD] =	sst s7  }
0x10: {  	[smem:$0x3FAE] =	sst s8  }
0x11: {  	[smem:$0x3FAF] =	sst s9;
	s0 =	simm.s32 @!p0 $0x0  }
0x12: {  	s1 =	sld [smem:$0x3F95];
	s0 =	simm.s32 @p0 $0x1  }
0x13: {  	[smem:$0x3FB0] =	sst s0;
	s0 =	simm.s32 @!p1 $0x0  }
0x14: {  	s2 =	sld [smem:$0x3F94];
	s0 =	simm.s32 @p1 $0x1  }
0x15: {  	[smem:$0x3FB1] =	sst s0;
	s0 =	simm.s32 @!p2 $0x0  }
0x16: {  	s3 =	sld [smem:$0x3FDB];
	s0 =	simm.s32 @p2 $0x1  }
0x17: {  	s4 =	simm.s32 $0x1BF5;
	[smem:$0x3FB3] =	sst s0  }
0x18: {  	s0 =	sld [smem:$0x3F96];
	_ =	swait.ge [sflag:s4], $0x0  }
0x19: {  	s7 =	sld [smem:$0x3F97]  }
0x1a: {  	s8 =	sadd.s32 $0xFFFFE003, lr  }
0x1b: {  	s9 =	sadd.s32 $0xFFFFFEF7, lr;
	s5 =	simm.s32 $0xFFFFFFFF;
	p2 =	slt.u32 s8, $0xFFFFF086  }
0x1c: {  	p1 =	slt.u32 s9, $0xF7A;
	s5 =	simm.s32 @!p2 $0x0  }
0x1d: {  	s5 =	simm.s32 @p1 $0x1;
	p0 =	seq.s32 s7, s2  }
0x1e: {  	s7 =	smul.u32 @!p0 $0xF7A, s2;
	p2 =	seq.s32 @!p0 s5, $0x0  }
0x1f: {  	s9 =	smul.u32 $0xF7A, s1;
	s8 =	simm.s32 @!p0 $0x1BF5;
	p2 =	por !p2, p0  }
0x20: {  	[sflag:s8] =	ssyncset.s32 @!p0 $0xFFFFF086;
	s6 =	sadd.s32 @!p0 s3, s7;
	s7 =	simm.s32 @!p0 $0x108  }
0x21: {  	s3 =	sadd.s32 s3, s9;
	s6 =	sadd.s32 @!p0 $0x88, s6;
	s7 =	simm.s32 @p2 $0x1082  }
0x22: {  	[simem:s7], [sflag:s8] =	dma.local @!p0 [hbm:s6], $0xF7A  }
0x23: {  	s9 =	sor.u32 $0xD0000000, s2;
	s6 =	simm.s32 $0x108;
	_ =	swait.ge @!p0 [sflag:s8], $0x0  }
0x24: {  	s3 =	sadd.s32 $0x88, s3;
	s6 =	simm.s32 @!p1 $0x1082;
	[sflag:s4] =	ssyncset.s32 $0xFFFFF086  }
0x25: {  	[simem:s6], [sflag:s4] =	dma.local [hbm:s3], $0xF7A  }
0x26: {  	[smem:$0x3F97] =	sst s1;
	(tag) =	ssettag s2;
	_ =	strace s9  }
0x27: {  	s1 =	sld [smem:$0x3FA7]  }
0x28: {  	s2 =	sld [smem:$0x3FA8]  }
0x29: {  	s4 =	sld [smem:$0x3FAA]  }
0x2a: {  	p0 =	seq.s32 s5, $0x0;
	s5 =	sld [smem:$0x3FAB]  }
0x2b: {  	s6 =	sld [smem:$0x3FAC]  }
0x2c: {  	s7 =	sld [smem:$0x3FAD]  }
0x2d: {  	s3 =	simm.s32 $0x108;
	s8 =	sld [smem:$0x3FAE]  }
0x2e: {  	s3 =	simm.s32 @!p0 $0x1082;
	s9 =	sld [smem:$0x3FAF]  }
0x2f: {  	lr =	sadd.s32 s0, s3;
	s0 =	sld [smem:$0x3FA6]  }
0x30: {  	s3 =	sld [smem:$0x3FA9]  }
0x31: {  	[smem:$0x3FB2] =	sst s10  }
0x32: {  	s10 =	sld [smem:$0x3FB0];
	_ =	sdelay $0x3  }
0x33: {  	p0 =	seq.s32 s10, $0x1;
	s10 =	sld [smem:$0x3FB2];
	_ =	sdelay $0x3  }
0x34: {  	[smem:$0x3FB2] =	sst s10  }
0x35: {  	s10 =	sld [smem:$0x3FB1];
	_ =	sdelay $0x3  }
0x36: {  	p1 =	seq.s32 s10, $0x1;
	s10 =	sld [smem:$0x3FB2];
	_ =	sdelay $0x3  }
0x37: {  	[smem:$0x3FB2] =	sst s10  }
0x38: {  	s10 =	sld [smem:$0x3FB3]  }
0x39: {  	_ = 	snop;
	(pc) =	sbr.ind lr, $3  }
0x3a: {  	_ = 	snop  }
0x3b: {  	_ = 	snop  }
0x3c: {  	p2 =	seq.s32 s10, $0x1;
	s10 =	sld [smem:$0x3FB2]  }
0x3d: {  	_ =	shalt  }
0x3e: {  	_ =	shalt  }
0x3f: {  	_ =	shalt  }
0x40: {  	_ =	shalt  }
0x41: {  	_ =	shalt  }
0x42: {  	_ =	shalt  }
0x43: {  	_ =	shalt  }
0x44: {  	_ =	shalt  }
0x45: {  	_ =	shalt  }
0x46: {  	_ =	shalt  }
0x47: {  	_ =	shalt  }
0x48: {  	_ =	shalt  }
0x49: {  	_ =	shalt  }
0x4a: {  	_ =	shalt  }
0x4b: {  	_ =	shalt  }
0x4c: {  	_ =	shalt  }
0x4d: {  	_ =	shalt  }
0x4e: {  	_ =	shalt  }
0x4f: {  	_ =	shalt  }
0x50: {  	_ =	shalt  }
0x51: {  	_ =	shalt  }
0x52: {  	_ =	shalt  }
0x53: {  	_ =	shalt  }
0x54: {  	_ =	shalt  }
0x55: {  	_ =	shalt  }
0x56: {  	_ =	shalt  }
0x57: {  	_ =	shalt  }
0x58: {  	_ =	shalt  }
0x59: {  	_ =	shalt  }
0x5a: {  	_ =	shalt  }
0x5b: {  	_ =	shalt  }
0x5c: {  	_ =	shalt  }
0x5d: {  	_ =	shalt  }
0x5e: {  	_ =	shalt  }
0x5f: {  	_ =	shalt  }
0x60: {  	_ =	shalt  }
0x61: {  	_ =	shalt  }
0x62: {  	_ =	shalt  }
0x63: {  	_ =	shalt  }
0x64: {  	_ =	shalt  }
0x65: {  	_ =	shalt  }
0x66: {  	_ =	shalt  }
0x67: {  	_ =	shalt  }
0x68: {  	_ =	shalt  }
0x69: {  	_ =	shalt  }
0x6a: {  	_ =	shalt  }
0x6b: {  	_ =	shalt  }
0x6c: {  	_ =	shalt  }
0x6d: {  	_ =	shalt  }
0x6e: {  	_ =	shalt  }
0x6f: {  	_ =	shalt  }
0x70: {  	_ =	shalt  }
0x71: {  	_ =	shalt  }
0x72: {  	_ =	shalt  }
0x73: {  	_ =	shalt  }
0x74: {  	_ =	shalt  }
0x75: {  	_ =	shalt  }
0x76: {  	_ =	shalt  }
0x77: {  	_ =	shalt  }
0x78: {  	_ =	shalt  }
0x79: {  	_ =	shalt  }
0x7a: {  	_ =	shalt  }
0x7b: {  	_ =	shalt  }
0x7c: {  	_ =	shalt  }
0x7d: {  	_ =	shalt  }
0x7e: {  	_ =	shalt  }
0x7f: {  	_ =	shalt  }
0x80: {  	_ =	shalt  }
0x81: {  	_ =	shalt  }
0x82: {  	_ =	shalt  }
0x83: {  	_ =	shalt  }
0x84: {  	_ =	shalt  }
0x85: {  	_ =	shalt  }
0x86: {  	_ =	shalt  }
0x87: {  	_ =	shalt  }
.Lfunc_end0:
.L_simem_size_0:
called_computation.5_lowered:
.L_overlay_start_0:
0x88: {  	s2 =	sld [smem:$0x3FD9]  }
0x89: {  	s3 =	sld [smem:$0x3FFE];
	_ =	sdelay $0x1  }
0x8a: {  	s1 =	srdreg.scid  }
0x8b: {  	s0 =	sand.u32 $0x1, s1  }
0x8c: {  	s16 =	sshll.u32 s0, $0xA;
	s2 =	sadd.s32 s3, s2  }
0x8d: {  	s2 =	sadd.s32 s2, s16  }
0x8e: {  	[smem:$0x3FBE] =	sst s2  }
0x8f: {  	_ = 	snop  }
0x90: {  	(tm) =	ssettm $0x1  }
0x91: {  	s17 =	sld [smem:$0x3FFB];
	_ =	sdelay $0x3  }
0x92: {  	_ =	strace s17  }
0x93: {  	s2 =	sld [smem:$0x3FFC];
	_ =	sdelay $0x3  }
0x94: {  	_ =	strace s2  }
0x95: {  	s2 =	sld [smem:$0x3FFD];
	_ =	sdelay $0x3  }
0x96: {  	_ =	strace s2  }
0x97: {  	_ =	strace $0x8FFFFFFF  }
0x98: {  	s18 =	sld [smem:$0x3FDB];
	_ =	sdelay $0x1  }
0x99: {  	s19 =	simm.s32 $_scs_section_size  }
0x9a: {  	s4 =	simm.s32 $_size__tile_overlayer_lowered;
	s5 =	simm.s32 $_tile_overlayer_lowered  }
0x9b: {  	s22 =	simm.s32 $0x1BFF;
	s21 =	sshll.u32 s5, $0x1;
	s2 =	sadd.s32 s19, s18  }
0x9c: {  	s6 =	simm.s32 $0x0;
	s20 =	sshll.u32 s4, $0x1;
	s4 =	sadd.s32 s21, s2  }
0x9d: {  	[timem:s6], [sflag:s22] =	dma.local [hbm:s4], s20  }
0x9e: {  	_ =	swait.ge [sflag:s22], s20  }
0x9f: {  	s3 =	ssub.s32 $0x0, s20;
	[sflag:s22] =	ssyncset.done $0x0  }
0xa0: {  	[sflag:s22] =	ssyncadd.s32 s3;
	_ =	sdelay $0x1  }
0xa1: {  	s23 =	simm.s32 $0x1B8B  }
0xa2: {  	_ =	swait.ge [sflag:s23], $0x1  }
0xa3: {  	[sflag:s23] =	ssyncset.done $0x0  }
0xa4: {  	s25 =	simm.s32 $0x1B8E;
	s24 =	sld [smem:$0x3FFE];
	[sflag:s23] =	ssyncadd.s32 $0xFFFFFFFF  }
0xa5: {  	s26 =	simm.s32 $execute0_lowered;
	[smem:$0x3FD2] =	sst s25  }
0xa6: {  	s4 =	sshll.u32 s26, $0x1;
	_ =	strace $0x80000055;
	[dreg:$0x1] =	wrdreg $0xFFFFFFFF  }
0xa7: {  	s28 =	simm.s32 $_size_execute0_lowered;
	s2 =	sadd.s32 s2, s4;
	[dreg:$0x0] =	wrdreg $0x0  }
0xa8: {  	s4 =	sshll.u32 s28, $0x1;
	[dreg:$0x2] =	wrdreg s2  }
0xa9: {  	[dreg:$0x3] =	wrdreg s4  }
0xaa: {  	[dreg:$0x4] =	wrdreg $0xC0  }
0xab: {  	_ =	task [dreg:s6], $0x5FFFF  }
0xac: {  	[dreg:$0x1] =	wrdreg $0xFFFFFFFF  }
0xad: {  	[dreg:$0x0] =	wrdreg $0x60  }
0xae: {  	[dreg:$0x2] =	wrdreg s24  }
0xaf: {  	[dreg:$0x3] =	wrdreg $0x9F800  }
0xb0: {  	[dreg:$0x4] =	wrdreg $0x9  }
0xb1: {  	_ =	task.clear_ibuf [dreg:s6], $0x5FFFF;
	_ =	strace $0x90000055  }
0xb2: {  	s29 =	simm.s32 $0x9;
	_ =	strace $0x80000057  }
0xb3: {  	_ =	swait.ge [sflag:s29], $0x1  }
0xb4: {  	[sflag:s29] =	ssyncadd.s32 $0xFFFFFFFF  }
0xb5: {  	_ =	strace $0x90000057  }
0xb6: {  	_ =	sfence  }
0xb7: {  	s30 =	sld [smem:$0x0];
	_ =	sdelay $0x2  }
0xb8: {  	s31 =	sshll.u32 s1, $0xD;
	s1 =	sshrl.u32 s1, $0x2  }
0xb9: {  	s3 =	sand.u32 $0x4000, s31;
	s1 =	sadd.s32 s1, s30  }
0xba: {  	s0 =	sor.u32 s3, s0;
	s1 =	sshll.u32 s1, $0x11  }
0xbb: {  	s0 =	sor.u32 s1, s0  }
0xbc: {  	s0 =	sadd.s32 $0x8F2B, s0  }
0xbd: {  	[sflag:s0] =	ssyncadd.remote.s32 $0x1  }
0xbe: {  	_ =	sfence.sel $0xFFFF  }
0xbf: {  	[dreg:$0x0] =	wrdreg $0xFFFFFFFF;
	(pc) =	sbr.abs _section_cstart, $3  }
0xc0: {  	[dreg:$0x1] =	wrdreg $0xFFFFFFFF  }
0xc1: {  	_ =	task.clear_ibuf [dreg:s6], $0x2FFFF;
	_ =	strace $0x9FFFFFFF  }
0xc2: {  	(tm) =	ssettm $0x7FFFFFFF  }
0xc3: {  	_ =	shalt  }
tec
execute0_lowered:
.L_overlay_start_1:
0x0: {  	(tag) =	ssettag $0x1  }
0x1: {  	s6 =	rddreg [dreg:$0x0];
	s0 =	srdreg.scid  }
0x2: {  	s2 =	rddreg [dreg:$0x1];
	s1 =	stileid.u32  }
0x3: {  	s3 =	simm.s32 $0x0;
	s17 =	simm.s32 $0x4E80;
	s18 =	simm.s32 $0x50  }
0x4: {  	s19 =	simm.s32 $0x4F80;
	s20 =	simm.s32 $0x4F00;
	s21 =	simm.s32 $0x7780  }
0x5: {  	s22 =	simm.s32 $0x1;
	s23 =	simm.s32 $0x2;
	s5 =	smul.u32 $0x4E20, s1  }
0x6: {  	s7 =	sand.u32 $0x1, s0;
	s0 =	rddreg [dreg:$0x2];
	s8 =	smul.u32 $0x2800, s1  }
0x7: {  	s24 =	simm.s32 $0x0;
	[smem:$0x7FF] =	sst s3;
	s12 =	smul.u32 $0x50000, s1  }
0x8: {  	s30 =	sshll.u32 s1, $0x6;
	s4 =	smul.u32 $0x4E200, s7;
	_ =	strace $0x80000056  }
0x9: {  	s10 =	smul.u32 $0x28000, s7;
	s7 =	ssub.s32 $0x2, s7;
	s13 =	sadd.s32 s8, s6  }
0xa: {  	s26 =	sshrl.u32 s7, $0x1;
	s28 =	sshrl.u32 s12, $0x2;
	s14 =	sadd.s32 s5, s4  }
0xb: {  	s4 =	sadd.s32 $0x7BC00, s6;
	s5 =	sadd.s32 $0x68200, s6;
	s8 =	sadd.s32 s8, s10  }
0xc: {  	s29 =	ssub.s32 s7, s26;
	s16 =	sadd.s32 s28, s2;
	s7 =	sor.u32 $0x1C03, s30  }
0xd: {  	s9 =	sshrl.u32 s14, $0x3;
	s15 =	sadd.s32 s8, s6;
	s31 =	sadd.s32 $0xF0, s14  }
0xe: {  	s12 =	smax.u32 s29, $0x1;
	s14 =	sadd.s32 $0xA0, s14;
	s11 =	sadd.s32 s9, s6  }
0xf: {  	s6 =	sadd.s32 $0xCBC00, s13;
	s8 =	sadd.s32 s5, s9;
	s13 =	sshrl.u32 s31, $0x3  }
0x10: {  	s9 =	sadd.s32 $0x54800, s11;
	s10 =	sadd.s32 $0xA, s8;
	s11 =	sadd.s32 $0xF3C00, s15  }
0x11: {  	s13 =	sadd.s32 s13, s5;
	s15 =	sshrl.u32 s16, $0x3;
	s16 =	simm.s32 $0x3  }
.LBB2_1:
0x12: {  	[spmem:s15], [sflag:s7] =	dma.local [hbm:s6], $0x2800  }
0x13: {  	_ =	swait.ge [sflag:s16], $0x2800  }
0x14: {  	[sflag:s16] =	ssyncset.done $0x0  }
0x15: {  	[sflag:s16] =	ssyncadd.s32 $0xFFFFD800  }
0x16: {  	[tilespmem:s3], [sflag:$0x3] =	stream.linear.gather [hbm4b:s9+s3], $0x4E20, $0x38;
	[tilespmem:$0x1DF80] =	vst v63  }
0x17: {  	_ =	swait.ge [sflag:s16], $0x4E20  }
0x18: {  	[sflag:s16] =	ssyncset.done $0x0  }
0x19: {  	[sflag:s16] =	ssyncadd.s32 $0xFFFFB1E0  }
0x1a: {  	[bflag:$0x0] =	sbarrier.arrive $0xFFFF  }
0x1b: {  	[tilespmem:s17], [sflag:$0x3] =	stream.linear.gather [hbm4b:s8+s3], $0x50, $0x38;
	[tilespmem:$0x1DF80] =	vst v63  }
0x1c: {  	_ =	swait.ge [sflag:s16], $0x50  }
0x1d: {  	[sflag:s16] =	ssyncset.done $0x0  }
0x1e: {  	[sflag:s16] =	ssyncadd.s32 $0xFFFFFFB0  }
0x1f: {  	[tilespmem:s19], [sflag:$0x1] =	stream.indirect.gather [hbm4b:s4+s18], $0x80, s3, s18, $0xb8;
	[tilespmem:$0x1DF80] =	vst v63  }
0x20: {  	_ = 	snop  }
0x21: {  	[tilespmem:s20], [sflag:$0x3] =	stream.linear.gather [hbm4b:s10+s3], $0x50, $0x38;
	[tilespmem:$0x1DF80] =	vst v63  }
0x22: {  	_ =	swait.ge [sflag:s16], $0x50  }
0x23: {  	[sflag:s16] =	ssyncset.done $0x0  }
0x24: {  	[sflag:s16] =	ssyncadd.s32 $0xFFFFFFB0  }
0x25: {  	[tilespmem:s21], [sflag:$0x2] =	stream.indirect.gather [hbm4b:s4+s18], $0x80, s18, s18, $0xb8;
	[tilespmem:$0x1DF80] =	vst v63  }
0x26: {  	_ =	swait.ge [sflag:s22], $0x2800  }
0x27: {  	[sflag:s22] =	ssyncset.done $0x0  }
0x28: {  	[sflag:s22] =	ssyncadd.s32 $0xFFFFD800  }
0x29: {  	[spmem:s2] =	stream.indirect.scatter.add.f32 [tilespmem:s19], [sflag:$0x3], $0x80, s17, s18, $0xb8;
	[tilespmem:$0x1DF80] =	vst v63  }
0x2a: {  	_ =	swait.ge [sflag:s16], $0x2800  }
0x2b: {  	s25 =	sshrl.u32 s14, $0x3;
	[sflag:s16] =	ssyncset.done $0x0  }
0x2c: {  	s25 =	sadd.s32 s5, s25;
	[sflag:s16] =	ssyncadd.s32 $0xFFFFD800  }
0x2d: {  	[tilespmem:s17], [sflag:$0x3] =	stream.linear.gather [hbm4b:s25+s3], $0x50, $0x38;
	[tilespmem:$0x1DF80] =	vst v63  }
0x2e: {  	_ =	swait.ge [sflag:s16], $0x50  }
0x2f: {  	[sflag:s16] =	ssyncset.done $0x0  }
0x30: {  	s30 =	simm.s32 $0xA0;
	[sflag:s16] =	ssyncadd.s32 $0xFFFFFFB0  }
0x31: {  	[tilespmem:s19], [sflag:$0x1] =	stream.indirect.gather [hbm4b:s4+s18], $0x80, s30, s18, $0xb8;
	[tilespmem:$0x1DF80] =	vst v63  }
0x32: {  	_ =	swait.ge [sflag:s23], $0x2800  }
0x33: {  	[sflag:s23] =	ssyncset.done $0x0  }
0x34: {  	[sflag:s23] =	ssyncadd.s32 $0xFFFFD800  }
0x35: {  	[spmem:s2] =	stream.indirect.scatter.add.f32 [tilespmem:s21], [sflag:$0x3], $0x80, s20, s18, $0xb8;
	[tilespmem:$0x1DF80] =	vst v63  }
0x36: {  	_ =	swait.ge [sflag:s16], $0x2800  }
0x37: {  	[sflag:s16] =	ssyncset.done $0x0  }
0x38: {  	s31 =	sadd.s32 $0x0, s13;
	[sflag:s16] =	ssyncadd.s32 $0xFFFFD800  }
0x39: {  	[tilespmem:s20], [sflag:$0x3] =	stream.linear.gather [hbm4b:s31+s3], $0x50, $0x38;
	[tilespmem:$0x1DF80] =	vst v63  }
0x3a: {  	_ =	swait.ge [sflag:s16], $0x50  }
0x3b: {  	s26 =	simm.s32 $0x14;
	s28 =	simm.s32 $0x190;
	[sflag:s16] =	ssyncset.done $0x0  }
0x3c: {  	s29 =	sadd.s32 $0xA0, s14;
	s25 =	simm.s32 $0xF0;
	[sflag:s16] =	ssyncadd.s32 $0xFFFFFFB0  }
.LBB2_2:
0x3d: {  	[tilespmem:s21], [sflag:$0x2] =	stream.indirect.gather [hbm4b:s4+s18], $0x80, s25, s18, $0xb8;
	[tilespmem:$0x1DF80] =	vst v63  }
0x3e: {  	s30 =	smov.u32 s26;
	s25 =	smov.u32 s28  }
0x3f: {  	p0 =	sne.s32 s26, $0x99C;
	s26 =	sadd.s32 $0x14, s26;
	_ =	swait.ge [sflag:s22], $0x2800  }
0x40: {  	[sflag:s22] =	ssyncset.done $0x0  }
0x41: {  	[sflag:s22] =	ssyncadd.s32 $0xFFFFD800  }
0x42: {  	[spmem:s2] =	stream.indirect.scatter.add.f32 [tilespmem:s19], [sflag:$0x3], $0x80, s17, s18, $0xb8;
	[tilespmem:$0x1DF80] =	vst v63  }
0x43: {  	_ =	swait.ge [sflag:s16], $0x2800  }
0x44: {  	s31 =	sshrl.u32 s29, $0x3;
	[sflag:s16] =	ssyncset.done $0x0  }
0x45: {  	s31 =	sadd.s32 s5, s31;
	[sflag:s16] =	ssyncadd.s32 $0xFFFFD800  }
0x46: {  	[tilespmem:s17], [sflag:$0x3] =	stream.linear.gather [hbm4b:s31+s3], $0x50, $0x38;
	[tilespmem:$0x1DF80] =	vst v63  }
0x47: {  	_ =	swait.ge [sflag:s16], $0x50  }
0x48: {  	[sflag:s16] =	ssyncset.done $0x0  }
0x49: {  	s31 =	sadd.s32 $0xFFFFFFB0, s28;
	[sflag:s16] =	ssyncadd.s32 $0xFFFFFFB0  }
0x4a: {  	[tilespmem:s19], [sflag:$0x1] =	stream.indirect.gather [hbm4b:s4+s18], $0x80, s31, s18, $0xb8;
	[tilespmem:$0x1DF80] =	vst v63  }
0x4b: {  	_ =	swait.ge [sflag:s23], $0x2800  }
0x4c: {  	[sflag:s23] =	ssyncset.done $0x0  }
0x4d: {  	[sflag:s23] =	ssyncadd.s32 $0xFFFFD800  }
0x4e: {  	[spmem:s2] =	stream.indirect.scatter.add.f32 [tilespmem:s21], [sflag:$0x3], $0x80, s20, s18, $0xb8;
	[tilespmem:$0x1DF80] =	vst v63  }
0x4f: {  	_ =	swait.ge [sflag:s16], $0x2800  }
0x50: {  	[sflag:s16] =	ssyncset.done $0x0  }
.Ltmp0:
0x51: {  	s30 =	sadd.s32 s30, s13;
	[sflag:s16] =	ssyncadd.s32 $0xFFFFD800;
	(pc) =	sbr.rel @p0 .LBB2_2-.Ltmp0, $4  }
0x52: {  	[tilespmem:s20], [sflag:$0x3] =	stream.linear.gather [hbm4b:s30+s3], $0x50, $0x38;
	[tilespmem:$0x1DF80] =	vst v63  }
0x53: {  	_ =	swait.ge [sflag:s16], $0x50  }
0x54: {  	[sflag:s16] =	ssyncset.done $0x0  }
0x55: {  	s29 =	sadd.s32 $0xA0, s29;
	s28 =	sadd.s32 $0xA0, s28;
	[sflag:s16] =	ssyncadd.s32 $0xFFFFFFB0  }
0x56: {  	[tilespmem:s21], [sflag:$0x2] =	stream.indirect.gather [hbm4b:s4+s18], $0x80, s25, s18, $0xb8;
	[tilespmem:$0x1DF80] =	vst v63  }
0x57: {  	_ =	swait.ge [sflag:s22], $0x2800  }
0x58: {  	[sflag:s22] =	ssyncset.done $0x0  }
0x59: {  	[sflag:s22] =	ssyncadd.s32 $0xFFFFD800  }
0x5a: {  	[spmem:s2] =	stream.indirect.scatter.add.f32 [tilespmem:s19], [sflag:$0x3], $0x80, s17, s18, $0xb8;
	[tilespmem:$0x1DF80] =	vst v63  }
0x5b: {  	_ =	swait.ge [sflag:s16], $0x2800  }
0x5c: {  	[sflag:s16] =	ssyncset.done $0x0  }
0x5d: {  	[sflag:s16] =	ssyncadd.s32 $0xFFFFD800  }
0x5e: {  	_ =	swait.ge [sflag:s23], $0x2800  }
0x5f: {  	[sflag:s23] =	ssyncset.done $0x0  }
0x60: {  	[sflag:s23] =	ssyncadd.s32 $0xFFFFD800  }
0x61: {  	[spmem:s2] =	stream.indirect.scatter.add.f32 [tilespmem:s21], [sflag:$0x3], $0x80, s20, s18, $0xb8;
	[tilespmem:$0x1DF80] =	vst v63  }
0x62: {  	_ =	swait.ge [sflag:s16], $0x2800  }
0x63: {  	s24 =	sadd.s32 $0x1, s24;
	[sflag:s16] =	ssyncset.done $0x0  }
0x64: {  	p0 =	sne.s32 s24, s12;
	[sflag:s16] =	ssyncadd.s32 $0xFFFFD800  }
.Ltmp1:
0x65: {  	[bflag:$0x0] =	sbarrier.arrive $0xFFFF;
	(pc) =	sbr.rel @p0 .LBB2_1-.Ltmp1, $4  }
0x66: {  	[hbm:s11], [sflag:s7] =	dma.local [spmem:s15], $0x2800  }
0x67: {  	_ =	swait.ge [sflag:s16], $0x2800  }
0x68: {  	[sflag:s16] =	ssyncset.done $0x0  }
0x69: {  	[sflag:s16] =	ssyncadd.s32 $0xFFFFD800  }
0x6a: {  	_ =	sfence.sel $0x180000  }
0x6b: {  	[bflag:$0x0] =	sbarrier.arrive $0xFFFF  }
0x6c: {  	p0 =	sne.s32 s1, $0x0;
	_ =	strace $0x90000056  }
0x6d: {  	s0 =	sadd.s32 @!p0 $0x100000, s0;
	[bflag:$0x2] =	sbarrier.arrive $0xFFFF  }
0x6e: {  	[sflag:s0] =	ssyncadd.tile.s32 @!p0 $0x1;
	_ =	shalt  }
.Lfunc_end2:
_tile_overlayer_lowered:
.L_overlay_start_2:
0x6f: {  	(tag) =	ssettag $0x2  }
0x70: {  	s0 =	rddreg [dreg:$0x0];
	s2 =	stileid.u32  }
0x71: {  	s1 =	rddreg [dreg:$0x1];
	p0 =	sne.s32 s2, $0x0  }
0x72: {  	s3 =	rddreg [dreg:$0x2];
	[bflag:$0x3] =	sbarrier.arrive $0xFFFF;
	s2 =	simm.s32 @!p0 $0x1C03  }
0x73: {  	[timem:s3], [sflag:s2] =	dma.local @!p0 [hbm:s0], s1  }
0x74: {  	s0 =	simm.s32 @!p0 $0x3  }
0x75: {  	_ =	swait.ge @!p0 [sflag:s0], s1  }
0x76: {  	s1 =	ssub.s32 @!p0 $0x0, s1;
	[sflag:s0] =	ssyncset.done @!p0 $0x0  }
0x77: {  	[sflag:s0] =	ssyncadd.s32 @!p0 s1  }
0x78: {  	[bflag:$0x3] =	sbarrier.arrive $0xFFFF  }
0x79: {  	_ =	shalt  }

</sc_bundles>
